<compile_context>
chip_gen: v7x
topology: tpu7x:2x2x1
jax: 0.10.2.dev20260603
libtpu: 0.0.44.dev20260713+nightly
codegen_flags: <defaults>
</compile_context>

<pallas_src>
import jax
import jax.numpy as jnp
from jax import lax
from jax.experimental import pallas as pl
from jax.experimental.pallas import tpu as pltpu
from jax.experimental.pallas import tpu_sc as plsc

N_CLASSES = 1000000
EMBED_DIM = 32
BATCH = 16384

NC = 2
NS = 16
NW = NC * NS
B_PER_W = BATCH // NW
LANES = 128
RCP = 8
SUBS = 8
MACROS = B_PER_W // (RCP * SUBS)


def _gather_body(idx_hbm, tableT_hbm, out_hbm, idx_v, buf_a, buf_b,
                 out_stage, sem):
    wid = lax.axis_index("s") * NC + lax.axis_index("c")
    base = wid * B_PER_W
    pltpu.sync_copy(idx_hbm.at[pl.ds(base, B_PER_W)], idx_v)

    lanes16 = lax.iota(jnp.int32, 16)
    bufs = (buf_a, buf_b)

    def load_rv(m, local):
        return idx_v[pl.ds((m * (SUBS // 2) + local // 2) * 16, 16)]

    def fire(m, local):
        rv = load_rv(m, local)
        buf = bufs[local % 2]
        for k in range(RCP):
            lane = (local % 2) * RCP + k
            start = pl.multiple_of((rv[lane] >> 7) << 7, LANES)
            pltpu.async_copy(
                tableT_hbm.at[:, pl.ds(start, LANES)], buf.at[k], sem
            )

    def drain(local):
        buf = bufs[local % 2]
        for k in range(RCP):
            pltpu.make_async_copy(
                tableT_hbm.at[:, pl.ds(0, LANES)], buf.at[k], sem
            ).wait()

    def extract(m, local):
        rv = load_rv(m, local)
        buf = bufs[local % 2]
        for k in range(RCP):
            lane = (local % 2) * RCP + k
            lane_vec = jnp.full((16,), rv[lane] & 127, jnp.int32)
            kf = jnp.full((16,), k, jnp.int32)
            out_stage[k, pl.ds(0, 16)] = plsc.load_gather(
                buf, [kf, lanes16, lane_vec])
            out_stage[k, pl.ds(16, 16)] = plsc.load_gather(
                buf, [kf, lanes16 + 16, lane_vec])
        row0 = pl.multiple_of(base + (m * SUBS + local) * RCP, RCP)
        pltpu.sync_copy(out_stage, out_hbm.at[pl.ds(row0, RCP)])

    fire(0, 0)

    def macro_body(m, _):
        for local in range(SUBS):
            if local < SUBS - 1:
                fire(m, local + 1)
            else:
                @pl.when(m < MACROS - 1)
                def _():
                    fire(m + 1, 0)
            drain(local)
            extract(m, local)
        return ()

    lax.fori_loop(0, MACROS, macro_body, ())
    return


@jax.jit
def kernel(batch, table):
    mesh = plsc.VectorSubcoreMesh(
        core_axis_name="c", subcore_axis_name="s",
        num_cores=NC, num_subcores=NS,
    )
    out = pl.kernel(
        _gather_body,
        out_type=jax.ShapeDtypeStruct((BATCH, EMBED_DIM), jnp.float32),
        mesh=mesh,
        scratch_types=[
            pltpu.VMEM((B_PER_W,), jnp.int32),
            pltpu.VMEM((RCP, EMBED_DIM, LANES), jnp.float32),
            pltpu.VMEM((RCP, EMBED_DIM, LANES), jnp.float32),
            pltpu.VMEM((RCP, EMBED_DIM), jnp.float32),
            pltpu.SemaphoreType.DMA,
        ],
        compiler_params=pltpu.CompilerParams(needs_layout_passes=False),
    )(batch, table.T)
    return out.reshape(BATCH, 1, EMBED_DIM)

# --- scband reference (transcript-rebuilt; emitter-appended) ---
"""Pipeline reference for scband-class-embedder-6854767805094 (READ-ONLY COPY).

The authoritative reference and input builder live on the scoring server;
editing this copy changes nothing except your own understanding.
"""

import jax, jax.numpy as jnp
import numpy as np

N_CLASSES = 1000000
EMBED_DIM = 32
BATCH = 16384

def setup_inputs(seed: int = 0) -> dict:
    key = jax.random.key(seed)
    k1, k2 = jax.random.split(key)
    batch = jax.random.randint(k1, (BATCH,), 0, N_CLASSES, dtype=jnp.int64 if jax.config.jax_enable_x64 else jnp.int32).astype(jnp.int32)
    # nn.Embedding default init: N(0, 1)
    table = jax.random.normal(k2, (N_CLASSES, EMBED_DIM), dtype=jnp.float32)
    return {"batch": batch, "table": table}

def reference(batch, table):
    # c = batch[key][:, None]  -> indices shape [B, 1]
    c = batch[:, None]
    # c = self.embedding(c)    -> [B, 1, embed_dim]
    out = jnp.take(table, c, axis=0)
    return out

if __name__ == "__main__":
    import jax
    _d = setup_inputs()
    print(jax.jit(kernel)(*tuple(_d.values())))

</pallas_src>

<mosaic_0001>
#map = affine_map<(d0, d1) -> (0)>
#map1 = affine_map<(d0, d1) -> (0, 0)>
module attributes {stable_mosaic.version = 14 : i64} {
  func.func @_gather_body(%arg0: i32, %arg1: i32, %arg2: memref<16384xi32, #tpu.memory_space<hbm>>, %arg3: memref<32x1000000xf32, #tpu.memory_space<hbm>>, %arg4: memref<16384x32xf32, #tpu.memory_space<hbm>>, %arg5: memref<512xi32, #tpu.memory_space<vmem>>, %arg6: memref<8x32x128xf32, #tpu.memory_space<vmem>>, %arg7: memref<8x32x128xf32, #tpu.memory_space<vmem>>, %arg8: memref<8x32xf32, #tpu.memory_space<vmem>>, %arg9: memref<!tpu.dma_semaphore, #tpu.memory_space<semaphore_mem>>) attributes {dimension_semantics = [#tpu.dimension_semantics<core_parallel>, #tpu.dimension_semantics<subcore_parallel>], iteration_bounds = array<i64: 2, 16>, scalar_prefetch = 0 : i64, scratch_operands = 5 : i64, tpu.core_type = #tpu.core_type<sc_vector_subcore>, window_params = [{transform_indices = #map}, {transform_indices = #map1}, {transform_indices = #map1}]} {
    %mul3A = arith.constant 2 : i32
    %mul3A_0 = arith.muli %arg1, %mul3A : i32
    %add3A = arith.addi %mul3A_0, %arg0 : i32
    %mul3A_1 = arith.constant 512 : i32
    %mul3A_2 = arith.muli %add3A, %mul3A_1 : i32
    "tpu.region"() ({
      %run_scoped3A = tpu.sem_alloc : memref<!tpu.dma_semaphore, #tpu.memory_space<semaphore_mem>>
      %dma_start3A_162 = tpu.memref_slice %arg2[%mul3A_2] : memref<16384xi32, #tpu.memory_space<hbm>> -> memref<512xi32, #tpu.memory_space<hbm>>
      %dma_start3A_163 = tpu.memref_slice %arg2[%mul3A_2] : memref<16384xi32, #tpu.memory_space<hbm>> -> memref<512xi32, #tpu.memory_space<hbm>>
      tpu.enqueue_dma source(%dma_start3A_163 : memref<512xi32, #tpu.memory_space<hbm>>) target(%arg5 : memref<512xi32, #tpu.memory_space<vmem>>) target_semaphore(%run_scoped3A : memref<!tpu.dma_semaphore, #tpu.memory_space<semaphore_mem>>)
      %dma_wait3A = tpu.memref_slice %arg2[%mul3A_2] : memref<16384xi32, #tpu.memory_space<hbm>> -> memref<512xi32, #tpu.memory_space<hbm>>
      %dma_wait3A_164 = tpu.memref_slice %arg2[%mul3A_2] : memref<16384xi32, #tpu.memory_space<hbm>> -> memref<512xi32, #tpu.memory_space<hbm>>
      tpu.wait_dma2 semaphore(%run_scoped3A : memref<!tpu.dma_semaphore, #tpu.memory_space<semaphore_mem>>) src(%dma_wait3A_164 : memref<512xi32, #tpu.memory_space<hbm>>) dst(%arg5 : memref<512xi32, #tpu.memory_space<vmem>>)
      tpu.yield
    }) : () -> ()
    %iota3A = tpu.iota {dimensions = array<i32: 0>} : vector<16xi32>
    %get3A = arith.constant 0 : index
    %get3A_3 = tpu.vector_load %arg5[%get3A] {strides = array<i32>} : memref<512xi32, #tpu.memory_space<vmem>>, vector<16xi32>,
    %slice3A = vector.extract_strided_slice %get3A_3 {offsets = [0], sizes = [1], strides = [1]} : vector<16xi32> to vector<1xi32>
    %squeeze3A = vector.extract %slice3A[0] : i32 from vector<1xi32>
    %shift_right_arithmetic3A = arith.constant 7 : i32
    %shift_right_arithmetic3A_4 = arith.shrsi %squeeze3A, %shift_right_arithmetic3A : i32
    %shift_left3A = arith.constant 7 : i32
    %shift_left3A_5 = arith.shli %shift_right_arithmetic3A_4, %shift_left3A : i32
    %multiple_of3A = tpu.assume_multiple %shift_left3A_5, 128 : i32
    %dma_start3A = arith.constant 0 : i32
    %dma_start3A_6 = arith.constant 0 : i32
    %dma_start3A_7 = arith.constant 0 : i32
    %dma_start3A_8 = tpu.memref_slice %arg6[%dma_start3A, %dma_start3A_6, %dma_start3A_7] : memref<8x32x128xf32, #tpu.memory_space<vmem>> -> memref<1x32x128xf32, #tpu.memory_space<vmem>>
    %dma_start3A_9 = tpu.memref_squeeze %dma_start3A_8 : memref<1x32x128xf32, #tpu.memory_space<vmem>> -> memref<32x128xf32, #tpu.memory_space<vmem>>
    %dma_start3A_10 = arith.constant 0 : i32
    %dma_start3A_11 = tpu.memref_slice %arg3[%dma_start3A_10, %multiple_of3A] : memref<32x1000000xf32, #tpu.memory_space<hbm>> -> memref<32x128xf32, #tpu.memory_space<hbm>>
    %dma_start3A_12 = arith.constant 0 : i32
    %dma_start3A_13 = arith.constant 0 : i32
    %dma_start3A_14 = tpu.memref_slice %arg6[%dma_start3A, %dma_start3A_12, %dma_start3A_13] : memref<8x32x128xf32, #tpu.memory_space<vmem>> -> memref<1x32x128xf32, #tpu.memory_space<vmem>>
    %dma_start3A_15 = tpu.memref_squeeze %dma_start3A_14 : memref<1x32x128xf32, #tpu.memory_space<vmem>> -> memref<32x128xf32, #tpu.memory_space<vmem>>
    %dma_start3A_16 = arith.constant 0 : i32
    %dma_start3A_17 = tpu.memref_slice %arg3[%dma_start3A_16, %multiple_of3A] : memref<32x1000000xf32, #tpu.memory_space<hbm>> -> memref<32x128xf32, #tpu.memory_space<hbm>>
    tpu.enqueue_dma source(%dma_start3A_17 : memref<32x128xf32, #tpu.memory_space<hbm>>) target(%dma_start3A_15 : memref<32x128xf32, #tpu.memory_space<vmem>>) target_semaphore(%arg9 : memref<!tpu.dma_semaphore, #tpu.memory_space<semaphore_mem>>)
    %slice3A_18 = vector.extract_strided_slice %get3A_3 {offsets = [1], sizes = [1], strides = [1]} : vector<16xi32> to vector<1xi32>
    %squeeze3A_19 = vector.extract %slice3A_18[0] : i32 from vector<1xi32>
    %shift_right_arithmetic3A_20 = arith.constant 7 : i32
    %shift_right_arithmetic3A_21 = arith.shrsi %squeeze3A_19, %shift_right_arithmetic3A_20 : i32
    %shift_left3A_22 = arith.constant 7 : i32
    %shift_left3A_23 = arith.shli %shift_right_arithmetic3A_21, %shift_left3A_22 : i32
    %multiple_of3A_24 = tpu.assume_multiple %shift_left3A_23, 128 : i32
    %dma_start3A_25 = arith.constant 1 : i32
    %dma_start3A_26 = arith.constant 0 : i32
    %dma_start3A_27 = arith.constant 0 : i32
    %dma_start3A_28 = tpu.memref_slice %arg6[%dma_start3A_25, %dma_start3A_26, %dma_start3A_27] : memref<8x32x128xf32, #tpu.memory_space<vmem>> -> memref<1x32x128xf32, #tpu.memory_space<vmem>>
    %dma_start3A_29 = tpu.memref_squeeze %dma_start3A_28 : memref<1x32x128xf32, #tpu.memory_space<vmem>> -> memref<32x128xf32, #tpu.memory_space<vmem>>
    %dma_start3A_30 = arith.constant 0 : i32
    %dma_start3A_31 = tpu.memref_slice %arg3[%dma_start3A_30, %multiple_of3A_24] : memref<32x1000000xf32, #tpu.memory_space<hbm>> -> memref<32x128xf32, #tpu.memory_space<hbm>>
    %dma_start3A_32 = arith.constant 0 : i32
    %dma_start3A_33 = arith.constant 0 : i32
    %dma_start3A_34 = tpu.memref_slice %arg6[%dma_start3A_25, %dma_start3A_32, %dma_start3A_33] : memref<8x32x128xf32, #tpu.memory_space<vmem>> -> memref<1x32x128xf32, #tpu.memory_space<vmem>>
    %dma_start3A_35 = tpu.memref_squeeze %dma_start3A_34 : memref<1x32x128xf32, #tpu.memory_space<vmem>> -> memref<32x128xf32, #tpu.memory_space<vmem>>
    %dma_start3A_36 = arith.constant 0 : i32
    %dma_start3A_37 = tpu.memref_slice %arg3[%dma_start3A_36, %multiple_of3A_24] : memref<32x1000000xf32, #tpu.memory_space<hbm>> -> memref<32x128xf32, #tpu.memory_space<hbm>>
    tpu.enqueue_dma source(%dma_start3A_37 : memref<32x128xf32, #tpu.memory_space<hbm>>) target(%dma_start3A_35 : memref<32x128xf32, #tpu.memory_space<vmem>>) target_semaphore(%arg9 : memref<!tpu.dma_semaphore, #tpu.memory_space<semaphore_mem>>)
    %slice3A_38 = vector.extract_strided_slice %get3A_3 {offsets = [2], sizes = [1], strides = [1]} : vector<16xi32> to vector<1xi32>
    %squeeze3A_39 = vector.extract %slice3A_38[0] : i32 from vector<1xi32>
    %shift_right_arithmetic3A_40 = arith.constant 7 : i32
    %shift_right_arithmetic3A_41 = arith.shrsi %squeeze3A_39, %shift_right_arithmetic3A_40 : i32
    %shift_left3A_42 = arith.constant 7 : i32
    %shift_left3A_43 = arith.shli %shift_right_arithmetic3A_41, %shift_left3A_42 : i32
    %multiple_of3A_44 = tpu.assume_multiple %shift_left3A_43, 128 : i32
    %dma_start3A_45 = arith.constant 2 : i32
    %dma_start3A_46 = arith.constant 0 : i32
    %dma_start3A_47 = arith.constant 0 : i32
    %dma_start3A_48 = tpu.memref_slice %arg6[%dma_start3A_45, %dma_start3A_46, %dma_start3A_47] : memref<8x32x128xf32, #tpu.memory_space<vmem>> -> memref<1x32x128xf32, #tpu.memory_space<vmem>>
    %dma_start3A_49 = tpu.memref_squeeze %dma_start3A_48 : memref<1x32x128xf32, #tpu.memory_space<vmem>> -> memref<32x128xf32, #tpu.memory_space<vmem>>
    %dma_start3A_50 = arith.constant 0 : i32
    %dma_start3A_51 = tpu.memref_slice %arg3[%dma_start3A_50, %multiple_of3A_44] : memref<32x1000000xf32, #tpu.memory_space<hbm>> -> memref<32x128xf32, #tpu.memory_space<hbm>>
    %dma_start3A_52 = arith.constant 0 : i32
    %dma_start3A_53 = arith.constant 0 : i32
    %dma_start3A_54 = tpu.memref_slice %arg6[%dma_start3A_45, %dma_start3A_52, %dma_start3A_53] : memref<8x32x128xf32, #tpu.memory_space<vmem>> -> memref<1x32x128xf32, #tpu.memory_space<vmem>>
    %dma_start3A_55 = tpu.memref_squeeze %dma_start3A_54 : memref<1x32x128xf32, #tpu.memory_space<vmem>> -> memref<32x128xf32, #tpu.memory_space<vmem>>
    %dma_start3A_56 = arith.constant 0 : i32
    %dma_start3A_57 = tpu.memref_slice %arg3[%dma_start3A_56, %multiple_of3A_44] : memref<32x1000000xf32, #tpu.memory_space<hbm>> -> memref<32x128xf32, #tpu.memory_space<hbm>>
    tpu.enqueue_dma source(%dma_start3A_57 : memref<32x128xf32, #tpu.memory_space<hbm>>) target(%dma_start3A_55 : memref<32x128xf32, #tpu.memory_space<vmem>>) target_semaphore(%arg9 : memref<!tpu.dma_semaphore, #tpu.memory_space<semaphore_mem>>)
    %slice3A_58 = vector.extract_strided_slice %get3A_3 {offsets = [3], sizes = [1], strides = [1]} : vector<16xi32> to vector<1xi32>
    %squeeze3A_59 = vector.extract %slice3A_58[0] : i32 from vector<1xi32>
    %shift_right_arithmetic3A_60 = arith.constant 7 : i32
    %shift_right_arithmetic3A_61 = arith.shrsi %squeeze3A_59, %shift_right_arithmetic3A_60 : i32
    %shift_left3A_62 = arith.constant 7 : i32
    %shift_left3A_63 = arith.shli %shift_right_arithmetic3A_61, %shift_left3A_62 : i32
    %multiple_of3A_64 = tpu.assume_multiple %shift_left3A_63, 128 : i32
    %dma_start3A_65 = arith.constant 3 : i32
    %dma_start3A_66 = arith.constant 0 : i32
    %dma_start3A_67 = arith.constant 0 : i32
    %dma_start3A_68 = tpu.memref_slice %arg6[%dma_start3A_65, %dma_start3A_66, %dma_start3A_67] : memref<8x32x128xf32, #tpu.memory_space<vmem>> -> memref<1x32x128xf32, #tpu.memory_space<vmem>>
    %dma_start3A_69 = tpu.memref_squeeze %dma_start3A_68 : memref<1x32x128xf32, #tpu.memory_space<vmem>> -> memref<32x128xf32, #tpu.memory_space<vmem>>
    %dma_start3A_70 = arith.constant 0 : i32
    %dma_start3A_71 = tpu.memref_slice %arg3[%dma_start3A_70, %multiple_of3A_64] : memref<32x1000000xf32, #tpu.memory_space<hbm>> -> memref<32x128xf32, #tpu.memory_space<hbm>>
    %dma_start3A_72 = arith.constant 0 : i32
    %dma_start3A_73 = arith.constant 0 : i32
    %dma_start3A_74 = tpu.memref_slice %arg6[%dma_start3A_65, %dma_start3A_72, %dma_start3A_73] : memref<8x32x128xf32, #tpu.memory_space<vmem>> -> memref<1x32x128xf32, #tpu.memory_space<vmem>>
    %dma_start3A_75 = tpu.memref_squeeze %dma_start3A_74 : memref<1x32x128xf32, #tpu.memory_space<vmem>> -> memref<32x128xf32, #tpu.memory_space<vmem>>
    %dma_start3A_76 = arith.constant 0 : i32
    %dma_start3A_77 = tpu.memref_slice %arg3[%dma_start3A_76, %multiple_of3A_64] : memref<32x1000000xf32, #tpu.memory_space<hbm>> -> memref<32x128xf32, #tpu.memory_space<hbm>>
    tpu.enqueue_dma source(%dma_start3A_77 : memref<32x128xf32, #tpu.memory_space<hbm>>) target(%dma_start3A_75 : memref<32x128xf32, #tpu.memory_space<vmem>>) target_semaphore(%arg9 : memref<!tpu.dma_semaphore, #tpu.memory_space<semaphore_mem>>)
    %slice3A_78 = vector.extract_strided_slice %get3A_3 {offsets = [4], sizes = [1], strides = [1]} : vector<16xi32> to vector<1xi32>
    %squeeze3A_79 = vector.extract %slice3A_78[0] : i32 from vector<1xi32>
    %shift_right_arithmetic3A_80 = arith.constant 7 : i32
    %shift_right_arithmetic3A_81 = arith.shrsi %squeeze3A_79, %shift_right_arithmetic3A_80 : i32
    %shift_left3A_82 = arith.constant 7 : i32
    %shift_left3A_83 = arith.shli %shift_right_arithmetic3A_81, %shift_left3A_82 : i32
    %multiple_of3A_84 = tpu.assume_multiple %shift_left3A_83, 128 : i32
    %dma_start3A_85 = arith.constant 4 : i32
    %dma_start3A_86 = arith.constant 0 : i32
    %dma_start3A_87 = arith.constant 0 : i32
    %dma_start3A_88 = tpu.memref_slice %arg6[%dma_start3A_85, %dma_start3A_86, %dma_start3A_87] : memref<8x32x128xf32, #tpu.memory_space<vmem>> -> memref<1x32x128xf32, #tpu.memory_space<vmem>>
    %dma_start3A_89 = tpu.memref_squeeze %dma_start3A_88 : memref<1x32x128xf32, #tpu.memory_space<vmem>> -> memref<32x128xf32, #tpu.memory_space<vmem>>
    %dma_start3A_90 = arith.constant 0 : i32
    %dma_start3A_91 = tpu.memref_slice %arg3[%dma_start3A_90, %multiple_of3A_84] : memref<32x1000000xf32, #tpu.memory_space<hbm>> -> memref<32x128xf32, #tpu.memory_space<hbm>>
    %dma_start3A_92 = arith.constant 0 : i32
    %dma_start3A_93 = arith.constant 0 : i32
    %dma_start3A_94 = tpu.memref_slice %arg6[%dma_start3A_85, %dma_start3A_92, %dma_start3A_93] : memref<8x32x128xf32, #tpu.memory_space<vmem>> -> memref<1x32x128xf32, #tpu.memory_space<vmem>>
    %dma_start3A_95 = tpu.memref_squeeze %dma_start3A_94 : memref<1x32x128xf32, #tpu.memory_space<vmem>> -> memref<32x128xf32, #tpu.memory_space<vmem>>
    %dma_start3A_96 = arith.constant 0 : i32
    %dma_start3A_97 = tpu.memref_slice %arg3[%dma_start3A_96, %multiple_of3A_84] : memref<32x1000000xf32, #tpu.memory_space<hbm>> -> memref<32x128xf32, #tpu.memory_space<hbm>>
    tpu.enqueue_dma source(%dma_start3A_97 : memref<32x128xf32, #tpu.memory_space<hbm>>) target(%dma_start3A_95 : memref<32x128xf32, #tpu.memory_space<vmem>>) target_semaphore(%arg9 : memref<!tpu.dma_semaphore, #tpu.memory_space<semaphore_mem>>)
    %slice3A_98 = vector.extract_strided_slice %get3A_3 {offsets = [5], sizes = [1], strides = [1]} : vector<16xi32> to vector<1xi32>
    %squeeze3A_99 = vector.extract %slice3A_98[0] : i32 from vector<1xi32>
    %shift_right_arithmetic3A_100 = arith.constant 7 : i32
    %shift_right_arithmetic3A_101 = arith.shrsi %squeeze3A_99, %shift_right_arithmetic3A_100 : i32
    %shift_left3A_102 = arith.constant 7 : i32
    %shift_left3A_103 = arith.shli %shift_right_arithmetic3A_101, %shift_left3A_102 : i32
    %multiple_of3A_104 = tpu.assume_multiple %shift_left3A_103, 128 : i32
    %dma_start3A_105 = arith.constant 5 : i32
    %dma_start3A_106 = arith.constant 0 : i32
    %dma_start3A_107 = arith.constant 0 : i32
    %dma_start3A_108 = tpu.memref_slice %arg6[%dma_start3A_105, %dma_start3A_106, %dma_start3A_107] : memref<8x32x128xf32, #tpu.memory_space<vmem>> -> memref<1x32x128xf32, #tpu.memory_space<vmem>>
    %dma_start3A_109 = tpu.memref_squeeze %dma_start3A_108 : memref<1x32x128xf32, #tpu.memory_space<vmem>> -> memref<32x128xf32, #tpu.memory_space<vmem>>
    %dma_start3A_110 = arith.constant 0 : i32
    %dma_start3A_111 = tpu.memref_slice %arg3[%dma_start3A_110, %multiple_of3A_104] : memref<32x1000000xf32, #tpu.memory_space<hbm>> -> memref<32x128xf32, #tpu.memory_space<hbm>>
    %dma_start3A_112 = arith.constant 0 : i32
    %dma_start3A_113 = arith.constant 0 : i32
    %dma_start3A_114 = tpu.memref_slice %arg6[%dma_start3A_105, %dma_start3A_112, %dma_start3A_113] : memref<8x32x128xf32, #tpu.memory_space<vmem>> -> memref<1x32x128xf32, #tpu.memory_space<vmem>>
    %dma_start3A_115 = tpu.memref_squeeze %dma_start3A_114 : memref<1x32x128xf32, #tpu.memory_space<vmem>> -> memref<32x128xf32, #tpu.memory_space<vmem>>
    %dma_start3A_116 = arith.constant 0 : i32
    %dma_start3A_117 = tpu.memref_slice %arg3[%dma_start3A_116, %multiple_of3A_104] : memref<32x1000000xf32, #tpu.memory_space<hbm>> -> memref<32x128xf32, #tpu.memory_space<hbm>>
    tpu.enqueue_dma source(%dma_start3A_117 : memref<32x128xf32, #tpu.memory_space<hbm>>) target(%dma_start3A_115 : memref<32x128xf32, #tpu.memory_space<vmem>>) target_semaphore(%arg9 : memref<!tpu.dma_semaphore, #tpu.memory_space<semaphore_mem>>)
    %slice3A_118 = vector.extract_strided_slice %get3A_3 {offsets = [6], sizes = [1], strides = [1]} : vector<16xi32> to vector<1xi32>
    %squeeze3A_119 = vector.extract %slice3A_118[0] : i32 from vector<1xi32>
    %shift_right_arithmetic3A_120 = arith.constant 7 : i32
    %shift_right_arithmetic3A_121 = arith.shrsi %squeeze3A_119, %shift_right_arithmetic3A_120 : i32
    %shift_left3A_122 = arith.constant 7 : i32
    %shift_left3A_123 = arith.shli %shift_right_arithmetic3A_121, %shift_left3A_122 : i32
    %multiple_of3A_124 = tpu.assume_multiple %shift_left3A_123, 128 : i32
    %dma_start3A_125 = arith.constant 6 : i32
    %dma_start3A_126 = arith.constant 0 : i32
    %dma_start3A_127 = arith.constant 0 : i32
    %dma_start3A_128 = tpu.memref_slice %arg6[%dma_start3A_125, %dma_start3A_126, %dma_start3A_127] : memref<8x32x128xf32, #tpu.memory_space<vmem>> -> memref<1x32x128xf32, #tpu.memory_space<vmem>>
    %dma_start3A_129 = tpu.memref_squeeze %dma_start3A_128 : memref<1x32x128xf32, #tpu.memory_space<vmem>> -> memref<32x128xf32, #tpu.memory_space<vmem>>
    %dma_start3A_130 = arith.constant 0 : i32
    %dma_start3A_131 = tpu.memref_slice %arg3[%dma_start3A_130, %multiple_of3A_124] : memref<32x1000000xf32, #tpu.memory_space<hbm>> -> memref<32x128xf32, #tpu.memory_space<hbm>>
    %dma_start3A_132 = arith.constant 0 : i32
    %dma_start3A_133 = arith.constant 0 : i32
    %dma_start3A_134 = tpu.memref_slice %arg6[%dma_start3A_125, %dma_start3A_132, %dma_start3A_133] : memref<8x32x128xf32, #tpu.memory_space<vmem>> -> memref<1x32x128xf32, #tpu.memory_space<vmem>>
    %dma_start3A_135 = tpu.memref_squeeze %dma_start3A_134 : memref<1x32x128xf32, #tpu.memory_space<vmem>> -> memref<32x128xf32, #tpu.memory_space<vmem>>
    %dma_start3A_136 = arith.constant 0 : i32
    %dma_start3A_137 = tpu.memref_slice %arg3[%dma_start3A_136, %multiple_of3A_124] : memref<32x1000000xf32, #tpu.memory_space<hbm>> -> memref<32x128xf32, #tpu.memory_space<hbm>>
    tpu.enqueue_dma source(%dma_start3A_137 : memref<32x128xf32, #tpu.memory_space<hbm>>) target(%dma_start3A_135 : memref<32x128xf32, #tpu.memory_space<vmem>>) target_semaphore(%arg9 : memref<!tpu.dma_semaphore, #tpu.memory_space<semaphore_mem>>)
    %slice3A_138 = vector.extract_strided_slice %get3A_3 {offsets = [7], sizes = [1], strides = [1]} : vector<16xi32> to vector<1xi32>
    %squeeze3A_139 = vector.extract %slice3A_138[0] : i32 from vector<1xi32>
    %shift_right_arithmetic3A_140 = arith.constant 7 : i32
    %shift_right_arithmetic3A_141 = arith.shrsi %squeeze3A_139, %shift_right_arithmetic3A_140 : i32
    %shift_left3A_142 = arith.constant 7 : i32
    %shift_left3A_143 = arith.shli %shift_right_arithmetic3A_141, %shift_left3A_142 : i32
    %multiple_of3A_144 = tpu.assume_multiple %shift_left3A_143, 128 : i32
    %dma_start3A_145 = arith.constant 7 : i32
    %dma_start3A_146 = arith.constant 0 : i32
    %dma_start3A_147 = arith.constant 0 : i32
    %dma_start3A_148 = tpu.memref_slice %arg6[%dma_start3A_145, %dma_start3A_146, %dma_start3A_147] : memref<8x32x128xf32, #tpu.memory_space<vmem>> -> memref<1x32x128xf32, #tpu.memory_space<vmem>>
    %dma_start3A_149 = tpu.memref_squeeze %dma_start3A_148 : memref<1x32x128xf32, #tpu.memory_space<vmem>> -> memref<32x128xf32, #tpu.memory_space<vmem>>
    %dma_start3A_150 = arith.constant 0 : i32
    %dma_start3A_151 = tpu.memref_slice %arg3[%dma_start3A_150, %multiple_of3A_144] : memref<32x1000000xf32, #tpu.memory_space<hbm>> -> memref<32x128xf32, #tpu.memory_space<hbm>>
    %dma_start3A_152 = arith.constant 0 : i32
    %dma_start3A_153 = arith.constant 0 : i32
    %dma_start3A_154 = tpu.memref_slice %arg6[%dma_start3A_145, %dma_start3A_152, %dma_start3A_153] : memref<8x32x128xf32, #tpu.memory_space<vmem>> -> memref<1x32x128xf32, #tpu.memory_space<vmem>>
    %dma_start3A_155 = tpu.memref_squeeze %dma_start3A_154 : memref<1x32x128xf32, #tpu.memory_space<vmem>> -> memref<32x128xf32, #tpu.memory_space<vmem>>
    %dma_start3A_156 = arith.constant 0 : i32
    %dma_start3A_157 = tpu.memref_slice %arg3[%dma_start3A_156, %multiple_of3A_144] : memref<32x1000000xf32, #tpu.memory_space<hbm>> -> memref<32x128xf32, #tpu.memory_space<hbm>>
    tpu.enqueue_dma source(%dma_start3A_157 : memref<32x128xf32, #tpu.memory_space<hbm>>) target(%dma_start3A_155 : memref<32x128xf32, #tpu.memory_space<vmem>>) target_semaphore(%arg9 : memref<!tpu.dma_semaphore, #tpu.memory_space<semaphore_mem>>)
    %scan3A = arith.constant 0 : i32
    %scan3A_158 = arith.constant 8 : i32
    %scan3A_159 = arith.addi %scan3A, %scan3A_158 : i32
    %scan3A_160 = arith.constant 1 : i32
    scf.for %scan3A_162 = %scan3A to %scan3A_159 step %scan3A_160  : i32 {
      %mul3A_163 = arith.constant 4 : i32
      %mul3A_164 = arith.muli %scan3A_162, %mul3A_163 : i32
      %add3A_165 = arith.constant 0 : i32
      %add3A_166 = arith.addi %mul3A_164, %add3A_165 : i32
      %mul3A_167 = arith.constant 16 : i32
      %mul3A_168 = arith.muli %add3A_166, %mul3A_167 : i32
      %get3A_169 = arith.index_cast %mul3A_168 : i32 to index
      %get3A_170 = tpu.vector_load %arg5[%get3A_169] {strides = array<i32>} : memref<512xi32, #tpu.memory_space<vmem>>, vector<16xi32>,
      %slice3A_171 = vector.extract_strided_slice %get3A_170 {offsets = [8], sizes = [1], strides = [1]} : vector<16xi32> to vector<1xi32>
      %squeeze3A_172 = vector.extract %slice3A_171[0] : i32 from vector<1xi32>
      %shift_right_arithmetic3A_173 = arith.constant 7 : i32
      %shift_right_arithmetic3A_174 = arith.shrsi %squeeze3A_172, %shift_right_arithmetic3A_173 : i32
      %shift_left3A_175 = arith.constant 7 : i32
      %shift_left3A_176 = arith.shli %shift_right_arithmetic3A_174, %shift_left3A_175 : i32
      %multiple_of3A_177 = tpu.assume_multiple %shift_left3A_176, 128 : i32
      %dma_start3A_178 = arith.constant 0 : i32
      %dma_start3A_179 = arith.constant 0 : i32
      %dma_start3A_180 = arith.constant 0 : i32
      %dma_start3A_181 = tpu.memref_slice %arg7[%dma_start3A_178, %dma_start3A_179, %dma_start3A_180] : memref<8x32x128xf32, #tpu.memory_space<vmem>> -> memref<1x32x128xf32, #tpu.memory_space<vmem>>
      %dma_start3A_182 = tpu.memref_squeeze %dma_start3A_181 : memref<1x32x128xf32, #tpu.memory_space<vmem>> -> memref<32x128xf32, #tpu.memory_space<vmem>>
      %dma_start3A_183 = arith.constant 0 : i32
      %dma_start3A_184 = tpu.memref_slice %arg3[%dma_start3A_183, %multiple_of3A_177] : memref<32x1000000xf32, #tpu.memory_space<hbm>> -> memref<32x128xf32, #tpu.memory_space<hbm>>
      %dma_start3A_185 = arith.constant 0 : i32
      %dma_start3A_186 = arith.constant 0 : i32
      %dma_start3A_187 = tpu.memref_slice %arg7[%dma_start3A_178, %dma_start3A_185, %dma_start3A_186] : memref<8x32x128xf32, #tpu.memory_space<vmem>> -> memref<1x32x128xf32, #tpu.memory_space<vmem>>
      %dma_start3A_188 = tpu.memref_squeeze %dma_start3A_187 : memref<1x32x128xf32, #tpu.memory_space<vmem>> -> memref<32x128xf32, #tpu.memory_space<vmem>>
      %dma_start3A_189 = arith.constant 0 : i32
      %dma_start3A_190 = tpu.memref_slice %arg3[%dma_start3A_189, %multiple_of3A_177] : memref<32x1000000xf32, #tpu.memory_space<hbm>> -> memref<32x128xf32, #tpu.memory_space<hbm>>
      tpu.enqueue_dma source(%dma_start3A_190 : memref<32x128xf32, #tpu.memory_space<hbm>>) target(%dma_start3A_188 : memref<32x128xf32, #tpu.memory_space<vmem>>) target_semaphore(%arg9 : memref<!tpu.dma_semaphore, #tpu.memory_space<semaphore_mem>>)
      %slice3A_191 = vector.extract_strided_slice %get3A_170 {offsets = [9], sizes = [1], strides = [1]} : vector<16xi32> to vector<1xi32>
      %squeeze3A_192 = vector.extract %slice3A_191[0] : i32 from vector<1xi32>
      %shift_right_arithmetic3A_193 = arith.constant 7 : i32
      %shift_right_arithmetic3A_194 = arith.shrsi %squeeze3A_192, %shift_right_arithmetic3A_193 : i32
      %shift_left3A_195 = arith.constant 7 : i32
      %shift_left3A_196 = arith.shli %shift_right_arithmetic3A_194, %shift_left3A_195 : i32
      %multiple_of3A_197 = tpu.assume_multiple %shift_left3A_196, 128 : i32
      %dma_start3A_198 = arith.constant 1 : i32
      %dma_start3A_199 = arith.constant 0 : i32
      %dma_start3A_200 = arith.constant 0 : i32
      %dma_start3A_201 = tpu.memref_slice %arg7[%dma_start3A_198, %dma_start3A_199, %dma_start3A_200] : memref<8x32x128xf32, #tpu.memory_space<vmem>> -> memref<1x32x128xf32, #tpu.memory_space<vmem>>
      %dma_start3A_202 = tpu.memref_squeeze %dma_start3A_201 : memref<1x32x128xf32, #tpu.memory_space<vmem>> -> memref<32x128xf32, #tpu.memory_space<vmem>>
      %dma_start3A_203 = arith.constant 0 : i32
      %dma_start3A_204 = tpu.memref_slice %arg3[%dma_start3A_203, %multiple_of3A_197] : memref<32x1000000xf32, #tpu.memory_space<hbm>> -> memref<32x128xf32, #tpu.memory_space<hbm>>
      %dma_start3A_205 = arith.constant 0 : i32
      %dma_start3A_206 = arith.constant 0 : i32
      %dma_start3A_207 = tpu.memref_slice %arg7[%dma_start3A_198, %dma_start3A_205, %dma_start3A_206] : memref<8x32x128xf32, #tpu.memory_space<vmem>> -> memref<1x32x128xf32, #tpu.memory_space<vmem>>
      %dma_start3A_208 = tpu.memref_squeeze %dma_start3A_207 : memref<1x32x128xf32, #tpu.memory_space<vmem>> -> memref<32x128xf32, #tpu.memory_space<vmem>>
      %dma_start3A_209 = arith.constant 0 : i32
      %dma_start3A_210 = tpu.memref_slice %arg3[%dma_start3A_209, %multiple_of3A_197] : memref<32x1000000xf32, #tpu.memory_space<hbm>> -> memref<32x128xf32, #tpu.memory_space<hbm>>
      tpu.enqueue_dma source(%dma_start3A_210 : memref<32x128xf32, #tpu.memory_space<hbm>>) target(%dma_start3A_208 : memref<32x128xf32, #tpu.memory_space<vmem>>) target_semaphore(%arg9 : memref<!tpu.dma_semaphore, #tpu.memory_space<semaphore_mem>>)
      %slice3A_211 = vector.extract_strided_slice %get3A_170 {offsets = [10], sizes = [1], strides = [1]} : vector<16xi32> to vector<1xi32>
      %squeeze3A_212 = vector.extract %slice3A_211[0] : i32 from vector<1xi32>
      %shift_right_arithmetic3A_213 = arith.constant 7 : i32
      %shift_right_arithmetic3A_214 = arith.shrsi %squeeze3A_212, %shift_right_arithmetic3A_213 : i32
      %shift_left3A_215 = arith.constant 7 : i32
      %shift_left3A_216 = arith.shli %shift_right_arithmetic3A_214, %shift_left3A_215 : i32
      %multiple_of3A_217 = tpu.assume_multiple %shift_left3A_216, 128 : i32
      %dma_start3A_218 = arith.constant 2 : i32
      %dma_start3A_219 = arith.constant 0 : i32
      %dma_start3A_220 = arith.constant 0 : i32
      %dma_start3A_221 = tpu.memref_slice %arg7[%dma_start3A_218, %dma_start3A_219, %dma_start3A_220] : memref<8x32x128xf32, #tpu.memory_space<vmem>> -> memref<1x32x128xf32, #tpu.memory_space<vmem>>
      %dma_start3A_222 = tpu.memref_squeeze %dma_start3A_221 : memref<1x32x128xf32, #tpu.memory_space<vmem>> -> memref<32x128xf32, #tpu.memory_space<vmem>>
      %dma_start3A_223 = arith.constant 0 : i32
      %dma_start3A_224 = tpu.memref_slice %arg3[%dma_start3A_223, %multiple_of3A_217] : memref<32x1000000xf32, #tpu.memory_space<hbm>> -> memref<32x128xf32, #tpu.memory_space<hbm>>
      %dma_start3A_225 = arith.constant 0 : i32
      %dma_start3A_226 = arith.constant 0 : i32
      %dma_start3A_227 = tpu.memref_slice %arg7[%dma_start3A_218, %dma_start3A_225, %dma_start3A_226] : memref<8x32x128xf32, #tpu.memory_space<vmem>> -> memref<1x32x128xf32, #tpu.memory_space<vmem>>
      %dma_start3A_228 = tpu.memref_squeeze %dma_start3A_227 : memref<1x32x128xf32, #tpu.memory_space<vmem>> -> memref<32x128xf32, #tpu.memory_space<vmem>>
      %dma_start3A_229 = arith.constant 0 : i32
      %dma_start3A_230 = tpu.memref_slice %arg3[%dma_start3A_229, %multiple_of3A_217] : memref<32x1000000xf32, #tpu.memory_space<hbm>> -> memref<32x128xf32, #tpu.memory_space<hbm>>
      tpu.enqueue_dma source(%dma_start3A_230 : memref<32x128xf32, #tpu.memory_space<hbm>>) target(%dma_start3A_228 : memref<32x128xf32, #tpu.memory_space<vmem>>) target_semaphore(%arg9 : memref<!tpu.dma_semaphore, #tpu.memory_space<semaphore_mem>>)
      %slice3A_231 = vector.extract_strided_slice %get3A_170 {offsets = [11], sizes = [1], strides = [1]} : vector<16xi32> to vector<1xi32>
      %squeeze3A_232 = vector.extract %slice3A_231[0] : i32 from vector<1xi32>
      %shift_right_arithmetic3A_233 = arith.constant 7 : i32
      %shift_right_arithmetic3A_234 = arith.shrsi %squeeze3A_232, %shift_right_arithmetic3A_233 : i32
      %shift_left3A_235 = arith.constant 7 : i32
      %shift_left3A_236 = arith.shli %shift_right_arithmetic3A_234, %shift_left3A_235 : i32
      %multiple_of3A_237 = tpu.assume_multiple %shift_left3A_236, 128 : i32
      %dma_start3A_238 = arith.constant 3 : i32
      %dma_start3A_239 = arith.constant 0 : i32
      %dma_start3A_240 = arith.constant 0 : i32
      %dma_start3A_241 = tpu.memref_slice %arg7[%dma_start3A_238, %dma_start3A_239, %dma_start3A_240] : memref<8x32x128xf32, #tpu.memory_space<vmem>> -> memref<1x32x128xf32, #tpu.memory_space<vmem>>
      %dma_start3A_242 = tpu.memref_squeeze %dma_start3A_241 : memref<1x32x128xf32, #tpu.memory_space<vmem>> -> memref<32x128xf32, #tpu.memory_space<vmem>>
      %dma_start3A_243 = arith.constant 0 : i32
      %dma_start3A_244 = tpu.memref_slice %arg3[%dma_start3A_243, %multiple_of3A_237] : memref<32x1000000xf32, #tpu.memory_space<hbm>> -> memref<32x128xf32, #tpu.memory_space<hbm>>
      %dma_start3A_245 = arith.constant 0 : i32
      %dma_start3A_246 = arith.constant 0 : i32
      %dma_start3A_247 = tpu.memref_slice %arg7[%dma_start3A_238, %dma_start3A_245, %dma_start3A_246] : memref<8x32x128xf32, #tpu.memory_space<vmem>> -> memref<1x32x128xf32, #tpu.memory_space<vmem>>
      %dma_start3A_248 = tpu.memref_squeeze %dma_start3A_247 : memref<1x32x128xf32, #tpu.memory_space<vmem>> -> memref<32x128xf32, #tpu.memory_space<vmem>>
      %dma_start3A_249 = arith.constant 0 : i32
      %dma_start3A_250 = tpu.memref_slice %arg3[%dma_start3A_249, %multiple_of3A_237] : memref<32x1000000xf32, #tpu.memory_space<hbm>> -> memref<32x128xf32, #tpu.memory_space<hbm>>
      tpu.enqueue_dma source(%dma_start3A_250 : memref<32x128xf32, #tpu.memory_space<hbm>>) target(%dma_start3A_248 : memref<32x128xf32, #tpu.memory_space<vmem>>) target_semaphore(%arg9 : memref<!tpu.dma_semaphore, #tpu.memory_space<semaphore_mem>>)
      %slice3A_251 = vector.extract_strided_slice %get3A_170 {offsets = [12], sizes = [1], strides = [1]} : vector<16xi32> to vector<1xi32>
      %squeeze3A_252 = vector.extract %slice3A_251[0] : i32 from vector<1xi32>
      %shift_right_arithmetic3A_253 = arith.constant 7 : i32
      %shift_right_arithmetic3A_254 = arith.shrsi %squeeze3A_252, %shift_right_arithmetic3A_253 : i32
      %shift_left3A_255 = arith.constant 7 : i32
      %shift_left3A_256 = arith.shli %shift_right_arithmetic3A_254, %shift_left3A_255 : i32
      %multiple_of3A_257 = tpu.assume_multiple %shift_left3A_256, 128 : i32
      %dma_start3A_258 = arith.constant 4 : i32
      %dma_start3A_259 = arith.constant 0 : i32
      %dma_start3A_260 = arith.constant 0 : i32
      %dma_start3A_261 = tpu.memref_slice %arg7[%dma_start3A_258, %dma_start3A_259, %dma_start3A_260] : memref<8x32x128xf32, #tpu.memory_space<vmem>> -> memref<1x32x128xf32, #tpu.memory_space<vmem>>
      %dma_start3A_262 = tpu.memref_squeeze %dma_start3A_261 : memref<1x32x128xf32, #tpu.memory_space<vmem>> -> memref<32x128xf32, #tpu.memory_space<vmem>>
      %dma_start3A_263 = arith.constant 0 : i32
      %dma_start3A_264 = tpu.memref_slice %arg3[%dma_start3A_263, %multiple_of3A_257] : memref<32x1000000xf32, #tpu.memory_space<hbm>> -> memref<32x128xf32, #tpu.memory_space<hbm>>
      %dma_start3A_265 = arith.constant 0 : i32
      %dma_start3A_266 = arith.constant 0 : i32
      %dma_start3A_267 = tpu.memref_slice %arg7[%dma_start3A_258, %dma_start3A_265, %dma_start3A_266] : memref<8x32x128xf32, #tpu.memory_space<vmem>> -> memref<1x32x128xf32, #tpu.memory_space<vmem>>
      %dma_start3A_268 = tpu.memref_squeeze %dma_start3A_267 : memref<1x32x128xf32, #tpu.memory_space<vmem>> -> memref<32x128xf32, #tpu.memory_space<vmem>>
      %dma_start3A_269 = arith.constant 0 : i32
      %dma_start3A_270 = tpu.memref_slice %arg3[%dma_start3A_269, %multiple_of3A_257] : memref<32x1000000xf32, #tpu.memory_space<hbm>> -> memref<32x128xf32, #tpu.memory_space<hbm>>
      tpu.enqueue_dma source(%dma_start3A_270 : memref<32x128xf32, #tpu.memory_space<hbm>>) target(%dma_start3A_268 : memref<32x128xf32, #tpu.memory_space<vmem>>) target_semaphore(%arg9 : memref<!tpu.dma_semaphore, #tpu.memory_space<semaphore_mem>>)
      %slice3A_271 = vector.extract_strided_slice %get3A_170 {offsets = [13], sizes = [1], strides = [1]} : vector<16xi32> to vector<1xi32>
      %squeeze3A_272 = vector.extract %slice3A_271[0] : i32 from vector<1xi32>
      %shift_right_arithmetic3A_273 = arith.constant 7 : i32
      %shift_right_arithmetic3A_274 = arith.shrsi %squeeze3A_272, %shift_right_arithmetic3A_273 : i32
      %shift_left3A_275 = arith.constant 7 : i32
      %shift_left3A_276 = arith.shli %shift_right_arithmetic3A_274, %shift_left3A_275 : i32
      %multiple_of3A_277 = tpu.assume_multiple %shift_left3A_276, 128 : i32
      %dma_start3A_278 = arith.constant 5 : i32
      %dma_start3A_279 = arith.constant 0 : i32
      %dma_start3A_280 = arith.constant 0 : i32
      %dma_start3A_281 = tpu.memref_slice %arg7[%dma_start3A_278, %dma_start3A_279, %dma_start3A_280] : memref<8x32x128xf32, #tpu.memory_space<vmem>> -> memref<1x32x128xf32, #tpu.memory_space<vmem>>
      %dma_start3A_282 = tpu.memref_squeeze %dma_start3A_281 : memref<1x32x128xf32, #tpu.memory_space<vmem>> -> memref<32x128xf32, #tpu.memory_space<vmem>>
      %dma_start3A_283 = arith.constant 0 : i32
      %dma_start3A_284 = tpu.memref_slice %arg3[%dma_start3A_283, %multiple_of3A_277] : memref<32x1000000xf32, #tpu.memory_space<hbm>> -> memref<32x128xf32, #tpu.memory_space<hbm>>
      %dma_start3A_285 = arith.constant 0 : i32
      %dma_start3A_286 = arith.constant 0 : i32
      %dma_start3A_287 = tpu.memref_slice %arg7[%dma_start3A_278, %dma_start3A_285, %dma_start3A_286] : memref<8x32x128xf32, #tpu.memory_space<vmem>> -> memref<1x32x128xf32, #tpu.memory_space<vmem>>
      %dma_start3A_288 = tpu.memref_squeeze %dma_start3A_287 : memref<1x32x128xf32, #tpu.memory_space<vmem>> -> memref<32x128xf32, #tpu.memory_space<vmem>>
      %dma_start3A_289 = arith.constant 0 : i32
      %dma_start3A_290 = tpu.memref_slice %arg3[%dma_start3A_289, %multiple_of3A_277] : memref<32x1000000xf32, #tpu.memory_space<hbm>> -> memref<32x128xf32, #tpu.memory_space<hbm>>
      tpu.enqueue_dma source(%dma_start3A_290 : memref<32x128xf32, #tpu.memory_space<hbm>>) target(%dma_start3A_288 : memref<32x128xf32, #tpu.memory_space<vmem>>) target_semaphore(%arg9 : memref<!tpu.dma_semaphore, #tpu.memory_space<semaphore_mem>>)
      %slice3A_291 = vector.extract_strided_slice %get3A_170 {offsets = [14], sizes = [1], strides = [1]} : vector<16xi32> to vector<1xi32>
      %squeeze3A_292 = vector.extract %slice3A_291[0] : i32 from vector<1xi32>
      %shift_right_arithmetic3A_293 = arith.constant 7 : i32
      %shift_right_arithmetic3A_294 = arith.shrsi %squeeze3A_292, %shift_right_arithmetic3A_293 : i32
      %shift_left3A_295 = arith.constant 7 : i32
      %shift_left3A_296 = arith.shli %shift_right_arithmetic3A_294, %shift_left3A_295 : i32
      %multiple_of3A_297 = tpu.assume_multiple %shift_left3A_296, 128 : i32
      %dma_start3A_298 = arith.constant 6 : i32
      %dma_start3A_299 = arith.constant 0 : i32
      %dma_start3A_300 = arith.constant 0 : i32
      %dma_start3A_301 = tpu.memref_slice %arg7[%dma_start3A_298, %dma_start3A_299, %dma_start3A_300] : memref<8x32x128xf32, #tpu.memory_space<vmem>> -> memref<1x32x128xf32, #tpu.memory_space<vmem>>
      %dma_start3A_302 = tpu.memref_squeeze %dma_start3A_301 : memref<1x32x128xf32, #tpu.memory_space<vmem>> -> memref<32x128xf32, #tpu.memory_space<vmem>>
      %dma_start3A_303 = arith.constant 0 : i32
      %dma_start3A_304 = tpu.memref_slice %arg3[%dma_start3A_303, %multiple_of3A_297] : memref<32x1000000xf32, #tpu.memory_space<hbm>> -> memref<32x128xf32, #tpu.memory_space<hbm>>
      %dma_start3A_305 = arith.constant 0 : i32
      %dma_start3A_306 = arith.constant 0 : i32
      %dma_start3A_307 = tpu.memref_slice %arg7[%dma_start3A_298, %dma_start3A_305, %dma_start3A_306] : memref<8x32x128xf32, #tpu.memory_space<vmem>> -> memref<1x32x128xf32, #tpu.memory_space<vmem>>
      %dma_start3A_308 = tpu.memref_squeeze %dma_start3A_307 : memref<1x32x128xf32, #tpu.memory_space<vmem>> -> memref<32x128xf32, #tpu.memory_space<vmem>>
      %dma_start3A_309 = arith.constant 0 : i32
      %dma_start3A_310 = tpu.memref_slice %arg3[%dma_start3A_309, %multiple_of3A_297] : memref<32x1000000xf32, #tpu.memory_space<hbm>> -> memref<32x128xf32, #tpu.memory_space<hbm>>
      tpu.enqueue_dma source(%dma_start3A_310 : memref<32x128xf32, #tpu.memory_space<hbm>>) target(%dma_start3A_308 : memref<32x128xf32, #tpu.memory_space<vmem>>) target_semaphore(%arg9 : memref<!tpu.dma_semaphore, #tpu.memory_space<semaphore_mem>>)
      %slice3A_311 = vector.extract_strided_slice %get3A_170 {offsets = [15], sizes = [1], strides = [1]} : vector<16xi32> to vector<1xi32>
      %squeeze3A_312 = vector.extract %slice3A_311[0] : i32 from vector<1xi32>
      %shift_right_arithmetic3A_313 = arith.constant 7 : i32
      %shift_right_arithmetic3A_314 = arith.shrsi %squeeze3A_312, %shift_right_arithmetic3A_313 : i32
      %shift_left3A_315 = arith.constant 7 : i32
      %shift_left3A_316 = arith.shli %shift_right_arithmetic3A_314, %shift_left3A_315 : i32
      %multiple_of3A_317 = tpu.assume_multiple %shift_left3A_316, 128 : i32
      %dma_start3A_318 = arith.constant 7 : i32
      %dma_start3A_319 = arith.constant 0 : i32
      %dma_start3A_320 = arith.constant 0 : i32
      %dma_start3A_321 = tpu.memref_slice %arg7[%dma_start3A_318, %dma_start3A_319, %dma_start3A_320] : memref<8x32x128xf32, #tpu.memory_space<vmem>> -> memref<1x32x128xf32, #tpu.memory_space<vmem>>
      %dma_start3A_322 = tpu.memref_squeeze %dma_start3A_321 : memref<1x32x128xf32, #tpu.memory_space<vmem>> -> memref<32x128xf32, #tpu.memory_space<vmem>>
      %dma_start3A_323 = arith.constant 0 : i32
      %dma_start3A_324 = tpu.memref_slice %arg3[%dma_start3A_323, %multiple_of3A_317] : memref<32x1000000xf32, #tpu.memory_space<hbm>> -> memref<32x128xf32, #tpu.memory_space<hbm>>
      %dma_start3A_325 = arith.constant 0 : i32
      %dma_start3A_326 = arith.constant 0 : i32
      %dma_start3A_327 = tpu.memref_slice %arg7[%dma_start3A_318, %dma_start3A_325, %dma_start3A_326] : memref<8x32x128xf32, #tpu.memory_space<vmem>> -> memref<1x32x128xf32, #tpu.memory_space<vmem>>
      %dma_start3A_328 = tpu.memref_squeeze %dma_start3A_327 : memref<1x32x128xf32, #tpu.memory_space<vmem>> -> memref<32x128xf32, #tpu.memory_space<vmem>>
      %dma_start3A_329 = arith.constant 0 : i32
      %dma_start3A_330 = tpu.memref_slice %arg3[%dma_start3A_329, %multiple_of3A_317] : memref<32x1000000xf32, #tpu.memory_space<hbm>> -> memref<32x128xf32, #tpu.memory_space<hbm>>
      tpu.enqueue_dma source(%dma_start3A_330 : memref<32x128xf32, #tpu.memory_space<hbm>>) target(%dma_start3A_328 : memref<32x128xf32, #tpu.memory_space<vmem>>) target_semaphore(%arg9 : memref<!tpu.dma_semaphore, #tpu.memory_space<semaphore_mem>>)
      %dma_wait3A = arith.constant 0 : i32
      %dma_wait3A_331 = arith.constant 0 : i32
      %dma_wait3A_332 = arith.constant 0 : i32
      %dma_wait3A_333 = tpu.memref_slice %arg6[%dma_wait3A, %dma_wait3A_331, %dma_wait3A_332] : memref<8x32x128xf32, #tpu.memory_space<vmem>> -> memref<1x32x128xf32, #tpu.memory_space<vmem>>
      %dma_wait3A_334 = tpu.memref_squeeze %dma_wait3A_333 : memref<1x32x128xf32, #tpu.memory_space<vmem>> -> memref<32x128xf32, #tpu.memory_space<vmem>>
      %dma_wait3A_335 = arith.constant 0 : i32
      %dma_wait3A_336 = arith.constant 0 : i32
      %dma_wait3A_337 = tpu.memref_slice %arg3[%dma_wait3A_335, %dma_wait3A_336] : memref<32x1000000xf32, #tpu.memory_space<hbm>> -> memref<32x128xf32, #tpu.memory_space<hbm>>
      %dma_wait3A_338 = arith.constant 0 : i32
      %dma_wait3A_339 = arith.constant 0 : i32
      %dma_wait3A_340 = tpu.memref_slice %arg6[%dma_wait3A, %dma_wait3A_338, %dma_wait3A_339] : memref<8x32x128xf32, #tpu.memory_space<vmem>> -> memref<1x32x128xf32, #tpu.memory_space<vmem>>
      %dma_wait3A_341 = tpu.memref_squeeze %dma_wait3A_340 : memref<1x32x128xf32, #tpu.memory_space<vmem>> -> memref<32x128xf32, #tpu.memory_space<vmem>>
      %dma_wait3A_342 = arith.constant 0 : i32
      %dma_wait3A_343 = arith.constant 0 : i32
      %dma_wait3A_344 = tpu.memref_slice %arg3[%dma_wait3A_342, %dma_wait3A_343] : memref<32x1000000xf32, #tpu.memory_space<hbm>> -> memref<32x128xf32, #tpu.memory_space<hbm>>
      tpu.wait_dma2 semaphore(%arg9 : memref<!tpu.dma_semaphore, #tpu.memory_space<semaphore_mem>>) src(%dma_wait3A_344 : memref<32x128xf32, #tpu.memory_space<hbm>>) dst(%dma_wait3A_341 : memref<32x128xf32, #tpu.memory_space<vmem>>)
      %dma_wait3A_345 = arith.constant 1 : i32
      %dma_wait3A_346 = arith.constant 0 : i32
      %dma_wait3A_347 = arith.constant 0 : i32
      %dma_wait3A_348 = tpu.memref_slice %arg6[%dma_wait3A_345, %dma_wait3A_346, %dma_wait3A_347] : memref<8x32x128xf32, #tpu.memory_space<vmem>> -> memref<1x32x128xf32, #tpu.memory_space<vmem>>
      %dma_wait3A_349 = tpu.memref_squeeze %dma_wait3A_348 : memref<1x32x128xf32, #tpu.memory_space<vmem>> -> memref<32x128xf32, #tpu.memory_space<vmem>>
      %dma_wait3A_350 = arith.constant 0 : i32
      %dma_wait3A_351 = arith.constant 0 : i32
      %dma_wait3A_352 = tpu.memref_slice %arg3[%dma_wait3A_350, %dma_wait3A_351] : memref<32x1000000xf32, #tpu.memory_space<hbm>> -> memref<32x128xf32, #tpu.memory_space<hbm>>
      %dma_wait3A_353 = arith.constant 0 : i32
      %dma_wait3A_354 = arith.constant 0 : i32
      %dma_wait3A_355 = tpu.memref_slice %arg6[%dma_wait3A_345, %dma_wait3A_353, %dma_wait3A_354] : memref<8x32x128xf32, #tpu.memory_space<vmem>> -> memref<1x32x128xf32, #tpu.memory_space<vmem>>
      %dma_wait3A_356 = tpu.memref_squeeze %dma_wait3A_355 : memref<1x32x128xf32, #tpu.memory_space<vmem>> -> memref<32x128xf32, #tpu.memory_space<vmem>>
      %dma_wait3A_357 = arith.constant 0 : i32
      %dma_wait3A_358 = arith.constant 0 : i32
      %dma_wait3A_359 = tpu.memref_slice %arg3[%dma_wait3A_357, %dma_wait3A_358] : memref<32x1000000xf32, #tpu.memory_space<hbm>> -> memref<32x128xf32, #tpu.memory_space<hbm>>
      tpu.wait_dma2 semaphore(%arg9 : memref<!tpu.dma_semaphore, #tpu.memory_space<semaphore_mem>>) src(%dma_wait3A_359 : memref<32x128xf32, #tpu.memory_space<hbm>>) dst(%dma_wait3A_356 : memref<32x128xf32, #tpu.memory_space<vmem>>)
      %dma_wait3A_360 = arith.constant 2 : i32
      %dma_wait3A_361 = arith.constant 0 : i32
      %dma_wait3A_362 = arith.constant 0 : i32
      %dma_wait3A_363 = tpu.memref_slice %arg6[%dma_wait3A_360, %dma_wait3A_361, %dma_wait3A_362] : memref<8x32x128xf32, #tpu.memory_space<vmem>> -> memref<1x32x128xf32, #tpu.memory_space<vmem>>
      %dma_wait3A_364 = tpu.memref_squeeze %dma_wait3A_363 : memref<1x32x128xf32, #tpu.memory_space<vmem>> -> memref<32x128xf32, #tpu.memory_space<vmem>>
      %dma_wait3A_365 = arith.constant 0 : i32
      %dma_wait3A_366 = arith.constant 0 : i32
      %dma_wait3A_367 = tpu.memref_slice %arg3[%dma_wait3A_365, %dma_wait3A_366] : memref<32x1000000xf32, #tpu.memory_space<hbm>> -> memref<32x128xf32, #tpu.memory_space<hbm>>
      %dma_wait3A_368 = arith.constant 0 : i32
      %dma_wait3A_369 = arith.constant 0 : i32
      %dma_wait3A_370 = tpu.memref_slice %arg6[%dma_wait3A_360, %dma_wait3A_368, %dma_wait3A_369] : memref<8x32x128xf32, #tpu.memory_space<vmem>> -> memref<1x32x128xf32, #tpu.memory_space<vmem>>
      %dma_wait3A_371 = tpu.memref_squeeze %dma_wait3A_370 : memref<1x32x128xf32, #tpu.memory_space<vmem>> -> memref<32x128xf32, #tpu.memory_space<vmem>>
      %dma_wait3A_372 = arith.constant 0 : i32
      %dma_wait3A_373 = arith.constant 0 : i32
      %dma_wait3A_374 = tpu.memref_slice %arg3[%dma_wait3A_372, %dma_wait3A_373] : memref<32x1000000xf32, #tpu.memory_space<hbm>> -> memref<32x128xf32, #tpu.memory_space<hbm>>
      tpu.wait_dma2 semaphore(%arg9 : memref<!tpu.dma_semaphore, #tpu.memory_space<semaphore_mem>>) src(%dma_wait3A_374 : memref<32x128xf32, #tpu.memory_space<hbm>>) dst(%dma_wait3A_371 : memref<32x128xf32, #tpu.memory_space<vmem>>)
      %dma_wait3A_375 = arith.constant 3 : i32
      %dma_wait3A_376 = arith.constant 0 : i32
      %dma_wait3A_377 = arith.constant 0 : i32
      %dma_wait3A_378 = tpu.memref_slice %arg6[%dma_wait3A_375, %dma_wait3A_376, %dma_wait3A_377] : memref<8x32x128xf32, #tpu.memory_space<vmem>> -> memref<1x32x128xf32, #tpu.memory_space<vmem>>
      %dma_wait3A_379 = tpu.memref_squeeze %dma_wait3A_378 : memref<1x32x128xf32, #tpu.memory_space<vmem>> -> memref<32x128xf32, #tpu.memory_space<vmem>>
      %dma_wait3A_380 = arith.constant 0 : i32
      %dma_wait3A_381 = arith.constant 0 : i32
      %dma_wait3A_382 = tpu.memref_slice %arg3[%dma_wait3A_380, %dma_wait3A_381] : memref<32x1000000xf32, #tpu.memory_space<hbm>> -> memref<32x128xf32, #tpu.memory_space<hbm>>
      %dma_wait3A_383 = arith.constant 0 : i32
      %dma_wait3A_384 = arith.constant 0 : i32
      %dma_wait3A_385 = tpu.memref_slice %arg6[%dma_wait3A_375, %dma_wait3A_383, %dma_wait3A_384] : memref<8x32x128xf32, #tpu.memory_space<vmem>> -> memref<1x32x128xf32, #tpu.memory_space<vmem>>
      %dma_wait3A_386 = tpu.memref_squeeze %dma_wait3A_385 : memref<1x32x128xf32, #tpu.memory_space<vmem>> -> memref<32x128xf32, #tpu.memory_space<vmem>>
      %dma_wait3A_387 = arith.constant 0 : i32
      %dma_wait3A_388 = arith.constant 0 : i32
      %dma_wait3A_389 = tpu.memref_slice %arg3[%dma_wait3A_387, %dma_wait3A_388] : memref<32x1000000xf32, #tpu.memory_space<hbm>> -> memref<32x128xf32, #tpu.memory_space<hbm>>
      tpu.wait_dma2 semaphore(%arg9 : memref<!tpu.dma_semaphore, #tpu.memory_space<semaphore_mem>>) src(%dma_wait3A_389 : memref<32x128xf32, #tpu.memory_space<hbm>>) dst(%dma_wait3A_386 : memref<32x128xf32, #tpu.memory_space<vmem>>)
      %dma_wait3A_390 = arith.constant 4 : i32
      %dma_wait3A_391 = arith.constant 0 : i32
      %dma_wait3A_392 = arith.constant 0 : i32
      %dma_wait3A_393 = tpu.memref_slice %arg6[%dma_wait3A_390, %dma_wait3A_391, %dma_wait3A_392] : memref<8x32x128xf32, #tpu.memory_space<vmem>> -> memref<1x32x128xf32, #tpu.memory_space<vmem>>
      %dma_wait3A_394 = tpu.memref_squeeze %dma_wait3A_393 : memref<1x32x128xf32, #tpu.memory_space<vmem>> -> memref<32x128xf32, #tpu.memory_space<vmem>>
      %dma_wait3A_395 = arith.constant 0 : i32
      %dma_wait3A_396 = arith.constant 0 : i32
      %dma_wait3A_397 = tpu.memref_slice %arg3[%dma_wait3A_395, %dma_wait3A_396] : memref<32x1000000xf32, #tpu.memory_space<hbm>> -> memref<32x128xf32, #tpu.memory_space<hbm>>
      %dma_wait3A_398 = arith.constant 0 : i32
      %dma_wait3A_399 = arith.constant 0 : i32
      %dma_wait3A_400 = tpu.memref_slice %arg6[%dma_wait3A_390, %dma_wait3A_398, %dma_wait3A_399] : memref<8x32x128xf32, #tpu.memory_space<vmem>> -> memref<1x32x128xf32, #tpu.memory_space<vmem>>
      %dma_wait3A_401 = tpu.memref_squeeze %dma_wait3A_400 : memref<1x32x128xf32, #tpu.memory_space<vmem>> -> memref<32x128xf32, #tpu.memory_space<vmem>>
      %dma_wait3A_402 = arith.constant 0 : i32
      %dma_wait3A_403 = arith.constant 0 : i32
      %dma_wait3A_404 = tpu.memref_slice %arg3[%dma_wait3A_402, %dma_wait3A_403] : memref<32x1000000xf32, #tpu.memory_space<hbm>> -> memref<32x128xf32, #tpu.memory_space<hbm>>
      tpu.wait_dma2 semaphore(%arg9 : memref<!tpu.dma_semaphore, #tpu.memory_space<semaphore_mem>>) src(%dma_wait3A_404 : memref<32x128xf32, #tpu.memory_space<hbm>>) dst(%dma_wait3A_401 : memref<32x128xf32, #tpu.memory_space<vmem>>)
      %dma_wait3A_405 = arith.constant 5 : i32
      %dma_wait3A_406 = arith.constant 0 : i32
      %dma_wait3A_407 = arith.constant 0 : i32
      %dma_wait3A_408 = tpu.memref_slice %arg6[%dma_wait3A_405, %dma_wait3A_406, %dma_wait3A_407] : memref<8x32x128xf32, #tpu.memory_space<vmem>> -> memref<1x32x128xf32, #tpu.memory_space<vmem>>
      %dma_wait3A_409 = tpu.memref_squeeze %dma_wait3A_408 : memref<1x32x128xf32, #tpu.memory_space<vmem>> -> memref<32x128xf32, #tpu.memory_space<vmem>>
      %dma_wait3A_410 = arith.constant 0 : i32
      %dma_wait3A_411 = arith.constant 0 : i32
      %dma_wait3A_412 = tpu.memref_slice %arg3[%dma_wait3A_410, %dma_wait3A_411] : memref<32x1000000xf32, #tpu.memory_space<hbm>> -> memref<32x128xf32, #tpu.memory_space<hbm>>
      %dma_wait3A_413 = arith.constant 0 : i32
      %dma_wait3A_414 = arith.constant 0 : i32
      %dma_wait3A_415 = tpu.memref_slice %arg6[%dma_wait3A_405, %dma_wait3A_413, %dma_wait3A_414] : memref<8x32x128xf32, #tpu.memory_space<vmem>> -> memref<1x32x128xf32, #tpu.memory_space<vmem>>
      %dma_wait3A_416 = tpu.memref_squeeze %dma_wait3A_415 : memref<1x32x128xf32, #tpu.memory_space<vmem>> -> memref<32x128xf32, #tpu.memory_space<vmem>>
      %dma_wait3A_417 = arith.constant 0 : i32
      %dma_wait3A_418 = arith.constant 0 : i32
      %dma_wait3A_419 = tpu.memref_slice %arg3[%dma_wait3A_417, %dma_wait3A_418] : memref<32x1000000xf32, #tpu.memory_space<hbm>> -> memref<32x128xf32, #tpu.memory_space<hbm>>
      tpu.wait_dma2 semaphore(%arg9 : memref<!tpu.dma_semaphore, #tpu.memory_space<semaphore_mem>>) src(%dma_wait3A_419 : memref<32x128xf32, #tpu.memory_space<hbm>>) dst(%dma_wait3A_416 : memref<32x128xf32, #tpu.memory_space<vmem>>)
      %dma_wait3A_420 = arith.constant 6 : i32
      %dma_wait3A_421 = arith.constant 0 : i32
      %dma_wait3A_422 = arith.constant 0 : i32
      %dma_wait3A_423 = tpu.memref_slice %arg6[%dma_wait3A_420, %dma_wait3A_421, %dma_wait3A_422] : memref<8x32x128xf32, #tpu.memory_space<vmem>> -> memref<1x32x128xf32, #tpu.memory_space<vmem>>
      %dma_wait3A_424 = tpu.memref_squeeze %dma_wait3A_423 : memref<1x32x128xf32, #tpu.memory_space<vmem>> -> memref<32x128xf32, #tpu.memory_space<vmem>>
      %dma_wait3A_425 = arith.constant 0 : i32
      %dma_wait3A_426 = arith.constant 0 : i32
      %dma_wait3A_427 = tpu.memref_slice %arg3[%dma_wait3A_425, %dma_wait3A_426] : memref<32x1000000xf32, #tpu.memory_space<hbm>> -> memref<32x128xf32, #tpu.memory_space<hbm>>
      %dma_wait3A_428 = arith.constant 0 : i32
      %dma_wait3A_429 = arith.constant 0 : i32
      %dma_wait3A_430 = tpu.memref_slice %arg6[%dma_wait3A_420, %dma_wait3A_428, %dma_wait3A_429] : memref<8x32x128xf32, #tpu.memory_space<vmem>> -> memref<1x32x128xf32, #tpu.memory_space<vmem>>
      %dma_wait3A_431 = tpu.memref_squeeze %dma_wait3A_430 : memref<1x32x128xf32, #tpu.memory_space<vmem>> -> memref<32x128xf32, #tpu.memory_space<vmem>>
      %dma_wait3A_432 = arith.constant 0 : i32
      %dma_wait3A_433 = arith.constant 0 : i32
      %dma_wait3A_434 = tpu.memref_slice %arg3[%dma_wait3A_432, %dma_wait3A_433] : memref<32x1000000xf32, #tpu.memory_space<hbm>> -> memref<32x128xf32, #tpu.memory_space<hbm>>
      tpu.wait_dma2 semaphore(%arg9 : memref<!tpu.dma_semaphore, #tpu.memory_space<semaphore_mem>>) src(%dma_wait3A_434 : memref<32x128xf32, #tpu.memory_space<hbm>>) dst(%dma_wait3A_431 : memref<32x128xf32, #tpu.memory_space<vmem>>)
      %dma_wait3A_435 = arith.constant 7 : i32
      %dma_wait3A_436 = arith.constant 0 : i32
      %dma_wait3A_437 = arith.constant 0 : i32
      %dma_wait3A_438 = tpu.memref_slice %arg6[%dma_wait3A_435, %dma_wait3A_436, %dma_wait3A_437] : memref<8x32x128xf32, #tpu.memory_space<vmem>> -> memref<1x32x128xf32, #tpu.memory_space<vmem>>
      %dma_wait3A_439 = tpu.memref_squeeze %dma_wait3A_438 : memref<1x32x128xf32, #tpu.memory_space<vmem>> -> memref<32x128xf32, #tpu.memory_space<vmem>>
      %dma_wait3A_440 = arith.constant 0 : i32
      %dma_wait3A_441 = arith.constant 0 : i32
      %dma_wait3A_442 = tpu.memref_slice %arg3[%dma_wait3A_440, %dma_wait3A_441] : memref<32x1000000xf32, #tpu.memory_space<hbm>> -> memref<32x128xf32, #tpu.memory_space<hbm>>
      %dma_wait3A_443 = arith.constant 0 : i32
      %dma_wait3A_444 = arith.constant 0 : i32
      %dma_wait3A_445 = tpu.memref_slice %arg6[%dma_wait3A_435, %dma_wait3A_443, %dma_wait3A_444] : memref<8x32x128xf32, #tpu.memory_space<vmem>> -> memref<1x32x128xf32, #tpu.memory_space<vmem>>
      %dma_wait3A_446 = tpu.memref_squeeze %dma_wait3A_445 : memref<1x32x128xf32, #tpu.memory_space<vmem>> -> memref<32x128xf32, #tpu.memory_space<vmem>>
      %dma_wait3A_447 = arith.constant 0 : i32
      %dma_wait3A_448 = arith.constant 0 : i32
      %dma_wait3A_449 = tpu.memref_slice %arg3[%dma_wait3A_447, %dma_wait3A_448] : memref<32x1000000xf32, #tpu.memory_space<hbm>> -> memref<32x128xf32, #tpu.memory_space<hbm>>
      tpu.wait_dma2 semaphore(%arg9 : memref<!tpu.dma_semaphore, #tpu.memory_space<semaphore_mem>>) src(%dma_wait3A_449 : memref<32x128xf32, #tpu.memory_space<hbm>>) dst(%dma_wait3A_446 : memref<32x128xf32, #tpu.memory_space<vmem>>)
      %mul3A_450 = arith.constant 4 : i32
      %mul3A_451 = arith.muli %scan3A_162, %mul3A_450 : i32
      %add3A_452 = arith.constant 0 : i32
      %add3A_453 = arith.addi %mul3A_451, %add3A_452 : i32
      %mul3A_454 = arith.constant 16 : i32
      %mul3A_455 = arith.muli %add3A_453, %mul3A_454 : i32
      %get3A_456 = arith.index_cast %mul3A_455 : i32 to index
      %get3A_457 = tpu.vector_load %arg5[%get3A_456] {strides = array<i32>} : memref<512xi32, #tpu.memory_space<vmem>>, vector<16xi32>,
      %slice3A_458 = vector.extract_strided_slice %get3A_457 {offsets = [0], sizes = [1], strides = [1]} : vector<16xi32> to vector<1xi32>
      %squeeze3A_459 = vector.extract %slice3A_458[0] : i32 from vector<1xi32>
      %and3A = arith.constant 127 : i32
      %and3A_460 = arith.andi %squeeze3A_459, %and3A : i32
      %broadcast_in_dim3A = vector.broadcast %and3A_460 : i32 to vector<16xi32>
      %broadcast_in_dim3A_461 = arith.constant 0 : i32
      %broadcast_in_dim3A_462 = vector.broadcast %broadcast_in_dim3A_461 : i32 to vector<16xi32>
      %gather3A = tpu.vector_load_idx %arg6[%broadcast_in_dim3A_462, %iota3A, %broadcast_in_dim3A] : memref<8x32x128xf32, #tpu.memory_space<vmem>>[vector<16xi32>, vector<16xi32>, vector<16xi32>], vector<16xf32>,
      %swap3A = arith.constant 0 : i32
      %swap3A_463 = arith.index_cast %swap3A : i32 to index
      %swap3A_464 = arith.constant 0 : index
      %swap3A_465 = tpu.vector_load %arg8[%swap3A_463, %swap3A_464] {strides = array<i32>} : memref<8x32xf32, #tpu.memory_space<vmem>>, vector<16xf32>,
      tpu.vector_store %arg8[%swap3A_463, %swap3A_464], %gather3A {strides = array<i32>} : memref<8x32xf32, #tpu.memory_space<vmem>>, vector<16xf32>,
      %add3A_466 = arith.constant 16 : i32
      %add3A_467 = vector.broadcast %add3A_466 : i32 to vector<16xi32>
      %add3A_468 = arith.addi %iota3A, %add3A_467 : vector<16xi32>
      %gather3A_469 = tpu.vector_load_idx %arg6[%broadcast_in_dim3A_462, %add3A_468, %broadcast_in_dim3A] : memref<8x32x128xf32, #tpu.memory_space<vmem>>[vector<16xi32>, vector<16xi32>, vector<16xi32>], vector<16xf32>,
      %swap3A_470 = arith.constant 0 : i32
      %swap3A_471 = arith.index_cast %swap3A_470 : i32 to index
      %swap3A_472 = arith.constant 16 : index
      %swap3A_473 = tpu.vector_load %arg8[%swap3A_471, %swap3A_472] {strides = array<i32>} : memref<8x32xf32, #tpu.memory_space<vmem>>, vector<16xf32>,
      tpu.vector_store %arg8[%swap3A_471, %swap3A_472], %gather3A_469 {strides = array<i32>} : memref<8x32xf32, #tpu.memory_space<vmem>>, vector<16xf32>,
      %slice3A_474 = vector.extract_strided_slice %get3A_457 {offsets = [1], sizes = [1], strides = [1]} : vector<16xi32> to vector<1xi32>
      %squeeze3A_475 = vector.extract %slice3A_474[0] : i32 from vector<1xi32>
      %and3A_476 = arith.constant 127 : i32
      %and3A_477 = arith.andi %squeeze3A_475, %and3A_476 : i32
      %broadcast_in_dim3A_478 = vector.broadcast %and3A_477 : i32 to vector<16xi32>
      %broadcast_in_dim3A_479 = arith.constant 1 : i32
      %broadcast_in_dim3A_480 = vector.broadcast %broadcast_in_dim3A_479 : i32 to vector<16xi32>
      %gather3A_481 = tpu.vector_load_idx %arg6[%broadcast_in_dim3A_480, %iota3A, %broadcast_in_dim3A_478] : memref<8x32x128xf32, #tpu.memory_space<vmem>>[vector<16xi32>, vector<16xi32>, vector<16xi32>], vector<16xf32>,
      %swap3A_482 = arith.constant 1 : i32
      %swap3A_483 = arith.index_cast %swap3A_482 : i32 to index
      %swap3A_484 = arith.constant 0 : index
      %swap3A_485 = tpu.vector_load %arg8[%swap3A_483, %swap3A_484] {strides = array<i32>} : memref<8x32xf32, #tpu.memory_space<vmem>>, vector<16xf32>,
      tpu.vector_store %arg8[%swap3A_483, %swap3A_484], %gather3A_481 {strides = array<i32>} : memref<8x32xf32, #tpu.memory_space<vmem>>, vector<16xf32>,
      %add3A_486 = arith.constant 16 : i32
      %add3A_487 = vector.broadcast %add3A_486 : i32 to vector<16xi32>
      %add3A_488 = arith.addi %iota3A, %add3A_487 : vector<16xi32>
      %gather3A_489 = tpu.vector_load_idx %arg6[%broadcast_in_dim3A_480, %add3A_488, %broadcast_in_dim3A_478] : memref<8x32x128xf32, #tpu.memory_space<vmem>>[vector<16xi32>, vector<16xi32>, vector<16xi32>], vector<16xf32>,
      %swap3A_490 = arith.constant 1 : i32
      %swap3A_491 = arith.index_cast %swap3A_490 : i32 to index
      %swap3A_492 = arith.constant 16 : index
      %swap3A_493 = tpu.vector_load %arg8[%swap3A_491, %swap3A_492] {strides = array<i32>} : memref<8x32xf32, #tpu.memory_space<vmem>>, vector<16xf32>,
      tpu.vector_store %arg8[%swap3A_491, %swap3A_492], %gather3A_489 {strides = array<i32>} : memref<8x32xf32, #tpu.memory_space<vmem>>, vector<16xf32>,
      %slice3A_494 = vector.extract_strided_slice %get3A_457 {offsets = [2], sizes = [1], strides = [1]} : vector<16xi32> to vector<1xi32>
      %squeeze3A_495 = vector.extract %slice3A_494[0] : i32 from vector<1xi32>
      %and3A_496 = arith.constant 127 : i32
      %and3A_497 = arith.andi %squeeze3A_495, %and3A_496 : i32
      %broadcast_in_dim3A_498 = vector.broadcast %and3A_497 : i32 to vector<16xi32>
      %broadcast_in_dim3A_499 = arith.constant 2 : i32
      %broadcast_in_dim3A_500 = vector.broadcast %broadcast_in_dim3A_499 : i32 to vector<16xi32>
      %gather3A_501 = tpu.vector_load_idx %arg6[%broadcast_in_dim3A_500, %iota3A, %broadcast_in_dim3A_498] : memref<8x32x128xf32, #tpu.memory_space<vmem>>[vector<16xi32>, vector<16xi32>, vector<16xi32>], vector<16xf32>,
      %swap3A_502 = arith.constant 2 : i32
      %swap3A_503 = arith.index_cast %swap3A_502 : i32 to index
      %swap3A_504 = arith.constant 0 : index
      %swap3A_505 = tpu.vector_load %arg8[%swap3A_503, %swap3A_504] {strides = array<i32>} : memref<8x32xf32, #tpu.memory_space<vmem>>, vector<16xf32>,
      tpu.vector_store %arg8[%swap3A_503, %swap3A_504], %gather3A_501 {strides = array<i32>} : memref<8x32xf32, #tpu.memory_space<vmem>>, vector<16xf32>,
      %add3A_506 = arith.constant 16 : i32
      %add3A_507 = vector.broadcast %add3A_506 : i32 to vector<16xi32>
      %add3A_508 = arith.addi %iota3A, %add3A_507 : vector<16xi32>
      %gather3A_509 = tpu.vector_load_idx %arg6[%broadcast_in_dim3A_500, %add3A_508, %broadcast_in_dim3A_498] : memref<8x32x128xf32, #tpu.memory_space<vmem>>[vector<16xi32>, vector<16xi32>, vector<16xi32>], vector<16xf32>,
      %swap3A_510 = arith.constant 2 : i32
      %swap3A_511 = arith.index_cast %swap3A_510 : i32 to index
      %swap3A_512 = arith.constant 16 : index
      %swap3A_513 = tpu.vector_load %arg8[%swap3A_511, %swap3A_512] {strides = array<i32>} : memref<8x32xf32, #tpu.memory_space<vmem>>, vector<16xf32>,
      tpu.vector_store %arg8[%swap3A_511, %swap3A_512], %gather3A_509 {strides = array<i32>} : memref<8x32xf32, #tpu.memory_space<vmem>>, vector<16xf32>,
      %slice3A_514 = vector.extract_strided_slice %get3A_457 {offsets = [3], sizes = [1], strides = [1]} : vector<16xi32> to vector<1xi32>
      %squeeze3A_515 = vector.extract %slice3A_514[0] : i32 from vector<1xi32>
      %and3A_516 = arith.constant 127 : i32
      %and3A_517 = arith.andi %squeeze3A_515, %and3A_516 : i32
      %broadcast_in_dim3A_518 = vector.broadcast %and3A_517 : i32 to vector<16xi32>
      %broadcast_in_dim3A_519 = arith.constant 3 : i32
      %broadcast_in_dim3A_520 = vector.broadcast %broadcast_in_dim3A_519 : i32 to vector<16xi32>
      %gather3A_521 = tpu.vector_load_idx %arg6[%broadcast_in_dim3A_520, %iota3A, %broadcast_in_dim3A_518] : memref<8x32x128xf32, #tpu.memory_space<vmem>>[vector<16xi32>, vector<16xi32>, vector<16xi32>], vector<16xf32>,
      %swap3A_522 = arith.constant 3 : i32
      %swap3A_523 = arith.index_cast %swap3A_522 : i32 to index
      %swap3A_524 = arith.constant 0 : index
      %swap3A_525 = tpu.vector_load %arg8[%swap3A_523, %swap3A_524] {strides = array<i32>} : memref<8x32xf32, #tpu.memory_space<vmem>>, vector<16xf32>,
      tpu.vector_store %arg8[%swap3A_523, %swap3A_524], %gather3A_521 {strides = array<i32>} : memref<8x32xf32, #tpu.memory_space<vmem>>, vector<16xf32>,
      %add3A_526 = arith.constant 16 : i32
      %add3A_527 = vector.broadcast %add3A_526 : i32 to vector<16xi32>
      %add3A_528 = arith.addi %iota3A, %add3A_527 : vector<16xi32>
      %gather3A_529 = tpu.vector_load_idx %arg6[%broadcast_in_dim3A_520, %add3A_528, %broadcast_in_dim3A_518] : memref<8x32x128xf32, #tpu.memory_space<vmem>>[vector<16xi32>, vector<16xi32>, vector<16xi32>], vector<16xf32>,
      %swap3A_530 = arith.constant 3 : i32
      %swap3A_531 = arith.index_cast %swap3A_530 : i32 to index
      %swap3A_532 = arith.constant 16 : index
      %swap3A_533 = tpu.vector_load %arg8[%swap3A_531, %swap3A_532] {strides = array<i32>} : memref<8x32xf32, #tpu.memory_space<vmem>>, vector<16xf32>,
      tpu.vector_store %arg8[%swap3A_531, %swap3A_532], %gather3A_529 {strides = array<i32>} : memref<8x32xf32, #tpu.memory_space<vmem>>, vector<16xf32>,
      %slice3A_534 = vector.extract_strided_slice %get3A_457 {offsets = [4], sizes = [1], strides = [1]} : vector<16xi32> to vector<1xi32>
      %squeeze3A_535 = vector.extract %slice3A_534[0] : i32 from vector<1xi32>
      %and3A_536 = arith.constant 127 : i32
      %and3A_537 = arith.andi %squeeze3A_535, %and3A_536 : i32
      %broadcast_in_dim3A_538 = vector.broadcast %and3A_537 : i32 to vector<16xi32>
      %broadcast_in_dim3A_539 = arith.constant 4 : i32
      %broadcast_in_dim3A_540 = vector.broadcast %broadcast_in_dim3A_539 : i32 to vector<16xi32>
      %gather3A_541 = tpu.vector_load_idx %arg6[%broadcast_in_dim3A_540, %iota3A, %broadcast_in_dim3A_538] : memref<8x32x128xf32, #tpu.memory_space<vmem>>[vector<16xi32>, vector<16xi32>, vector<16xi32>], vector<16xf32>,
      %swap3A_542 = arith.constant 4 : i32
      %swap3A_543 = arith.index_cast %swap3A_542 : i32 to index
      %swap3A_544 = arith.constant 0 : index
      %swap3A_545 = tpu.vector_load %arg8[%swap3A_543, %swap3A_544] {strides = array<i32>} : memref<8x32xf32, #tpu.memory_space<vmem>>, vector<16xf32>,
      tpu.vector_store %arg8[%swap3A_543, %swap3A_544], %gather3A_541 {strides = array<i32>} : memref<8x32xf32, #tpu.memory_space<vmem>>, vector<16xf32>,
      %add3A_546 = arith.constant 16 : i32
      %add3A_547 = vector.broadcast %add3A_546 : i32 to vector<16xi32>
      %add3A_548 = arith.addi %iota3A, %add3A_547 : vector<16xi32>
      %gather3A_549 = tpu.vector_load_idx %arg6[%broadcast_in_dim3A_540, %add3A_548, %broadcast_in_dim3A_538] : memref<8x32x128xf32, #tpu.memory_space<vmem>>[vector<16xi32>, vector<16xi32>, vector<16xi32>], vector<16xf32>,
      %swap3A_550 = arith.constant 4 : i32
      %swap3A_551 = arith.index_cast %swap3A_550 : i32 to index
      %swap3A_552 = arith.constant 16 : index
      %swap3A_553 = tpu.vector_load %arg8[%swap3A_551, %swap3A_552] {strides = array<i32>} : memref<8x32xf32, #tpu.memory_space<vmem>>, vector<16xf32>,
      tpu.vector_store %arg8[%swap3A_551, %swap3A_552], %gather3A_549 {strides = array<i32>} : memref<8x32xf32, #tpu.memory_space<vmem>>, vector<16xf32>,
      %slice3A_554 = vector.extract_strided_slice %get3A_457 {offsets = [5], sizes = [1], strides = [1]} : vector<16xi32> to vector<1xi32>
      %squeeze3A_555 = vector.extract %slice3A_554[0] : i32 from vector<1xi32>
      %and3A_556 = arith.constant 127 : i32
      %and3A_557 = arith.andi %squeeze3A_555, %and3A_556 : i32
      %broadcast_in_dim3A_558 = vector.broadcast %and3A_557 : i32 to vector<16xi32>
      %broadcast_in_dim3A_559 = arith.constant 5 : i32
      %broadcast_in_dim3A_560 = vector.broadcast %broadcast_in_dim3A_559 : i32 to vector<16xi32>
      %gather3A_561 = tpu.vector_load_idx %arg6[%broadcast_in_dim3A_560, %iota3A, %broadcast_in_dim3A_558] : memref<8x32x128xf32, #tpu.memory_space<vmem>>[vector<16xi32>, vector<16xi32>, vector<16xi32>], vector<16xf32>,
      %swap3A_562 = arith.constant 5 : i32
      %swap3A_563 = arith.index_cast %swap3A_562 : i32 to index
      %swap3A_564 = arith.constant 0 : index
      %swap3A_565 = tpu.vector_load %arg8[%swap3A_563, %swap3A_564] {strides = array<i32>} : memref<8x32xf32, #tpu.memory_space<vmem>>, vector<16xf32>,
      tpu.vector_store %arg8[%swap3A_563, %swap3A_564], %gather3A_561 {strides = array<i32>} : memref<8x32xf32, #tpu.memory_space<vmem>>, vector<16xf32>,
      %add3A_566 = arith.constant 16 : i32
      %add3A_567 = vector.broadcast %add3A_566 : i32 to vector<16xi32>
      %add3A_568 = arith.addi %iota3A, %add3A_567 : vector<16xi32>
      %gather3A_569 = tpu.vector_load_idx %arg6[%broadcast_in_dim3A_560, %add3A_568, %broadcast_in_dim3A_558] : memref<8x32x128xf32, #tpu.memory_space<vmem>>[vector<16xi32>, vector<16xi32>, vector<16xi32>], vector<16xf32>,
      %swap3A_570 = arith.constant 5 : i32
      %swap3A_571 = arith.index_cast %swap3A_570 : i32 to index
      %swap3A_572 = arith.constant 16 : index
      %swap3A_573 = tpu.vector_load %arg8[%swap3A_571, %swap3A_572] {strides = array<i32>} : memref<8x32xf32, #tpu.memory_space<vmem>>, vector<16xf32>,
      tpu.vector_store %arg8[%swap3A_571, %swap3A_572], %gather3A_569 {strides = array<i32>} : memref<8x32xf32, #tpu.memory_space<vmem>>, vector<16xf32>,
      %slice3A_574 = vector.extract_strided_slice %get3A_457 {offsets = [6], sizes = [1], strides = [1]} : vector<16xi32> to vector<1xi32>
      %squeeze3A_575 = vector.extract %slice3A_574[0] : i32 from vector<1xi32>
      %and3A_576 = arith.constant 127 : i32
      %and3A_577 = arith.andi %squeeze3A_575, %and3A_576 : i32
      %broadcast_in_dim3A_578 = vector.broadcast %and3A_577 : i32 to vector<16xi32>
      %broadcast_in_dim3A_579 = arith.constant 6 : i32
      %broadcast_in_dim3A_580 = vector.broadcast %broadcast_in_dim3A_579 : i32 to vector<16xi32>
      %gather3A_581 = tpu.vector_load_idx %arg6[%broadcast_in_dim3A_580, %iota3A, %broadcast_in_dim3A_578] : memref<8x32x128xf32, #tpu.memory_space<vmem>>[vector<16xi32>, vector<16xi32>, vector<16xi32>], vector<16xf32>,
      %swap3A_582 = arith.constant 6 : i32
      %swap3A_583 = arith.index_cast %swap3A_582 : i32 to index
      %swap3A_584 = arith.constant 0 : index
      %swap3A_585 = tpu.vector_load %arg8[%swap3A_583, %swap3A_584] {strides = array<i32>} : memref<8x32xf32, #tpu.memory_space<vmem>>, vector<16xf32>,
      tpu.vector_store %arg8[%swap3A_583, %swap3A_584], %gather3A_581 {strides = array<i32>} : memref<8x32xf32, #tpu.memory_space<vmem>>, vector<16xf32>,
      %add3A_586 = arith.constant 16 : i32
      %add3A_587 = vector.broadcast %add3A_586 : i32 to vector<16xi32>
      %add3A_588 = arith.addi %iota3A, %add3A_587 : vector<16xi32>
      %gather3A_589 = tpu.vector_load_idx %arg6[%broadcast_in_dim3A_580, %add3A_588, %broadcast_in_dim3A_578] : memref<8x32x128xf32, #tpu.memory_space<vmem>>[vector<16xi32>, vector<16xi32>, vector<16xi32>], vector<16xf32>,
      %swap3A_590 = arith.constant 6 : i32
      %swap3A_591 = arith.index_cast %swap3A_590 : i32 to index
      %swap3A_592 = arith.constant 16 : index
      %swap3A_593 = tpu.vector_load %arg8[%swap3A_591, %swap3A_592] {strides = array<i32>} : memref<8x32xf32, #tpu.memory_space<vmem>>, vector<16xf32>,
      tpu.vector_store %arg8[%swap3A_591, %swap3A_592], %gather3A_589 {strides = array<i32>} : memref<8x32xf32, #tpu.memory_space<vmem>>, vector<16xf32>,
      %slice3A_594 = vector.extract_strided_slice %get3A_457 {offsets = [7], sizes = [1], strides = [1]} : vector<16xi32> to vector<1xi32>
      %squeeze3A_595 = vector.extract %slice3A_594[0] : i32 from vector<1xi32>
      %and3A_596 = arith.constant 127 : i32
      %and3A_597 = arith.andi %squeeze3A_595, %and3A_596 : i32
      %broadcast_in_dim3A_598 = vector.broadcast %and3A_597 : i32 to vector<16xi32>
      %broadcast_in_dim3A_599 = arith.constant 7 : i32
      %broadcast_in_dim3A_600 = vector.broadcast %broadcast_in_dim3A_599 : i32 to vector<16xi32>
      %gather3A_601 = tpu.vector_load_idx %arg6[%broadcast_in_dim3A_600, %iota3A, %broadcast_in_dim3A_598] : memref<8x32x128xf32, #tpu.memory_space<vmem>>[vector<16xi32>, vector<16xi32>, vector<16xi32>], vector<16xf32>,
      %swap3A_602 = arith.constant 7 : i32
      %swap3A_603 = arith.index_cast %swap3A_602 : i32 to index
      %swap3A_604 = arith.constant 0 : index
      %swap3A_605 = tpu.vector_load %arg8[%swap3A_603, %swap3A_604] {strides = array<i32>} : memref<8x32xf32, #tpu.memory_space<vmem>>, vector<16xf32>,
      tpu.vector_store %arg8[%swap3A_603, %swap3A_604], %gather3A_601 {strides = array<i32>} : memref<8x32xf32, #tpu.memory_space<vmem>>, vector<16xf32>,
      %add3A_606 = arith.constant 16 : i32
      %add3A_607 = vector.broadcast %add3A_606 : i32 to vector<16xi32>
      %add3A_608 = arith.addi %iota3A, %add3A_607 : vector<16xi32>
      %gather3A_609 = tpu.vector_load_idx %arg6[%broadcast_in_dim3A_600, %add3A_608, %broadcast_in_dim3A_598] : memref<8x32x128xf32, #tpu.memory_space<vmem>>[vector<16xi32>, vector<16xi32>, vector<16xi32>], vector<16xf32>,
      %swap3A_610 = arith.constant 7 : i32
      %swap3A_611 = arith.index_cast %swap3A_610 : i32 to index
      %swap3A_612 = arith.constant 16 : index
      %swap3A_613 = tpu.vector_load %arg8[%swap3A_611, %swap3A_612] {strides = array<i32>} : memref<8x32xf32, #tpu.memory_space<vmem>>, vector<16xf32>,
      tpu.vector_store %arg8[%swap3A_611, %swap3A_612], %gather3A_609 {strides = array<i32>} : memref<8x32xf32, #tpu.memory_space<vmem>>, vector<16xf32>,
      %mul3A_614 = arith.constant 8 : i32
      %mul3A_615 = arith.muli %scan3A_162, %mul3A_614 : i32
      %add3A_616 = arith.constant 0 : i32
      %add3A_617 = arith.addi %mul3A_615, %add3A_616 : i32
      %mul3A_618 = arith.constant 8 : i32
      %mul3A_619 = arith.muli %add3A_617, %mul3A_618 : i32
      %add3A_620 = arith.addi %mul3A_2, %mul3A_619 : i32
      %multiple_of3A_621 = tpu.assume_multiple %add3A_620, 8 : i32
      "tpu.region"() ({
        %run_scoped3A = tpu.sem_alloc : memref<!tpu.dma_semaphore, #tpu.memory_space<semaphore_mem>>
        %dma_start3A_3704 = arith.constant 0 : i32
        %dma_start3A_3705 = tpu.memref_slice %arg4[%multiple_of3A_621, %dma_start3A_3704] : memref<16384x32xf32, #tpu.memory_space<hbm>> -> memref<8x32xf32, #tpu.memory_space<hbm>>
        %dma_start3A_3706 = arith.constant 0 : i32
        %dma_start3A_3707 = tpu.memref_slice %arg4[%multiple_of3A_621, %dma_start3A_3706] : memref<16384x32xf32, #tpu.memory_space<hbm>> -> memref<8x32xf32, #tpu.memory_space<hbm>>
        tpu.enqueue_dma source(%arg8 : memref<8x32xf32, #tpu.memory_space<vmem>>) target(%dma_start3A_3707 : memref<8x32xf32, #tpu.memory_space<hbm>>) target_semaphore(%run_scoped3A : memref<!tpu.dma_semaphore, #tpu.memory_space<semaphore_mem>>)
        %dma_wait3A_3708 = arith.constant 0 : i32
        %dma_wait3A_3709 = tpu.memref_slice %arg4[%multiple_of3A_621, %dma_wait3A_3708] : memref<16384x32xf32, #tpu.memory_space<hbm>> -> memref<8x32xf32, #tpu.memory_space<hbm>>
        %dma_wait3A_3710 = arith.constant 0 : i32
        %dma_wait3A_3711 = tpu.memref_slice %arg4[%multiple_of3A_621, %dma_wait3A_3710] : memref<16384x32xf32, #tpu.memory_space<hbm>> -> memref<8x32xf32, #tpu.memory_space<hbm>>
        tpu.wait_dma2 semaphore(%run_scoped3A : memref<!tpu.dma_semaphore, #tpu.memory_space<semaphore_mem>>) src(%arg8 : memref<8x32xf32, #tpu.memory_space<vmem>>) dst(%dma_wait3A_3711 : memref<8x32xf32, #tpu.memory_space<hbm>>)
        tpu.yield
      }) : () -> ()
      %mul3A_622 = arith.constant 4 : i32
      %mul3A_623 = arith.muli %scan3A_162, %mul3A_622 : i32
      %add3A_624 = arith.constant 1 : i32
      %add3A_625 = arith.addi %mul3A_623, %add3A_624 : i32
      %mul3A_626 = arith.constant 16 : i32
      %mul3A_627 = arith.muli %add3A_625, %mul3A_626 : i32
      %get3A_628 = arith.index_cast %mul3A_627 : i32 to index
      %get3A_629 = tpu.vector_load %arg5[%get3A_628] {strides = array<i32>} : memref<512xi32, #tpu.memory_space<vmem>>, vector<16xi32>,
      %slice3A_630 = vector.extract_strided_slice %get3A_629 {offsets = [0], sizes = [1], strides = [1]} : vector<16xi32> to vector<1xi32>
      %squeeze3A_631 = vector.extract %slice3A_630[0] : i32 from vector<1xi32>
      %shift_right_arithmetic3A_632 = arith.constant 7 : i32
      %shift_right_arithmetic3A_633 = arith.shrsi %squeeze3A_631, %shift_right_arithmetic3A_632 : i32
      %shift_left3A_634 = arith.constant 7 : i32
      %shift_left3A_635 = arith.shli %shift_right_arithmetic3A_633, %shift_left3A_634 : i32
      %multiple_of3A_636 = tpu.assume_multiple %shift_left3A_635, 128 : i32
      %dma_start3A_637 = arith.constant 0 : i32
      %dma_start3A_638 = arith.constant 0 : i32
      %dma_start3A_639 = arith.constant 0 : i32
      %dma_start3A_640 = tpu.memref_slice %arg6[%dma_start3A_637, %dma_start3A_638, %dma_start3A_639] : memref<8x32x128xf32, #tpu.memory_space<vmem>> -> memref<1x32x128xf32, #tpu.memory_space<vmem>>
      %dma_start3A_641 = tpu.memref_squeeze %dma_start3A_640 : memref<1x32x128xf32, #tpu.memory_space<vmem>> -> memref<32x128xf32, #tpu.memory_space<vmem>>
      %dma_start3A_642 = arith.constant 0 : i32
      %dma_start3A_643 = tpu.memref_slice %arg3[%dma_start3A_642, %multiple_of3A_636] : memref<32x1000000xf32, #tpu.memory_space<hbm>> -> memref<32x128xf32, #tpu.memory_space<hbm>>
      %dma_start3A_644 = arith.constant 0 : i32
      %dma_start3A_645 = arith.constant 0 : i32
      %dma_start3A_646 = tpu.memref_slice %arg6[%dma_start3A_637, %dma_start3A_644, %dma_start3A_645] : memref<8x32x128xf32, #tpu.memory_space<vmem>> -> memref<1x32x128xf32, #tpu.memory_space<vmem>>
      %dma_start3A_647 = tpu.memref_squeeze %dma_start3A_646 : memref<1x32x128xf32, #tpu.memory_space<vmem>> -> memref<32x128xf32, #tpu.memory_space<vmem>>
      %dma_start3A_648 = arith.constant 0 : i32
      %dma_start3A_649 = tpu.memref_slice %arg3[%dma_start3A_648, %multiple_of3A_636] : memref<32x1000000xf32, #tpu.memory_space<hbm>> -> memref<32x128xf32, #tpu.memory_space<hbm>>
      tpu.enqueue_dma source(%dma_start3A_649 : memref<32x128xf32, #tpu.memory_space<hbm>>) target(%dma_start3A_647 : memref<32x128xf32, #tpu.memory_space<vmem>>) target_semaphore(%arg9 : memref<!tpu.dma_semaphore, #tpu.memory_space<semaphore_mem>>)
      %slice3A_650 = vector.extract_strided_slice %get3A_629 {offsets = [1], sizes = [1], strides = [1]} : vector<16xi32> to vector<1xi32>
      %squeeze3A_651 = vector.extract %slice3A_650[0] : i32 from vector<1xi32>
      %shift_right_arithmetic3A_652 = arith.constant 7 : i32
      %shift_right_arithmetic3A_653 = arith.shrsi %squeeze3A_651, %shift_right_arithmetic3A_652 : i32
      %shift_left3A_654 = arith.constant 7 : i32
      %shift_left3A_655 = arith.shli %shift_right_arithmetic3A_653, %shift_left3A_654 : i32
      %multiple_of3A_656 = tpu.assume_multiple %shift_left3A_655, 128 : i32
      %dma_start3A_657 = arith.constant 1 : i32
      %dma_start3A_658 = arith.constant 0 : i32
      %dma_start3A_659 = arith.constant 0 : i32
      %dma_start3A_660 = tpu.memref_slice %arg6[%dma_start3A_657, %dma_start3A_658, %dma_start3A_659] : memref<8x32x128xf32, #tpu.memory_space<vmem>> -> memref<1x32x128xf32, #tpu.memory_space<vmem>>
      %dma_start3A_661 = tpu.memref_squeeze %dma_start3A_660 : memref<1x32x128xf32, #tpu.memory_space<vmem>> -> memref<32x128xf32, #tpu.memory_space<vmem>>
      %dma_start3A_662 = arith.constant 0 : i32
      %dma_start3A_663 = tpu.memref_slice %arg3[%dma_start3A_662, %multiple_of3A_656] : memref<32x1000000xf32, #tpu.memory_space<hbm>> -> memref<32x128xf32, #tpu.memory_space<hbm>>
      %dma_start3A_664 = arith.constant 0 : i32
      %dma_start3A_665 = arith.constant 0 : i32
      %dma_start3A_666 = tpu.memref_slice %arg6[%dma_start3A_657, %dma_start3A_664, %dma_start3A_665] : memref<8x32x128xf32, #tpu.memory_space<vmem>> -> memref<1x32x128xf32, #tpu.memory_space<vmem>>
      %dma_start3A_667 = tpu.memref_squeeze %dma_start3A_666 : memref<1x32x128xf32, #tpu.memory_space<vmem>> -> memref<32x128xf32, #tpu.memory_space<vmem>>
      %dma_start3A_668 = arith.constant 0 : i32
      %dma_start3A_669 = tpu.memref_slice %arg3[%dma_start3A_668, %multiple_of3A_656] : memref<32x1000000xf32, #tpu.memory_space<hbm>> -> memref<32x128xf32, #tpu.memory_space<hbm>>
      tpu.enqueue_dma source(%dma_start3A_669 : memref<32x128xf32, #tpu.memory_space<hbm>>) target(%dma_start3A_667 : memref<32x128xf32, #tpu.memory_space<vmem>>) target_semaphore(%arg9 : memref<!tpu.dma_semaphore, #tpu.memory_space<semaphore_mem>>)
      %slice3A_670 = vector.extract_strided_slice %get3A_629 {offsets = [2], sizes = [1], strides = [1]} : vector<16xi32> to vector<1xi32>
      %squeeze3A_671 = vector.extract %slice3A_670[0] : i32 from vector<1xi32>
      %shift_right_arithmetic3A_672 = arith.constant 7 : i32
      %shift_right_arithmetic3A_673 = arith.shrsi %squeeze3A_671, %shift_right_arithmetic3A_672 : i32
      %shift_left3A_674 = arith.constant 7 : i32
      %shift_left3A_675 = arith.shli %shift_right_arithmetic3A_673, %shift_left3A_674 : i32
      %multiple_of3A_676 = tpu.assume_multiple %shift_left3A_675, 128 : i32
      %dma_start3A_677 = arith.constant 2 : i32
      %dma_start3A_678 = arith.constant 0 : i32
      %dma_start3A_679 = arith.constant 0 : i32
      %dma_start3A_680 = tpu.memref_slice %arg6[%dma_start3A_677, %dma_start3A_678, %dma_start3A_679] : memref<8x32x128xf32, #tpu.memory_space<vmem>> -> memref<1x32x128xf32, #tpu.memory_space<vmem>>
      %dma_start3A_681 = tpu.memref_squeeze %dma_start3A_680 : memref<1x32x128xf32, #tpu.memory_space<vmem>> -> memref<32x128xf32, #tpu.memory_space<vmem>>
      %dma_start3A_682 = arith.constant 0 : i32
      %dma_start3A_683 = tpu.memref_slice %arg3[%dma_start3A_682, %multiple_of3A_676] : memref<32x1000000xf32, #tpu.memory_space<hbm>> -> memref<32x128xf32, #tpu.memory_space<hbm>>
      %dma_start3A_684 = arith.constant 0 : i32
      %dma_start3A_685 = arith.constant 0 : i32
      %dma_start3A_686 = tpu.memref_slice %arg6[%dma_start3A_677, %dma_start3A_684, %dma_start3A_685] : memref<8x32x128xf32, #tpu.memory_space<vmem>> -> memref<1x32x128xf32, #tpu.memory_space<vmem>>
      %dma_start3A_687 = tpu.memref_squeeze %dma_start3A_686 : memref<1x32x128xf32, #tpu.memory_space<vmem>> -> memref<32x128xf32, #tpu.memory_space<vmem>>
      %dma_start3A_688 = arith.constant 0 : i32
      %dma_start3A_689 = tpu.memref_slice %arg3[%dma_start3A_688, %multiple_of3A_676] : memref<32x1000000xf32, #tpu.memory_space<hbm>> -> memref<32x128xf32, #tpu.memory_space<hbm>>
      tpu.enqueue_dma source(%dma_start3A_689 : memref<32x128xf32, #tpu.memory_space<hbm>>) target(%dma_start3A_687 : memref<32x128xf32, #tpu.memory_space<vmem>>) target_semaphore(%arg9 : memref<!tpu.dma_semaphore, #tpu.memory_space<semaphore_mem>>)
      %slice3A_690 = vector.extract_strided_slice %get3A_629 {offsets = [3], sizes = [1], strides = [1]} : vector<16xi32> to vector<1xi32>
      %squeeze3A_691 = vector.extract %slice3A_690[0] : i32 from vector<1xi32>
      %shift_right_arithmetic3A_692 = arith.constant 7 : i32
      %shift_right_arithmetic3A_693 = arith.shrsi %squeeze3A_691, %shift_right_arithmetic3A_692 : i32
      %shift_left3A_694 = arith.constant 7 : i32
      %shift_left3A_695 = arith.shli %shift_right_arithmetic3A_693, %shift_left3A_694 : i32
      %multiple_of3A_696 = tpu.assume_multiple %shift_left3A_695, 128 : i32
      %dma_start3A_697 = arith.constant 3 : i32
      %dma_start3A_698 = arith.constant 0 : i32
      %dma_start3A_699 = arith.constant 0 : i32
      %dma_start3A_700 = tpu.memref_slice %arg6[%dma_start3A_697, %dma_start3A_698, %dma_start3A_699] : memref<8x32x128xf32, #tpu.memory_space<vmem>> -> memref<1x32x128xf32, #tpu.memory_space<vmem>>
      %dma_start3A_701 = tpu.memref_squeeze %dma_start3A_700 : memref<1x32x128xf32, #tpu.memory_space<vmem>> -> memref<32x128xf32, #tpu.memory_space<vmem>>
      %dma_start3A_702 = arith.constant 0 : i32
      %dma_start3A_703 = tpu.memref_slice %arg3[%dma_start3A_702, %multiple_of3A_696] : memref<32x1000000xf32, #tpu.memory_space<hbm>> -> memref<32x128xf32, #tpu.memory_space<hbm>>
      %dma_start3A_704 = arith.constant 0 : i32
      %dma_start3A_705 = arith.constant 0 : i32
      %dma_start3A_706 = tpu.memref_slice %arg6[%dma_start3A_697, %dma_start3A_704, %dma_start3A_705] : memref<8x32x128xf32, #tpu.memory_space<vmem>> -> memref<1x32x128xf32, #tpu.memory_space<vmem>>
      %dma_start3A_707 = tpu.memref_squeeze %dma_start3A_706 : memref<1x32x128xf32, #tpu.memory_space<vmem>> -> memref<32x128xf32, #tpu.memory_space<vmem>>
      %dma_start3A_708 = arith.constant 0 : i32
      %dma_start3A_709 = tpu.memref_slice %arg3[%dma_start3A_708, %multiple_of3A_696] : memref<32x1000000xf32, #tpu.memory_space<hbm>> -> memref<32x128xf32, #tpu.memory_space<hbm>>
      tpu.enqueue_dma source(%dma_start3A_709 : memref<32x128xf32, #tpu.memory_space<hbm>>) target(%dma_start3A_707 : memref<32x128xf32, #tpu.memory_space<vmem>>) target_semaphore(%arg9 : memref<!tpu.dma_semaphore, #tpu.memory_space<semaphore_mem>>)
      %slice3A_710 = vector.extract_strided_slice %get3A_629 {offsets = [4], sizes = [1], strides = [1]} : vector<16xi32> to vector<1xi32>
      %squeeze3A_711 = vector.extract %slice3A_710[0] : i32 from vector<1xi32>
      %shift_right_arithmetic3A_712 = arith.constant 7 : i32
      %shift_right_arithmetic3A_713 = arith.shrsi %squeeze3A_711, %shift_right_arithmetic3A_712 : i32
      %shift_left3A_714 = arith.constant 7 : i32
      %shift_left3A_715 = arith.shli %shift_right_arithmetic3A_713, %shift_left3A_714 : i32
      %multiple_of3A_716 = tpu.assume_multiple %shift_left3A_715, 128 : i32
      %dma_start3A_717 = arith.constant 4 : i32
      %dma_start3A_718 = arith.constant 0 : i32
      %dma_start3A_719 = arith.constant 0 : i32
      %dma_start3A_720 = tpu.memref_slice %arg6[%dma_start3A_717, %dma_start3A_718, %dma_start3A_719] : memref<8x32x128xf32, #tpu.memory_space<vmem>> -> memref<1x32x128xf32, #tpu.memory_space<vmem>>
      %dma_start3A_721 = tpu.memref_squeeze %dma_start3A_720 : memref<1x32x128xf32, #tpu.memory_space<vmem>> -> memref<32x128xf32, #tpu.memory_space<vmem>>
      %dma_start3A_722 = arith.constant 0 : i32
      %dma_start3A_723 = tpu.memref_slice %arg3[%dma_start3A_722, %multiple_of3A_716] : memref<32x1000000xf32, #tpu.memory_space<hbm>> -> memref<32x128xf32, #tpu.memory_space<hbm>>
      %dma_start3A_724 = arith.constant 0 : i32
      %dma_start3A_725 = arith.constant 0 : i32
      %dma_start3A_726 = tpu.memref_slice %arg6[%dma_start3A_717, %dma_start3A_724, %dma_start3A_725] : memref<8x32x128xf32, #tpu.memory_space<vmem>> -> memref<1x32x128xf32, #tpu.memory_space<vmem>>
      %dma_start3A_727 = tpu.memref_squeeze %dma_start3A_726 : memref<1x32x128xf32, #tpu.memory_space<vmem>> -> memref<32x128xf32, #tpu.memory_space<vmem>>
      %dma_start3A_728 = arith.constant 0 : i32
      %dma_start3A_729 = tpu.memref_slice %arg3[%dma_start3A_728, %multiple_of3A_716] : memref<32x1000000xf32, #tpu.memory_space<hbm>> -> memref<32x128xf32, #tpu.memory_space<hbm>>
      tpu.enqueue_dma source(%dma_start3A_729 : memref<32x128xf32, #tpu.memory_space<hbm>>) target(%dma_start3A_727 : memref<32x128xf32, #tpu.memory_space<vmem>>) target_semaphore(%arg9 : memref<!tpu.dma_semaphore, #tpu.memory_space<semaphore_mem>>)
      %slice3A_730 = vector.extract_strided_slice %get3A_629 {offsets = [5], sizes = [1], strides = [1]} : vector<16xi32> to vector<1xi32>
      %squeeze3A_731 = vector.extract %slice3A_730[0] : i32 from vector<1xi32>
      %shift_right_arithmetic3A_732 = arith.constant 7 : i32
      %shift_right_arithmetic3A_733 = arith.shrsi %squeeze3A_731, %shift_right_arithmetic3A_732 : i32
      %shift_left3A_734 = arith.constant 7 : i32
      %shift_left3A_735 = arith.shli %shift_right_arithmetic3A_733, %shift_left3A_734 : i32
      %multiple_of3A_736 = tpu.assume_multiple %shift_left3A_735, 128 : i32
      %dma_start3A_737 = arith.constant 5 : i32
      %dma_start3A_738 = arith.constant 0 : i32
      %dma_start3A_739 = arith.constant 0 : i32
      %dma_start3A_740 = tpu.memref_slice %arg6[%dma_start3A_737, %dma_start3A_738, %dma_start3A_739] : memref<8x32x128xf32, #tpu.memory_space<vmem>> -> memref<1x32x128xf32, #tpu.memory_space<vmem>>
      %dma_start3A_741 = tpu.memref_squeeze %dma_start3A_740 : memref<1x32x128xf32, #tpu.memory_space<vmem>> -> memref<32x128xf32, #tpu.memory_space<vmem>>
      %dma_start3A_742 = arith.constant 0 : i32
      %dma_start3A_743 = tpu.memref_slice %arg3[%dma_start3A_742, %multiple_of3A_736] : memref<32x1000000xf32, #tpu.memory_space<hbm>> -> memref<32x128xf32, #tpu.memory_space<hbm>>
      %dma_start3A_744 = arith.constant 0 : i32
      %dma_start3A_745 = arith.constant 0 : i32
      %dma_start3A_746 = tpu.memref_slice %arg6[%dma_start3A_737, %dma_start3A_744, %dma_start3A_745] : memref<8x32x128xf32, #tpu.memory_space<vmem>> -> memref<1x32x128xf32, #tpu.memory_space<vmem>>
      %dma_start3A_747 = tpu.memref_squeeze %dma_start3A_746 : memref<1x32x128xf32, #tpu.memory_space<vmem>> -> memref<32x128xf32, #tpu.memory_space<vmem>>
      %dma_start3A_748 = arith.constant 0 : i32
      %dma_start3A_749 = tpu.memref_slice %arg3[%dma_start3A_748, %multiple_of3A_736] : memref<32x1000000xf32, #tpu.memory_space<hbm>> -> memref<32x128xf32, #tpu.memory_space<hbm>>
      tpu.enqueue_dma source(%dma_start3A_749 : memref<32x128xf32, #tpu.memory_space<hbm>>) target(%dma_start3A_747 : memref<32x128xf32, #tpu.memory_space<vmem>>) target_semaphore(%arg9 : memref<!tpu.dma_semaphore, #tpu.memory_space<semaphore_mem>>)
      %slice3A_750 = vector.extract_strided_slice %get3A_629 {offsets = [6], sizes = [1], strides = [1]} : vector<16xi32> to vector<1xi32>
      %squeeze3A_751 = vector.extract %slice3A_750[0] : i32 from vector<1xi32>
      %shift_right_arithmetic3A_752 = arith.constant 7 : i32
      %shift_right_arithmetic3A_753 = arith.shrsi %squeeze3A_751, %shift_right_arithmetic3A_752 : i32
      %shift_left3A_754 = arith.constant 7 : i32
      %shift_left3A_755 = arith.shli %shift_right_arithmetic3A_753, %shift_left3A_754 : i32
      %multiple_of3A_756 = tpu.assume_multiple %shift_left3A_755, 128 : i32
      %dma_start3A_757 = arith.constant 6 : i32
      %dma_start3A_758 = arith.constant 0 : i32
      %dma_start3A_759 = arith.constant 0 : i32
      %dma_start3A_760 = tpu.memref_slice %arg6[%dma_start3A_757, %dma_start3A_758, %dma_start3A_759] : memref<8x32x128xf32, #tpu.memory_space<vmem>> -> memref<1x32x128xf32, #tpu.memory_space<vmem>>
      %dma_start3A_761 = tpu.memref_squeeze %dma_start3A_760 : memref<1x32x128xf32, #tpu.memory_space<vmem>> -> memref<32x128xf32, #tpu.memory_space<vmem>>
      %dma_start3A_762 = arith.constant 0 : i32
      %dma_start3A_763 = tpu.memref_slice %arg3[%dma_start3A_762, %multiple_of3A_756] : memref<32x1000000xf32, #tpu.memory_space<hbm>> -> memref<32x128xf32, #tpu.memory_space<hbm>>
      %dma_start3A_764 = arith.constant 0 : i32
      %dma_start3A_765 = arith.constant 0 : i32
      %dma_start3A_766 = tpu.memref_slice %arg6[%dma_start3A_757, %dma_start3A_764, %dma_start3A_765] : memref<8x32x128xf32, #tpu.memory_space<vmem>> -> memref<1x32x128xf32, #tpu.memory_space<vmem>>
      %dma_start3A_767 = tpu.memref_squeeze %dma_start3A_766 : memref<1x32x128xf32, #tpu.memory_space<vmem>> -> memref<32x128xf32, #tpu.memory_space<vmem>>
      %dma_start3A_768 = arith.constant 0 : i32
      %dma_start3A_769 = tpu.memref_slice %arg3[%dma_start3A_768, %multiple_of3A_756] : memref<32x1000000xf32, #tpu.memory_space<hbm>> -> memref<32x128xf32, #tpu.memory_space<hbm>>
      tpu.enqueue_dma source(%dma_start3A_769 : memref<32x128xf32, #tpu.memory_space<hbm>>) target(%dma_start3A_767 : memref<32x128xf32, #tpu.memory_space<vmem>>) target_semaphore(%arg9 : memref<!tpu.dma_semaphore, #tpu.memory_space<semaphore_mem>>)
      %slice3A_770 = vector.extract_strided_slice %get3A_629 {offsets = [7], sizes = [1], strides = [1]} : vector<16xi32> to vector<1xi32>
      %squeeze3A_771 = vector.extract %slice3A_770[0] : i32 from vector<1xi32>
      %shift_right_arithmetic3A_772 = arith.constant 7 : i32
      %shift_right_arithmetic3A_773 = arith.shrsi %squeeze3A_771, %shift_right_arithmetic3A_772 : i32
      %shift_left3A_774 = arith.constant 7 : i32
      %shift_left3A_775 = arith.shli %shift_right_arithmetic3A_773, %shift_left3A_774 : i32
      %multiple_of3A_776 = tpu.assume_multiple %shift_left3A_775, 128 : i32
      %dma_start3A_777 = arith.constant 7 : i32
      %dma_start3A_778 = arith.constant 0 : i32
      %dma_start3A_779 = arith.constant 0 : i32
      %dma_start3A_780 = tpu.memref_slice %arg6[%dma_start3A_777, %dma_start3A_778, %dma_start3A_779] : memref<8x32x128xf32, #tpu.memory_space<vmem>> -> memref<1x32x128xf32, #tpu.memory_space<vmem>>
      %dma_start3A_781 = tpu.memref_squeeze %dma_start3A_780 : memref<1x32x128xf32, #tpu.memory_space<vmem>> -> memref<32x128xf32, #tpu.memory_space<vmem>>
      %dma_start3A_782 = arith.constant 0 : i32
      %dma_start3A_783 = tpu.memref_slice %arg3[%dma_start3A_782, %multiple_of3A_776] : memref<32x1000000xf32, #tpu.memory_space<hbm>> -> memref<32x128xf32, #tpu.memory_space<hbm>>
      %dma_start3A_784 = arith.constant 0 : i32
      %dma_start3A_785 = arith.constant 0 : i32
      %dma_start3A_786 = tpu.memref_slice %arg6[%dma_start3A_777, %dma_start3A_784, %dma_start3A_785] : memref<8x32x128xf32, #tpu.memory_space<vmem>> -> memref<1x32x128xf32, #tpu.memory_space<vmem>>
      %dma_start3A_787 = tpu.memref_squeeze %dma_start3A_786 : memref<1x32x128xf32, #tpu.memory_space<vmem>> -> memref<32x128xf32, #tpu.memory_space<vmem>>
      %dma_start3A_788 = arith.constant 0 : i32
      %dma_start3A_789 = tpu.memref_slice %arg3[%dma_start3A_788, %multiple_of3A_776] : memref<32x1000000xf32, #tpu.memory_space<hbm>> -> memref<32x128xf32, #tpu.memory_space<hbm>>
      tpu.enqueue_dma source(%dma_start3A_789 : memref<32x128xf32, #tpu.memory_space<hbm>>) target(%dma_start3A_787 : memref<32x128xf32, #tpu.memory_space<vmem>>) target_semaphore(%arg9 : memref<!tpu.dma_semaphore, #tpu.memory_space<semaphore_mem>>)
      %dma_wait3A_790 = arith.constant 0 : i32
      %dma_wait3A_791 = arith.constant 0 : i32
      %dma_wait3A_792 = arith.constant 0 : i32
      %dma_wait3A_793 = tpu.memref_slice %arg7[%dma_wait3A_790, %dma_wait3A_791, %dma_wait3A_792] : memref<8x32x128xf32, #tpu.memory_space<vmem>> -> memref<1x32x128xf32, #tpu.memory_space<vmem>>
      %dma_wait3A_794 = tpu.memref_squeeze %dma_wait3A_793 : memref<1x32x128xf32, #tpu.memory_space<vmem>> -> memref<32x128xf32, #tpu.memory_space<vmem>>
      %dma_wait3A_795 = arith.constant 0 : i32
      %dma_wait3A_796 = arith.constant 0 : i32
      %dma_wait3A_797 = tpu.memref_slice %arg3[%dma_wait3A_795, %dma_wait3A_796] : memref<32x1000000xf32, #tpu.memory_space<hbm>> -> memref<32x128xf32, #tpu.memory_space<hbm>>
      %dma_wait3A_798 = arith.constant 0 : i32
      %dma_wait3A_799 = arith.constant 0 : i32
      %dma_wait3A_800 = tpu.memref_slice %arg7[%dma_wait3A_790, %dma_wait3A_798, %dma_wait3A_799] : memref<8x32x128xf32, #tpu.memory_space<vmem>> -> memref<1x32x128xf32, #tpu.memory_space<vmem>>
      %dma_wait3A_801 = tpu.memref_squeeze %dma_wait3A_800 : memref<1x32x128xf32, #tpu.memory_space<vmem>> -> memref<32x128xf32, #tpu.memory_space<vmem>>
      %dma_wait3A_802 = arith.constant 0 : i32
      %dma_wait3A_803 = arith.constant 0 : i32
      %dma_wait3A_804 = tpu.memref_slice %arg3[%dma_wait3A_802, %dma_wait3A_803] : memref<32x1000000xf32, #tpu.memory_space<hbm>> -> memref<32x128xf32, #tpu.memory_space<hbm>>
      tpu.wait_dma2 semaphore(%arg9 : memref<!tpu.dma_semaphore, #tpu.memory_space<semaphore_mem>>) src(%dma_wait3A_804 : memref<32x128xf32, #tpu.memory_space<hbm>>) dst(%dma_wait3A_801 : memref<32x128xf32, #tpu.memory_space<vmem>>)
      %dma_wait3A_805 = arith.constant 1 : i32
      %dma_wait3A_806 = arith.constant 0 : i32
      %dma_wait3A_807 = arith.constant 0 : i32
      %dma_wait3A_808 = tpu.memref_slice %arg7[%dma_wait3A_805, %dma_wait3A_806, %dma_wait3A_807] : memref<8x32x128xf32, #tpu.memory_space<vmem>> -> memref<1x32x128xf32, #tpu.memory_space<vmem>>
      %dma_wait3A_809 = tpu.memref_squeeze %dma_wait3A_808 : memref<1x32x128xf32, #tpu.memory_space<vmem>> -> memref<32x128xf32, #tpu.memory_space<vmem>>
      %dma_wait3A_810 = arith.constant 0 : i32
      %dma_wait3A_811 = arith.constant 0 : i32
      %dma_wait3A_812 = tpu.memref_slice %arg3[%dma_wait3A_810, %dma_wait3A_811] : memref<32x1000000xf32, #tpu.memory_space<hbm>> -> memref<32x128xf32, #tpu.memory_space<hbm>>
      %dma_wait3A_813 = arith.constant 0 : i32
      %dma_wait3A_814 = arith.constant 0 : i32
      %dma_wait3A_815 = tpu.memref_slice %arg7[%dma_wait3A_805, %dma_wait3A_813, %dma_wait3A_814] : memref<8x32x128xf32, #tpu.memory_space<vmem>> -> memref<1x32x128xf32, #tpu.memory_space<vmem>>
      %dma_wait3A_816 = tpu.memref_squeeze %dma_wait3A_815 : memref<1x32x128xf32, #tpu.memory_space<vmem>> -> memref<32x128xf32, #tpu.memory_space<vmem>>
      %dma_wait3A_817 = arith.constant 0 : i32
      %dma_wait3A_818 = arith.constant 0 : i32
      %dma_wait3A_819 = tpu.memref_slice %arg3[%dma_wait3A_817, %dma_wait3A_818] : memref<32x1000000xf32, #tpu.memory_space<hbm>> -> memref<32x128xf32, #tpu.memory_space<hbm>>
      tpu.wait_dma2 semaphore(%arg9 : memref<!tpu.dma_semaphore, #tpu.memory_space<semaphore_mem>>) src(%dma_wait3A_819 : memref<32x128xf32, #tpu.memory_space<hbm>>) dst(%dma_wait3A_816 : memref<32x128xf32, #tpu.memory_space<vmem>>)
      %dma_wait3A_820 = arith.constant 2 : i32
      %dma_wait3A_821 = arith.constant 0 : i32
      %dma_wait3A_822 = arith.constant 0 : i32
      %dma_wait3A_823 = tpu.memref_slice %arg7[%dma_wait3A_820, %dma_wait3A_821, %dma_wait3A_822] : memref<8x32x128xf32, #tpu.memory_space<vmem>> -> memref<1x32x128xf32, #tpu.memory_space<vmem>>
      %dma_wait3A_824 = tpu.memref_squeeze %dma_wait3A_823 : memref<1x32x128xf32, #tpu.memory_space<vmem>> -> memref<32x128xf32, #tpu.memory_space<vmem>>
      %dma_wait3A_825 = arith.constant 0 : i32
      %dma_wait3A_826 = arith.constant 0 : i32
      %dma_wait3A_827 = tpu.memref_slice %arg3[%dma_wait3A_825, %dma_wait3A_826] : memref<32x1000000xf32, #tpu.memory_space<hbm>> -> memref<32x128xf32, #tpu.memory_space<hbm>>
      %dma_wait3A_828 = arith.constant 0 : i32
      %dma_wait3A_829 = arith.constant 0 : i32
      %dma_wait3A_830 = tpu.memref_slice %arg7[%dma_wait3A_820, %dma_wait3A_828, %dma_wait3A_829] : memref<8x32x128xf32, #tpu.memory_space<vmem>> -> memref<1x32x128xf32, #tpu.memory_space<vmem>>
      %dma_wait3A_831 = tpu.memref_squeeze %dma_wait3A_830 : memref<1x32x128xf32, #tpu.memory_space<vmem>> -> memref<32x128xf32, #tpu.memory_space<vmem>>
      %dma_wait3A_832 = arith.constant 0 : i32
      %dma_wait3A_833 = arith.constant 0 : i32
      %dma_wait3A_834 = tpu.memref_slice %arg3[%dma_wait3A_832, %dma_wait3A_833] : memref<32x1000000xf32, #tpu.memory_space<hbm>> -> memref<32x128xf32, #tpu.memory_space<hbm>>
      tpu.wait_dma2 semaphore(%arg9 : memref<!tpu.dma_semaphore, #tpu.memory_space<semaphore_mem>>) src(%dma_wait3A_834 : memref<32x128xf32, #tpu.memory_space<hbm>>) dst(%dma_wait3A_831 : memref<32x128xf32, #tpu.memory_space<vmem>>)
      %dma_wait3A_835 = arith.constant 3 : i32
      %dma_wait3A_836 = arith.constant 0 : i32
      %dma_wait3A_837 = arith.constant 0 : i32
      %dma_wait3A_838 = tpu.memref_slice %arg7[%dma_wait3A_835, %dma_wait3A_836, %dma_wait3A_837] : memref<8x32x128xf32, #tpu.memory_space<vmem>> -> memref<1x32x128xf32, #tpu.memory_space<vmem>>
      %dma_wait3A_839 = tpu.memref_squeeze %dma_wait3A_838 : memref<1x32x128xf32, #tpu.memory_space<vmem>> -> memref<32x128xf32, #tpu.memory_space<vmem>>
      %dma_wait3A_840 = arith.constant 0 : i32
      %dma_wait3A_841 = arith.constant 0 : i32
      %dma_wait3A_842 = tpu.memref_slice %arg3[%dma_wait3A_840, %dma_wait3A_841] : memref<32x1000000xf32, #tpu.memory_space<hbm>> -> memref<32x128xf32, #tpu.memory_space<hbm>>
      %dma_wait3A_843 = arith.constant 0 : i32
      %dma_wait3A_844 = arith.constant 0 : i32
      %dma_wait3A_845 = tpu.memref_slice %arg7[%dma_wait3A_835, %dma_wait3A_843, %dma_wait3A_844] : memref<8x32x128xf32, #tpu.memory_space<vmem>> -> memref<1x32x128xf32, #tpu.memory_space<vmem>>
      %dma_wait3A_846 = tpu.memref_squeeze %dma_wait3A_845 : memref<1x32x128xf32, #tpu.memory_space<vmem>> -> memref<32x128xf32, #tpu.memory_space<vmem>>
      %dma_wait3A_847 = arith.constant 0 : i32
      %dma_wait3A_848 = arith.constant 0 : i32
      %dma_wait3A_849 = tpu.memref_slice %arg3[%dma_wait3A_847, %dma_wait3A_848] : memref<32x1000000xf32, #tpu.memory_space<hbm>> -> memref<32x128xf32, #tpu.memory_space<hbm>>
      tpu.wait_dma2 semaphore(%arg9 : memref<!tpu.dma_semaphore, #tpu.memory_space<semaphore_mem>>) src(%dma_wait3A_849 : memref<32x128xf32, #tpu.memory_space<hbm>>) dst(%dma_wait3A_846 : memref<32x128xf32, #tpu.memory_space<vmem>>)
      %dma_wait3A_850 = arith.constant 4 : i32
      %dma_wait3A_851 = arith.constant 0 : i32
      %dma_wait3A_852 = arith.constant 0 : i32
      %dma_wait3A_853 = tpu.memref_slice %arg7[%dma_wait3A_850, %dma_wait3A_851, %dma_wait3A_852] : memref<8x32x128xf32, #tpu.memory_space<vmem>> -> memref<1x32x128xf32, #tpu.memory_space<vmem>>
      %dma_wait3A_854 = tpu.memref_squeeze %dma_wait3A_853 : memref<1x32x128xf32, #tpu.memory_space<vmem>> -> memref<32x128xf32, #tpu.memory_space<vmem>>
      %dma_wait3A_855 = arith.constant 0 : i32
      %dma_wait3A_856 = arith.constant 0 : i32
      %dma_wait3A_857 = tpu.memref_slice %arg3[%dma_wait3A_855, %dma_wait3A_856] : memref<32x1000000xf32, #tpu.memory_space<hbm>> -> memref<32x128xf32, #tpu.memory_space<hbm>>
      %dma_wait3A_858 = arith.constant 0 : i32
      %dma_wait3A_859 = arith.constant 0 : i32
      %dma_wait3A_860 = tpu.memref_slice %arg7[%dma_wait3A_850, %dma_wait3A_858, %dma_wait3A_859] : memref<8x32x128xf32, #tpu.memory_space<vmem>> -> memref<1x32x128xf32, #tpu.memory_space<vmem>>
      %dma_wait3A_861 = tpu.memref_squeeze %dma_wait3A_860 : memref<1x32x128xf32, #tpu.memory_space<vmem>> -> memref<32x128xf32, #tpu.memory_space<vmem>>
      %dma_wait3A_862 = arith.constant 0 : i32
      %dma_wait3A_863 = arith.constant 0 : i32
      %dma_wait3A_864 = tpu.memref_slice %arg3[%dma_wait3A_862, %dma_wait3A_863] : memref<32x1000000xf32, #tpu.memory_space<hbm>> -> memref<32x128xf32, #tpu.memory_space<hbm>>
      tpu.wait_dma2 semaphore(%arg9 : memref<!tpu.dma_semaphore, #tpu.memory_space<semaphore_mem>>) src(%dma_wait3A_864 : memref<32x128xf32, #tpu.memory_space<hbm>>) dst(%dma_wait3A_861 : memref<32x128xf32, #tpu.memory_space<vmem>>)
      %dma_wait3A_865 = arith.constant 5 : i32
      %dma_wait3A_866 = arith.constant 0 : i32
      %dma_wait3A_867 = arith.constant 0 : i32
      %dma_wait3A_868 = tpu.memref_slice %arg7[%dma_wait3A_865, %dma_wait3A_866, %dma_wait3A_867] : memref<8x32x128xf32, #tpu.memory_space<vmem>> -> memref<1x32x128xf32, #tpu.memory_space<vmem>>
      %dma_wait3A_869 = tpu.memref_squeeze %dma_wait3A_868 : memref<1x32x128xf32, #tpu.memory_space<vmem>> -> memref<32x128xf32, #tpu.memory_space<vmem>>
      %dma_wait3A_870 = arith.constant 0 : i32
      %dma_wait3A_871 = arith.constant 0 : i32
      %dma_wait3A_872 = tpu.memref_slice %arg3[%dma_wait3A_870, %dma_wait3A_871] : memref<32x1000000xf32, #tpu.memory_space<hbm>> -> memref<32x128xf32, #tpu.memory_space<hbm>>
      %dma_wait3A_873 = arith.constant 0 : i32
      %dma_wait3A_874 = arith.constant 0 : i32
      %dma_wait3A_875 = tpu.memref_slice %arg7[%dma_wait3A_865, %dma_wait3A_873, %dma_wait3A_874] : memref<8x32x128xf32, #tpu.memory_space<vmem>> -> memref<1x32x128xf32, #tpu.memory_space<vmem>>
      %dma_wait3A_876 = tpu.memref_squeeze %dma_wait3A_875 : memref<1x32x128xf32, #tpu.memory_space<vmem>> -> memref<32x128xf32, #tpu.memory_space<vmem>>
      %dma_wait3A_877 = arith.constant 0 : i32
      %dma_wait3A_878 = arith.constant 0 : i32
      %dma_wait3A_879 = tpu.memref_slice %arg3[%dma_wait3A_877, %dma_wait3A_878] : memref<32x1000000xf32, #tpu.memory_space<hbm>> -> memref<32x128xf32, #tpu.memory_space<hbm>>
      tpu.wait_dma2 semaphore(%arg9 : memref<!tpu.dma_semaphore, #tpu.memory_space<semaphore_mem>>) src(%dma_wait3A_879 : memref<32x128xf32, #tpu.memory_space<hbm>>) dst(%dma_wait3A_876 : memref<32x128xf32, #tpu.memory_space<vmem>>)
      %dma_wait3A_880 = arith.constant 6 : i32
      %dma_wait3A_881 = arith.constant 0 : i32
      %dma_wait3A_882 = arith.constant 0 : i32
      %dma_wait3A_883 = tpu.memref_slice %arg7[%dma_wait3A_880, %dma_wait3A_881, %dma_wait3A_882] : memref<8x32x128xf32, #tpu.memory_space<vmem>> -> memref<1x32x128xf32, #tpu.memory_space<vmem>>
      %dma_wait3A_884 = tpu.memref_squeeze %dma_wait3A_883 : memref<1x32x128xf32, #tpu.memory_space<vmem>> -> memref<32x128xf32, #tpu.memory_space<vmem>>
      %dma_wait3A_885 = arith.constant 0 : i32
      %dma_wait3A_886 = arith.constant 0 : i32
      %dma_wait3A_887 = tpu.memref_slice %arg3[%dma_wait3A_885, %dma_wait3A_886] : memref<32x1000000xf32, #tpu.memory_space<hbm>> -> memref<32x128xf32, #tpu.memory_space<hbm>>
      %dma_wait3A_888 = arith.constant 0 : i32
      %dma_wait3A_889 = arith.constant 0 : i32
      %dma_wait3A_890 = tpu.memref_slice %arg7[%dma_wait3A_880, %dma_wait3A_888, %dma_wait3A_889] : memref<8x32x128xf32, #tpu.memory_space<vmem>> -> memref<1x32x128xf32, #tpu.memory_space<vmem>>
      %dma_wait3A_891 = tpu.memref_squeeze %dma_wait3A_890 : memref<1x32x128xf32, #tpu.memory_space<vmem>> -> memref<32x128xf32, #tpu.memory_space<vmem>>
      %dma_wait3A_892 = arith.constant 0 : i32
      %dma_wait3A_893 = arith.constant 0 : i32
      %dma_wait3A_894 = tpu.memref_slice %arg3[%dma_wait3A_892, %dma_wait3A_893] : memref<32x1000000xf32, #tpu.memory_space<hbm>> -> memref<32x128xf32, #tpu.memory_space<hbm>>
      tpu.wait_dma2 semaphore(%arg9 : memref<!tpu.dma_semaphore, #tpu.memory_space<semaphore_mem>>) src(%dma_wait3A_894 : memref<32x128xf32, #tpu.memory_space<hbm>>) dst(%dma_wait3A_891 : memref<32x128xf32, #tpu.memory_space<vmem>>)
      %dma_wait3A_895 = arith.constant 7 : i32
      %dma_wait3A_896 = arith.constant 0 : i32
      %dma_wait3A_897 = arith.constant 0 : i32
      %dma_wait3A_898 = tpu.memref_slice %arg7[%dma_wait3A_895, %dma_wait3A_896, %dma_wait3A_897] : memref<8x32x128xf32, #tpu.memory_space<vmem>> -> memref<1x32x128xf32, #tpu.memory_space<vmem>>
      %dma_wait3A_899 = tpu.memref_squeeze %dma_wait3A_898 : memref<1x32x128xf32, #tpu.memory_space<vmem>> -> memref<32x128xf32, #tpu.memory_space<vmem>>
      %dma_wait3A_900 = arith.constant 0 : i32
      %dma_wait3A_901 = arith.constant 0 : i32
      %dma_wait3A_902 = tpu.memref_slice %arg3[%dma_wait3A_900, %dma_wait3A_901] : memref<32x1000000xf32, #tpu.memory_space<hbm>> -> memref<32x128xf32, #tpu.memory_space<hbm>>
      %dma_wait3A_903 = arith.constant 0 : i32
      %dma_wait3A_904 = arith.constant 0 : i32
      %dma_wait3A_905 = tpu.memref_slice %arg7[%dma_wait3A_895, %dma_wait3A_903, %dma_wait3A_904] : memref<8x32x128xf32, #tpu.memory_space<vmem>> -> memref<1x32x128xf32, #tpu.memory_space<vmem>>
      %dma_wait3A_906 = tpu.memref_squeeze %dma_wait3A_905 : memref<1x32x128xf32, #tpu.memory_space<vmem>> -> memref<32x128xf32, #tpu.memory_space<vmem>>
      %dma_wait3A_907 = arith.constant 0 : i32
      %dma_wait3A_908 = arith.constant 0 : i32
      %dma_wait3A_909 = tpu.memref_slice %arg3[%dma_wait3A_907, %dma_wait3A_908] : memref<32x1000000xf32, #tpu.memory_space<hbm>> -> memref<32x128xf32, #tpu.memory_space<hbm>>
      tpu.wait_dma2 semaphore(%arg9 : memref<!tpu.dma_semaphore, #tpu.memory_space<semaphore_mem>>) src(%dma_wait3A_909 : memref<32x128xf32, #tpu.memory_space<hbm>>) dst(%dma_wait3A_906 : memref<32x128xf32, #tpu.memory_space<vmem>>)
      %mul3A_910 = arith.constant 4 : i32
      %mul3A_911 = arith.muli %scan3A_162, %mul3A_910 : i32
      %add3A_912 = arith.constant 0 : i32
      %add3A_913 = arith.addi %mul3A_911, %add3A_912 : i32
      %mul3A_914 = arith.constant 16 : i32
      %mul3A_915 = arith.muli %add3A_913, %mul3A_914 : i32
      %get3A_916 = arith.index_cast %mul3A_915 : i32 to index
      %get3A_917 = tpu.vector_load %arg5[%get3A_916] {strides = array<i32>} : memref<512xi32, #tpu.memory_space<vmem>>, vector<16xi32>,
      %slice3A_918 = vector.extract_strided_slice %get3A_917 {offsets = [8], sizes = [1], strides = [1]} : vector<16xi32> to vector<1xi32>
      %squeeze3A_919 = vector.extract %slice3A_918[0] : i32 from vector<1xi32>
      %and3A_920 = arith.constant 127 : i32
      %and3A_921 = arith.andi %squeeze3A_919, %and3A_920 : i32
      %broadcast_in_dim3A_922 = vector.broadcast %and3A_921 : i32 to vector<16xi32>
      %broadcast_in_dim3A_923 = arith.constant 0 : i32
      %broadcast_in_dim3A_924 = vector.broadcast %broadcast_in_dim3A_923 : i32 to vector<16xi32>
      %gather3A_925 = tpu.vector_load_idx %arg7[%broadcast_in_dim3A_924, %iota3A, %broadcast_in_dim3A_922] : memref<8x32x128xf32, #tpu.memory_space<vmem>>[vector<16xi32>, vector<16xi32>, vector<16xi32>], vector<16xf32>,
      %swap3A_926 = arith.constant 0 : i32
      %swap3A_927 = arith.index_cast %swap3A_926 : i32 to index
      %swap3A_928 = arith.constant 0 : index
      %swap3A_929 = tpu.vector_load %arg8[%swap3A_927, %swap3A_928] {strides = array<i32>} : memref<8x32xf32, #tpu.memory_space<vmem>>, vector<16xf32>,
      tpu.vector_store %arg8[%swap3A_927, %swap3A_928], %gather3A_925 {strides = array<i32>} : memref<8x32xf32, #tpu.memory_space<vmem>>, vector<16xf32>,
      %add3A_930 = arith.constant 16 : i32
      %add3A_931 = vector.broadcast %add3A_930 : i32 to vector<16xi32>
      %add3A_932 = arith.addi %iota3A, %add3A_931 : vector<16xi32>
      %gather3A_933 = tpu.vector_load_idx %arg7[%broadcast_in_dim3A_924, %add3A_932, %broadcast_in_dim3A_922] : memref<8x32x128xf32, #tpu.memory_space<vmem>>[vector<16xi32>, vector<16xi32>, vector<16xi32>], vector<16xf32>,
      %swap3A_934 = arith.constant 0 : i32
      %swap3A_935 = arith.index_cast %swap3A_934 : i32 to index
      %swap3A_936 = arith.constant 16 : index
      %swap3A_937 = tpu.vector_load %arg8[%swap3A_935, %swap3A_936] {strides = array<i32>} : memref<8x32xf32, #tpu.memory_space<vmem>>, vector<16xf32>,
      tpu.vector_store %arg8[%swap3A_935, %swap3A_936], %gather3A_933 {strides = array<i32>} : memref<8x32xf32, #tpu.memory_space<vmem>>, vector<16xf32>,
      %slice3A_938 = vector.extract_strided_slice %get3A_917 {offsets = [9], sizes = [1], strides = [1]} : vector<16xi32> to vector<1xi32>
      %squeeze3A_939 = vector.extract %slice3A_938[0] : i32 from vector<1xi32>
      %and3A_940 = arith.constant 127 : i32
      %and3A_941 = arith.andi %squeeze3A_939, %and3A_940 : i32
      %broadcast_in_dim3A_942 = vector.broadcast %and3A_941 : i32 to vector<16xi32>
      %broadcast_in_dim3A_943 = arith.constant 1 : i32
      %broadcast_in_dim3A_944 = vector.broadcast %broadcast_in_dim3A_943 : i32 to vector<16xi32>
      %gather3A_945 = tpu.vector_load_idx %arg7[%broadcast_in_dim3A_944, %iota3A, %broadcast_in_dim3A_942] : memref<8x32x128xf32, #tpu.memory_space<vmem>>[vector<16xi32>, vector<16xi32>, vector<16xi32>], vector<16xf32>,
      %swap3A_946 = arith.constant 1 : i32
      %swap3A_947 = arith.index_cast %swap3A_946 : i32 to index
      %swap3A_948 = arith.constant 0 : index
      %swap3A_949 = tpu.vector_load %arg8[%swap3A_947, %swap3A_948] {strides = array<i32>} : memref<8x32xf32, #tpu.memory_space<vmem>>, vector<16xf32>,
      tpu.vector_store %arg8[%swap3A_947, %swap3A_948], %gather3A_945 {strides = array<i32>} : memref<8x32xf32, #tpu.memory_space<vmem>>, vector<16xf32>,
      %add3A_950 = arith.constant 16 : i32
      %add3A_951 = vector.broadcast %add3A_950 : i32 to vector<16xi32>
      %add3A_952 = arith.addi %iota3A, %add3A_951 : vector<16xi32>
      %gather3A_953 = tpu.vector_load_idx %arg7[%broadcast_in_dim3A_944, %add3A_952, %broadcast_in_dim3A_942] : memref<8x32x128xf32, #tpu.memory_space<vmem>>[vector<16xi32>, vector<16xi32>, vector<16xi32>], vector<16xf32>,
      %swap3A_954 = arith.constant 1 : i32
      %swap3A_955 = arith.index_cast %swap3A_954 : i32 to index
      %swap3A_956 = arith.constant 16 : index
      %swap3A_957 = tpu.vector_load %arg8[%swap3A_955, %swap3A_956] {strides = array<i32>} : memref<8x32xf32, #tpu.memory_space<vmem>>, vector<16xf32>,
      tpu.vector_store %arg8[%swap3A_955, %swap3A_956], %gather3A_953 {strides = array<i32>} : memref<8x32xf32, #tpu.memory_space<vmem>>, vector<16xf32>,
      %slice3A_958 = vector.extract_strided_slice %get3A_917 {offsets = [10], sizes = [1], strides = [1]} : vector<16xi32> to vector<1xi32>
      %squeeze3A_959 = vector.extract %slice3A_958[0] : i32 from vector<1xi32>
      %and3A_960 = arith.constant 127 : i32
      %and3A_961 = arith.andi %squeeze3A_959, %and3A_960 : i32
      %broadcast_in_dim3A_962 = vector.broadcast %and3A_961 : i32 to vector<16xi32>
      %broadcast_in_dim3A_963 = arith.constant 2 : i32
      %broadcast_in_dim3A_964 = vector.broadcast %broadcast_in_dim3A_963 : i32 to vector<16xi32>
      %gather3A_965 = tpu.vector_load_idx %arg7[%broadcast_in_dim3A_964, %iota3A, %broadcast_in_dim3A_962] : memref<8x32x128xf32, #tpu.memory_space<vmem>>[vector<16xi32>, vector<16xi32>, vector<16xi32>], vector<16xf32>,
      %swap3A_966 = arith.constant 2 : i32
      %swap3A_967 = arith.index_cast %swap3A_966 : i32 to index
      %swap3A_968 = arith.constant 0 : index
      %swap3A_969 = tpu.vector_load %arg8[%swap3A_967, %swap3A_968] {strides = array<i32>} : memref<8x32xf32, #tpu.memory_space<vmem>>, vector<16xf32>,
      tpu.vector_store %arg8[%swap3A_967, %swap3A_968], %gather3A_965 {strides = array<i32>} : memref<8x32xf32, #tpu.memory_space<vmem>>, vector<16xf32>,
      %add3A_970 = arith.constant 16 : i32
      %add3A_971 = vector.broadcast %add3A_970 : i32 to vector<16xi32>
      %add3A_972 = arith.addi %iota3A, %add3A_971 : vector<16xi32>
      %gather3A_973 = tpu.vector_load_idx %arg7[%broadcast_in_dim3A_964, %add3A_972, %broadcast_in_dim3A_962] : memref<8x32x128xf32, #tpu.memory_space<vmem>>[vector<16xi32>, vector<16xi32>, vector<16xi32>], vector<16xf32>,
      %swap3A_974 = arith.constant 2 : i32
      %swap3A_975 = arith.index_cast %swap3A_974 : i32 to index
      %swap3A_976 = arith.constant 16 : index
      %swap3A_977 = tpu.vector_load %arg8[%swap3A_975, %swap3A_976] {strides = array<i32>} : memref<8x32xf32, #tpu.memory_space<vmem>>, vector<16xf32>,
      tpu.vector_store %arg8[%swap3A_975, %swap3A_976], %gather3A_973 {strides = array<i32>} : memref<8x32xf32, #tpu.memory_space<vmem>>, vector<16xf32>,
      %slice3A_978 = vector.extract_strided_slice %get3A_917 {offsets = [11], sizes = [1], strides = [1]} : vector<16xi32> to vector<1xi32>
      %squeeze3A_979 = vector.extract %slice3A_978[0] : i32 from vector<1xi32>
      %and3A_980 = arith.constant 127 : i32
      %and3A_981 = arith.andi %squeeze3A_979, %and3A_980 : i32
      %broadcast_in_dim3A_982 = vector.broadcast %and3A_981 : i32 to vector<16xi32>
      %broadcast_in_dim3A_983 = arith.constant 3 : i32
      %broadcast_in_dim3A_984 = vector.broadcast %broadcast_in_dim3A_983 : i32 to vector<16xi32>
      %gather3A_985 = tpu.vector_load_idx %arg7[%broadcast_in_dim3A_984, %iota3A, %broadcast_in_dim3A_982] : memref<8x32x128xf32, #tpu.memory_space<vmem>>[vector<16xi32>, vector<16xi32>, vector<16xi32>], vector<16xf32>,
      %swap3A_986 = arith.constant 3 : i32
      %swap3A_987 = arith.index_cast %swap3A_986 : i32 to index
      %swap3A_988 = arith.constant 0 : index
      %swap3A_989 = tpu.vector_load %arg8[%swap3A_987, %swap3A_988] {strides = array<i32>} : memref<8x32xf32, #tpu.memory_space<vmem>>, vector<16xf32>,
      tpu.vector_store %arg8[%swap3A_987, %swap3A_988], %gather3A_985 {strides = array<i32>} : memref<8x32xf32, #tpu.memory_space<vmem>>, vector<16xf32>,
      %add3A_990 = arith.constant 16 : i32
      %add3A_991 = vector.broadcast %add3A_990 : i32 to vector<16xi32>
      %add3A_992 = arith.addi %iota3A, %add3A_991 : vector<16xi32>
      %gather3A_993 = tpu.vector_load_idx %arg7[%broadcast_in_dim3A_984, %add3A_992, %broadcast_in_dim3A_982] : memref<8x32x128xf32, #tpu.memory_space<vmem>>[vector<16xi32>, vector<16xi32>, vector<16xi32>], vector<16xf32>,
      %swap3A_994 = arith.constant 3 : i32
      %swap3A_995 = arith.index_cast %swap3A_994 : i32 to index
      %swap3A_996 = arith.constant 16 : index
      %swap3A_997 = tpu.vector_load %arg8[%swap3A_995, %swap3A_996] {strides = array<i32>} : memref<8x32xf32, #tpu.memory_space<vmem>>, vector<16xf32>,
      tpu.vector_store %arg8[%swap3A_995, %swap3A_996], %gather3A_993 {strides = array<i32>} : memref<8x32xf32, #tpu.memory_space<vmem>>, vector<16xf32>,
      %slice3A_998 = vector.extract_strided_slice %get3A_917 {offsets = [12], sizes = [1], strides = [1]} : vector<16xi32> to vector<1xi32>
      %squeeze3A_999 = vector.extract %slice3A_998[0] : i32 from vector<1xi32>
      %and3A_1000 = arith.constant 127 : i32
      %and3A_1001 = arith.andi %squeeze3A_999, %and3A_1000 : i32
      %broadcast_in_dim3A_1002 = vector.broadcast %and3A_1001 : i32 to vector<16xi32>
      %broadcast_in_dim3A_1003 = arith.constant 4 : i32
      %broadcast_in_dim3A_1004 = vector.broadcast %broadcast_in_dim3A_1003 : i32 to vector<16xi32>
      %gather3A_1005 = tpu.vector_load_idx %arg7[%broadcast_in_dim3A_1004, %iota3A, %broadcast_in_dim3A_1002] : memref<8x32x128xf32, #tpu.memory_space<vmem>>[vector<16xi32>, vector<16xi32>, vector<16xi32>], vector<16xf32>,
      %swap3A_1006 = arith.constant 4 : i32
      %swap3A_1007 = arith.index_cast %swap3A_1006 : i32 to index
      %swap3A_1008 = arith.constant 0 : index
      %swap3A_1009 = tpu.vector_load %arg8[%swap3A_1007, %swap3A_1008] {strides = array<i32>} : memref<8x32xf32, #tpu.memory_space<vmem>>, vector<16xf32>,
      tpu.vector_store %arg8[%swap3A_1007, %swap3A_1008], %gather3A_1005 {strides = array<i32>} : memref<8x32xf32, #tpu.memory_space<vmem>>, vector<16xf32>,
      %add3A_1010 = arith.constant 16 : i32
      %add3A_1011 = vector.broadcast %add3A_1010 : i32 to vector<16xi32>
      %add3A_1012 = arith.addi %iota3A, %add3A_1011 : vector<16xi32>
      %gather3A_1013 = tpu.vector_load_idx %arg7[%broadcast_in_dim3A_1004, %add3A_1012, %broadcast_in_dim3A_1002] : memref<8x32x128xf32, #tpu.memory_space<vmem>>[vector<16xi32>, vector<16xi32>, vector<16xi32>], vector<16xf32>,
      %swap3A_1014 = arith.constant 4 : i32
      %swap3A_1015 = arith.index_cast %swap3A_1014 : i32 to index
      %swap3A_1016 = arith.constant 16 : index
      %swap3A_1017 = tpu.vector_load %arg8[%swap3A_1015, %swap3A_1016] {strides = array<i32>} : memref<8x32xf32, #tpu.memory_space<vmem>>, vector<16xf32>,
      tpu.vector_store %arg8[%swap3A_1015, %swap3A_1016], %gather3A_1013 {strides = array<i32>} : memref<8x32xf32, #tpu.memory_space<vmem>>, vector<16xf32>,
      %slice3A_1018 = vector.extract_strided_slice %get3A_917 {offsets = [13], sizes = [1], strides = [1]} : vector<16xi32> to vector<1xi32>
      %squeeze3A_1019 = vector.extract %slice3A_1018[0] : i32 from vector<1xi32>
      %and3A_1020 = arith.constant 127 : i32
      %and3A_1021 = arith.andi %squeeze3A_1019, %and3A_1020 : i32
      %broadcast_in_dim3A_1022 = vector.broadcast %and3A_1021 : i32 to vector<16xi32>
      %broadcast_in_dim3A_1023 = arith.constant 5 : i32
      %broadcast_in_dim3A_1024 = vector.broadcast %broadcast_in_dim3A_1023 : i32 to vector<16xi32>
      %gather3A_1025 = tpu.vector_load_idx %arg7[%broadcast_in_dim3A_1024, %iota3A, %broadcast_in_dim3A_1022] : memref<8x32x128xf32, #tpu.memory_space<vmem>>[vector<16xi32>, vector<16xi32>, vector<16xi32>], vector<16xf32>,
      %swap3A_1026 = arith.constant 5 : i32
      %swap3A_1027 = arith.index_cast %swap3A_1026 : i32 to index
      %swap3A_1028 = arith.constant 0 : index
      %swap3A_1029 = tpu.vector_load %arg8[%swap3A_1027, %swap3A_1028] {strides = array<i32>} : memref<8x32xf32, #tpu.memory_space<vmem>>, vector<16xf32>,
      tpu.vector_store %arg8[%swap3A_1027, %swap3A_1028], %gather3A_1025 {strides = array<i32>} : memref<8x32xf32, #tpu.memory_space<vmem>>, vector<16xf32>,
      %add3A_1030 = arith.constant 16 : i32
      %add3A_1031 = vector.broadcast %add3A_1030 : i32 to vector<16xi32>
      %add3A_1032 = arith.addi %iota3A, %add3A_1031 : vector<16xi32>
      %gather3A_1033 = tpu.vector_load_idx %arg7[%broadcast_in_dim3A_1024, %add3A_1032, %broadcast_in_dim3A_1022] : memref<8x32x128xf32, #tpu.memory_space<vmem>>[vector<16xi32>, vector<16xi32>, vector<16xi32>], vector<16xf32>,
      %swap3A_1034 = arith.constant 5 : i32
      %swap3A_1035 = arith.index_cast %swap3A_1034 : i32 to index
      %swap3A_1036 = arith.constant 16 : index
      %swap3A_1037 = tpu.vector_load %arg8[%swap3A_1035, %swap3A_1036] {strides = array<i32>} : memref<8x32xf32, #tpu.memory_space<vmem>>, vector<16xf32>,
      tpu.vector_store %arg8[%swap3A_1035, %swap3A_1036], %gather3A_1033 {strides = array<i32>} : memref<8x32xf32, #tpu.memory_space<vmem>>, vector<16xf32>,
      %slice3A_1038 = vector.extract_strided_slice %get3A_917 {offsets = [14], sizes = [1], strides = [1]} : vector<16xi32> to vector<1xi32>
      %squeeze3A_1039 = vector.extract %slice3A_1038[0] : i32 from vector<1xi32>
      %and3A_1040 = arith.constant 127 : i32
      %and3A_1041 = arith.andi %squeeze3A_1039, %and3A_1040 : i32
      %broadcast_in_dim3A_1042 = vector.broadcast %and3A_1041 : i32 to vector<16xi32>
      %broadcast_in_dim3A_1043 = arith.constant 6 : i32
      %broadcast_in_dim3A_1044 = vector.broadcast %broadcast_in_dim3A_1043 : i32 to vector<16xi32>
      %gather3A_1045 = tpu.vector_load_idx %arg7[%broadcast_in_dim3A_1044, %iota3A, %broadcast_in_dim3A_1042] : memref<8x32x128xf32, #tpu.memory_space<vmem>>[vector<16xi32>, vector<16xi32>, vector<16xi32>], vector<16xf32>,
      %swap3A_1046 = arith.constant 6 : i32
      %swap3A_1047 = arith.index_cast %swap3A_1046 : i32 to index
      %swap3A_1048 = arith.constant 0 : index
      %swap3A_1049 = tpu.vector_load %arg8[%swap3A_1047, %swap3A_1048] {strides = array<i32>} : memref<8x32xf32, #tpu.memory_space<vmem>>, vector<16xf32>,
      tpu.vector_store %arg8[%swap3A_1047, %swap3A_1048], %gather3A_1045 {strides = array<i32>} : memref<8x32xf32, #tpu.memory_space<vmem>>, vector<16xf32>,
      %add3A_1050 = arith.constant 16 : i32
      %add3A_1051 = vector.broadcast %add3A_1050 : i32 to vector<16xi32>
      %add3A_1052 = arith.addi %iota3A, %add3A_1051 : vector<16xi32>
      %gather3A_1053 = tpu.vector_load_idx %arg7[%broadcast_in_dim3A_1044, %add3A_1052, %broadcast_in_dim3A_1042] : memref<8x32x128xf32, #tpu.memory_space<vmem>>[vector<16xi32>, vector<16xi32>, vector<16xi32>], vector<16xf32>,
      %swap3A_1054 = arith.constant 6 : i32
      %swap3A_1055 = arith.index_cast %swap3A_1054 : i32 to index
      %swap3A_1056 = arith.constant 16 : index
      %swap3A_1057 = tpu.vector_load %arg8[%swap3A_1055, %swap3A_1056] {strides = array<i32>} : memref<8x32xf32, #tpu.memory_space<vmem>>, vector<16xf32>,
      tpu.vector_store %arg8[%swap3A_1055, %swap3A_1056], %gather3A_1053 {strides = array<i32>} : memref<8x32xf32, #tpu.memory_space<vmem>>, vector<16xf32>,
      %slice3A_1058 = vector.extract_strided_slice %get3A_917 {offsets = [15], sizes = [1], strides = [1]} : vector<16xi32> to vector<1xi32>
      %squeeze3A_1059 = vector.extract %slice3A_1058[0] : i32 from vector<1xi32>
      %and3A_1060 = arith.constant 127 : i32
      %and3A_1061 = arith.andi %squeeze3A_1059, %and3A_1060 : i32
      %broadcast_in_dim3A_1062 = vector.broadcast %and3A_1061 : i32 to vector<16xi32>
      %broadcast_in_dim3A_1063 = arith.constant 7 : i32
      %broadcast_in_dim3A_1064 = vector.broadcast %broadcast_in_dim3A_1063 : i32 to vector<16xi32>
      %gather3A_1065 = tpu.vector_load_idx %arg7[%broadcast_in_dim3A_1064, %iota3A, %broadcast_in_dim3A_1062] : memref<8x32x128xf32, #tpu.memory_space<vmem>>[vector<16xi32>, vector<16xi32>, vector<16xi32>], vector<16xf32>,
      %swap3A_1066 = arith.constant 7 : i32
      %swap3A_1067 = arith.index_cast %swap3A_1066 : i32 to index
      %swap3A_1068 = arith.constant 0 : index
      %swap3A_1069 = tpu.vector_load %arg8[%swap3A_1067, %swap3A_1068] {strides = array<i32>} : memref<8x32xf32, #tpu.memory_space<vmem>>, vector<16xf32>,
      tpu.vector_store %arg8[%swap3A_1067, %swap3A_1068], %gather3A_1065 {strides = array<i32>} : memref<8x32xf32, #tpu.memory_space<vmem>>, vector<16xf32>,
      %add3A_1070 = arith.constant 16 : i32
      %add3A_1071 = vector.broadcast %add3A_1070 : i32 to vector<16xi32>
      %add3A_1072 = arith.addi %iota3A, %add3A_1071 : vector<16xi32>
      %gather3A_1073 = tpu.vector_load_idx %arg7[%broadcast_in_dim3A_1064, %add3A_1072, %broadcast_in_dim3A_1062] : memref<8x32x128xf32, #tpu.memory_space<vmem>>[vector<16xi32>, vector<16xi32>, vector<16xi32>], vector<16xf32>,
      %swap3A_1074 = arith.constant 7 : i32
      %swap3A_1075 = arith.index_cast %swap3A_1074 : i32 to index
      %swap3A_1076 = arith.constant 16 : index
      %swap3A_1077 = tpu.vector_load %arg8[%swap3A_1075, %swap3A_1076] {strides = array<i32>} : memref<8x32xf32, #tpu.memory_space<vmem>>, vector<16xf32>,
      tpu.vector_store %arg8[%swap3A_1075, %swap3A_1076], %gather3A_1073 {strides = array<i32>} : memref<8x32xf32, #tpu.memory_space<vmem>>, vector<16xf32>,
      %mul3A_1078 = arith.constant 8 : i32
      %mul3A_1079 = arith.muli %scan3A_162, %mul3A_1078 : i32
      %add3A_1080 = arith.constant 1 : i32
      %add3A_1081 = arith.addi %mul3A_1079, %add3A_1080 : i32
      %mul3A_1082 = arith.constant 8 : i32
      %mul3A_1083 = arith.muli %add3A_1081, %mul3A_1082 : i32
      %add3A_1084 = arith.addi %mul3A_2, %mul3A_1083 : i32
      %multiple_of3A_1085 = tpu.assume_multiple %add3A_1084, 8 : i32
      "tpu.region"() ({
        %run_scoped3A = tpu.sem_alloc : memref<!tpu.dma_semaphore, #tpu.memory_space<semaphore_mem>>
        %dma_start3A_3704 = arith.constant 0 : i32
        %dma_start3A_3705 = tpu.memref_slice %arg4[%multiple_of3A_1085, %dma_start3A_3704] : memref<16384x32xf32, #tpu.memory_space<hbm>> -> memref<8x32xf32, #tpu.memory_space<hbm>>
        %dma_start3A_3706 = arith.constant 0 : i32
        %dma_start3A_3707 = tpu.memref_slice %arg4[%multiple_of3A_1085, %dma_start3A_3706] : memref<16384x32xf32, #tpu.memory_space<hbm>> -> memref<8x32xf32, #tpu.memory_space<hbm>>
        tpu.enqueue_dma source(%arg8 : memref<8x32xf32, #tpu.memory_space<vmem>>) target(%dma_start3A_3707 : memref<8x32xf32, #tpu.memory_space<hbm>>) target_semaphore(%run_scoped3A : memref<!tpu.dma_semaphore, #tpu.memory_space<semaphore_mem>>)
        %dma_wait3A_3708 = arith.constant 0 : i32
        %dma_wait3A_3709 = tpu.memref_slice %arg4[%multiple_of3A_1085, %dma_wait3A_3708] : memref<16384x32xf32, #tpu.memory_space<hbm>> -> memref<8x32xf32, #tpu.memory_space<hbm>>
        %dma_wait3A_3710 = arith.constant 0 : i32
        %dma_wait3A_3711 = tpu.memref_slice %arg4[%multiple_of3A_1085, %dma_wait3A_3710] : memref<16384x32xf32, #tpu.memory_space<hbm>> -> memref<8x32xf32, #tpu.memory_space<hbm>>
        tpu.wait_dma2 semaphore(%run_scoped3A : memref<!tpu.dma_semaphore, #tpu.memory_space<semaphore_mem>>) src(%arg8 : memref<8x32xf32, #tpu.memory_space<vmem>>) dst(%dma_wait3A_3711 : memref<8x32xf32, #tpu.memory_space<hbm>>)
        tpu.yield
      }) : () -> ()
      %mul3A_1086 = arith.constant 4 : i32
      %mul3A_1087 = arith.muli %scan3A_162, %mul3A_1086 : i32
      %add3A_1088 = arith.constant 1 : i32
      %add3A_1089 = arith.addi %mul3A_1087, %add3A_1088 : i32
      %mul3A_1090 = arith.constant 16 : i32
      %mul3A_1091 = arith.muli %add3A_1089, %mul3A_1090 : i32
      %get3A_1092 = arith.index_cast %mul3A_1091 : i32 to index
      %get3A_1093 = tpu.vector_load %arg5[%get3A_1092] {strides = array<i32>} : memref<512xi32, #tpu.memory_space<vmem>>, vector<16xi32>,
      %slice3A_1094 = vector.extract_strided_slice %get3A_1093 {offsets = [8], sizes = [1], strides = [1]} : vector<16xi32> to vector<1xi32>
      %squeeze3A_1095 = vector.extract %slice3A_1094[0] : i32 from vector<1xi32>
      %shift_right_arithmetic3A_1096 = arith.constant 7 : i32
      %shift_right_arithmetic3A_1097 = arith.shrsi %squeeze3A_1095, %shift_right_arithmetic3A_1096 : i32
      %shift_left3A_1098 = arith.constant 7 : i32
      %shift_left3A_1099 = arith.shli %shift_right_arithmetic3A_1097, %shift_left3A_1098 : i32
      %multiple_of3A_1100 = tpu.assume_multiple %shift_left3A_1099, 128 : i32
      %dma_start3A_1101 = arith.constant 0 : i32
      %dma_start3A_1102 = arith.constant 0 : i32
      %dma_start3A_1103 = arith.constant 0 : i32
      %dma_start3A_1104 = tpu.memref_slice %arg7[%dma_start3A_1101, %dma_start3A_1102, %dma_start3A_1103] : memref<8x32x128xf32, #tpu.memory_space<vmem>> -> memref<1x32x128xf32, #tpu.memory_space<vmem>>
      %dma_start3A_1105 = tpu.memref_squeeze %dma_start3A_1104 : memref<1x32x128xf32, #tpu.memory_space<vmem>> -> memref<32x128xf32, #tpu.memory_space<vmem>>
      %dma_start3A_1106 = arith.constant 0 : i32
      %dma_start3A_1107 = tpu.memref_slice %arg3[%dma_start3A_1106, %multiple_of3A_1100] : memref<32x1000000xf32, #tpu.memory_space<hbm>> -> memref<32x128xf32, #tpu.memory_space<hbm>>
      %dma_start3A_1108 = arith.constant 0 : i32
      %dma_start3A_1109 = arith.constant 0 : i32
      %dma_start3A_1110 = tpu.memref_slice %arg7[%dma_start3A_1101, %dma_start3A_1108, %dma_start3A_1109] : memref<8x32x128xf32, #tpu.memory_space<vmem>> -> memref<1x32x128xf32, #tpu.memory_space<vmem>>
      %dma_start3A_1111 = tpu.memref_squeeze %dma_start3A_1110 : memref<1x32x128xf32, #tpu.memory_space<vmem>> -> memref<32x128xf32, #tpu.memory_space<vmem>>
      %dma_start3A_1112 = arith.constant 0 : i32
      %dma_start3A_1113 = tpu.memref_slice %arg3[%dma_start3A_1112, %multiple_of3A_1100] : memref<32x1000000xf32, #tpu.memory_space<hbm>> -> memref<32x128xf32, #tpu.memory_space<hbm>>
      tpu.enqueue_dma source(%dma_start3A_1113 : memref<32x128xf32, #tpu.memory_space<hbm>>) target(%dma_start3A_1111 : memref<32x128xf32, #tpu.memory_space<vmem>>) target_semaphore(%arg9 : memref<!tpu.dma_semaphore, #tpu.memory_space<semaphore_mem>>)
      %slice3A_1114 = vector.extract_strided_slice %get3A_1093 {offsets = [9], sizes = [1], strides = [1]} : vector<16xi32> to vector<1xi32>
      %squeeze3A_1115 = vector.extract %slice3A_1114[0] : i32 from vector<1xi32>
      %shift_right_arithmetic3A_1116 = arith.constant 7 : i32
      %shift_right_arithmetic3A_1117 = arith.shrsi %squeeze3A_1115, %shift_right_arithmetic3A_1116 : i32
      %shift_left3A_1118 = arith.constant 7 : i32
      %shift_left3A_1119 = arith.shli %shift_right_arithmetic3A_1117, %shift_left3A_1118 : i32
      %multiple_of3A_1120 = tpu.assume_multiple %shift_left3A_1119, 128 : i32
      %dma_start3A_1121 = arith.constant 1 : i32
      %dma_start3A_1122 = arith.constant 0 : i32
      %dma_start3A_1123 = arith.constant 0 : i32
      %dma_start3A_1124 = tpu.memref_slice %arg7[%dma_start3A_1121, %dma_start3A_1122, %dma_start3A_1123] : memref<8x32x128xf32, #tpu.memory_space<vmem>> -> memref<1x32x128xf32, #tpu.memory_space<vmem>>
      %dma_start3A_1125 = tpu.memref_squeeze %dma_start3A_1124 : memref<1x32x128xf32, #tpu.memory_space<vmem>> -> memref<32x128xf32, #tpu.memory_space<vmem>>
      %dma_start3A_1126 = arith.constant 0 : i32
      %dma_start3A_1127 = tpu.memref_slice %arg3[%dma_start3A_1126, %multiple_of3A_1120] : memref<32x1000000xf32, #tpu.memory_space<hbm>> -> memref<32x128xf32, #tpu.memory_space<hbm>>
      %dma_start3A_1128 = arith.constant 0 : i32
      %dma_start3A_1129 = arith.constant 0 : i32
      %dma_start3A_1130 = tpu.memref_slice %arg7[%dma_start3A_1121, %dma_start3A_1128, %dma_start3A_1129] : memref<8x32x128xf32, #tpu.memory_space<vmem>> -> memref<1x32x128xf32, #tpu.memory_space<vmem>>
      %dma_start3A_1131 = tpu.memref_squeeze %dma_start3A_1130 : memref<1x32x128xf32, #tpu.memory_space<vmem>> -> memref<32x128xf32, #tpu.memory_space<vmem>>
      %dma_start3A_1132 = arith.constant 0 : i32
      %dma_start3A_1133 = tpu.memref_slice %arg3[%dma_start3A_1132, %multiple_of3A_1120] : memref<32x1000000xf32, #tpu.memory_space<hbm>> -> memref<32x128xf32, #tpu.memory_space<hbm>>
      tpu.enqueue_dma source(%dma_start3A_1133 : memref<32x128xf32, #tpu.memory_space<hbm>>) target(%dma_start3A_1131 : memref<32x128xf32, #tpu.memory_space<vmem>>) target_semaphore(%arg9 : memref<!tpu.dma_semaphore, #tpu.memory_space<semaphore_mem>>)
      %slice3A_1134 = vector.extract_strided_slice %get3A_1093 {offsets = [10], sizes = [1], strides = [1]} : vector<16xi32> to vector<1xi32>
      %squeeze3A_1135 = vector.extract %slice3A_1134[0] : i32 from vector<1xi32>
      %shift_right_arithmetic3A_1136 = arith.constant 7 : i32
      %shift_right_arithmetic3A_1137 = arith.shrsi %squeeze3A_1135, %shift_right_arithmetic3A_1136 : i32
      %shift_left3A_1138 = arith.constant 7 : i32
      %shift_left3A_1139 = arith.shli %shift_right_arithmetic3A_1137, %shift_left3A_1138 : i32
      %multiple_of3A_1140 = tpu.assume_multiple %shift_left3A_1139, 128 : i32
      %dma_start3A_1141 = arith.constant 2 : i32
      %dma_start3A_1142 = arith.constant 0 : i32
      %dma_start3A_1143 = arith.constant 0 : i32
      %dma_start3A_1144 = tpu.memref_slice %arg7[%dma_start3A_1141, %dma_start3A_1142, %dma_start3A_1143] : memref<8x32x128xf32, #tpu.memory_space<vmem>> -> memref<1x32x128xf32, #tpu.memory_space<vmem>>
      %dma_start3A_1145 = tpu.memref_squeeze %dma_start3A_1144 : memref<1x32x128xf32, #tpu.memory_space<vmem>> -> memref<32x128xf32, #tpu.memory_space<vmem>>
      %dma_start3A_1146 = arith.constant 0 : i32
      %dma_start3A_1147 = tpu.memref_slice %arg3[%dma_start3A_1146, %multiple_of3A_1140] : memref<32x1000000xf32, #tpu.memory_space<hbm>> -> memref<32x128xf32, #tpu.memory_space<hbm>>
      %dma_start3A_1148 = arith.constant 0 : i32
      %dma_start3A_1149 = arith.constant 0 : i32
      %dma_start3A_1150 = tpu.memref_slice %arg7[%dma_start3A_1141, %dma_start3A_1148, %dma_start3A_1149] : memref<8x32x128xf32, #tpu.memory_space<vmem>> -> memref<1x32x128xf32, #tpu.memory_space<vmem>>
      %dma_start3A_1151 = tpu.memref_squeeze %dma_start3A_1150 : memref<1x32x128xf32, #tpu.memory_space<vmem>> -> memref<32x128xf32, #tpu.memory_space<vmem>>
      %dma_start3A_1152 = arith.constant 0 : i32
      %dma_start3A_1153 = tpu.memref_slice %arg3[%dma_start3A_1152, %multiple_of3A_1140] : memref<32x1000000xf32, #tpu.memory_space<hbm>> -> memref<32x128xf32, #tpu.memory_space<hbm>>
      tpu.enqueue_dma source(%dma_start3A_1153 : memref<32x128xf32, #tpu.memory_space<hbm>>) target(%dma_start3A_1151 : memref<32x128xf32, #tpu.memory_space<vmem>>) target_semaphore(%arg9 : memref<!tpu.dma_semaphore, #tpu.memory_space<semaphore_mem>>)
      %slice3A_1154 = vector.extract_strided_slice %get3A_1093 {offsets = [11], sizes = [1], strides = [1]} : vector<16xi32> to vector<1xi32>
      %squeeze3A_1155 = vector.extract %slice3A_1154[0] : i32 from vector<1xi32>
      %shift_right_arithmetic3A_1156 = arith.constant 7 : i32
      %shift_right_arithmetic3A_1157 = arith.shrsi %squeeze3A_1155, %shift_right_arithmetic3A_1156 : i32
      %shift_left3A_1158 = arith.constant 7 : i32
      %shift_left3A_1159 = arith.shli %shift_right_arithmetic3A_1157, %shift_left3A_1158 : i32
      %multiple_of3A_1160 = tpu.assume_multiple %shift_left3A_1159, 128 : i32
      %dma_start3A_1161 = arith.constant 3 : i32
      %dma_start3A_1162 = arith.constant 0 : i32
      %dma_start3A_1163 = arith.constant 0 : i32
      %dma_start3A_1164 = tpu.memref_slice %arg7[%dma_start3A_1161, %dma_start3A_1162, %dma_start3A_1163] : memref<8x32x128xf32, #tpu.memory_space<vmem>> -> memref<1x32x128xf32, #tpu.memory_space<vmem>>
      %dma_start3A_1165 = tpu.memref_squeeze %dma_start3A_1164 : memref<1x32x128xf32, #tpu.memory_space<vmem>> -> memref<32x128xf32, #tpu.memory_space<vmem>>
      %dma_start3A_1166 = arith.constant 0 : i32
      %dma_start3A_1167 = tpu.memref_slice %arg3[%dma_start3A_1166, %multiple_of3A_1160] : memref<32x1000000xf32, #tpu.memory_space<hbm>> -> memref<32x128xf32, #tpu.memory_space<hbm>>
      %dma_start3A_1168 = arith.constant 0 : i32
      %dma_start3A_1169 = arith.constant 0 : i32
      %dma_start3A_1170 = tpu.memref_slice %arg7[%dma_start3A_1161, %dma_start3A_1168, %dma_start3A_1169] : memref<8x32x128xf32, #tpu.memory_space<vmem>> -> memref<1x32x128xf32, #tpu.memory_space<vmem>>
      %dma_start3A_1171 = tpu.memref_squeeze %dma_start3A_1170 : memref<1x32x128xf32, #tpu.memory_space<vmem>> -> memref<32x128xf32, #tpu.memory_space<vmem>>
      %dma_start3A_1172 = arith.constant 0 : i32
      %dma_start3A_1173 = tpu.memref_slice %arg3[%dma_start3A_1172, %multiple_of3A_1160] : memref<32x1000000xf32, #tpu.memory_space<hbm>> -> memref<32x128xf32, #tpu.memory_space<hbm>>
      tpu.enqueue_dma source(%dma_start3A_1173 : memref<32x128xf32, #tpu.memory_space<hbm>>) target(%dma_start3A_1171 : memref<32x128xf32, #tpu.memory_space<vmem>>) target_semaphore(%arg9 : memref<!tpu.dma_semaphore, #tpu.memory_space<semaphore_mem>>)
      %slice3A_1174 = vector.extract_strided_slice %get3A_1093 {offsets = [12], sizes = [1], strides = [1]} : vector<16xi32> to vector<1xi32>
      %squeeze3A_1175 = vector.extract %slice3A_1174[0] : i32 from vector<1xi32>
      %shift_right_arithmetic3A_1176 = arith.constant 7 : i32
      %shift_right_arithmetic3A_1177 = arith.shrsi %squeeze3A_1175, %shift_right_arithmetic3A_1176 : i32
      %shift_left3A_1178 = arith.constant 7 : i32
      %shift_left3A_1179 = arith.shli %shift_right_arithmetic3A_1177, %shift_left3A_1178 : i32
      %multiple_of3A_1180 = tpu.assume_multiple %shift_left3A_1179, 128 : i32
      %dma_start3A_1181 = arith.constant 4 : i32
      %dma_start3A_1182 = arith.constant 0 : i32
      %dma_start3A_1183 = arith.constant 0 : i32
      %dma_start3A_1184 = tpu.memref_slice %arg7[%dma_start3A_1181, %dma_start3A_1182, %dma_start3A_1183] : memref<8x32x128xf32, #tpu.memory_space<vmem>> -> memref<1x32x128xf32, #tpu.memory_space<vmem>>
      %dma_start3A_1185 = tpu.memref_squeeze %dma_start3A_1184 : memref<1x32x128xf32, #tpu.memory_space<vmem>> -> memref<32x128xf32, #tpu.memory_space<vmem>>
      %dma_start3A_1186 = arith.constant 0 : i32
      %dma_start3A_1187 = tpu.memref_slice %arg3[%dma_start3A_1186, %multiple_of3A_1180] : memref<32x1000000xf32, #tpu.memory_space<hbm>> -> memref<32x128xf32, #tpu.memory_space<hbm>>
      %dma_start3A_1188 = arith.constant 0 : i32
      %dma_start3A_1189 = arith.constant 0 : i32
      %dma_start3A_1190 = tpu.memref_slice %arg7[%dma_start3A_1181, %dma_start3A_1188, %dma_start3A_1189] : memref<8x32x128xf32, #tpu.memory_space<vmem>> -> memref<1x32x128xf32, #tpu.memory_space<vmem>>
      %dma_start3A_1191 = tpu.memref_squeeze %dma_start3A_1190 : memref<1x32x128xf32, #tpu.memory_space<vmem>> -> memref<32x128xf32, #tpu.memory_space<vmem>>
      %dma_start3A_1192 = arith.constant 0 : i32
      %dma_start3A_1193 = tpu.memref_slice %arg3[%dma_start3A_1192, %multiple_of3A_1180] : memref<32x1000000xf32, #tpu.memory_space<hbm>> -> memref<32x128xf32, #tpu.memory_space<hbm>>
      tpu.enqueue_dma source(%dma_start3A_1193 : memref<32x128xf32, #tpu.memory_space<hbm>>) target(%dma_start3A_1191 : memref<32x128xf32, #tpu.memory_space<vmem>>) target_semaphore(%arg9 : memref<!tpu.dma_semaphore, #tpu.memory_space<semaphore_mem>>)
      %slice3A_1194 = vector.extract_strided_slice %get3A_1093 {offsets = [13], sizes = [1], strides = [1]} : vector<16xi32> to vector<1xi32>
      %squeeze3A_1195 = vector.extract %slice3A_1194[0] : i32 from vector<1xi32>
      %shift_right_arithmetic3A_1196 = arith.constant 7 : i32
      %shift_right_arithmetic3A_1197 = arith.shrsi %squeeze3A_1195, %shift_right_arithmetic3A_1196 : i32
      %shift_left3A_1198 = arith.constant 7 : i32
      %shift_left3A_1199 = arith.shli %shift_right_arithmetic3A_1197, %shift_left3A_1198 : i32
      %multiple_of3A_1200 = tpu.assume_multiple %shift_left3A_1199, 128 : i32
      %dma_start3A_1201 = arith.constant 5 : i32
      %dma_start3A_1202 = arith.constant 0 : i32
      %dma_start3A_1203 = arith.constant 0 : i32
      %dma_start3A_1204 = tpu.memref_slice %arg7[%dma_start3A_1201, %dma_start3A_1202, %dma_start3A_1203] : memref<8x32x128xf32, #tpu.memory_space<vmem>> -> memref<1x32x128xf32, #tpu.memory_space<vmem>>
      %dma_start3A_1205 = tpu.memref_squeeze %dma_start3A_1204 : memref<1x32x128xf32, #tpu.memory_space<vmem>> -> memref<32x128xf32, #tpu.memory_space<vmem>>
      %dma_start3A_1206 = arith.constant 0 : i32
      %dma_start3A_1207 = tpu.memref_slice %arg3[%dma_start3A_1206, %multiple_of3A_1200] : memref<32x1000000xf32, #tpu.memory_space<hbm>> -> memref<32x128xf32, #tpu.memory_space<hbm>>
      %dma_start3A_1208 = arith.constant 0 : i32
      %dma_start3A_1209 = arith.constant 0 : i32
      %dma_start3A_1210 = tpu.memref_slice %arg7[%dma_start3A_1201, %dma_start3A_1208, %dma_start3A_1209] : memref<8x32x128xf32, #tpu.memory_space<vmem>> -> memref<1x32x128xf32, #tpu.memory_space<vmem>>
      %dma_start3A_1211 = tpu.memref_squeeze %dma_start3A_1210 : memref<1x32x128xf32, #tpu.memory_space<vmem>> -> memref<32x128xf32, #tpu.memory_space<vmem>>
      %dma_start3A_1212 = arith.constant 0 : i32
      %dma_start3A_1213 = tpu.memref_slice %arg3[%dma_start3A_1212, %multiple_of3A_1200] : memref<32x1000000xf32, #tpu.memory_space<hbm>> -> memref<32x128xf32, #tpu.memory_space<hbm>>
      tpu.enqueue_dma source(%dma_start3A_1213 : memref<32x128xf32, #tpu.memory_space<hbm>>) target(%dma_start3A_1211 : memref<32x128xf32, #tpu.memory_space<vmem>>) target_semaphore(%arg9 : memref<!tpu.dma_semaphore, #tpu.memory_space<semaphore_mem>>)
      %slice3A_1214 = vector.extract_strided_slice %get3A_1093 {offsets = [14], sizes = [1], strides = [1]} : vector<16xi32> to vector<1xi32>
      %squeeze3A_1215 = vector.extract %slice3A_1214[0] : i32 from vector<1xi32>
      %shift_right_arithmetic3A_1216 = arith.constant 7 : i32
      %shift_right_arithmetic3A_1217 = arith.shrsi %squeeze3A_1215, %shift_right_arithmetic3A_1216 : i32
      %shift_left3A_1218 = arith.constant 7 : i32
      %shift_left3A_1219 = arith.shli %shift_right_arithmetic3A_1217, %shift_left3A_1218 : i32
      %multiple_of3A_1220 = tpu.assume_multiple %shift_left3A_1219, 128 : i32
      %dma_start3A_1221 = arith.constant 6 : i32
      %dma_start3A_1222 = arith.constant 0 : i32
      %dma_start3A_1223 = arith.constant 0 : i32
      %dma_start3A_1224 = tpu.memref_slice %arg7[%dma_start3A_1221, %dma_start3A_1222, %dma_start3A_1223] : memref<8x32x128xf32, #tpu.memory_space<vmem>> -> memref<1x32x128xf32, #tpu.memory_space<vmem>>
      %dma_start3A_1225 = tpu.memref_squeeze %dma_start3A_1224 : memref<1x32x128xf32, #tpu.memory_space<vmem>> -> memref<32x128xf32, #tpu.memory_space<vmem>>
      %dma_start3A_1226 = arith.constant 0 : i32
      %dma_start3A_1227 = tpu.memref_slice %arg3[%dma_start3A_1226, %multiple_of3A_1220] : memref<32x1000000xf32, #tpu.memory_space<hbm>> -> memref<32x128xf32, #tpu.memory_space<hbm>>
      %dma_start3A_1228 = arith.constant 0 : i32
      %dma_start3A_1229 = arith.constant 0 : i32
      %dma_start3A_1230 = tpu.memref_slice %arg7[%dma_start3A_1221, %dma_start3A_1228, %dma_start3A_1229] : memref<8x32x128xf32, #tpu.memory_space<vmem>> -> memref<1x32x128xf32, #tpu.memory_space<vmem>>
      %dma_start3A_1231 = tpu.memref_squeeze %dma_start3A_1230 : memref<1x32x128xf32, #tpu.memory_space<vmem>> -> memref<32x128xf32, #tpu.memory_space<vmem>>
      %dma_start3A_1232 = arith.constant 0 : i32
      %dma_start3A_1233 = tpu.memref_slice %arg3[%dma_start3A_1232, %multiple_of3A_1220] : memref<32x1000000xf32, #tpu.memory_space<hbm>> -> memref<32x128xf32, #tpu.memory_space<hbm>>
      tpu.enqueue_dma source(%dma_start3A_1233 : memref<32x128xf32, #tpu.memory_space<hbm>>) target(%dma_start3A_1231 : memref<32x128xf32, #tpu.memory_space<vmem>>) target_semaphore(%arg9 : memref<!tpu.dma_semaphore, #tpu.memory_space<semaphore_mem>>)
      %slice3A_1234 = vector.extract_strided_slice %get3A_1093 {offsets = [15], sizes = [1], strides = [1]} : vector<16xi32> to vector<1xi32>
      %squeeze3A_1235 = vector.extract %slice3A_1234[0] : i32 from vector<1xi32>
      %shift_right_arithmetic3A_1236 = arith.constant 7 : i32
      %shift_right_arithmetic3A_1237 = arith.shrsi %squeeze3A_1235, %shift_right_arithmetic3A_1236 : i32
      %shift_left3A_1238 = arith.constant 7 : i32
      %shift_left3A_1239 = arith.shli %shift_right_arithmetic3A_1237, %shift_left3A_1238 : i32
      %multiple_of3A_1240 = tpu.assume_multiple %shift_left3A_1239, 128 : i32
      %dma_start3A_1241 = arith.constant 7 : i32
      %dma_start3A_1242 = arith.constant 0 : i32
      %dma_start3A_1243 = arith.constant 0 : i32
      %dma_start3A_1244 = tpu.memref_slice %arg7[%dma_start3A_1241, %dma_start3A_1242, %dma_start3A_1243] : memref<8x32x128xf32, #tpu.memory_space<vmem>> -> memref<1x32x128xf32, #tpu.memory_space<vmem>>
      %dma_start3A_1245 = tpu.memref_squeeze %dma_start3A_1244 : memref<1x32x128xf32, #tpu.memory_space<vmem>> -> memref<32x128xf32, #tpu.memory_space<vmem>>
      %dma_start3A_1246 = arith.constant 0 : i32
      %dma_start3A_1247 = tpu.memref_slice %arg3[%dma_start3A_1246, %multiple_of3A_1240] : memref<32x1000000xf32, #tpu.memory_space<hbm>> -> memref<32x128xf32, #tpu.memory_space<hbm>>
      %dma_start3A_1248 = arith.constant 0 : i32
      %dma_start3A_1249 = arith.constant 0 : i32
      %dma_start3A_1250 = tpu.memref_slice %arg7[%dma_start3A_1241, %dma_start3A_1248, %dma_start3A_1249] : memref<8x32x128xf32, #tpu.memory_space<vmem>> -> memref<1x32x128xf32, #tpu.memory_space<vmem>>
      %dma_start3A_1251 = tpu.memref_squeeze %dma_start3A_1250 : memref<1x32x128xf32, #tpu.memory_space<vmem>> -> memref<32x128xf32, #tpu.memory_space<vmem>>
      %dma_start3A_1252 = arith.constant 0 : i32
      %dma_start3A_1253 = tpu.memref_slice %arg3[%dma_start3A_1252, %multiple_of3A_1240] : memref<32x1000000xf32, #tpu.memory_space<hbm>> -> memref<32x128xf32, #tpu.memory_space<hbm>>
      tpu.enqueue_dma source(%dma_start3A_1253 : memref<32x128xf32, #tpu.memory_space<hbm>>) target(%dma_start3A_1251 : memref<32x128xf32, #tpu.memory_space<vmem>>) target_semaphore(%arg9 : memref<!tpu.dma_semaphore, #tpu.memory_space<semaphore_mem>>)
      %dma_wait3A_1254 = arith.constant 0 : i32
      %dma_wait3A_1255 = arith.constant 0 : i32
      %dma_wait3A_1256 = arith.constant 0 : i32
      %dma_wait3A_1257 = tpu.memref_slice %arg6[%dma_wait3A_1254, %dma_wait3A_1255, %dma_wait3A_1256] : memref<8x32x128xf32, #tpu.memory_space<vmem>> -> memref<1x32x128xf32, #tpu.memory_space<vmem>>
      %dma_wait3A_1258 = tpu.memref_squeeze %dma_wait3A_1257 : memref<1x32x128xf32, #tpu.memory_space<vmem>> -> memref<32x128xf32, #tpu.memory_space<vmem>>
      %dma_wait3A_1259 = arith.constant 0 : i32
      %dma_wait3A_1260 = arith.constant 0 : i32
      %dma_wait3A_1261 = tpu.memref_slice %arg3[%dma_wait3A_1259, %dma_wait3A_1260] : memref<32x1000000xf32, #tpu.memory_space<hbm>> -> memref<32x128xf32, #tpu.memory_space<hbm>>
      %dma_wait3A_1262 = arith.constant 0 : i32
      %dma_wait3A_1263 = arith.constant 0 : i32
      %dma_wait3A_1264 = tpu.memref_slice %arg6[%dma_wait3A_1254, %dma_wait3A_1262, %dma_wait3A_1263] : memref<8x32x128xf32, #tpu.memory_space<vmem>> -> memref<1x32x128xf32, #tpu.memory_space<vmem>>
      %dma_wait3A_1265 = tpu.memref_squeeze %dma_wait3A_1264 : memref<1x32x128xf32, #tpu.memory_space<vmem>> -> memref<32x128xf32, #tpu.memory_space<vmem>>
      %dma_wait3A_1266 = arith.constant 0 : i32
      %dma_wait3A_1267 = arith.constant 0 : i32
      %dma_wait3A_1268 = tpu.memref_slice %arg3[%dma_wait3A_1266, %dma_wait3A_1267] : memref<32x1000000xf32, #tpu.memory_space<hbm>> -> memref<32x128xf32, #tpu.memory_space<hbm>>
      tpu.wait_dma2 semaphore(%arg9 : memref<!tpu.dma_semaphore, #tpu.memory_space<semaphore_mem>>) src(%dma_wait3A_1268 : memref<32x128xf32, #tpu.memory_space<hbm>>) dst(%dma_wait3A_1265 : memref<32x128xf32, #tpu.memory_space<vmem>>)
      %dma_wait3A_1269 = arith.constant 1 : i32
      %dma_wait3A_1270 = arith.constant 0 : i32
      %dma_wait3A_1271 = arith.constant 0 : i32
      %dma_wait3A_1272 = tpu.memref_slice %arg6[%dma_wait3A_1269, %dma_wait3A_1270, %dma_wait3A_1271] : memref<8x32x128xf32, #tpu.memory_space<vmem>> -> memref<1x32x128xf32, #tpu.memory_space<vmem>>
      %dma_wait3A_1273 = tpu.memref_squeeze %dma_wait3A_1272 : memref<1x32x128xf32, #tpu.memory_space<vmem>> -> memref<32x128xf32, #tpu.memory_space<vmem>>
      %dma_wait3A_1274 = arith.constant 0 : i32
      %dma_wait3A_1275 = arith.constant 0 : i32
      %dma_wait3A_1276 = tpu.memref_slice %arg3[%dma_wait3A_1274, %dma_wait3A_1275] : memref<32x1000000xf32, #tpu.memory_space<hbm>> -> memref<32x128xf32, #tpu.memory_space<hbm>>
      %dma_wait3A_1277 = arith.constant 0 : i32
      %dma_wait3A_1278 = arith.constant 0 : i32
      %dma_wait3A_1279 = tpu.memref_slice %arg6[%dma_wait3A_1269, %dma_wait3A_1277, %dma_wait3A_1278] : memref<8x32x128xf32, #tpu.memory_space<vmem>> -> memref<1x32x128xf32, #tpu.memory_space<vmem>>
      %dma_wait3A_1280 = tpu.memref_squeeze %dma_wait3A_1279 : memref<1x32x128xf32, #tpu.memory_space<vmem>> -> memref<32x128xf32, #tpu.memory_space<vmem>>
      %dma_wait3A_1281 = arith.constant 0 : i32
      %dma_wait3A_1282 = arith.constant 0 : i32
      %dma_wait3A_1283 = tpu.memref_slice %arg3[%dma_wait3A_1281, %dma_wait3A_1282] : memref<32x1000000xf32, #tpu.memory_space<hbm>> -> memref<32x128xf32, #tpu.memory_space<hbm>>
      tpu.wait_dma2 semaphore(%arg9 : memref<!tpu.dma_semaphore, #tpu.memory_space<semaphore_mem>>) src(%dma_wait3A_1283 : memref<32x128xf32, #tpu.memory_space<hbm>>) dst(%dma_wait3A_1280 : memref<32x128xf32, #tpu.memory_space<vmem>>)
      %dma_wait3A_1284 = arith.constant 2 : i32
      %dma_wait3A_1285 = arith.constant 0 : i32
      %dma_wait3A_1286 = arith.constant 0 : i32
      %dma_wait3A_1287 = tpu.memref_slice %arg6[%dma_wait3A_1284, %dma_wait3A_1285, %dma_wait3A_1286] : memref<8x32x128xf32, #tpu.memory_space<vmem>> -> memref<1x32x128xf32, #tpu.memory_space<vmem>>
      %dma_wait3A_1288 = tpu.memref_squeeze %dma_wait3A_1287 : memref<1x32x128xf32, #tpu.memory_space<vmem>> -> memref<32x128xf32, #tpu.memory_space<vmem>>
      %dma_wait3A_1289 = arith.constant 0 : i32
      %dma_wait3A_1290 = arith.constant 0 : i32
      %dma_wait3A_1291 = tpu.memref_slice %arg3[%dma_wait3A_1289, %dma_wait3A_1290] : memref<32x1000000xf32, #tpu.memory_space<hbm>> -> memref<32x128xf32, #tpu.memory_space<hbm>>
      %dma_wait3A_1292 = arith.constant 0 : i32
      %dma_wait3A_1293 = arith.constant 0 : i32
      %dma_wait3A_1294 = tpu.memref_slice %arg6[%dma_wait3A_1284, %dma_wait3A_1292, %dma_wait3A_1293] : memref<8x32x128xf32, #tpu.memory_space<vmem>> -> memref<1x32x128xf32, #tpu.memory_space<vmem>>
      %dma_wait3A_1295 = tpu.memref_squeeze %dma_wait3A_1294 : memref<1x32x128xf32, #tpu.memory_space<vmem>> -> memref<32x128xf32, #tpu.memory_space<vmem>>
      %dma_wait3A_1296 = arith.constant 0 : i32
      %dma_wait3A_1297 = arith.constant 0 : i32
      %dma_wait3A_1298 = tpu.memref_slice %arg3[%dma_wait3A_1296, %dma_wait3A_1297] : memref<32x1000000xf32, #tpu.memory_space<hbm>> -> memref<32x128xf32, #tpu.memory_space<hbm>>
      tpu.wait_dma2 semaphore(%arg9 : memref<!tpu.dma_semaphore, #tpu.memory_space<semaphore_mem>>) src(%dma_wait3A_1298 : memref<32x128xf32, #tpu.memory_space<hbm>>) dst(%dma_wait3A_1295 : memref<32x128xf32, #tpu.memory_space<vmem>>)
      %dma_wait3A_1299 = arith.constant 3 : i32
      %dma_wait3A_1300 = arith.constant 0 : i32
      %dma_wait3A_1301 = arith.constant 0 : i32
      %dma_wait3A_1302 = tpu.memref_slice %arg6[%dma_wait3A_1299, %dma_wait3A_1300, %dma_wait3A_1301] : memref<8x32x128xf32, #tpu.memory_space<vmem>> -> memref<1x32x128xf32, #tpu.memory_space<vmem>>
      %dma_wait3A_1303 = tpu.memref_squeeze %dma_wait3A_1302 : memref<1x32x128xf32, #tpu.memory_space<vmem>> -> memref<32x128xf32, #tpu.memory_space<vmem>>
      %dma_wait3A_1304 = arith.constant 0 : i32
      %dma_wait3A_1305 = arith.constant 0 : i32
      %dma_wait3A_1306 = tpu.memref_slice %arg3[%dma_wait3A_1304, %dma_wait3A_1305] : memref<32x1000000xf32, #tpu.memory_space<hbm>> -> memref<32x128xf32, #tpu.memory_space<hbm>>
      %dma_wait3A_1307 = arith.constant 0 : i32
      %dma_wait3A_1308 = arith.constant 0 : i32
      %dma_wait3A_1309 = tpu.memref_slice %arg6[%dma_wait3A_1299, %dma_wait3A_1307, %dma_wait3A_1308] : memref<8x32x128xf32, #tpu.memory_space<vmem>> -> memref<1x32x128xf32, #tpu.memory_space<vmem>>
      %dma_wait3A_1310 = tpu.memref_squeeze %dma_wait3A_1309 : memref<1x32x128xf32, #tpu.memory_space<vmem>> -> memref<32x128xf32, #tpu.memory_space<vmem>>
      %dma_wait3A_1311 = arith.constant 0 : i32
      %dma_wait3A_1312 = arith.constant 0 : i32
      %dma_wait3A_1313 = tpu.memref_slice %arg3[%dma_wait3A_1311, %dma_wait3A_1312] : memref<32x1000000xf32, #tpu.memory_space<hbm>> -> memref<32x128xf32, #tpu.memory_space<hbm>>
      tpu.wait_dma2 semaphore(%arg9 : memref<!tpu.dma_semaphore, #tpu.memory_space<semaphore_mem>>) src(%dma_wait3A_1313 : memref<32x128xf32, #tpu.memory_space<hbm>>) dst(%dma_wait3A_1310 : memref<32x128xf32, #tpu.memory_space<vmem>>)
      %dma_wait3A_1314 = arith.constant 4 : i32
      %dma_wait3A_1315 = arith.constant 0 : i32
      %dma_wait3A_1316 = arith.constant 0 : i32
      %dma_wait3A_1317 = tpu.memref_slice %arg6[%dma_wait3A_1314, %dma_wait3A_1315, %dma_wait3A_1316] : memref<8x32x128xf32, #tpu.memory_space<vmem>> -> memref<1x32x128xf32, #tpu.memory_space<vmem>>
      %dma_wait3A_1318 = tpu.memref_squeeze %dma_wait3A_1317 : memref<1x32x128xf32, #tpu.memory_space<vmem>> -> memref<32x128xf32, #tpu.memory_space<vmem>>
      %dma_wait3A_1319 = arith.constant 0 : i32
      %dma_wait3A_1320 = arith.constant 0 : i32
      %dma_wait3A_1321 = tpu.memref_slice %arg3[%dma_wait3A_1319, %dma_wait3A_1320] : memref<32x1000000xf32, #tpu.memory_space<hbm>> -> memref<32x128xf32, #tpu.memory_space<hbm>>
      %dma_wait3A_1322 = arith.constant 0 : i32
      %dma_wait3A_1323 = arith.constant 0 : i32
      %dma_wait3A_1324 = tpu.memref_slice %arg6[%dma_wait3A_1314, %dma_wait3A_1322, %dma_wait3A_1323] : memref<8x32x128xf32, #tpu.memory_space<vmem>> -> memref<1x32x128xf32, #tpu.memory_space<vmem>>
      %dma_wait3A_1325 = tpu.memref_squeeze %dma_wait3A_1324 : memref<1x32x128xf32, #tpu.memory_space<vmem>> -> memref<32x128xf32, #tpu.memory_space<vmem>>
      %dma_wait3A_1326 = arith.constant 0 : i32
      %dma_wait3A_1327 = arith.constant 0 : i32
      %dma_wait3A_1328 = tpu.memref_slice %arg3[%dma_wait3A_1326, %dma_wait3A_1327] : memref<32x1000000xf32, #tpu.memory_space<hbm>> -> memref<32x128xf32, #tpu.memory_space<hbm>>
      tpu.wait_dma2 semaphore(%arg9 : memref<!tpu.dma_semaphore, #tpu.memory_space<semaphore_mem>>) src(%dma_wait3A_1328 : memref<32x128xf32, #tpu.memory_space<hbm>>) dst(%dma_wait3A_1325 : memref<32x128xf32, #tpu.memory_space<vmem>>)
      %dma_wait3A_1329 = arith.constant 5 : i32
      %dma_wait3A_1330 = arith.constant 0 : i32
      %dma_wait3A_1331 = arith.constant 0 : i32
      %dma_wait3A_1332 = tpu.memref_slice %arg6[%dma_wait3A_1329, %dma_wait3A_1330, %dma_wait3A_1331] : memref<8x32x128xf32, #tpu.memory_space<vmem>> -> memref<1x32x128xf32, #tpu.memory_space<vmem>>
      %dma_wait3A_1333 = tpu.memref_squeeze %dma_wait3A_1332 : memref<1x32x128xf32, #tpu.memory_space<vmem>> -> memref<32x128xf32, #tpu.memory_space<vmem>>
      %dma_wait3A_1334 = arith.constant 0 : i32
      %dma_wait3A_1335 = arith.constant 0 : i32
      %dma_wait3A_1336 = tpu.memref_slice %arg3[%dma_wait3A_1334, %dma_wait3A_1335] : memref<32x1000000xf32, #tpu.memory_space<hbm>> -> memref<32x128xf32, #tpu.memory_space<hbm>>
      %dma_wait3A_1337 = arith.constant 0 : i32
      %dma_wait3A_1338 = arith.constant 0 : i32
      %dma_wait3A_1339 = tpu.memref_slice %arg6[%dma_wait3A_1329, %dma_wait3A_1337, %dma_wait3A_1338] : memref<8x32x128xf32, #tpu.memory_space<vmem>> -> memref<1x32x128xf32, #tpu.memory_space<vmem>>
      %dma_wait3A_1340 = tpu.memref_squeeze %dma_wait3A_1339 : memref<1x32x128xf32, #tpu.memory_space<vmem>> -> memref<32x128xf32, #tpu.memory_space<vmem>>
      %dma_wait3A_1341 = arith.constant 0 : i32
      %dma_wait3A_1342 = arith.constant 0 : i32
      %dma_wait3A_1343 = tpu.memref_slice %arg3[%dma_wait3A_1341, %dma_wait3A_1342] : memref<32x1000000xf32, #tpu.memory_space<hbm>> -> memref<32x128xf32, #tpu.memory_space<hbm>>
      tpu.wait_dma2 semaphore(%arg9 : memref<!tpu.dma_semaphore, #tpu.memory_space<semaphore_mem>>) src(%dma_wait3A_1343 : memref<32x128xf32, #tpu.memory_space<hbm>>) dst(%dma_wait3A_1340 : memref<32x128xf32, #tpu.memory_space<vmem>>)
      %dma_wait3A_1344 = arith.constant 6 : i32
      %dma_wait3A_1345 = arith.constant 0 : i32
      %dma_wait3A_1346 = arith.constant 0 : i32
      %dma_wait3A_1347 = tpu.memref_slice %arg6[%dma_wait3A_1344, %dma_wait3A_1345, %dma_wait3A_1346] : memref<8x32x128xf32, #tpu.memory_space<vmem>> -> memref<1x32x128xf32, #tpu.memory_space<vmem>>
      %dma_wait3A_1348 = tpu.memref_squeeze %dma_wait3A_1347 : memref<1x32x128xf32, #tpu.memory_space<vmem>> -> memref<32x128xf32, #tpu.memory_space<vmem>>
      %dma_wait3A_1349 = arith.constant 0 : i32
      %dma_wait3A_1350 = arith.constant 0 : i32
      %dma_wait3A_1351 = tpu.memref_slice %arg3[%dma_wait3A_1349, %dma_wait3A_1350] : memref<32x1000000xf32, #tpu.memory_space<hbm>> -> memref<32x128xf32, #tpu.memory_space<hbm>>
      %dma_wait3A_1352 = arith.constant 0 : i32
      %dma_wait3A_1353 = arith.constant 0 : i32
      %dma_wait3A_1354 = tpu.memref_slice %arg6[%dma_wait3A_1344, %dma_wait3A_1352, %dma_wait3A_1353] : memref<8x32x128xf32, #tpu.memory_space<vmem>> -> memref<1x32x128xf32, #tpu.memory_space<vmem>>
      %dma_wait3A_1355 = tpu.memref_squeeze %dma_wait3A_1354 : memref<1x32x128xf32, #tpu.memory_space<vmem>> -> memref<32x128xf32, #tpu.memory_space<vmem>>
      %dma_wait3A_1356 = arith.constant 0 : i32
      %dma_wait3A_1357 = arith.constant 0 : i32
      %dma_wait3A_1358 = tpu.memref_slice %arg3[%dma_wait3A_1356, %dma_wait3A_1357] : memref<32x1000000xf32, #tpu.memory_space<hbm>> -> memref<32x128xf32, #tpu.memory_space<hbm>>
      tpu.wait_dma2 semaphore(%arg9 : memref<!tpu.dma_semaphore, #tpu.memory_space<semaphore_mem>>) src(%dma_wait3A_1358 : memref<32x128xf32, #tpu.memory_space<hbm>>) dst(%dma_wait3A_1355 : memref<32x128xf32, #tpu.memory_space<vmem>>)
      %dma_wait3A_1359 = arith.constant 7 : i32
      %dma_wait3A_1360 = arith.constant 0 : i32
      %dma_wait3A_1361 = arith.constant 0 : i32
      %dma_wait3A_1362 = tpu.memref_slice %arg6[%dma_wait3A_1359, %dma_wait3A_1360, %dma_wait3A_1361] : memref<8x32x128xf32, #tpu.memory_space<vmem>> -> memref<1x32x128xf32, #tpu.memory_space<vmem>>
      %dma_wait3A_1363 = tpu.memref_squeeze %dma_wait3A_1362 : memref<1x32x128xf32, #tpu.memory_space<vmem>> -> memref<32x128xf32, #tpu.memory_space<vmem>>
      %dma_wait3A_1364 = arith.constant 0 : i32
      %dma_wait3A_1365 = arith.constant 0 : i32
      %dma_wait3A_1366 = tpu.memref_slice %arg3[%dma_wait3A_1364, %dma_wait3A_1365] : memref<32x1000000xf32, #tpu.memory_space<hbm>> -> memref<32x128xf32, #tpu.memory_space<hbm>>
      %dma_wait3A_1367 = arith.constant 0 : i32
      %dma_wait3A_1368 = arith.constant 0 : i32
      %dma_wait3A_1369 = tpu.memref_slice %arg6[%dma_wait3A_1359, %dma_wait3A_1367, %dma_wait3A_1368] : memref<8x32x128xf32, #tpu.memory_space<vmem>> -> memref<1x32x128xf32, #tpu.memory_space<vmem>>
      %dma_wait3A_1370 = tpu.memref_squeeze %dma_wait3A_1369 : memref<1x32x128xf32, #tpu.memory_space<vmem>> -> memref<32x128xf32, #tpu.memory_space<vmem>>
      %dma_wait3A_1371 = arith.constant 0 : i32
      %dma_wait3A_1372 = arith.constant 0 : i32
      %dma_wait3A_1373 = tpu.memref_slice %arg3[%dma_wait3A_1371, %dma_wait3A_1372] : memref<32x1000000xf32, #tpu.memory_space<hbm>> -> memref<32x128xf32, #tpu.memory_space<hbm>>
      tpu.wait_dma2 semaphore(%arg9 : memref<!tpu.dma_semaphore, #tpu.memory_space<semaphore_mem>>) src(%dma_wait3A_1373 : memref<32x128xf32, #tpu.memory_space<hbm>>) dst(%dma_wait3A_1370 : memref<32x128xf32, #tpu.memory_space<vmem>>)
      %mul3A_1374 = arith.constant 4 : i32
      %mul3A_1375 = arith.muli %scan3A_162, %mul3A_1374 : i32
      %add3A_1376 = arith.constant 1 : i32
      %add3A_1377 = arith.addi %mul3A_1375, %add3A_1376 : i32
      %mul3A_1378 = arith.constant 16 : i32
      %mul3A_1379 = arith.muli %add3A_1377, %mul3A_1378 : i32
      %get3A_1380 = arith.index_cast %mul3A_1379 : i32 to index
      %get3A_1381 = tpu.vector_load %arg5[%get3A_1380] {strides = array<i32>} : memref<512xi32, #tpu.memory_space<vmem>>, vector<16xi32>,
      %slice3A_1382 = vector.extract_strided_slice %get3A_1381 {offsets = [0], sizes = [1], strides = [1]} : vector<16xi32> to vector<1xi32>
      %squeeze3A_1383 = vector.extract %slice3A_1382[0] : i32 from vector<1xi32>
      %and3A_1384 = arith.constant 127 : i32
      %and3A_1385 = arith.andi %squeeze3A_1383, %and3A_1384 : i32
      %broadcast_in_dim3A_1386 = vector.broadcast %and3A_1385 : i32 to vector<16xi32>
      %broadcast_in_dim3A_1387 = arith.constant 0 : i32
      %broadcast_in_dim3A_1388 = vector.broadcast %broadcast_in_dim3A_1387 : i32 to vector<16xi32>
      %gather3A_1389 = tpu.vector_load_idx %arg6[%broadcast_in_dim3A_1388, %iota3A, %broadcast_in_dim3A_1386] : memref<8x32x128xf32, #tpu.memory_space<vmem>>[vector<16xi32>, vector<16xi32>, vector<16xi32>], vector<16xf32>,
      %swap3A_1390 = arith.constant 0 : i32
      %swap3A_1391 = arith.index_cast %swap3A_1390 : i32 to index
      %swap3A_1392 = arith.constant 0 : index
      %swap3A_1393 = tpu.vector_load %arg8[%swap3A_1391, %swap3A_1392] {strides = array<i32>} : memref<8x32xf32, #tpu.memory_space<vmem>>, vector<16xf32>,
      tpu.vector_store %arg8[%swap3A_1391, %swap3A_1392], %gather3A_1389 {strides = array<i32>} : memref<8x32xf32, #tpu.memory_space<vmem>>, vector<16xf32>,
      %add3A_1394 = arith.constant 16 : i32
      %add3A_1395 = vector.broadcast %add3A_1394 : i32 to vector<16xi32>
      %add3A_1396 = arith.addi %iota3A, %add3A_1395 : vector<16xi32>
      %gather3A_1397 = tpu.vector_load_idx %arg6[%broadcast_in_dim3A_1388, %add3A_1396, %broadcast_in_dim3A_1386] : memref<8x32x128xf32, #tpu.memory_space<vmem>>[vector<16xi32>, vector<16xi32>, vector<16xi32>], vector<16xf32>,
      %swap3A_1398 = arith.constant 0 : i32
      %swap3A_1399 = arith.index_cast %swap3A_1398 : i32 to index
      %swap3A_1400 = arith.constant 16 : index
      %swap3A_1401 = tpu.vector_load %arg8[%swap3A_1399, %swap3A_1400] {strides = array<i32>} : memref<8x32xf32, #tpu.memory_space<vmem>>, vector<16xf32>,
      tpu.vector_store %arg8[%swap3A_1399, %swap3A_1400], %gather3A_1397 {strides = array<i32>} : memref<8x32xf32, #tpu.memory_space<vmem>>, vector<16xf32>,
      %slice3A_1402 = vector.extract_strided_slice %get3A_1381 {offsets = [1], sizes = [1], strides = [1]} : vector<16xi32> to vector<1xi32>
      %squeeze3A_1403 = vector.extract %slice3A_1402[0] : i32 from vector<1xi32>
      %and3A_1404 = arith.constant 127 : i32
      %and3A_1405 = arith.andi %squeeze3A_1403, %and3A_1404 : i32
      %broadcast_in_dim3A_1406 = vector.broadcast %and3A_1405 : i32 to vector<16xi32>
      %broadcast_in_dim3A_1407 = arith.constant 1 : i32
      %broadcast_in_dim3A_1408 = vector.broadcast %broadcast_in_dim3A_1407 : i32 to vector<16xi32>
      %gather3A_1409 = tpu.vector_load_idx %arg6[%broadcast_in_dim3A_1408, %iota3A, %broadcast_in_dim3A_1406] : memref<8x32x128xf32, #tpu.memory_space<vmem>>[vector<16xi32>, vector<16xi32>, vector<16xi32>], vector<16xf32>,
      %swap3A_1410 = arith.constant 1 : i32
      %swap3A_1411 = arith.index_cast %swap3A_1410 : i32 to index
      %swap3A_1412 = arith.constant 0 : index
      %swap3A_1413 = tpu.vector_load %arg8[%swap3A_1411, %swap3A_1412] {strides = array<i32>} : memref<8x32xf32, #tpu.memory_space<vmem>>, vector<16xf32>,
      tpu.vector_store %arg8[%swap3A_1411, %swap3A_1412], %gather3A_1409 {strides = array<i32>} : memref<8x32xf32, #tpu.memory_space<vmem>>, vector<16xf32>,
      %add3A_1414 = arith.constant 16 : i32
      %add3A_1415 = vector.broadcast %add3A_1414 : i32 to vector<16xi32>
      %add3A_1416 = arith.addi %iota3A, %add3A_1415 : vector<16xi32>
      %gather3A_1417 = tpu.vector_load_idx %arg6[%broadcast_in_dim3A_1408, %add3A_1416, %broadcast_in_dim3A_1406] : memref<8x32x128xf32, #tpu.memory_space<vmem>>[vector<16xi32>, vector<16xi32>, vector<16xi32>], vector<16xf32>,
      %swap3A_1418 = arith.constant 1 : i32
      %swap3A_1419 = arith.index_cast %swap3A_1418 : i32 to index
      %swap3A_1420 = arith.constant 16 : index
      %swap3A_1421 = tpu.vector_load %arg8[%swap3A_1419, %swap3A_1420] {strides = array<i32>} : memref<8x32xf32, #tpu.memory_space<vmem>>, vector<16xf32>,
      tpu.vector_store %arg8[%swap3A_1419, %swap3A_1420], %gather3A_1417 {strides = array<i32>} : memref<8x32xf32, #tpu.memory_space<vmem>>, vector<16xf32>,
      %slice3A_1422 = vector.extract_strided_slice %get3A_1381 {offsets = [2], sizes = [1], strides = [1]} : vector<16xi32> to vector<1xi32>
      %squeeze3A_1423 = vector.extract %slice3A_1422[0] : i32 from vector<1xi32>
      %and3A_1424 = arith.constant 127 : i32
      %and3A_1425 = arith.andi %squeeze3A_1423, %and3A_1424 : i32
      %broadcast_in_dim3A_1426 = vector.broadcast %and3A_1425 : i32 to vector<16xi32>
      %broadcast_in_dim3A_1427 = arith.constant 2 : i32
      %broadcast_in_dim3A_1428 = vector.broadcast %broadcast_in_dim3A_1427 : i32 to vector<16xi32>
      %gather3A_1429 = tpu.vector_load_idx %arg6[%broadcast_in_dim3A_1428, %iota3A, %broadcast_in_dim3A_1426] : memref<8x32x128xf32, #tpu.memory_space<vmem>>[vector<16xi32>, vector<16xi32>, vector<16xi32>], vector<16xf32>,
      %swap3A_1430 = arith.constant 2 : i32
      %swap3A_1431 = arith.index_cast %swap3A_1430 : i32 to index
      %swap3A_1432 = arith.constant 0 : index
      %swap3A_1433 = tpu.vector_load %arg8[%swap3A_1431, %swap3A_1432] {strides = array<i32>} : memref<8x32xf32, #tpu.memory_space<vmem>>, vector<16xf32>,
      tpu.vector_store %arg8[%swap3A_1431, %swap3A_1432], %gather3A_1429 {strides = array<i32>} : memref<8x32xf32, #tpu.memory_space<vmem>>, vector<16xf32>,
      %add3A_1434 = arith.constant 16 : i32
      %add3A_1435 = vector.broadcast %add3A_1434 : i32 to vector<16xi32>
      %add3A_1436 = arith.addi %iota3A, %add3A_1435 : vector<16xi32>
      %gather3A_1437 = tpu.vector_load_idx %arg6[%broadcast_in_dim3A_1428, %add3A_1436, %broadcast_in_dim3A_1426] : memref<8x32x128xf32, #tpu.memory_space<vmem>>[vector<16xi32>, vector<16xi32>, vector<16xi32>], vector<16xf32>,
      %swap3A_1438 = arith.constant 2 : i32
      %swap3A_1439 = arith.index_cast %swap3A_1438 : i32 to index
      %swap3A_1440 = arith.constant 16 : index
      %swap3A_1441 = tpu.vector_load %arg8[%swap3A_1439, %swap3A_1440] {strides = array<i32>} : memref<8x32xf32, #tpu.memory_space<vmem>>, vector<16xf32>,
      tpu.vector_store %arg8[%swap3A_1439, %swap3A_1440], %gather3A_1437 {strides = array<i32>} : memref<8x32xf32, #tpu.memory_space<vmem>>, vector<16xf32>,
      %slice3A_1442 = vector.extract_strided_slice %get3A_1381 {offsets = [3], sizes = [1], strides = [1]} : vector<16xi32> to vector<1xi32>
      %squeeze3A_1443 = vector.extract %slice3A_1442[0] : i32 from vector<1xi32>
      %and3A_1444 = arith.constant 127 : i32
      %and3A_1445 = arith.andi %squeeze3A_1443, %and3A_1444 : i32
      %broadcast_in_dim3A_1446 = vector.broadcast %and3A_1445 : i32 to vector<16xi32>
      %broadcast_in_dim3A_1447 = arith.constant 3 : i32
      %broadcast_in_dim3A_1448 = vector.broadcast %broadcast_in_dim3A_1447 : i32 to vector<16xi32>
      %gather3A_1449 = tpu.vector_load_idx %arg6[%broadcast_in_dim3A_1448, %iota3A, %broadcast_in_dim3A_1446] : memref<8x32x128xf32, #tpu.memory_space<vmem>>[vector<16xi32>, vector<16xi32>, vector<16xi32>], vector<16xf32>,
      %swap3A_1450 = arith.constant 3 : i32
      %swap3A_1451 = arith.index_cast %swap3A_1450 : i32 to index
      %swap3A_1452 = arith.constant 0 : index
      %swap3A_1453 = tpu.vector_load %arg8[%swap3A_1451, %swap3A_1452] {strides = array<i32>} : memref<8x32xf32, #tpu.memory_space<vmem>>, vector<16xf32>,
      tpu.vector_store %arg8[%swap3A_1451, %swap3A_1452], %gather3A_1449 {strides = array<i32>} : memref<8x32xf32, #tpu.memory_space<vmem>>, vector<16xf32>,
      %add3A_1454 = arith.constant 16 : i32
      %add3A_1455 = vector.broadcast %add3A_1454 : i32 to vector<16xi32>
      %add3A_1456 = arith.addi %iota3A, %add3A_1455 : vector<16xi32>
      %gather3A_1457 = tpu.vector_load_idx %arg6[%broadcast_in_dim3A_1448, %add3A_1456, %broadcast_in_dim3A_1446] : memref<8x32x128xf32, #tpu.memory_space<vmem>>[vector<16xi32>, vector<16xi32>, vector<16xi32>], vector<16xf32>,
      %swap3A_1458 = arith.constant 3 : i32
      %swap3A_1459 = arith.index_cast %swap3A_1458 : i32 to index
      %swap3A_1460 = arith.constant 16 : index
      %swap3A_1461 = tpu.vector_load %arg8[%swap3A_1459, %swap3A_1460] {strides = array<i32>} : memref<8x32xf32, #tpu.memory_space<vmem>>, vector<16xf32>,
      tpu.vector_store %arg8[%swap3A_1459, %swap3A_1460], %gather3A_1457 {strides = array<i32>} : memref<8x32xf32, #tpu.memory_space<vmem>>, vector<16xf32>,
      %slice3A_1462 = vector.extract_strided_slice %get3A_1381 {offsets = [4], sizes = [1], strides = [1]} : vector<16xi32> to vector<1xi32>
      %squeeze3A_1463 = vector.extract %slice3A_1462[0] : i32 from vector<1xi32>
      %and3A_1464 = arith.constant 127 : i32
      %and3A_1465 = arith.andi %squeeze3A_1463, %and3A_1464 : i32
      %broadcast_in_dim3A_1466 = vector.broadcast %and3A_1465 : i32 to vector<16xi32>
      %broadcast_in_dim3A_1467 = arith.constant 4 : i32
      %broadcast_in_dim3A_1468 = vector.broadcast %broadcast_in_dim3A_1467 : i32 to vector<16xi32>
      %gather3A_1469 = tpu.vector_load_idx %arg6[%broadcast_in_dim3A_1468, %iota3A, %broadcast_in_dim3A_1466] : memref<8x32x128xf32, #tpu.memory_space<vmem>>[vector<16xi32>, vector<16xi32>, vector<16xi32>], vector<16xf32>,
      %swap3A_1470 = arith.constant 4 : i32
      %swap3A_1471 = arith.index_cast %swap3A_1470 : i32 to index
      %swap3A_1472 = arith.constant 0 : index
      %swap3A_1473 = tpu.vector_load %arg8[%swap3A_1471, %swap3A_1472] {strides = array<i32>} : memref<8x32xf32, #tpu.memory_space<vmem>>, vector<16xf32>,
      tpu.vector_store %arg8[%swap3A_1471, %swap3A_1472], %gather3A_1469 {strides = array<i32>} : memref<8x32xf32, #tpu.memory_space<vmem>>, vector<16xf32>,
      %add3A_1474 = arith.constant 16 : i32
      %add3A_1475 = vector.broadcast %add3A_1474 : i32 to vector<16xi32>
      %add3A_1476 = arith.addi %iota3A, %add3A_1475 : vector<16xi32>
      %gather3A_1477 = tpu.vector_load_idx %arg6[%broadcast_in_dim3A_1468, %add3A_1476, %broadcast_in_dim3A_1466] : memref<8x32x128xf32, #tpu.memory_space<vmem>>[vector<16xi32>, vector<16xi32>, vector<16xi32>], vector<16xf32>,
      %swap3A_1478 = arith.constant 4 : i32
      %swap3A_1479 = arith.index_cast %swap3A_1478 : i32 to index
      %swap3A_1480 = arith.constant 16 : index
      %swap3A_1481 = tpu.vector_load %arg8[%swap3A_1479, %swap3A_1480] {strides = array<i32>} : memref<8x32xf32, #tpu.memory_space<vmem>>, vector<16xf32>,
      tpu.vector_store %arg8[%swap3A_1479, %swap3A_1480], %gather3A_1477 {strides = array<i32>} : memref<8x32xf32, #tpu.memory_space<vmem>>, vector<16xf32>,
      %slice3A_1482 = vector.extract_strided_slice %get3A_1381 {offsets = [5], sizes = [1], strides = [1]} : vector<16xi32> to vector<1xi32>
      %squeeze3A_1483 = vector.extract %slice3A_1482[0] : i32 from vector<1xi32>
      %and3A_1484 = arith.constant 127 : i32
      %and3A_1485 = arith.andi %squeeze3A_1483, %and3A_1484 : i32
      %broadcast_in_dim3A_1486 = vector.broadcast %and3A_1485 : i32 to vector<16xi32>
      %broadcast_in_dim3A_1487 = arith.constant 5 : i32
      %broadcast_in_dim3A_1488 = vector.broadcast %broadcast_in_dim3A_1487 : i32 to vector<16xi32>
      %gather3A_1489 = tpu.vector_load_idx %arg6[%broadcast_in_dim3A_1488, %iota3A, %broadcast_in_dim3A_1486] : memref<8x32x128xf32, #tpu.memory_space<vmem>>[vector<16xi32>, vector<16xi32>, vector<16xi32>], vector<16xf32>,
      %swap3A_1490 = arith.constant 5 : i32
      %swap3A_1491 = arith.index_cast %swap3A_1490 : i32 to index
      %swap3A_1492 = arith.constant 0 : index
      %swap3A_1493 = tpu.vector_load %arg8[%swap3A_1491, %swap3A_1492] {strides = array<i32>} : memref<8x32xf32, #tpu.memory_space<vmem>>, vector<16xf32>,
      tpu.vector_store %arg8[%swap3A_1491, %swap3A_1492], %gather3A_1489 {strides = array<i32>} : memref<8x32xf32, #tpu.memory_space<vmem>>, vector<16xf32>,
      %add3A_1494 = arith.constant 16 : i32
      %add3A_1495 = vector.broadcast %add3A_1494 : i32 to vector<16xi32>
      %add3A_1496 = arith.addi %iota3A, %add3A_1495 : vector<16xi32>
      %gather3A_1497 = tpu.vector_load_idx %arg6[%broadcast_in_dim3A_1488, %add3A_1496, %broadcast_in_dim3A_1486] : memref<8x32x128xf32, #tpu.memory_space<vmem>>[vector<16xi32>, vector<16xi32>, vector<16xi32>], vector<16xf32>,
      %swap3A_1498 = arith.constant 5 : i32
      %swap3A_1499 = arith.index_cast %swap3A_1498 : i32 to index
      %swap3A_1500 = arith.constant 16 : index
      %swap3A_1501 = tpu.vector_load %arg8[%swap3A_1499, %swap3A_1500] {strides = array<i32>} : memref<8x32xf32, #tpu.memory_space<vmem>>, vector<16xf32>,
      tpu.vector_store %arg8[%swap3A_1499, %swap3A_1500], %gather3A_1497 {strides = array<i32>} : memref<8x32xf32, #tpu.memory_space<vmem>>, vector<16xf32>,
      %slice3A_1502 = vector.extract_strided_slice %get3A_1381 {offsets = [6], sizes = [1], strides = [1]} : vector<16xi32> to vector<1xi32>
      %squeeze3A_1503 = vector.extract %slice3A_1502[0] : i32 from vector<1xi32>
      %and3A_1504 = arith.constant 127 : i32
      %and3A_1505 = arith.andi %squeeze3A_1503, %and3A_1504 : i32
      %broadcast_in_dim3A_1506 = vector.broadcast %and3A_1505 : i32 to vector<16xi32>
      %broadcast_in_dim3A_1507 = arith.constant 6 : i32
      %broadcast_in_dim3A_1508 = vector.broadcast %broadcast_in_dim3A_1507 : i32 to vector<16xi32>
      %gather3A_1509 = tpu.vector_load_idx %arg6[%broadcast_in_dim3A_1508, %iota3A, %broadcast_in_dim3A_1506] : memref<8x32x128xf32, #tpu.memory_space<vmem>>[vector<16xi32>, vector<16xi32>, vector<16xi32>], vector<16xf32>,
      %swap3A_1510 = arith.constant 6 : i32
      %swap3A_1511 = arith.index_cast %swap3A_1510 : i32 to index
      %swap3A_1512 = arith.constant 0 : index
      %swap3A_1513 = tpu.vector_load %arg8[%swap3A_1511, %swap3A_1512] {strides = array<i32>} : memref<8x32xf32, #tpu.memory_space<vmem>>, vector<16xf32>,
      tpu.vector_store %arg8[%swap3A_1511, %swap3A_1512], %gather3A_1509 {strides = array<i32>} : memref<8x32xf32, #tpu.memory_space<vmem>>, vector<16xf32>,
      %add3A_1514 = arith.constant 16 : i32
      %add3A_1515 = vector.broadcast %add3A_1514 : i32 to vector<16xi32>
      %add3A_1516 = arith.addi %iota3A, %add3A_1515 : vector<16xi32>
      %gather3A_1517 = tpu.vector_load_idx %arg6[%broadcast_in_dim3A_1508, %add3A_1516, %broadcast_in_dim3A_1506] : memref<8x32x128xf32, #tpu.memory_space<vmem>>[vector<16xi32>, vector<16xi32>, vector<16xi32>], vector<16xf32>,
      %swap3A_1518 = arith.constant 6 : i32
      %swap3A_1519 = arith.index_cast %swap3A_1518 : i32 to index
      %swap3A_1520 = arith.constant 16 : index
      %swap3A_1521 = tpu.vector_load %arg8[%swap3A_1519, %swap3A_1520] {strides = array<i32>} : memref<8x32xf32, #tpu.memory_space<vmem>>, vector<16xf32>,
      tpu.vector_store %arg8[%swap3A_1519, %swap3A_1520], %gather3A_1517 {strides = array<i32>} : memref<8x32xf32, #tpu.memory_space<vmem>>, vector<16xf32>,
      %slice3A_1522 = vector.extract_strided_slice %get3A_1381 {offsets = [7], sizes = [1], strides = [1]} : vector<16xi32> to vector<1xi32>
      %squeeze3A_1523 = vector.extract %slice3A_1522[0] : i32 from vector<1xi32>
      %and3A_1524 = arith.constant 127 : i32
      %and3A_1525 = arith.andi %squeeze3A_1523, %and3A_1524 : i32
      %broadcast_in_dim3A_1526 = vector.broadcast %and3A_1525 : i32 to vector<16xi32>
      %broadcast_in_dim3A_1527 = arith.constant 7 : i32
      %broadcast_in_dim3A_1528 = vector.broadcast %broadcast_in_dim3A_1527 : i32 to vector<16xi32>
      %gather3A_1529 = tpu.vector_load_idx %arg6[%broadcast_in_dim3A_1528, %iota3A, %broadcast_in_dim3A_1526] : memref<8x32x128xf32, #tpu.memory_space<vmem>>[vector<16xi32>, vector<16xi32>, vector<16xi32>], vector<16xf32>,
      %swap3A_1530 = arith.constant 7 : i32
      %swap3A_1531 = arith.index_cast %swap3A_1530 : i32 to index
      %swap3A_1532 = arith.constant 0 : index
      %swap3A_1533 = tpu.vector_load %arg8[%swap3A_1531, %swap3A_1532] {strides = array<i32>} : memref<8x32xf32, #tpu.memory_space<vmem>>, vector<16xf32>,
      tpu.vector_store %arg8[%swap3A_1531, %swap3A_1532], %gather3A_1529 {strides = array<i32>} : memref<8x32xf32, #tpu.memory_space<vmem>>, vector<16xf32>,
      %add3A_1534 = arith.constant 16 : i32
      %add3A_1535 = vector.broadcast %add3A_1534 : i32 to vector<16xi32>
      %add3A_1536 = arith.addi %iota3A, %add3A_1535 : vector<16xi32>
      %gather3A_1537 = tpu.vector_load_idx %arg6[%broadcast_in_dim3A_1528, %add3A_1536, %broadcast_in_dim3A_1526] : memref<8x32x128xf32, #tpu.memory_space<vmem>>[vector<16xi32>, vector<16xi32>, vector<16xi32>], vector<16xf32>,
      %swap3A_1538 = arith.constant 7 : i32
      %swap3A_1539 = arith.index_cast %swap3A_1538 : i32 to index
      %swap3A_1540 = arith.constant 16 : index
      %swap3A_1541 = tpu.vector_load %arg8[%swap3A_1539, %swap3A_1540] {strides = array<i32>} : memref<8x32xf32, #tpu.memory_space<vmem>>, vector<16xf32>,
      tpu.vector_store %arg8[%swap3A_1539, %swap3A_1540], %gather3A_1537 {strides = array<i32>} : memref<8x32xf32, #tpu.memory_space<vmem>>, vector<16xf32>,
      %mul3A_1542 = arith.constant 8 : i32
      %mul3A_1543 = arith.muli %scan3A_162, %mul3A_1542 : i32
      %add3A_1544 = arith.constant 2 : i32
      %add3A_1545 = arith.addi %mul3A_1543, %add3A_1544 : i32
      %mul3A_1546 = arith.constant 8 : i32
      %mul3A_1547 = arith.muli %add3A_1545, %mul3A_1546 : i32
      %add3A_1548 = arith.addi %mul3A_2, %mul3A_1547 : i32
      %multiple_of3A_1549 = tpu.assume_multiple %add3A_1548, 8 : i32
      "tpu.region"() ({
        %run_scoped3A = tpu.sem_alloc : memref<!tpu.dma_semaphore, #tpu.memory_space<semaphore_mem>>
        %dma_start3A_3704 = arith.constant 0 : i32
        %dma_start3A_3705 = tpu.memref_slice %arg4[%multiple_of3A_1549, %dma_start3A_3704] : memref<16384x32xf32, #tpu.memory_space<hbm>> -> memref<8x32xf32, #tpu.memory_space<hbm>>
        %dma_start3A_3706 = arith.constant 0 : i32
        %dma_start3A_3707 = tpu.memref_slice %arg4[%multiple_of3A_1549, %dma_start3A_3706] : memref<16384x32xf32, #tpu.memory_space<hbm>> -> memref<8x32xf32, #tpu.memory_space<hbm>>
        tpu.enqueue_dma source(%arg8 : memref<8x32xf32, #tpu.memory_space<vmem>>) target(%dma_start3A_3707 : memref<8x32xf32, #tpu.memory_space<hbm>>) target_semaphore(%run_scoped3A : memref<!tpu.dma_semaphore, #tpu.memory_space<semaphore_mem>>)
        %dma_wait3A_3708 = arith.constant 0 : i32
        %dma_wait3A_3709 = tpu.memref_slice %arg4[%multiple_of3A_1549, %dma_wait3A_3708] : memref<16384x32xf32, #tpu.memory_space<hbm>> -> memref<8x32xf32, #tpu.memory_space<hbm>>
        %dma_wait3A_3710 = arith.constant 0 : i32
        %dma_wait3A_3711 = tpu.memref_slice %arg4[%multiple_of3A_1549, %dma_wait3A_3710] : memref<16384x32xf32, #tpu.memory_space<hbm>> -> memref<8x32xf32, #tpu.memory_space<hbm>>
        tpu.wait_dma2 semaphore(%run_scoped3A : memref<!tpu.dma_semaphore, #tpu.memory_space<semaphore_mem>>) src(%arg8 : memref<8x32xf32, #tpu.memory_space<vmem>>) dst(%dma_wait3A_3711 : memref<8x32xf32, #tpu.memory_space<hbm>>)
        tpu.yield
      }) : () -> ()
      %mul3A_1550 = arith.constant 4 : i32
      %mul3A_1551 = arith.muli %scan3A_162, %mul3A_1550 : i32
      %add3A_1552 = arith.constant 2 : i32
      %add3A_1553 = arith.addi %mul3A_1551, %add3A_1552 : i32
      %mul3A_1554 = arith.constant 16 : i32
      %mul3A_1555 = arith.muli %add3A_1553, %mul3A_1554 : i32
      %get3A_1556 = arith.index_cast %mul3A_1555 : i32 to index
      %get3A_1557 = tpu.vector_load %arg5[%get3A_1556] {strides = array<i32>} : memref<512xi32, #tpu.memory_space<vmem>>, vector<16xi32>,
      %slice3A_1558 = vector.extract_strided_slice %get3A_1557 {offsets = [0], sizes = [1], strides = [1]} : vector<16xi32> to vector<1xi32>
      %squeeze3A_1559 = vector.extract %slice3A_1558[0] : i32 from vector<1xi32>
      %shift_right_arithmetic3A_1560 = arith.constant 7 : i32
      %shift_right_arithmetic3A_1561 = arith.shrsi %squeeze3A_1559, %shift_right_arithmetic3A_1560 : i32
      %shift_left3A_1562 = arith.constant 7 : i32
      %shift_left3A_1563 = arith.shli %shift_right_arithmetic3A_1561, %shift_left3A_1562 : i32
      %multiple_of3A_1564 = tpu.assume_multiple %shift_left3A_1563, 128 : i32
      %dma_start3A_1565 = arith.constant 0 : i32
      %dma_start3A_1566 = arith.constant 0 : i32
      %dma_start3A_1567 = arith.constant 0 : i32
      %dma_start3A_1568 = tpu.memref_slice %arg6[%dma_start3A_1565, %dma_start3A_1566, %dma_start3A_1567] : memref<8x32x128xf32, #tpu.memory_space<vmem>> -> memref<1x32x128xf32, #tpu.memory_space<vmem>>
      %dma_start3A_1569 = tpu.memref_squeeze %dma_start3A_1568 : memref<1x32x128xf32, #tpu.memory_space<vmem>> -> memref<32x128xf32, #tpu.memory_space<vmem>>
      %dma_start3A_1570 = arith.constant 0 : i32
      %dma_start3A_1571 = tpu.memref_slice %arg3[%dma_start3A_1570, %multiple_of3A_1564] : memref<32x1000000xf32, #tpu.memory_space<hbm>> -> memref<32x128xf32, #tpu.memory_space<hbm>>
      %dma_start3A_1572 = arith.constant 0 : i32
      %dma_start3A_1573 = arith.constant 0 : i32
      %dma_start3A_1574 = tpu.memref_slice %arg6[%dma_start3A_1565, %dma_start3A_1572, %dma_start3A_1573] : memref<8x32x128xf32, #tpu.memory_space<vmem>> -> memref<1x32x128xf32, #tpu.memory_space<vmem>>
      %dma_start3A_1575 = tpu.memref_squeeze %dma_start3A_1574 : memref<1x32x128xf32, #tpu.memory_space<vmem>> -> memref<32x128xf32, #tpu.memory_space<vmem>>
      %dma_start3A_1576 = arith.constant 0 : i32
      %dma_start3A_1577 = tpu.memref_slice %arg3[%dma_start3A_1576, %multiple_of3A_1564] : memref<32x1000000xf32, #tpu.memory_space<hbm>> -> memref<32x128xf32, #tpu.memory_space<hbm>>
      tpu.enqueue_dma source(%dma_start3A_1577 : memref<32x128xf32, #tpu.memory_space<hbm>>) target(%dma_start3A_1575 : memref<32x128xf32, #tpu.memory_space<vmem>>) target_semaphore(%arg9 : memref<!tpu.dma_semaphore, #tpu.memory_space<semaphore_mem>>)
      %slice3A_1578 = vector.extract_strided_slice %get3A_1557 {offsets = [1], sizes = [1], strides = [1]} : vector<16xi32> to vector<1xi32>
      %squeeze3A_1579 = vector.extract %slice3A_1578[0] : i32 from vector<1xi32>
      %shift_right_arithmetic3A_1580 = arith.constant 7 : i32
      %shift_right_arithmetic3A_1581 = arith.shrsi %squeeze3A_1579, %shift_right_arithmetic3A_1580 : i32
      %shift_left3A_1582 = arith.constant 7 : i32
      %shift_left3A_1583 = arith.shli %shift_right_arithmetic3A_1581, %shift_left3A_1582 : i32
      %multiple_of3A_1584 = tpu.assume_multiple %shift_left3A_1583, 128 : i32
      %dma_start3A_1585 = arith.constant 1 : i32
      %dma_start3A_1586 = arith.constant 0 : i32
      %dma_start3A_1587 = arith.constant 0 : i32
      %dma_start3A_1588 = tpu.memref_slice %arg6[%dma_start3A_1585, %dma_start3A_1586, %dma_start3A_1587] : memref<8x32x128xf32, #tpu.memory_space<vmem>> -> memref<1x32x128xf32, #tpu.memory_space<vmem>>
      %dma_start3A_1589 = tpu.memref_squeeze %dma_start3A_1588 : memref<1x32x128xf32, #tpu.memory_space<vmem>> -> memref<32x128xf32, #tpu.memory_space<vmem>>
      %dma_start3A_1590 = arith.constant 0 : i32
      %dma_start3A_1591 = tpu.memref_slice %arg3[%dma_start3A_1590, %multiple_of3A_1584] : memref<32x1000000xf32, #tpu.memory_space<hbm>> -> memref<32x128xf32, #tpu.memory_space<hbm>>
      %dma_start3A_1592 = arith.constant 0 : i32
      %dma_start3A_1593 = arith.constant 0 : i32
      %dma_start3A_1594 = tpu.memref_slice %arg6[%dma_start3A_1585, %dma_start3A_1592, %dma_start3A_1593] : memref<8x32x128xf32, #tpu.memory_space<vmem>> -> memref<1x32x128xf32, #tpu.memory_space<vmem>>
      %dma_start3A_1595 = tpu.memref_squeeze %dma_start3A_1594 : memref<1x32x128xf32, #tpu.memory_space<vmem>> -> memref<32x128xf32, #tpu.memory_space<vmem>>
      %dma_start3A_1596 = arith.constant 0 : i32
      %dma_start3A_1597 = tpu.memref_slice %arg3[%dma_start3A_1596, %multiple_of3A_1584] : memref<32x1000000xf32, #tpu.memory_space<hbm>> -> memref<32x128xf32, #tpu.memory_space<hbm>>
      tpu.enqueue_dma source(%dma_start3A_1597 : memref<32x128xf32, #tpu.memory_space<hbm>>) target(%dma_start3A_1595 : memref<32x128xf32, #tpu.memory_space<vmem>>) target_semaphore(%arg9 : memref<!tpu.dma_semaphore, #tpu.memory_space<semaphore_mem>>)
      %slice3A_1598 = vector.extract_strided_slice %get3A_1557 {offsets = [2], sizes = [1], strides = [1]} : vector<16xi32> to vector<1xi32>
      %squeeze3A_1599 = vector.extract %slice3A_1598[0] : i32 from vector<1xi32>
      %shift_right_arithmetic3A_1600 = arith.constant 7 : i32
      %shift_right_arithmetic3A_1601 = arith.shrsi %squeeze3A_1599, %shift_right_arithmetic3A_1600 : i32
      %shift_left3A_1602 = arith.constant 7 : i32
      %shift_left3A_1603 = arith.shli %shift_right_arithmetic3A_1601, %shift_left3A_1602 : i32
      %multiple_of3A_1604 = tpu.assume_multiple %shift_left3A_1603, 128 : i32
      %dma_start3A_1605 = arith.constant 2 : i32
      %dma_start3A_1606 = arith.constant 0 : i32
      %dma_start3A_1607 = arith.constant 0 : i32
      %dma_start3A_1608 = tpu.memref_slice %arg6[%dma_start3A_1605, %dma_start3A_1606, %dma_start3A_1607] : memref<8x32x128xf32, #tpu.memory_space<vmem>> -> memref<1x32x128xf32, #tpu.memory_space<vmem>>
      %dma_start3A_1609 = tpu.memref_squeeze %dma_start3A_1608 : memref<1x32x128xf32, #tpu.memory_space<vmem>> -> memref<32x128xf32, #tpu.memory_space<vmem>>
      %dma_start3A_1610 = arith.constant 0 : i32
      %dma_start3A_1611 = tpu.memref_slice %arg3[%dma_start3A_1610, %multiple_of3A_1604] : memref<32x1000000xf32, #tpu.memory_space<hbm>> -> memref<32x128xf32, #tpu.memory_space<hbm>>
      %dma_start3A_1612 = arith.constant 0 : i32
      %dma_start3A_1613 = arith.constant 0 : i32
      %dma_start3A_1614 = tpu.memref_slice %arg6[%dma_start3A_1605, %dma_start3A_1612, %dma_start3A_1613] : memref<8x32x128xf32, #tpu.memory_space<vmem>> -> memref<1x32x128xf32, #tpu.memory_space<vmem>>
      %dma_start3A_1615 = tpu.memref_squeeze %dma_start3A_1614 : memref<1x32x128xf32, #tpu.memory_space<vmem>> -> memref<32x128xf32, #tpu.memory_space<vmem>>
      %dma_start3A_1616 = arith.constant 0 : i32
      %dma_start3A_1617 = tpu.memref_slice %arg3[%dma_start3A_1616, %multiple_of3A_1604] : memref<32x1000000xf32, #tpu.memory_space<hbm>> -> memref<32x128xf32, #tpu.memory_space<hbm>>
      tpu.enqueue_dma source(%dma_start3A_1617 : memref<32x128xf32, #tpu.memory_space<hbm>>) target(%dma_start3A_1615 : memref<32x128xf32, #tpu.memory_space<vmem>>) target_semaphore(%arg9 : memref<!tpu.dma_semaphore, #tpu.memory_space<semaphore_mem>>)
      %slice3A_1618 = vector.extract_strided_slice %get3A_1557 {offsets = [3], sizes = [1], strides = [1]} : vector<16xi32> to vector<1xi32>
      %squeeze3A_1619 = vector.extract %slice3A_1618[0] : i32 from vector<1xi32>
      %shift_right_arithmetic3A_1620 = arith.constant 7 : i32
      %shift_right_arithmetic3A_1621 = arith.shrsi %squeeze3A_1619, %shift_right_arithmetic3A_1620 : i32
      %shift_left3A_1622 = arith.constant 7 : i32
      %shift_left3A_1623 = arith.shli %shift_right_arithmetic3A_1621, %shift_left3A_1622 : i32
      %multiple_of3A_1624 = tpu.assume_multiple %shift_left3A_1623, 128 : i32
      %dma_start3A_1625 = arith.constant 3 : i32
      %dma_start3A_1626 = arith.constant 0 : i32
      %dma_start3A_1627 = arith.constant 0 : i32
      %dma_start3A_1628 = tpu.memref_slice %arg6[%dma_start3A_1625, %dma_start3A_1626, %dma_start3A_1627] : memref<8x32x128xf32, #tpu.memory_space<vmem>> -> memref<1x32x128xf32, #tpu.memory_space<vmem>>
      %dma_start3A_1629 = tpu.memref_squeeze %dma_start3A_1628 : memref<1x32x128xf32, #tpu.memory_space<vmem>> -> memref<32x128xf32, #tpu.memory_space<vmem>>
      %dma_start3A_1630 = arith.constant 0 : i32
      %dma_start3A_1631 = tpu.memref_slice %arg3[%dma_start3A_1630, %multiple_of3A_1624] : memref<32x1000000xf32, #tpu.memory_space<hbm>> -> memref<32x128xf32, #tpu.memory_space<hbm>>
      %dma_start3A_1632 = arith.constant 0 : i32
      %dma_start3A_1633 = arith.constant 0 : i32
      %dma_start3A_1634 = tpu.memref_slice %arg6[%dma_start3A_1625, %dma_start3A_1632, %dma_start3A_1633] : memref<8x32x128xf32, #tpu.memory_space<vmem>> -> memref<1x32x128xf32, #tpu.memory_space<vmem>>
      %dma_start3A_1635 = tpu.memref_squeeze %dma_start3A_1634 : memref<1x32x128xf32, #tpu.memory_space<vmem>> -> memref<32x128xf32, #tpu.memory_space<vmem>>
      %dma_start3A_1636 = arith.constant 0 : i32
      %dma_start3A_1637 = tpu.memref_slice %arg3[%dma_start3A_1636, %multiple_of3A_1624] : memref<32x1000000xf32, #tpu.memory_space<hbm>> -> memref<32x128xf32, #tpu.memory_space<hbm>>
      tpu.enqueue_dma source(%dma_start3A_1637 : memref<32x128xf32, #tpu.memory_space<hbm>>) target(%dma_start3A_1635 : memref<32x128xf32, #tpu.memory_space<vmem>>) target_semaphore(%arg9 : memref<!tpu.dma_semaphore, #tpu.memory_space<semaphore_mem>>)
      %slice3A_1638 = vector.extract_strided_slice %get3A_1557 {offsets = [4], sizes = [1], strides = [1]} : vector<16xi32> to vector<1xi32>
      %squeeze3A_1639 = vector.extract %slice3A_1638[0] : i32 from vector<1xi32>
      %shift_right_arithmetic3A_1640 = arith.constant 7 : i32
      %shift_right_arithmetic3A_1641 = arith.shrsi %squeeze3A_1639, %shift_right_arithmetic3A_1640 : i32
      %shift_left3A_1642 = arith.constant 7 : i32
      %shift_left3A_1643 = arith.shli %shift_right_arithmetic3A_1641, %shift_left3A_1642 : i32
      %multiple_of3A_1644 = tpu.assume_multiple %shift_left3A_1643, 128 : i32
      %dma_start3A_1645 = arith.constant 4 : i32
      %dma_start3A_1646 = arith.constant 0 : i32
      %dma_start3A_1647 = arith.constant 0 : i32
      %dma_start3A_1648 = tpu.memref_slice %arg6[%dma_start3A_1645, %dma_start3A_1646, %dma_start3A_1647] : memref<8x32x128xf32, #tpu.memory_space<vmem>> -> memref<1x32x128xf32, #tpu.memory_space<vmem>>
      %dma_start3A_1649 = tpu.memref_squeeze %dma_start3A_1648 : memref<1x32x128xf32, #tpu.memory_space<vmem>> -> memref<32x128xf32, #tpu.memory_space<vmem>>
      %dma_start3A_1650 = arith.constant 0 : i32
      %dma_start3A_1651 = tpu.memref_slice %arg3[%dma_start3A_1650, %multiple_of3A_1644] : memref<32x1000000xf32, #tpu.memory_space<hbm>> -> memref<32x128xf32, #tpu.memory_space<hbm>>
      %dma_start3A_1652 = arith.constant 0 : i32
      %dma_start3A_1653 = arith.constant 0 : i32
      %dma_start3A_1654 = tpu.memref_slice %arg6[%dma_start3A_1645, %dma_start3A_1652, %dma_start3A_1653] : memref<8x32x128xf32, #tpu.memory_space<vmem>> -> memref<1x32x128xf32, #tpu.memory_space<vmem>>
      %dma_start3A_1655 = tpu.memref_squeeze %dma_start3A_1654 : memref<1x32x128xf32, #tpu.memory_space<vmem>> -> memref<32x128xf32, #tpu.memory_space<vmem>>
      %dma_start3A_1656 = arith.constant 0 : i32
      %dma_start3A_1657 = tpu.memref_slice %arg3[%dma_start3A_1656, %multiple_of3A_1644] : memref<32x1000000xf32, #tpu.memory_space<hbm>> -> memref<32x128xf32, #tpu.memory_space<hbm>>
      tpu.enqueue_dma source(%dma_start3A_1657 : memref<32x128xf32, #tpu.memory_space<hbm>>) target(%dma_start3A_1655 : memref<32x128xf32, #tpu.memory_space<vmem>>) target_semaphore(%arg9 : memref<!tpu.dma_semaphore, #tpu.memory_space<semaphore_mem>>)
      %slice3A_1658 = vector.extract_strided_slice %get3A_1557 {offsets = [5], sizes = [1], strides = [1]} : vector<16xi32> to vector<1xi32>
      %squeeze3A_1659 = vector.extract %slice3A_1658[0] : i32 from vector<1xi32>
      %shift_right_arithmetic3A_1660 = arith.constant 7 : i32
      %shift_right_arithmetic3A_1661 = arith.shrsi %squeeze3A_1659, %shift_right_arithmetic3A_1660 : i32
      %shift_left3A_1662 = arith.constant 7 : i32
      %shift_left3A_1663 = arith.shli %shift_right_arithmetic3A_1661, %shift_left3A_1662 : i32
      %multiple_of3A_1664 = tpu.assume_multiple %shift_left3A_1663, 128 : i32
      %dma_start3A_1665 = arith.constant 5 : i32
      %dma_start3A_1666 = arith.constant 0 : i32
      %dma_start3A_1667 = arith.constant 0 : i32
      %dma_start3A_1668 = tpu.memref_slice %arg6[%dma_start3A_1665, %dma_start3A_1666, %dma_start3A_1667] : memref<8x32x128xf32, #tpu.memory_space<vmem>> -> memref<1x32x128xf32, #tpu.memory_space<vmem>>
      %dma_start3A_1669 = tpu.memref_squeeze %dma_start3A_1668 : memref<1x32x128xf32, #tpu.memory_space<vmem>> -> memref<32x128xf32, #tpu.memory_space<vmem>>
      %dma_start3A_1670 = arith.constant 0 : i32
      %dma_start3A_1671 = tpu.memref_slice %arg3[%dma_start3A_1670, %multiple_of3A_1664] : memref<32x1000000xf32, #tpu.memory_space<hbm>> -> memref<32x128xf32, #tpu.memory_space<hbm>>
      %dma_start3A_1672 = arith.constant 0 : i32
      %dma_start3A_1673 = arith.constant 0 : i32
      %dma_start3A_1674 = tpu.memref_slice %arg6[%dma_start3A_1665, %dma_start3A_1672, %dma_start3A_1673] : memref<8x32x128xf32, #tpu.memory_space<vmem>> -> memref<1x32x128xf32, #tpu.memory_space<vmem>>
      %dma_start3A_1675 = tpu.memref_squeeze %dma_start3A_1674 : memref<1x32x128xf32, #tpu.memory_space<vmem>> -> memref<32x128xf32, #tpu.memory_space<vmem>>
      %dma_start3A_1676 = arith.constant 0 : i32
      %dma_start3A_1677 = tpu.memref_slice %arg3[%dma_start3A_1676, %multiple_of3A_1664] : memref<32x1000000xf32, #tpu.memory_space<hbm>> -> memref<32x128xf32, #tpu.memory_space<hbm>>
      tpu.enqueue_dma source(%dma_start3A_1677 : memref<32x128xf32, #tpu.memory_space<hbm>>) target(%dma_start3A_1675 : memref<32x128xf32, #tpu.memory_space<vmem>>) target_semaphore(%arg9 : memref<!tpu.dma_semaphore, #tpu.memory_space<semaphore_mem>>)
      %slice3A_1678 = vector.extract_strided_slice %get3A_1557 {offsets = [6], sizes = [1], strides = [1]} : vector<16xi32> to vector<1xi32>
      %squeeze3A_1679 = vector.extract %slice3A_1678[0] : i32 from vector<1xi32>
      %shift_right_arithmetic3A_1680 = arith.constant 7 : i32
      %shift_right_arithmetic3A_1681 = arith.shrsi %squeeze3A_1679, %shift_right_arithmetic3A_1680 : i32
      %shift_left3A_1682 = arith.constant 7 : i32
      %shift_left3A_1683 = arith.shli %shift_right_arithmetic3A_1681, %shift_left3A_1682 : i32
      %multiple_of3A_1684 = tpu.assume_multiple %shift_left3A_1683, 128 : i32
      %dma_start3A_1685 = arith.constant 6 : i32
      %dma_start3A_1686 = arith.constant 0 : i32
      %dma_start3A_1687 = arith.constant 0 : i32
      %dma_start3A_1688 = tpu.memref_slice %arg6[%dma_start3A_1685, %dma_start3A_1686, %dma_start3A_1687] : memref<8x32x128xf32, #tpu.memory_space<vmem>> -> memref<1x32x128xf32, #tpu.memory_space<vmem>>
      %dma_start3A_1689 = tpu.memref_squeeze %dma_start3A_1688 : memref<1x32x128xf32, #tpu.memory_space<vmem>> -> memref<32x128xf32, #tpu.memory_space<vmem>>
      %dma_start3A_1690 = arith.constant 0 : i32
      %dma_start3A_1691 = tpu.memref_slice %arg3[%dma_start3A_1690, %multiple_of3A_1684] : memref<32x1000000xf32, #tpu.memory_space<hbm>> -> memref<32x128xf32, #tpu.memory_space<hbm>>
      %dma_start3A_1692 = arith.constant 0 : i32
      %dma_start3A_1693 = arith.constant 0 : i32
      %dma_start3A_1694 = tpu.memref_slice %arg6[%dma_start3A_1685, %dma_start3A_1692, %dma_start3A_1693] : memref<8x32x128xf32, #tpu.memory_space<vmem>> -> memref<1x32x128xf32, #tpu.memory_space<vmem>>
      %dma_start3A_1695 = tpu.memref_squeeze %dma_start3A_1694 : memref<1x32x128xf32, #tpu.memory_space<vmem>> -> memref<32x128xf32, #tpu.memory_space<vmem>>
      %dma_start3A_1696 = arith.constant 0 : i32
      %dma_start3A_1697 = tpu.memref_slice %arg3[%dma_start3A_1696, %multiple_of3A_1684] : memref<32x1000000xf32, #tpu.memory_space<hbm>> -> memref<32x128xf32, #tpu.memory_space<hbm>>
      tpu.enqueue_dma source(%dma_start3A_1697 : memref<32x128xf32, #tpu.memory_space<hbm>>) target(%dma_start3A_1695 : memref<32x128xf32, #tpu.memory_space<vmem>>) target_semaphore(%arg9 : memref<!tpu.dma_semaphore, #tpu.memory_space<semaphore_mem>>)
      %slice3A_1698 = vector.extract_strided_slice %get3A_1557 {offsets = [7], sizes = [1], strides = [1]} : vector<16xi32> to vector<1xi32>
      %squeeze3A_1699 = vector.extract %slice3A_1698[0] : i32 from vector<1xi32>
      %shift_right_arithmetic3A_1700 = arith.constant 7 : i32
      %shift_right_arithmetic3A_1701 = arith.shrsi %squeeze3A_1699, %shift_right_arithmetic3A_1700 : i32
      %shift_left3A_1702 = arith.constant 7 : i32
      %shift_left3A_1703 = arith.shli %shift_right_arithmetic3A_1701, %shift_left3A_1702 : i32
      %multiple_of3A_1704 = tpu.assume_multiple %shift_left3A_1703, 128 : i32
      %dma_start3A_1705 = arith.constant 7 : i32
      %dma_start3A_1706 = arith.constant 0 : i32
      %dma_start3A_1707 = arith.constant 0 : i32
      %dma_start3A_1708 = tpu.memref_slice %arg6[%dma_start3A_1705, %dma_start3A_1706, %dma_start3A_1707] : memref<8x32x128xf32, #tpu.memory_space<vmem>> -> memref<1x32x128xf32, #tpu.memory_space<vmem>>
      %dma_start3A_1709 = tpu.memref_squeeze %dma_start3A_1708 : memref<1x32x128xf32, #tpu.memory_space<vmem>> -> memref<32x128xf32, #tpu.memory_space<vmem>>
      %dma_start3A_1710 = arith.constant 0 : i32
      %dma_start3A_1711 = tpu.memref_slice %arg3[%dma_start3A_1710, %multiple_of3A_1704] : memref<32x1000000xf32, #tpu.memory_space<hbm>> -> memref<32x128xf32, #tpu.memory_space<hbm>>
      %dma_start3A_1712 = arith.constant 0 : i32
      %dma_start3A_1713 = arith.constant 0 : i32
      %dma_start3A_1714 = tpu.memref_slice %arg6[%dma_start3A_1705, %dma_start3A_1712, %dma_start3A_1713] : memref<8x32x128xf32, #tpu.memory_space<vmem>> -> memref<1x32x128xf32, #tpu.memory_space<vmem>>
      %dma_start3A_1715 = tpu.memref_squeeze %dma_start3A_1714 : memref<1x32x128xf32, #tpu.memory_space<vmem>> -> memref<32x128xf32, #tpu.memory_space<vmem>>
      %dma_start3A_1716 = arith.constant 0 : i32
      %dma_start3A_1717 = tpu.memref_slice %arg3[%dma_start3A_1716, %multiple_of3A_1704] : memref<32x1000000xf32, #tpu.memory_space<hbm>> -> memref<32x128xf32, #tpu.memory_space<hbm>>
      tpu.enqueue_dma source(%dma_start3A_1717 : memref<32x128xf32, #tpu.memory_space<hbm>>) target(%dma_start3A_1715 : memref<32x128xf32, #tpu.memory_space<vmem>>) target_semaphore(%arg9 : memref<!tpu.dma_semaphore, #tpu.memory_space<semaphore_mem>>)
      %dma_wait3A_1718 = arith.constant 0 : i32
      %dma_wait3A_1719 = arith.constant 0 : i32
      %dma_wait3A_1720 = arith.constant 0 : i32
      %dma_wait3A_1721 = tpu.memref_slice %arg7[%dma_wait3A_1718, %dma_wait3A_1719, %dma_wait3A_1720] : memref<8x32x128xf32, #tpu.memory_space<vmem>> -> memref<1x32x128xf32, #tpu.memory_space<vmem>>
      %dma_wait3A_1722 = tpu.memref_squeeze %dma_wait3A_1721 : memref<1x32x128xf32, #tpu.memory_space<vmem>> -> memref<32x128xf32, #tpu.memory_space<vmem>>
      %dma_wait3A_1723 = arith.constant 0 : i32
      %dma_wait3A_1724 = arith.constant 0 : i32
      %dma_wait3A_1725 = tpu.memref_slice %arg3[%dma_wait3A_1723, %dma_wait3A_1724] : memref<32x1000000xf32, #tpu.memory_space<hbm>> -> memref<32x128xf32, #tpu.memory_space<hbm>>
      %dma_wait3A_1726 = arith.constant 0 : i32
      %dma_wait3A_1727 = arith.constant 0 : i32
      %dma_wait3A_1728 = tpu.memref_slice %arg7[%dma_wait3A_1718, %dma_wait3A_1726, %dma_wait3A_1727] : memref<8x32x128xf32, #tpu.memory_space<vmem>> -> memref<1x32x128xf32, #tpu.memory_space<vmem>>
      %dma_wait3A_1729 = tpu.memref_squeeze %dma_wait3A_1728 : memref<1x32x128xf32, #tpu.memory_space<vmem>> -> memref<32x128xf32, #tpu.memory_space<vmem>>
      %dma_wait3A_1730 = arith.constant 0 : i32
      %dma_wait3A_1731 = arith.constant 0 : i32
      %dma_wait3A_1732 = tpu.memref_slice %arg3[%dma_wait3A_1730, %dma_wait3A_1731] : memref<32x1000000xf32, #tpu.memory_space<hbm>> -> memref<32x128xf32, #tpu.memory_space<hbm>>
      tpu.wait_dma2 semaphore(%arg9 : memref<!tpu.dma_semaphore, #tpu.memory_space<semaphore_mem>>) src(%dma_wait3A_1732 : memref<32x128xf32, #tpu.memory_space<hbm>>) dst(%dma_wait3A_1729 : memref<32x128xf32, #tpu.memory_space<vmem>>)
      %dma_wait3A_1733 = arith.constant 1 : i32
      %dma_wait3A_1734 = arith.constant 0 : i32
      %dma_wait3A_1735 = arith.constant 0 : i32
      %dma_wait3A_1736 = tpu.memref_slice %arg7[%dma_wait3A_1733, %dma_wait3A_1734, %dma_wait3A_1735] : memref<8x32x128xf32, #tpu.memory_space<vmem>> -> memref<1x32x128xf32, #tpu.memory_space<vmem>>
      %dma_wait3A_1737 = tpu.memref_squeeze %dma_wait3A_1736 : memref<1x32x128xf32, #tpu.memory_space<vmem>> -> memref<32x128xf32, #tpu.memory_space<vmem>>
      %dma_wait3A_1738 = arith.constant 0 : i32
      %dma_wait3A_1739 = arith.constant 0 : i32
      %dma_wait3A_1740 = tpu.memref_slice %arg3[%dma_wait3A_1738, %dma_wait3A_1739] : memref<32x1000000xf32, #tpu.memory_space<hbm>> -> memref<32x128xf32, #tpu.memory_space<hbm>>
      %dma_wait3A_1741 = arith.constant 0 : i32
      %dma_wait3A_1742 = arith.constant 0 : i32
      %dma_wait3A_1743 = tpu.memref_slice %arg7[%dma_wait3A_1733, %dma_wait3A_1741, %dma_wait3A_1742] : memref<8x32x128xf32, #tpu.memory_space<vmem>> -> memref<1x32x128xf32, #tpu.memory_space<vmem>>
      %dma_wait3A_1744 = tpu.memref_squeeze %dma_wait3A_1743 : memref<1x32x128xf32, #tpu.memory_space<vmem>> -> memref<32x128xf32, #tpu.memory_space<vmem>>
      %dma_wait3A_1745 = arith.constant 0 : i32
      %dma_wait3A_1746 = arith.constant 0 : i32
      %dma_wait3A_1747 = tpu.memref_slice %arg3[%dma_wait3A_1745, %dma_wait3A_1746] : memref<32x1000000xf32, #tpu.memory_space<hbm>> -> memref<32x128xf32, #tpu.memory_space<hbm>>
      tpu.wait_dma2 semaphore(%arg9 : memref<!tpu.dma_semaphore, #tpu.memory_space<semaphore_mem>>) src(%dma_wait3A_1747 : memref<32x128xf32, #tpu.memory_space<hbm>>) dst(%dma_wait3A_1744 : memref<32x128xf32, #tpu.memory_space<vmem>>)
      %dma_wait3A_1748 = arith.constant 2 : i32
      %dma_wait3A_1749 = arith.constant 0 : i32
      %dma_wait3A_1750 = arith.constant 0 : i32
      %dma_wait3A_1751 = tpu.memref_slice %arg7[%dma_wait3A_1748, %dma_wait3A_1749, %dma_wait3A_1750] : memref<8x32x128xf32, #tpu.memory_space<vmem>> -> memref<1x32x128xf32, #tpu.memory_space<vmem>>
      %dma_wait3A_1752 = tpu.memref_squeeze %dma_wait3A_1751 : memref<1x32x128xf32, #tpu.memory_space<vmem>> -> memref<32x128xf32, #tpu.memory_space<vmem>>
      %dma_wait3A_1753 = arith.constant 0 : i32
      %dma_wait3A_1754 = arith.constant 0 : i32
      %dma_wait3A_1755 = tpu.memref_slice %arg3[%dma_wait3A_1753, %dma_wait3A_1754] : memref<32x1000000xf32, #tpu.memory_space<hbm>> -> memref<32x128xf32, #tpu.memory_space<hbm>>
      %dma_wait3A_1756 = arith.constant 0 : i32
      %dma_wait3A_1757 = arith.constant 0 : i32
      %dma_wait3A_1758 = tpu.memref_slice %arg7[%dma_wait3A_1748, %dma_wait3A_1756, %dma_wait3A_1757] : memref<8x32x128xf32, #tpu.memory_space<vmem>> -> memref<1x32x128xf32, #tpu.memory_space<vmem>>
      %dma_wait3A_1759 = tpu.memref_squeeze %dma_wait3A_1758 : memref<1x32x128xf32, #tpu.memory_space<vmem>> -> memref<32x128xf32, #tpu.memory_space<vmem>>
      %dma_wait3A_1760 = arith.constant 0 : i32
      %dma_wait3A_1761 = arith.constant 0 : i32
      %dma_wait3A_1762 = tpu.memref_slice %arg3[%dma_wait3A_1760, %dma_wait3A_1761] : memref<32x1000000xf32, #tpu.memory_space<hbm>> -> memref<32x128xf32, #tpu.memory_space<hbm>>
      tpu.wait_dma2 semaphore(%arg9 : memref<!tpu.dma_semaphore, #tpu.memory_space<semaphore_mem>>) src(%dma_wait3A_1762 : memref<32x128xf32, #tpu.memory_space<hbm>>) dst(%dma_wait3A_1759 : memref<32x128xf32, #tpu.memory_space<vmem>>)
      %dma_wait3A_1763 = arith.constant 3 : i32
      %dma_wait3A_1764 = arith.constant 0 : i32
      %dma_wait3A_1765 = arith.constant 0 : i32
      %dma_wait3A_1766 = tpu.memref_slice %arg7[%dma_wait3A_1763, %dma_wait3A_1764, %dma_wait3A_1765] : memref<8x32x128xf32, #tpu.memory_space<vmem>> -> memref<1x32x128xf32, #tpu.memory_space<vmem>>
      %dma_wait3A_1767 = tpu.memref_squeeze %dma_wait3A_1766 : memref<1x32x128xf32, #tpu.memory_space<vmem>> -> memref<32x128xf32, #tpu.memory_space<vmem>>
      %dma_wait3A_1768 = arith.constant 0 : i32
      %dma_wait3A_1769 = arith.constant 0 : i32
      %dma_wait3A_1770 = tpu.memref_slice %arg3[%dma_wait3A_1768, %dma_wait3A_1769] : memref<32x1000000xf32, #tpu.memory_space<hbm>> -> memref<32x128xf32, #tpu.memory_space<hbm>>
      %dma_wait3A_1771 = arith.constant 0 : i32
      %dma_wait3A_1772 = arith.constant 0 : i32
      %dma_wait3A_1773 = tpu.memref_slice %arg7[%dma_wait3A_1763, %dma_wait3A_1771, %dma_wait3A_1772] : memref<8x32x128xf32, #tpu.memory_space<vmem>> -> memref<1x32x128xf32, #tpu.memory_space<vmem>>
      %dma_wait3A_1774 = tpu.memref_squeeze %dma_wait3A_1773 : memref<1x32x128xf32, #tpu.memory_space<vmem>> -> memref<32x128xf32, #tpu.memory_space<vmem>>
      %dma_wait3A_1775 = arith.constant 0 : i32
      %dma_wait3A_1776 = arith.constant 0 : i32
      %dma_wait3A_1777 = tpu.memref_slice %arg3[%dma_wait3A_1775, %dma_wait3A_1776] : memref<32x1000000xf32, #tpu.memory_space<hbm>> -> memref<32x128xf32, #tpu.memory_space<hbm>>
      tpu.wait_dma2 semaphore(%arg9 : memref<!tpu.dma_semaphore, #tpu.memory_space<semaphore_mem>>) src(%dma_wait3A_1777 : memref<32x128xf32, #tpu.memory_space<hbm>>) dst(%dma_wait3A_1774 : memref<32x128xf32, #tpu.memory_space<vmem>>)
      %dma_wait3A_1778 = arith.constant 4 : i32
      %dma_wait3A_1779 = arith.constant 0 : i32
      %dma_wait3A_1780 = arith.constant 0 : i32
      %dma_wait3A_1781 = tpu.memref_slice %arg7[%dma_wait3A_1778, %dma_wait3A_1779, %dma_wait3A_1780] : memref<8x32x128xf32, #tpu.memory_space<vmem>> -> memref<1x32x128xf32, #tpu.memory_space<vmem>>
      %dma_wait3A_1782 = tpu.memref_squeeze %dma_wait3A_1781 : memref<1x32x128xf32, #tpu.memory_space<vmem>> -> memref<32x128xf32, #tpu.memory_space<vmem>>
      %dma_wait3A_1783 = arith.constant 0 : i32
      %dma_wait3A_1784 = arith.constant 0 : i32
      %dma_wait3A_1785 = tpu.memref_slice %arg3[%dma_wait3A_1783, %dma_wait3A_1784] : memref<32x1000000xf32, #tpu.memory_space<hbm>> -> memref<32x128xf32, #tpu.memory_space<hbm>>
      %dma_wait3A_1786 = arith.constant 0 : i32
      %dma_wait3A_1787 = arith.constant 0 : i32
      %dma_wait3A_1788 = tpu.memref_slice %arg7[%dma_wait3A_1778, %dma_wait3A_1786, %dma_wait3A_1787] : memref<8x32x128xf32, #tpu.memory_space<vmem>> -> memref<1x32x128xf32, #tpu.memory_space<vmem>>
      %dma_wait3A_1789 = tpu.memref_squeeze %dma_wait3A_1788 : memref<1x32x128xf32, #tpu.memory_space<vmem>> -> memref<32x128xf32, #tpu.memory_space<vmem>>
      %dma_wait3A_1790 = arith.constant 0 : i32
      %dma_wait3A_1791 = arith.constant 0 : i32
      %dma_wait3A_1792 = tpu.memref_slice %arg3[%dma_wait3A_1790, %dma_wait3A_1791] : memref<32x1000000xf32, #tpu.memory_space<hbm>> -> memref<32x128xf32, #tpu.memory_space<hbm>>
      tpu.wait_dma2 semaphore(%arg9 : memref<!tpu.dma_semaphore, #tpu.memory_space<semaphore_mem>>) src(%dma_wait3A_1792 : memref<32x128xf32, #tpu.memory_space<hbm>>) dst(%dma_wait3A_1789 : memref<32x128xf32, #tpu.memory_space<vmem>>)
      %dma_wait3A_1793 = arith.constant 5 : i32
      %dma_wait3A_1794 = arith.constant 0 : i32
      %dma_wait3A_1795 = arith.constant 0 : i32
      %dma_wait3A_1796 = tpu.memref_slice %arg7[%dma_wait3A_1793, %dma_wait3A_1794, %dma_wait3A_1795] : memref<8x32x128xf32, #tpu.memory_space<vmem>> -> memref<1x32x128xf32, #tpu.memory_space<vmem>>
      %dma_wait3A_1797 = tpu.memref_squeeze %dma_wait3A_1796 : memref<1x32x128xf32, #tpu.memory_space<vmem>> -> memref<32x128xf32, #tpu.memory_space<vmem>>
      %dma_wait3A_1798 = arith.constant 0 : i32
      %dma_wait3A_1799 = arith.constant 0 : i32
      %dma_wait3A_1800 = tpu.memref_slice %arg3[%dma_wait3A_1798, %dma_wait3A_1799] : memref<32x1000000xf32, #tpu.memory_space<hbm>> -> memref<32x128xf32, #tpu.memory_space<hbm>>
      %dma_wait3A_1801 = arith.constant 0 : i32
      %dma_wait3A_1802 = arith.constant 0 : i32
      %dma_wait3A_1803 = tpu.memref_slice %arg7[%dma_wait3A_1793, %dma_wait3A_1801, %dma_wait3A_1802] : memref<8x32x128xf32, #tpu.memory_space<vmem>> -> memref<1x32x128xf32, #tpu.memory_space<vmem>>
      %dma_wait3A_1804 = tpu.memref_squeeze %dma_wait3A_1803 : memref<1x32x128xf32, #tpu.memory_space<vmem>> -> memref<32x128xf32, #tpu.memory_space<vmem>>
      %dma_wait3A_1805 = arith.constant 0 : i32
      %dma_wait3A_1806 = arith.constant 0 : i32
      %dma_wait3A_1807 = tpu.memref_slice %arg3[%dma_wait3A_1805, %dma_wait3A_1806] : memref<32x1000000xf32, #tpu.memory_space<hbm>> -> memref<32x128xf32, #tpu.memory_space<hbm>>
      tpu.wait_dma2 semaphore(%arg9 : memref<!tpu.dma_semaphore, #tpu.memory_space<semaphore_mem>>) src(%dma_wait3A_1807 : memref<32x128xf32, #tpu.memory_space<hbm>>) dst(%dma_wait3A_1804 : memref<32x128xf32, #tpu.memory_space<vmem>>)
      %dma_wait3A_1808 = arith.constant 6 : i32
      %dma_wait3A_1809 = arith.constant 0 : i32
      %dma_wait3A_1810 = arith.constant 0 : i32
      %dma_wait3A_1811 = tpu.memref_slice %arg7[%dma_wait3A_1808, %dma_wait3A_1809, %dma_wait3A_1810] : memref<8x32x128xf32, #tpu.memory_space<vmem>> -> memref<1x32x128xf32, #tpu.memory_space<vmem>>
      %dma_wait3A_1812 = tpu.memref_squeeze %dma_wait3A_1811 : memref<1x32x128xf32, #tpu.memory_space<vmem>> -> memref<32x128xf32, #tpu.memory_space<vmem>>
      %dma_wait3A_1813 = arith.constant 0 : i32
      %dma_wait3A_1814 = arith.constant 0 : i32
      %dma_wait3A_1815 = tpu.memref_slice %arg3[%dma_wait3A_1813, %dma_wait3A_1814] : memref<32x1000000xf32, #tpu.memory_space<hbm>> -> memref<32x128xf32, #tpu.memory_space<hbm>>
      %dma_wait3A_1816 = arith.constant 0 : i32
      %dma_wait3A_1817 = arith.constant 0 : i32
      %dma_wait3A_1818 = tpu.memref_slice %arg7[%dma_wait3A_1808, %dma_wait3A_1816, %dma_wait3A_1817] : memref<8x32x128xf32, #tpu.memory_space<vmem>> -> memref<1x32x128xf32, #tpu.memory_space<vmem>>
      %dma_wait3A_1819 = tpu.memref_squeeze %dma_wait3A_1818 : memref<1x32x128xf32, #tpu.memory_space<vmem>> -> memref<32x128xf32, #tpu.memory_space<vmem>>
      %dma_wait3A_1820 = arith.constant 0 : i32
      %dma_wait3A_1821 = arith.constant 0 : i32
      %dma_wait3A_1822 = tpu.memref_slice %arg3[%dma_wait3A_1820, %dma_wait3A_1821] : memref<32x1000000xf32, #tpu.memory_space<hbm>> -> memref<32x128xf32, #tpu.memory_space<hbm>>
      tpu.wait_dma2 semaphore(%arg9 : memref<!tpu.dma_semaphore, #tpu.memory_space<semaphore_mem>>) src(%dma_wait3A_1822 : memref<32x128xf32, #tpu.memory_space<hbm>>) dst(%dma_wait3A_1819 : memref<32x128xf32, #tpu.memory_space<vmem>>)
      %dma_wait3A_1823 = arith.constant 7 : i32
      %dma_wait3A_1824 = arith.constant 0 : i32
      %dma_wait3A_1825 = arith.constant 0 : i32
      %dma_wait3A_1826 = tpu.memref_slice %arg7[%dma_wait3A_1823, %dma_wait3A_1824, %dma_wait3A_1825] : memref<8x32x128xf32, #tpu.memory_space<vmem>> -> memref<1x32x128xf32, #tpu.memory_space<vmem>>
      %dma_wait3A_1827 = tpu.memref_squeeze %dma_wait3A_1826 : memref<1x32x128xf32, #tpu.memory_space<vmem>> -> memref<32x128xf32, #tpu.memory_space<vmem>>
      %dma_wait3A_1828 = arith.constant 0 : i32
      %dma_wait3A_1829 = arith.constant 0 : i32
      %dma_wait3A_1830 = tpu.memref_slice %arg3[%dma_wait3A_1828, %dma_wait3A_1829] : memref<32x1000000xf32, #tpu.memory_space<hbm>> -> memref<32x128xf32, #tpu.memory_space<hbm>>
      %dma_wait3A_1831 = arith.constant 0 : i32
      %dma_wait3A_1832 = arith.constant 0 : i32
      %dma_wait3A_1833 = tpu.memref_slice %arg7[%dma_wait3A_1823, %dma_wait3A_1831, %dma_wait3A_1832] : memref<8x32x128xf32, #tpu.memory_space<vmem>> -> memref<1x32x128xf32, #tpu.memory_space<vmem>>
      %dma_wait3A_1834 = tpu.memref_squeeze %dma_wait3A_1833 : memref<1x32x128xf32, #tpu.memory_space<vmem>> -> memref<32x128xf32, #tpu.memory_space<vmem>>
      %dma_wait3A_1835 = arith.constant 0 : i32
      %dma_wait3A_1836 = arith.constant 0 : i32
      %dma_wait3A_1837 = tpu.memref_slice %arg3[%dma_wait3A_1835, %dma_wait3A_1836] : memref<32x1000000xf32, #tpu.memory_space<hbm>> -> memref<32x128xf32, #tpu.memory_space<hbm>>
      tpu.wait_dma2 semaphore(%arg9 : memref<!tpu.dma_semaphore, #tpu.memory_space<semaphore_mem>>) src(%dma_wait3A_1837 : memref<32x128xf32, #tpu.memory_space<hbm>>) dst(%dma_wait3A_1834 : memref<32x128xf32, #tpu.memory_space<vmem>>)
      %mul3A_1838 = arith.constant 4 : i32
      %mul3A_1839 = arith.muli %scan3A_162, %mul3A_1838 : i32
      %add3A_1840 = arith.constant 1 : i32
      %add3A_1841 = arith.addi %mul3A_1839, %add3A_1840 : i32
      %mul3A_1842 = arith.constant 16 : i32
      %mul3A_1843 = arith.muli %add3A_1841, %mul3A_1842 : i32
      %get3A_1844 = arith.index_cast %mul3A_1843 : i32 to index
      %get3A_1845 = tpu.vector_load %arg5[%get3A_1844] {strides = array<i32>} : memref<512xi32, #tpu.memory_space<vmem>>, vector<16xi32>,
      %slice3A_1846 = vector.extract_strided_slice %get3A_1845 {offsets = [8], sizes = [1], strides = [1]} : vector<16xi32> to vector<1xi32>
      %squeeze3A_1847 = vector.extract %slice3A_1846[0] : i32 from vector<1xi32>
      %and3A_1848 = arith.constant 127 : i32
      %and3A_1849 = arith.andi %squeeze3A_1847, %and3A_1848 : i32
      %broadcast_in_dim3A_1850 = vector.broadcast %and3A_1849 : i32 to vector<16xi32>
      %broadcast_in_dim3A_1851 = arith.constant 0 : i32
      %broadcast_in_dim3A_1852 = vector.broadcast %broadcast_in_dim3A_1851 : i32 to vector<16xi32>
      %gather3A_1853 = tpu.vector_load_idx %arg7[%broadcast_in_dim3A_1852, %iota3A, %broadcast_in_dim3A_1850] : memref<8x32x128xf32, #tpu.memory_space<vmem>>[vector<16xi32>, vector<16xi32>, vector<16xi32>], vector<16xf32>,
      %swap3A_1854 = arith.constant 0 : i32
      %swap3A_1855 = arith.index_cast %swap3A_1854 : i32 to index
      %swap3A_1856 = arith.constant 0 : index
      %swap3A_1857 = tpu.vector_load %arg8[%swap3A_1855, %swap3A_1856] {strides = array<i32>} : memref<8x32xf32, #tpu.memory_space<vmem>>, vector<16xf32>,
      tpu.vector_store %arg8[%swap3A_1855, %swap3A_1856], %gather3A_1853 {strides = array<i32>} : memref<8x32xf32, #tpu.memory_space<vmem>>, vector<16xf32>,
      %add3A_1858 = arith.constant 16 : i32
      %add3A_1859 = vector.broadcast %add3A_1858 : i32 to vector<16xi32>
      %add3A_1860 = arith.addi %iota3A, %add3A_1859 : vector<16xi32>
      %gather3A_1861 = tpu.vector_load_idx %arg7[%broadcast_in_dim3A_1852, %add3A_1860, %broadcast_in_dim3A_1850] : memref<8x32x128xf32, #tpu.memory_space<vmem>>[vector<16xi32>, vector<16xi32>, vector<16xi32>], vector<16xf32>,
      %swap3A_1862 = arith.constant 0 : i32
      %swap3A_1863 = arith.index_cast %swap3A_1862 : i32 to index
      %swap3A_1864 = arith.constant 16 : index
      %swap3A_1865 = tpu.vector_load %arg8[%swap3A_1863, %swap3A_1864] {strides = array<i32>} : memref<8x32xf32, #tpu.memory_space<vmem>>, vector<16xf32>,
      tpu.vector_store %arg8[%swap3A_1863, %swap3A_1864], %gather3A_1861 {strides = array<i32>} : memref<8x32xf32, #tpu.memory_space<vmem>>, vector<16xf32>,
      %slice3A_1866 = vector.extract_strided_slice %get3A_1845 {offsets = [9], sizes = [1], strides = [1]} : vector<16xi32> to vector<1xi32>
      %squeeze3A_1867 = vector.extract %slice3A_1866[0] : i32 from vector<1xi32>
      %and3A_1868 = arith.constant 127 : i32
      %and3A_1869 = arith.andi %squeeze3A_1867, %and3A_1868 : i32
      %broadcast_in_dim3A_1870 = vector.broadcast %and3A_1869 : i32 to vector<16xi32>
      %broadcast_in_dim3A_1871 = arith.constant 1 : i32
      %broadcast_in_dim3A_1872 = vector.broadcast %broadcast_in_dim3A_1871 : i32 to vector<16xi32>
      %gather3A_1873 = tpu.vector_load_idx %arg7[%broadcast_in_dim3A_1872, %iota3A, %broadcast_in_dim3A_1870] : memref<8x32x128xf32, #tpu.memory_space<vmem>>[vector<16xi32>, vector<16xi32>, vector<16xi32>], vector<16xf32>,
      %swap3A_1874 = arith.constant 1 : i32
      %swap3A_1875 = arith.index_cast %swap3A_1874 : i32 to index
      %swap3A_1876 = arith.constant 0 : index
      %swap3A_1877 = tpu.vector_load %arg8[%swap3A_1875, %swap3A_1876] {strides = array<i32>} : memref<8x32xf32, #tpu.memory_space<vmem>>, vector<16xf32>,
      tpu.vector_store %arg8[%swap3A_1875, %swap3A_1876], %gather3A_1873 {strides = array<i32>} : memref<8x32xf32, #tpu.memory_space<vmem>>, vector<16xf32>,
      %add3A_1878 = arith.constant 16 : i32
      %add3A_1879 = vector.broadcast %add3A_1878 : i32 to vector<16xi32>
      %add3A_1880 = arith.addi %iota3A, %add3A_1879 : vector<16xi32>
      %gather3A_1881 = tpu.vector_load_idx %arg7[%broadcast_in_dim3A_1872, %add3A_1880, %broadcast_in_dim3A_1870] : memref<8x32x128xf32, #tpu.memory_space<vmem>>[vector<16xi32>, vector<16xi32>, vector<16xi32>], vector<16xf32>,
      %swap3A_1882 = arith.constant 1 : i32
      %swap3A_1883 = arith.index_cast %swap3A_1882 : i32 to index
      %swap3A_1884 = arith.constant 16 : index
      %swap3A_1885 = tpu.vector_load %arg8[%swap3A_1883, %swap3A_1884] {strides = array<i32>} : memref<8x32xf32, #tpu.memory_space<vmem>>, vector<16xf32>,
      tpu.vector_store %arg8[%swap3A_1883, %swap3A_1884], %gather3A_1881 {strides = array<i32>} : memref<8x32xf32, #tpu.memory_space<vmem>>, vector<16xf32>,
      %slice3A_1886 = vector.extract_strided_slice %get3A_1845 {offsets = [10], sizes = [1], strides = [1]} : vector<16xi32> to vector<1xi32>
      %squeeze3A_1887 = vector.extract %slice3A_1886[0] : i32 from vector<1xi32>
      %and3A_1888 = arith.constant 127 : i32
      %and3A_1889 = arith.andi %squeeze3A_1887, %and3A_1888 : i32
      %broadcast_in_dim3A_1890 = vector.broadcast %and3A_1889 : i32 to vector<16xi32>
      %broadcast_in_dim3A_1891 = arith.constant 2 : i32
      %broadcast_in_dim3A_1892 = vector.broadcast %broadcast_in_dim3A_1891 : i32 to vector<16xi32>
      %gather3A_1893 = tpu.vector_load_idx %arg7[%broadcast_in_dim3A_1892, %iota3A, %broadcast_in_dim3A_1890] : memref<8x32x128xf32, #tpu.memory_space<vmem>>[vector<16xi32>, vector<16xi32>, vector<16xi32>], vector<16xf32>,
      %swap3A_1894 = arith.constant 2 : i32
      %swap3A_1895 = arith.index_cast %swap3A_1894 : i32 to index
      %swap3A_1896 = arith.constant 0 : index
      %swap3A_1897 = tpu.vector_load %arg8[%swap3A_1895, %swap3A_1896] {strides = array<i32>} : memref<8x32xf32, #tpu.memory_space<vmem>>, vector<16xf32>,
      tpu.vector_store %arg8[%swap3A_1895, %swap3A_1896], %gather3A_1893 {strides = array<i32>} : memref<8x32xf32, #tpu.memory_space<vmem>>, vector<16xf32>,
      %add3A_1898 = arith.constant 16 : i32
      %add3A_1899 = vector.broadcast %add3A_1898 : i32 to vector<16xi32>
      %add3A_1900 = arith.addi %iota3A, %add3A_1899 : vector<16xi32>
      %gather3A_1901 = tpu.vector_load_idx %arg7[%broadcast_in_dim3A_1892, %add3A_1900, %broadcast_in_dim3A_1890] : memref<8x32x128xf32, #tpu.memory_space<vmem>>[vector<16xi32>, vector<16xi32>, vector<16xi32>], vector<16xf32>,
      %swap3A_1902 = arith.constant 2 : i32
      %swap3A_1903 = arith.index_cast %swap3A_1902 : i32 to index
      %swap3A_1904 = arith.constant 16 : index
      %swap3A_1905 = tpu.vector_load %arg8[%swap3A_1903, %swap3A_1904] {strides = array<i32>} : memref<8x32xf32, #tpu.memory_space<vmem>>, vector<16xf32>,
      tpu.vector_store %arg8[%swap3A_1903, %swap3A_1904], %gather3A_1901 {strides = array<i32>} : memref<8x32xf32, #tpu.memory_space<vmem>>, vector<16xf32>,
      %slice3A_1906 = vector.extract_strided_slice %get3A_1845 {offsets = [11], sizes = [1], strides = [1]} : vector<16xi32> to vector<1xi32>
      %squeeze3A_1907 = vector.extract %slice3A_1906[0] : i32 from vector<1xi32>
      %and3A_1908 = arith.constant 127 : i32
      %and3A_1909 = arith.andi %squeeze3A_1907, %and3A_1908 : i32
      %broadcast_in_dim3A_1910 = vector.broadcast %and3A_1909 : i32 to vector<16xi32>
      %broadcast_in_dim3A_1911 = arith.constant 3 : i32
      %broadcast_in_dim3A_1912 = vector.broadcast %broadcast_in_dim3A_1911 : i32 to vector<16xi32>
      %gather3A_1913 = tpu.vector_load_idx %arg7[%broadcast_in_dim3A_1912, %iota3A, %broadcast_in_dim3A_1910] : memref<8x32x128xf32, #tpu.memory_space<vmem>>[vector<16xi32>, vector<16xi32>, vector<16xi32>], vector<16xf32>,
      %swap3A_1914 = arith.constant 3 : i32
      %swap3A_1915 = arith.index_cast %swap3A_1914 : i32 to index
      %swap3A_1916 = arith.constant 0 : index
      %swap3A_1917 = tpu.vector_load %arg8[%swap3A_1915, %swap3A_1916] {strides = array<i32>} : memref<8x32xf32, #tpu.memory_space<vmem>>, vector<16xf32>,
      tpu.vector_store %arg8[%swap3A_1915, %swap3A_1916], %gather3A_1913 {strides = array<i32>} : memref<8x32xf32, #tpu.memory_space<vmem>>, vector<16xf32>,
      %add3A_1918 = arith.constant 16 : i32
      %add3A_1919 = vector.broadcast %add3A_1918 : i32 to vector<16xi32>
      %add3A_1920 = arith.addi %iota3A, %add3A_1919 : vector<16xi32>
      %gather3A_1921 = tpu.vector_load_idx %arg7[%broadcast_in_dim3A_1912, %add3A_1920, %broadcast_in_dim3A_1910] : memref<8x32x128xf32, #tpu.memory_space<vmem>>[vector<16xi32>, vector<16xi32>, vector<16xi32>], vector<16xf32>,
      %swap3A_1922 = arith.constant 3 : i32
      %swap3A_1923 = arith.index_cast %swap3A_1922 : i32 to index
      %swap3A_1924 = arith.constant 16 : index
      %swap3A_1925 = tpu.vector_load %arg8[%swap3A_1923, %swap3A_1924] {strides = array<i32>} : memref<8x32xf32, #tpu.memory_space<vmem>>, vector<16xf32>,
      tpu.vector_store %arg8[%swap3A_1923, %swap3A_1924], %gather3A_1921 {strides = array<i32>} : memref<8x32xf32, #tpu.memory_space<vmem>>, vector<16xf32>,
      %slice3A_1926 = vector.extract_strided_slice %get3A_1845 {offsets = [12], sizes = [1], strides = [1]} : vector<16xi32> to vector<1xi32>
      %squeeze3A_1927 = vector.extract %slice3A_1926[0] : i32 from vector<1xi32>
      %and3A_1928 = arith.constant 127 : i32
      %and3A_1929 = arith.andi %squeeze3A_1927, %and3A_1928 : i32
      %broadcast_in_dim3A_1930 = vector.broadcast %and3A_1929 : i32 to vector<16xi32>
      %broadcast_in_dim3A_1931 = arith.constant 4 : i32
      %broadcast_in_dim3A_1932 = vector.broadcast %broadcast_in_dim3A_1931 : i32 to vector<16xi32>
      %gather3A_1933 = tpu.vector_load_idx %arg7[%broadcast_in_dim3A_1932, %iota3A, %broadcast_in_dim3A_1930] : memref<8x32x128xf32, #tpu.memory_space<vmem>>[vector<16xi32>, vector<16xi32>, vector<16xi32>], vector<16xf32>,
      %swap3A_1934 = arith.constant 4 : i32
      %swap3A_1935 = arith.index_cast %swap3A_1934 : i32 to index
      %swap3A_1936 = arith.constant 0 : index
      %swap3A_1937 = tpu.vector_load %arg8[%swap3A_1935, %swap3A_1936] {strides = array<i32>} : memref<8x32xf32, #tpu.memory_space<vmem>>, vector<16xf32>,
      tpu.vector_store %arg8[%swap3A_1935, %swap3A_1936], %gather3A_1933 {strides = array<i32>} : memref<8x32xf32, #tpu.memory_space<vmem>>, vector<16xf32>,
      %add3A_1938 = arith.constant 16 : i32
      %add3A_1939 = vector.broadcast %add3A_1938 : i32 to vector<16xi32>
      %add3A_1940 = arith.addi %iota3A, %add3A_1939 : vector<16xi32>
      %gather3A_1941 = tpu.vector_load_idx %arg7[%broadcast_in_dim3A_1932, %add3A_1940, %broadcast_in_dim3A_1930] : memref<8x32x128xf32, #tpu.memory_space<vmem>>[vector<16xi32>, vector<16xi32>, vector<16xi32>], vector<16xf32>,
      %swap3A_1942 = arith.constant 4 : i32
      %swap3A_1943 = arith.index_cast %swap3A_1942 : i32 to index
      %swap3A_1944 = arith.constant 16 : index
      %swap3A_1945 = tpu.vector_load %arg8[%swap3A_1943, %swap3A_1944] {strides = array<i32>} : memref<8x32xf32, #tpu.memory_space<vmem>>, vector<16xf32>,
      tpu.vector_store %arg8[%swap3A_1943, %swap3A_1944], %gather3A_1941 {strides = array<i32>} : memref<8x32xf32, #tpu.memory_space<vmem>>, vector<16xf32>,
      %slice3A_1946 = vector.extract_strided_slice %get3A_1845 {offsets = [13], sizes = [1], strides = [1]} : vector<16xi32> to vector<1xi32>
      %squeeze3A_1947 = vector.extract %slice3A_1946[0] : i32 from vector<1xi32>
      %and3A_1948 = arith.constant 127 : i32
      %and3A_1949 = arith.andi %squeeze3A_1947, %and3A_1948 : i32
      %broadcast_in_dim3A_1950 = vector.broadcast %and3A_1949 : i32 to vector<16xi32>
      %broadcast_in_dim3A_1951 = arith.constant 5 : i32
      %broadcast_in_dim3A_1952 = vector.broadcast %broadcast_in_dim3A_1951 : i32 to vector<16xi32>
      %gather3A_1953 = tpu.vector_load_idx %arg7[%broadcast_in_dim3A_1952, %iota3A, %broadcast_in_dim3A_1950] : memref<8x32x128xf32, #tpu.memory_space<vmem>>[vector<16xi32>, vector<16xi32>, vector<16xi32>], vector<16xf32>,
      %swap3A_1954 = arith.constant 5 : i32
      %swap3A_1955 = arith.index_cast %swap3A_1954 : i32 to index
      %swap3A_1956 = arith.constant 0 : index
      %swap3A_1957 = tpu.vector_load %arg8[%swap3A_1955, %swap3A_1956] {strides = array<i32>} : memref<8x32xf32, #tpu.memory_space<vmem>>, vector<16xf32>,
      tpu.vector_store %arg8[%swap3A_1955, %swap3A_1956], %gather3A_1953 {strides = array<i32>} : memref<8x32xf32, #tpu.memory_space<vmem>>, vector<16xf32>,
      %add3A_1958 = arith.constant 16 : i32
      %add3A_1959 = vector.broadcast %add3A_1958 : i32 to vector<16xi32>
      %add3A_1960 = arith.addi %iota3A, %add3A_1959 : vector<16xi32>
      %gather3A_1961 = tpu.vector_load_idx %arg7[%broadcast_in_dim3A_1952, %add3A_1960, %broadcast_in_dim3A_1950] : memref<8x32x128xf32, #tpu.memory_space<vmem>>[vector<16xi32>, vector<16xi32>, vector<16xi32>], vector<16xf32>,
      %swap3A_1962 = arith.constant 5 : i32
      %swap3A_1963 = arith.index_cast %swap3A_1962 : i32 to index
      %swap3A_1964 = arith.constant 16 : index
      %swap3A_1965 = tpu.vector_load %arg8[%swap3A_1963, %swap3A_1964] {strides = array<i32>} : memref<8x32xf32, #tpu.memory_space<vmem>>, vector<16xf32>,
      tpu.vector_store %arg8[%swap3A_1963, %swap3A_1964], %gather3A_1961 {strides = array<i32>} : memref<8x32xf32, #tpu.memory_space<vmem>>, vector<16xf32>,
      %slice3A_1966 = vector.extract_strided_slice %get3A_1845 {offsets = [14], sizes = [1], strides = [1]} : vector<16xi32> to vector<1xi32>
      %squeeze3A_1967 = vector.extract %slice3A_1966[0] : i32 from vector<1xi32>
      %and3A_1968 = arith.constant 127 : i32
      %and3A_1969 = arith.andi %squeeze3A_1967, %and3A_1968 : i32
      %broadcast_in_dim3A_1970 = vector.broadcast %and3A_1969 : i32 to vector<16xi32>
      %broadcast_in_dim3A_1971 = arith.constant 6 : i32
      %broadcast_in_dim3A_1972 = vector.broadcast %broadcast_in_dim3A_1971 : i32 to vector<16xi32>
      %gather3A_1973 = tpu.vector_load_idx %arg7[%broadcast_in_dim3A_1972, %iota3A, %broadcast_in_dim3A_1970] : memref<8x32x128xf32, #tpu.memory_space<vmem>>[vector<16xi32>, vector<16xi32>, vector<16xi32>], vector<16xf32>,
      %swap3A_1974 = arith.constant 6 : i32
      %swap3A_1975 = arith.index_cast %swap3A_1974 : i32 to index
      %swap3A_1976 = arith.constant 0 : index
      %swap3A_1977 = tpu.vector_load %arg8[%swap3A_1975, %swap3A_1976] {strides = array<i32>} : memref<8x32xf32, #tpu.memory_space<vmem>>, vector<16xf32>,
      tpu.vector_store %arg8[%swap3A_1975, %swap3A_1976], %gather3A_1973 {strides = array<i32>} : memref<8x32xf32, #tpu.memory_space<vmem>>, vector<16xf32>,
      %add3A_1978 = arith.constant 16 : i32
      %add3A_1979 = vector.broadcast %add3A_1978 : i32 to vector<16xi32>
      %add3A_1980 = arith.addi %iota3A, %add3A_1979 : vector<16xi32>
      %gather3A_1981 = tpu.vector_load_idx %arg7[%broadcast_in_dim3A_1972, %add3A_1980, %broadcast_in_dim3A_1970] : memref<8x32x128xf32, #tpu.memory_space<vmem>>[vector<16xi32>, vector<16xi32>, vector<16xi32>], vector<16xf32>,
      %swap3A_1982 = arith.constant 6 : i32
      %swap3A_1983 = arith.index_cast %swap3A_1982 : i32 to index
      %swap3A_1984 = arith.constant 16 : index
      %swap3A_1985 = tpu.vector_load %arg8[%swap3A_1983, %swap3A_1984] {strides = array<i32>} : memref<8x32xf32, #tpu.memory_space<vmem>>, vector<16xf32>,
      tpu.vector_store %arg8[%swap3A_1983, %swap3A_1984], %gather3A_1981 {strides = array<i32>} : memref<8x32xf32, #tpu.memory_space<vmem>>, vector<16xf32>,
      %slice3A_1986 = vector.extract_strided_slice %get3A_1845 {offsets = [15], sizes = [1], strides = [1]} : vector<16xi32> to vector<1xi32>
      %squeeze3A_1987 = vector.extract %slice3A_1986[0] : i32 from vector<1xi32>
      %and3A_1988 = arith.constant 127 : i32
      %and3A_1989 = arith.andi %squeeze3A_1987, %and3A_1988 : i32
      %broadcast_in_dim3A_1990 = vector.broadcast %and3A_1989 : i32 to vector<16xi32>
      %broadcast_in_dim3A_1991 = arith.constant 7 : i32
      %broadcast_in_dim3A_1992 = vector.broadcast %broadcast_in_dim3A_1991 : i32 to vector<16xi32>
      %gather3A_1993 = tpu.vector_load_idx %arg7[%broadcast_in_dim3A_1992, %iota3A, %broadcast_in_dim3A_1990] : memref<8x32x128xf32, #tpu.memory_space<vmem>>[vector<16xi32>, vector<16xi32>, vector<16xi32>], vector<16xf32>,
      %swap3A_1994 = arith.constant 7 : i32
      %swap3A_1995 = arith.index_cast %swap3A_1994 : i32 to index
      %swap3A_1996 = arith.constant 0 : index
      %swap3A_1997 = tpu.vector_load %arg8[%swap3A_1995, %swap3A_1996] {strides = array<i32>} : memref<8x32xf32, #tpu.memory_space<vmem>>, vector<16xf32>,
      tpu.vector_store %arg8[%swap3A_1995, %swap3A_1996], %gather3A_1993 {strides = array<i32>} : memref<8x32xf32, #tpu.memory_space<vmem>>, vector<16xf32>,
      %add3A_1998 = arith.constant 16 : i32
      %add3A_1999 = vector.broadcast %add3A_1998 : i32 to vector<16xi32>
      %add3A_2000 = arith.addi %iota3A, %add3A_1999 : vector<16xi32>
      %gather3A_2001 = tpu.vector_load_idx %arg7[%broadcast_in_dim3A_1992, %add3A_2000, %broadcast_in_dim3A_1990] : memref<8x32x128xf32, #tpu.memory_space<vmem>>[vector<16xi32>, vector<16xi32>, vector<16xi32>], vector<16xf32>,
      %swap3A_2002 = arith.constant 7 : i32
      %swap3A_2003 = arith.index_cast %swap3A_2002 : i32 to index
      %swap3A_2004 = arith.constant 16 : index
      %swap3A_2005 = tpu.vector_load %arg8[%swap3A_2003, %swap3A_2004] {strides = array<i32>} : memref<8x32xf32, #tpu.memory_space<vmem>>, vector<16xf32>,
      tpu.vector_store %arg8[%swap3A_2003, %swap3A_2004], %gather3A_2001 {strides = array<i32>} : memref<8x32xf32, #tpu.memory_space<vmem>>, vector<16xf32>,
      %mul3A_2006 = arith.constant 8 : i32
      %mul3A_2007 = arith.muli %scan3A_162, %mul3A_2006 : i32
      %add3A_2008 = arith.constant 3 : i32
      %add3A_2009 = arith.addi %mul3A_2007, %add3A_2008 : i32
      %mul3A_2010 = arith.constant 8 : i32
      %mul3A_2011 = arith.muli %add3A_2009, %mul3A_2010 : i32
      %add3A_2012 = arith.addi %mul3A_2, %mul3A_2011 : i32
      %multiple_of3A_2013 = tpu.assume_multiple %add3A_2012, 8 : i32
      "tpu.region"() ({
        %run_scoped3A = tpu.sem_alloc : memref<!tpu.dma_semaphore, #tpu.memory_space<semaphore_mem>>
        %dma_start3A_3704 = arith.constant 0 : i32
        %dma_start3A_3705 = tpu.memref_slice %arg4[%multiple_of3A_2013, %dma_start3A_3704] : memref<16384x32xf32, #tpu.memory_space<hbm>> -> memref<8x32xf32, #tpu.memory_space<hbm>>
        %dma_start3A_3706 = arith.constant 0 : i32
        %dma_start3A_3707 = tpu.memref_slice %arg4[%multiple_of3A_2013, %dma_start3A_3706] : memref<16384x32xf32, #tpu.memory_space<hbm>> -> memref<8x32xf32, #tpu.memory_space<hbm>>
        tpu.enqueue_dma source(%arg8 : memref<8x32xf32, #tpu.memory_space<vmem>>) target(%dma_start3A_3707 : memref<8x32xf32, #tpu.memory_space<hbm>>) target_semaphore(%run_scoped3A : memref<!tpu.dma_semaphore, #tpu.memory_space<semaphore_mem>>)
        %dma_wait3A_3708 = arith.constant 0 : i32
        %dma_wait3A_3709 = tpu.memref_slice %arg4[%multiple_of3A_2013, %dma_wait3A_3708] : memref<16384x32xf32, #tpu.memory_space<hbm>> -> memref<8x32xf32, #tpu.memory_space<hbm>>
        %dma_wait3A_3710 = arith.constant 0 : i32
        %dma_wait3A_3711 = tpu.memref_slice %arg4[%multiple_of3A_2013, %dma_wait3A_3710] : memref<16384x32xf32, #tpu.memory_space<hbm>> -> memref<8x32xf32, #tpu.memory_space<hbm>>
        tpu.wait_dma2 semaphore(%run_scoped3A : memref<!tpu.dma_semaphore, #tpu.memory_space<semaphore_mem>>) src(%arg8 : memref<8x32xf32, #tpu.memory_space<vmem>>) dst(%dma_wait3A_3711 : memref<8x32xf32, #tpu.memory_space<hbm>>)
        tpu.yield
      }) : () -> ()
      %mul3A_2014 = arith.constant 4 : i32
      %mul3A_2015 = arith.muli %scan3A_162, %mul3A_2014 : i32
      %add3A_2016 = arith.constant 2 : i32
      %add3A_2017 = arith.addi %mul3A_2015, %add3A_2016 : i32
      %mul3A_2018 = arith.constant 16 : i32
      %mul3A_2019 = arith.muli %add3A_2017, %mul3A_2018 : i32
      %get3A_2020 = arith.index_cast %mul3A_2019 : i32 to index
      %get3A_2021 = tpu.vector_load %arg5[%get3A_2020] {strides = array<i32>} : memref<512xi32, #tpu.memory_space<vmem>>, vector<16xi32>,
      %slice3A_2022 = vector.extract_strided_slice %get3A_2021 {offsets = [8], sizes = [1], strides = [1]} : vector<16xi32> to vector<1xi32>
      %squeeze3A_2023 = vector.extract %slice3A_2022[0] : i32 from vector<1xi32>
      %shift_right_arithmetic3A_2024 = arith.constant 7 : i32
      %shift_right_arithmetic3A_2025 = arith.shrsi %squeeze3A_2023, %shift_right_arithmetic3A_2024 : i32
      %shift_left3A_2026 = arith.constant 7 : i32
      %shift_left3A_2027 = arith.shli %shift_right_arithmetic3A_2025, %shift_left3A_2026 : i32
      %multiple_of3A_2028 = tpu.assume_multiple %shift_left3A_2027, 128 : i32
      %dma_start3A_2029 = arith.constant 0 : i32
      %dma_start3A_2030 = arith.constant 0 : i32
      %dma_start3A_2031 = arith.constant 0 : i32
      %dma_start3A_2032 = tpu.memref_slice %arg7[%dma_start3A_2029, %dma_start3A_2030, %dma_start3A_2031] : memref<8x32x128xf32, #tpu.memory_space<vmem>> -> memref<1x32x128xf32, #tpu.memory_space<vmem>>
      %dma_start3A_2033 = tpu.memref_squeeze %dma_start3A_2032 : memref<1x32x128xf32, #tpu.memory_space<vmem>> -> memref<32x128xf32, #tpu.memory_space<vmem>>
      %dma_start3A_2034 = arith.constant 0 : i32
      %dma_start3A_2035 = tpu.memref_slice %arg3[%dma_start3A_2034, %multiple_of3A_2028] : memref<32x1000000xf32, #tpu.memory_space<hbm>> -> memref<32x128xf32, #tpu.memory_space<hbm>>
      %dma_start3A_2036 = arith.constant 0 : i32
      %dma_start3A_2037 = arith.constant 0 : i32
      %dma_start3A_2038 = tpu.memref_slice %arg7[%dma_start3A_2029, %dma_start3A_2036, %dma_start3A_2037] : memref<8x32x128xf32, #tpu.memory_space<vmem>> -> memref<1x32x128xf32, #tpu.memory_space<vmem>>
      %dma_start3A_2039 = tpu.memref_squeeze %dma_start3A_2038 : memref<1x32x128xf32, #tpu.memory_space<vmem>> -> memref<32x128xf32, #tpu.memory_space<vmem>>
      %dma_start3A_2040 = arith.constant 0 : i32
      %dma_start3A_2041 = tpu.memref_slice %arg3[%dma_start3A_2040, %multiple_of3A_2028] : memref<32x1000000xf32, #tpu.memory_space<hbm>> -> memref<32x128xf32, #tpu.memory_space<hbm>>
      tpu.enqueue_dma source(%dma_start3A_2041 : memref<32x128xf32, #tpu.memory_space<hbm>>) target(%dma_start3A_2039 : memref<32x128xf32, #tpu.memory_space<vmem>>) target_semaphore(%arg9 : memref<!tpu.dma_semaphore, #tpu.memory_space<semaphore_mem>>)
      %slice3A_2042 = vector.extract_strided_slice %get3A_2021 {offsets = [9], sizes = [1], strides = [1]} : vector<16xi32> to vector<1xi32>
      %squeeze3A_2043 = vector.extract %slice3A_2042[0] : i32 from vector<1xi32>
      %shift_right_arithmetic3A_2044 = arith.constant 7 : i32
      %shift_right_arithmetic3A_2045 = arith.shrsi %squeeze3A_2043, %shift_right_arithmetic3A_2044 : i32
      %shift_left3A_2046 = arith.constant 7 : i32
      %shift_left3A_2047 = arith.shli %shift_right_arithmetic3A_2045, %shift_left3A_2046 : i32
      %multiple_of3A_2048 = tpu.assume_multiple %shift_left3A_2047, 128 : i32
      %dma_start3A_2049 = arith.constant 1 : i32
      %dma_start3A_2050 = arith.constant 0 : i32
      %dma_start3A_2051 = arith.constant 0 : i32
      %dma_start3A_2052 = tpu.memref_slice %arg7[%dma_start3A_2049, %dma_start3A_2050, %dma_start3A_2051] : memref<8x32x128xf32, #tpu.memory_space<vmem>> -> memref<1x32x128xf32, #tpu.memory_space<vmem>>
      %dma_start3A_2053 = tpu.memref_squeeze %dma_start3A_2052 : memref<1x32x128xf32, #tpu.memory_space<vmem>> -> memref<32x128xf32, #tpu.memory_space<vmem>>
      %dma_start3A_2054 = arith.constant 0 : i32
      %dma_start3A_2055 = tpu.memref_slice %arg3[%dma_start3A_2054, %multiple_of3A_2048] : memref<32x1000000xf32, #tpu.memory_space<hbm>> -> memref<32x128xf32, #tpu.memory_space<hbm>>
      %dma_start3A_2056 = arith.constant 0 : i32
      %dma_start3A_2057 = arith.constant 0 : i32
      %dma_start3A_2058 = tpu.memref_slice %arg7[%dma_start3A_2049, %dma_start3A_2056, %dma_start3A_2057] : memref<8x32x128xf32, #tpu.memory_space<vmem>> -> memref<1x32x128xf32, #tpu.memory_space<vmem>>
      %dma_start3A_2059 = tpu.memref_squeeze %dma_start3A_2058 : memref<1x32x128xf32, #tpu.memory_space<vmem>> -> memref<32x128xf32, #tpu.memory_space<vmem>>
      %dma_start3A_2060 = arith.constant 0 : i32
      %dma_start3A_2061 = tpu.memref_slice %arg3[%dma_start3A_2060, %multiple_of3A_2048] : memref<32x1000000xf32, #tpu.memory_space<hbm>> -> memref<32x128xf32, #tpu.memory_space<hbm>>
      tpu.enqueue_dma source(%dma_start3A_2061 : memref<32x128xf32, #tpu.memory_space<hbm>>) target(%dma_start3A_2059 : memref<32x128xf32, #tpu.memory_space<vmem>>) target_semaphore(%arg9 : memref<!tpu.dma_semaphore, #tpu.memory_space<semaphore_mem>>)
      %slice3A_2062 = vector.extract_strided_slice %get3A_2021 {offsets = [10], sizes = [1], strides = [1]} : vector<16xi32> to vector<1xi32>
      %squeeze3A_2063 = vector.extract %slice3A_2062[0] : i32 from vector<1xi32>
      %shift_right_arithmetic3A_2064 = arith.constant 7 : i32
      %shift_right_arithmetic3A_2065 = arith.shrsi %squeeze3A_2063, %shift_right_arithmetic3A_2064 : i32
      %shift_left3A_2066 = arith.constant 7 : i32
      %shift_left3A_2067 = arith.shli %shift_right_arithmetic3A_2065, %shift_left3A_2066 : i32
      %multiple_of3A_2068 = tpu.assume_multiple %shift_left3A_2067, 128 : i32
      %dma_start3A_2069 = arith.constant 2 : i32
      %dma_start3A_2070 = arith.constant 0 : i32
      %dma_start3A_2071 = arith.constant 0 : i32
      %dma_start3A_2072 = tpu.memref_slice %arg7[%dma_start3A_2069, %dma_start3A_2070, %dma_start3A_2071] : memref<8x32x128xf32, #tpu.memory_space<vmem>> -> memref<1x32x128xf32, #tpu.memory_space<vmem>>
      %dma_start3A_2073 = tpu.memref_squeeze %dma_start3A_2072 : memref<1x32x128xf32, #tpu.memory_space<vmem>> -> memref<32x128xf32, #tpu.memory_space<vmem>>
      %dma_start3A_2074 = arith.constant 0 : i32
      %dma_start3A_2075 = tpu.memref_slice %arg3[%dma_start3A_2074, %multiple_of3A_2068] : memref<32x1000000xf32, #tpu.memory_space<hbm>> -> memref<32x128xf32, #tpu.memory_space<hbm>>
      %dma_start3A_2076 = arith.constant 0 : i32
      %dma_start3A_2077 = arith.constant 0 : i32
      %dma_start3A_2078 = tpu.memref_slice %arg7[%dma_start3A_2069, %dma_start3A_2076, %dma_start3A_2077] : memref<8x32x128xf32, #tpu.memory_space<vmem>> -> memref<1x32x128xf32, #tpu.memory_space<vmem>>
      %dma_start3A_2079 = tpu.memref_squeeze %dma_start3A_2078 : memref<1x32x128xf32, #tpu.memory_space<vmem>> -> memref<32x128xf32, #tpu.memory_space<vmem>>
      %dma_start3A_2080 = arith.constant 0 : i32
      %dma_start3A_2081 = tpu.memref_slice %arg3[%dma_start3A_2080, %multiple_of3A_2068] : memref<32x1000000xf32, #tpu.memory_space<hbm>> -> memref<32x128xf32, #tpu.memory_space<hbm>>
      tpu.enqueue_dma source(%dma_start3A_2081 : memref<32x128xf32, #tpu.memory_space<hbm>>) target(%dma_start3A_2079 : memref<32x128xf32, #tpu.memory_space<vmem>>) target_semaphore(%arg9 : memref<!tpu.dma_semaphore, #tpu.memory_space<semaphore_mem>>)
      %slice3A_2082 = vector.extract_strided_slice %get3A_2021 {offsets = [11], sizes = [1], strides = [1]} : vector<16xi32> to vector<1xi32>
      %squeeze3A_2083 = vector.extract %slice3A_2082[0] : i32 from vector<1xi32>
      %shift_right_arithmetic3A_2084 = arith.constant 7 : i32
      %shift_right_arithmetic3A_2085 = arith.shrsi %squeeze3A_2083, %shift_right_arithmetic3A_2084 : i32
      %shift_left3A_2086 = arith.constant 7 : i32
      %shift_left3A_2087 = arith.shli %shift_right_arithmetic3A_2085, %shift_left3A_2086 : i32
      %multiple_of3A_2088 = tpu.assume_multiple %shift_left3A_2087, 128 : i32
      %dma_start3A_2089 = arith.constant 3 : i32
      %dma_start3A_2090 = arith.constant 0 : i32
      %dma_start3A_2091 = arith.constant 0 : i32
      %dma_start3A_2092 = tpu.memref_slice %arg7[%dma_start3A_2089, %dma_start3A_2090, %dma_start3A_2091] : memref<8x32x128xf32, #tpu.memory_space<vmem>> -> memref<1x32x128xf32, #tpu.memory_space<vmem>>
      %dma_start3A_2093 = tpu.memref_squeeze %dma_start3A_2092 : memref<1x32x128xf32, #tpu.memory_space<vmem>> -> memref<32x128xf32, #tpu.memory_space<vmem>>
      %dma_start3A_2094 = arith.constant 0 : i32
      %dma_start3A_2095 = tpu.memref_slice %arg3[%dma_start3A_2094, %multiple_of3A_2088] : memref<32x1000000xf32, #tpu.memory_space<hbm>> -> memref<32x128xf32, #tpu.memory_space<hbm>>
      %dma_start3A_2096 = arith.constant 0 : i32
      %dma_start3A_2097 = arith.constant 0 : i32
      %dma_start3A_2098 = tpu.memref_slice %arg7[%dma_start3A_2089, %dma_start3A_2096, %dma_start3A_2097] : memref<8x32x128xf32, #tpu.memory_space<vmem>> -> memref<1x32x128xf32, #tpu.memory_space<vmem>>
      %dma_start3A_2099 = tpu.memref_squeeze %dma_start3A_2098 : memref<1x32x128xf32, #tpu.memory_space<vmem>> -> memref<32x128xf32, #tpu.memory_space<vmem>>
      %dma_start3A_2100 = arith.constant 0 : i32
      %dma_start3A_2101 = tpu.memref_slice %arg3[%dma_start3A_2100, %multiple_of3A_2088] : memref<32x1000000xf32, #tpu.memory_space<hbm>> -> memref<32x128xf32, #tpu.memory_space<hbm>>
      tpu.enqueue_dma source(%dma_start3A_2101 : memref<32x128xf32, #tpu.memory_space<hbm>>) target(%dma_start3A_2099 : memref<32x128xf32, #tpu.memory_space<vmem>>) target_semaphore(%arg9 : memref<!tpu.dma_semaphore, #tpu.memory_space<semaphore_mem>>)
      %slice3A_2102 = vector.extract_strided_slice %get3A_2021 {offsets = [12], sizes = [1], strides = [1]} : vector<16xi32> to vector<1xi32>
      %squeeze3A_2103 = vector.extract %slice3A_2102[0] : i32 from vector<1xi32>
      %shift_right_arithmetic3A_2104 = arith.constant 7 : i32
      %shift_right_arithmetic3A_2105 = arith.shrsi %squeeze3A_2103, %shift_right_arithmetic3A_2104 : i32
      %shift_left3A_2106 = arith.constant 7 : i32
      %shift_left3A_2107 = arith.shli %shift_right_arithmetic3A_2105, %shift_left3A_2106 : i32
      %multiple_of3A_2108 = tpu.assume_multiple %shift_left3A_2107, 128 : i32
      %dma_start3A_2109 = arith.constant 4 : i32
      %dma_start3A_2110 = arith.constant 0 : i32
      %dma_start3A_2111 = arith.constant 0 : i32
      %dma_start3A_2112 = tpu.memref_slice %arg7[%dma_start3A_2109, %dma_start3A_2110, %dma_start3A_2111] : memref<8x32x128xf32, #tpu.memory_space<vmem>> -> memref<1x32x128xf32, #tpu.memory_space<vmem>>
      %dma_start3A_2113 = tpu.memref_squeeze %dma_start3A_2112 : memref<1x32x128xf32, #tpu.memory_space<vmem>> -> memref<32x128xf32, #tpu.memory_space<vmem>>
      %dma_start3A_2114 = arith.constant 0 : i32
      %dma_start3A_2115 = tpu.memref_slice %arg3[%dma_start3A_2114, %multiple_of3A_2108] : memref<32x1000000xf32, #tpu.memory_space<hbm>> -> memref<32x128xf32, #tpu.memory_space<hbm>>
      %dma_start3A_2116 = arith.constant 0 : i32
      %dma_start3A_2117 = arith.constant 0 : i32
      %dma_start3A_2118 = tpu.memref_slice %arg7[%dma_start3A_2109, %dma_start3A_2116, %dma_start3A_2117] : memref<8x32x128xf32, #tpu.memory_space<vmem>> -> memref<1x32x128xf32, #tpu.memory_space<vmem>>
      %dma_start3A_2119 = tpu.memref_squeeze %dma_start3A_2118 : memref<1x32x128xf32, #tpu.memory_space<vmem>> -> memref<32x128xf32, #tpu.memory_space<vmem>>
      %dma_start3A_2120 = arith.constant 0 : i32
      %dma_start3A_2121 = tpu.memref_slice %arg3[%dma_start3A_2120, %multiple_of3A_2108] : memref<32x1000000xf32, #tpu.memory_space<hbm>> -> memref<32x128xf32, #tpu.memory_space<hbm>>
      tpu.enqueue_dma source(%dma_start3A_2121 : memref<32x128xf32, #tpu.memory_space<hbm>>) target(%dma_start3A_2119 : memref<32x128xf32, #tpu.memory_space<vmem>>) target_semaphore(%arg9 : memref<!tpu.dma_semaphore, #tpu.memory_space<semaphore_mem>>)
      %slice3A_2122 = vector.extract_strided_slice %get3A_2021 {offsets = [13], sizes = [1], strides = [1]} : vector<16xi32> to vector<1xi32>
      %squeeze3A_2123 = vector.extract %slice3A_2122[0] : i32 from vector<1xi32>
      %shift_right_arithmetic3A_2124 = arith.constant 7 : i32
      %shift_right_arithmetic3A_2125 = arith.shrsi %squeeze3A_2123, %shift_right_arithmetic3A_2124 : i32
      %shift_left3A_2126 = arith.constant 7 : i32
      %shift_left3A_2127 = arith.shli %shift_right_arithmetic3A_2125, %shift_left3A_2126 : i32
      %multiple_of3A_2128 = tpu.assume_multiple %shift_left3A_2127, 128 : i32
      %dma_start3A_2129 = arith.constant 5 : i32
      %dma_start3A_2130 = arith.constant 0 : i32
      %dma_start3A_2131 = arith.constant 0 : i32
      %dma_start3A_2132 = tpu.memref_slice %arg7[%dma_start3A_2129, %dma_start3A_2130, %dma_start3A_2131] : memref<8x32x128xf32, #tpu.memory_space<vmem>> -> memref<1x32x128xf32, #tpu.memory_space<vmem>>
      %dma_start3A_2133 = tpu.memref_squeeze %dma_start3A_2132 : memref<1x32x128xf32, #tpu.memory_space<vmem>> -> memref<32x128xf32, #tpu.memory_space<vmem>>
      %dma_start3A_2134 = arith.constant 0 : i32
      %dma_start3A_2135 = tpu.memref_slice %arg3[%dma_start3A_2134, %multiple_of3A_2128] : memref<32x1000000xf32, #tpu.memory_space<hbm>> -> memref<32x128xf32, #tpu.memory_space<hbm>>
      %dma_start3A_2136 = arith.constant 0 : i32
      %dma_start3A_2137 = arith.constant 0 : i32
      %dma_start3A_2138 = tpu.memref_slice %arg7[%dma_start3A_2129, %dma_start3A_2136, %dma_start3A_2137] : memref<8x32x128xf32, #tpu.memory_space<vmem>> -> memref<1x32x128xf32, #tpu.memory_space<vmem>>
      %dma_start3A_2139 = tpu.memref_squeeze %dma_start3A_2138 : memref<1x32x128xf32, #tpu.memory_space<vmem>> -> memref<32x128xf32, #tpu.memory_space<vmem>>
      %dma_start3A_2140 = arith.constant 0 : i32
      %dma_start3A_2141 = tpu.memref_slice %arg3[%dma_start3A_2140, %multiple_of3A_2128] : memref<32x1000000xf32, #tpu.memory_space<hbm>> -> memref<32x128xf32, #tpu.memory_space<hbm>>
      tpu.enqueue_dma source(%dma_start3A_2141 : memref<32x128xf32, #tpu.memory_space<hbm>>) target(%dma_start3A_2139 : memref<32x128xf32, #tpu.memory_space<vmem>>) target_semaphore(%arg9 : memref<!tpu.dma_semaphore, #tpu.memory_space<semaphore_mem>>)
      %slice3A_2142 = vector.extract_strided_slice %get3A_2021 {offsets = [14], sizes = [1], strides = [1]} : vector<16xi32> to vector<1xi32>
      %squeeze3A_2143 = vector.extract %slice3A_2142[0] : i32 from vector<1xi32>
      %shift_right_arithmetic3A_2144 = arith.constant 7 : i32
      %shift_right_arithmetic3A_2145 = arith.shrsi %squeeze3A_2143, %shift_right_arithmetic3A_2144 : i32
      %shift_left3A_2146 = arith.constant 7 : i32
      %shift_left3A_2147 = arith.shli %shift_right_arithmetic3A_2145, %shift_left3A_2146 : i32
      %multiple_of3A_2148 = tpu.assume_multiple %shift_left3A_2147, 128 : i32
      %dma_start3A_2149 = arith.constant 6 : i32
      %dma_start3A_2150 = arith.constant 0 : i32
      %dma_start3A_2151 = arith.constant 0 : i32
      %dma_start3A_2152 = tpu.memref_slice %arg7[%dma_start3A_2149, %dma_start3A_2150, %dma_start3A_2151] : memref<8x32x128xf32, #tpu.memory_space<vmem>> -> memref<1x32x128xf32, #tpu.memory_space<vmem>>
      %dma_start3A_2153 = tpu.memref_squeeze %dma_start3A_2152 : memref<1x32x128xf32, #tpu.memory_space<vmem>> -> memref<32x128xf32, #tpu.memory_space<vmem>>
      %dma_start3A_2154 = arith.constant 0 : i32
      %dma_start3A_2155 = tpu.memref_slice %arg3[%dma_start3A_2154, %multiple_of3A_2148] : memref<32x1000000xf32, #tpu.memory_space<hbm>> -> memref<32x128xf32, #tpu.memory_space<hbm>>
      %dma_start3A_2156 = arith.constant 0 : i32
      %dma_start3A_2157 = arith.constant 0 : i32
      %dma_start3A_2158 = tpu.memref_slice %arg7[%dma_start3A_2149, %dma_start3A_2156, %dma_start3A_2157] : memref<8x32x128xf32, #tpu.memory_space<vmem>> -> memref<1x32x128xf32, #tpu.memory_space<vmem>>
      %dma_start3A_2159 = tpu.memref_squeeze %dma_start3A_2158 : memref<1x32x128xf32, #tpu.memory_space<vmem>> -> memref<32x128xf32, #tpu.memory_space<vmem>>
      %dma_start3A_2160 = arith.constant 0 : i32
      %dma_start3A_2161 = tpu.memref_slice %arg3[%dma_start3A_2160, %multiple_of3A_2148] : memref<32x1000000xf32, #tpu.memory_space<hbm>> -> memref<32x128xf32, #tpu.memory_space<hbm>>
      tpu.enqueue_dma source(%dma_start3A_2161 : memref<32x128xf32, #tpu.memory_space<hbm>>) target(%dma_start3A_2159 : memref<32x128xf32, #tpu.memory_space<vmem>>) target_semaphore(%arg9 : memref<!tpu.dma_semaphore, #tpu.memory_space<semaphore_mem>>)
      %slice3A_2162 = vector.extract_strided_slice %get3A_2021 {offsets = [15], sizes = [1], strides = [1]} : vector<16xi32> to vector<1xi32>
      %squeeze3A_2163 = vector.extract %slice3A_2162[0] : i32 from vector<1xi32>
      %shift_right_arithmetic3A_2164 = arith.constant 7 : i32
      %shift_right_arithmetic3A_2165 = arith.shrsi %squeeze3A_2163, %shift_right_arithmetic3A_2164 : i32
      %shift_left3A_2166 = arith.constant 7 : i32
      %shift_left3A_2167 = arith.shli %shift_right_arithmetic3A_2165, %shift_left3A_2166 : i32
      %multiple_of3A_2168 = tpu.assume_multiple %shift_left3A_2167, 128 : i32
      %dma_start3A_2169 = arith.constant 7 : i32
      %dma_start3A_2170 = arith.constant 0 : i32
      %dma_start3A_2171 = arith.constant 0 : i32
      %dma_start3A_2172 = tpu.memref_slice %arg7[%dma_start3A_2169, %dma_start3A_2170, %dma_start3A_2171] : memref<8x32x128xf32, #tpu.memory_space<vmem>> -> memref<1x32x128xf32, #tpu.memory_space<vmem>>
      %dma_start3A_2173 = tpu.memref_squeeze %dma_start3A_2172 : memref<1x32x128xf32, #tpu.memory_space<vmem>> -> memref<32x128xf32, #tpu.memory_space<vmem>>
      %dma_start3A_2174 = arith.constant 0 : i32
      %dma_start3A_2175 = tpu.memref_slice %arg3[%dma_start3A_2174, %multiple_of3A_2168] : memref<32x1000000xf32, #tpu.memory_space<hbm>> -> memref<32x128xf32, #tpu.memory_space<hbm>>
      %dma_start3A_2176 = arith.constant 0 : i32
      %dma_start3A_2177 = arith.constant 0 : i32
      %dma_start3A_2178 = tpu.memref_slice %arg7[%dma_start3A_2169, %dma_start3A_2176, %dma_start3A_2177] : memref<8x32x128xf32, #tpu.memory_space<vmem>> -> memref<1x32x128xf32, #tpu.memory_space<vmem>>
      %dma_start3A_2179 = tpu.memref_squeeze %dma_start3A_2178 : memref<1x32x128xf32, #tpu.memory_space<vmem>> -> memref<32x128xf32, #tpu.memory_space<vmem>>
      %dma_start3A_2180 = arith.constant 0 : i32
      %dma_start3A_2181 = tpu.memref_slice %arg3[%dma_start3A_2180, %multiple_of3A_2168] : memref<32x1000000xf32, #tpu.memory_space<hbm>> -> memref<32x128xf32, #tpu.memory_space<hbm>>
      tpu.enqueue_dma source(%dma_start3A_2181 : memref<32x128xf32, #tpu.memory_space<hbm>>) target(%dma_start3A_2179 : memref<32x128xf32, #tpu.memory_space<vmem>>) target_semaphore(%arg9 : memref<!tpu.dma_semaphore, #tpu.memory_space<semaphore_mem>>)
      %dma_wait3A_2182 = arith.constant 0 : i32
      %dma_wait3A_2183 = arith.constant 0 : i32
      %dma_wait3A_2184 = arith.constant 0 : i32
      %dma_wait3A_2185 = tpu.memref_slice %arg6[%dma_wait3A_2182, %dma_wait3A_2183, %dma_wait3A_2184] : memref<8x32x128xf32, #tpu.memory_space<vmem>> -> memref<1x32x128xf32, #tpu.memory_space<vmem>>
      %dma_wait3A_2186 = tpu.memref_squeeze %dma_wait3A_2185 : memref<1x32x128xf32, #tpu.memory_space<vmem>> -> memref<32x128xf32, #tpu.memory_space<vmem>>
      %dma_wait3A_2187 = arith.constant 0 : i32
      %dma_wait3A_2188 = arith.constant 0 : i32
      %dma_wait3A_2189 = tpu.memref_slice %arg3[%dma_wait3A_2187, %dma_wait3A_2188] : memref<32x1000000xf32, #tpu.memory_space<hbm>> -> memref<32x128xf32, #tpu.memory_space<hbm>>
      %dma_wait3A_2190 = arith.constant 0 : i32
      %dma_wait3A_2191 = arith.constant 0 : i32
      %dma_wait3A_2192 = tpu.memref_slice %arg6[%dma_wait3A_2182, %dma_wait3A_2190, %dma_wait3A_2191] : memref<8x32x128xf32, #tpu.memory_space<vmem>> -> memref<1x32x128xf32, #tpu.memory_space<vmem>>
      %dma_wait3A_2193 = tpu.memref_squeeze %dma_wait3A_2192 : memref<1x32x128xf32, #tpu.memory_space<vmem>> -> memref<32x128xf32, #tpu.memory_space<vmem>>
      %dma_wait3A_2194 = arith.constant 0 : i32
      %dma_wait3A_2195 = arith.constant 0 : i32
      %dma_wait3A_2196 = tpu.memref_slice %arg3[%dma_wait3A_2194, %dma_wait3A_2195] : memref<32x1000000xf32, #tpu.memory_space<hbm>> -> memref<32x128xf32, #tpu.memory_space<hbm>>
      tpu.wait_dma2 semaphore(%arg9 : memref<!tpu.dma_semaphore, #tpu.memory_space<semaphore_mem>>) src(%dma_wait3A_2196 : memref<32x128xf32, #tpu.memory_space<hbm>>) dst(%dma_wait3A_2193 : memref<32x128xf32, #tpu.memory_space<vmem>>)
      %dma_wait3A_2197 = arith.constant 1 : i32
      %dma_wait3A_2198 = arith.constant 0 : i32
      %dma_wait3A_2199 = arith.constant 0 : i32
      %dma_wait3A_2200 = tpu.memref_slice %arg6[%dma_wait3A_2197, %dma_wait3A_2198, %dma_wait3A_2199] : memref<8x32x128xf32, #tpu.memory_space<vmem>> -> memref<1x32x128xf32, #tpu.memory_space<vmem>>
      %dma_wait3A_2201 = tpu.memref_squeeze %dma_wait3A_2200 : memref<1x32x128xf32, #tpu.memory_space<vmem>> -> memref<32x128xf32, #tpu.memory_space<vmem>>
      %dma_wait3A_2202 = arith.constant 0 : i32
      %dma_wait3A_2203 = arith.constant 0 : i32
      %dma_wait3A_2204 = tpu.memref_slice %arg3[%dma_wait3A_2202, %dma_wait3A_2203] : memref<32x1000000xf32, #tpu.memory_space<hbm>> -> memref<32x128xf32, #tpu.memory_space<hbm>>
      %dma_wait3A_2205 = arith.constant 0 : i32
      %dma_wait3A_2206 = arith.constant 0 : i32
      %dma_wait3A_2207 = tpu.memref_slice %arg6[%dma_wait3A_2197, %dma_wait3A_2205, %dma_wait3A_2206] : memref<8x32x128xf32, #tpu.memory_space<vmem>> -> memref<1x32x128xf32, #tpu.memory_space<vmem>>
      %dma_wait3A_2208 = tpu.memref_squeeze %dma_wait3A_2207 : memref<1x32x128xf32, #tpu.memory_space<vmem>> -> memref<32x128xf32, #tpu.memory_space<vmem>>
      %dma_wait3A_2209 = arith.constant 0 : i32
      %dma_wait3A_2210 = arith.constant 0 : i32
      %dma_wait3A_2211 = tpu.memref_slice %arg3[%dma_wait3A_2209, %dma_wait3A_2210] : memref<32x1000000xf32, #tpu.memory_space<hbm>> -> memref<32x128xf32, #tpu.memory_space<hbm>>
      tpu.wait_dma2 semaphore(%arg9 : memref<!tpu.dma_semaphore, #tpu.memory_space<semaphore_mem>>) src(%dma_wait3A_2211 : memref<32x128xf32, #tpu.memory_space<hbm>>) dst(%dma_wait3A_2208 : memref<32x128xf32, #tpu.memory_space<vmem>>)
      %dma_wait3A_2212 = arith.constant 2 : i32
      %dma_wait3A_2213 = arith.constant 0 : i32
      %dma_wait3A_2214 = arith.constant 0 : i32
      %dma_wait3A_2215 = tpu.memref_slice %arg6[%dma_wait3A_2212, %dma_wait3A_2213, %dma_wait3A_2214] : memref<8x32x128xf32, #tpu.memory_space<vmem>> -> memref<1x32x128xf32, #tpu.memory_space<vmem>>
      %dma_wait3A_2216 = tpu.memref_squeeze %dma_wait3A_2215 : memref<1x32x128xf32, #tpu.memory_space<vmem>> -> memref<32x128xf32, #tpu.memory_space<vmem>>
      %dma_wait3A_2217 = arith.constant 0 : i32
      %dma_wait3A_2218 = arith.constant 0 : i32
      %dma_wait3A_2219 = tpu.memref_slice %arg3[%dma_wait3A_2217, %dma_wait3A_2218] : memref<32x1000000xf32, #tpu.memory_space<hbm>> -> memref<32x128xf32, #tpu.memory_space<hbm>>
      %dma_wait3A_2220 = arith.constant 0 : i32
      %dma_wait3A_2221 = arith.constant 0 : i32
      %dma_wait3A_2222 = tpu.memref_slice %arg6[%dma_wait3A_2212, %dma_wait3A_2220, %dma_wait3A_2221] : memref<8x32x128xf32, #tpu.memory_space<vmem>> -> memref<1x32x128xf32, #tpu.memory_space<vmem>>
      %dma_wait3A_2223 = tpu.memref_squeeze %dma_wait3A_2222 : memref<1x32x128xf32, #tpu.memory_space<vmem>> -> memref<32x128xf32, #tpu.memory_space<vmem>>
      %dma_wait3A_2224 = arith.constant 0 : i32
      %dma_wait3A_2225 = arith.constant 0 : i32
      %dma_wait3A_2226 = tpu.memref_slice %arg3[%dma_wait3A_2224, %dma_wait3A_2225] : memref<32x1000000xf32, #tpu.memory_space<hbm>> -> memref<32x128xf32, #tpu.memory_space<hbm>>
      tpu.wait_dma2 semaphore(%arg9 : memref<!tpu.dma_semaphore, #tpu.memory_space<semaphore_mem>>) src(%dma_wait3A_2226 : memref<32x128xf32, #tpu.memory_space<hbm>>) dst(%dma_wait3A_2223 : memref<32x128xf32, #tpu.memory_space<vmem>>)
      %dma_wait3A_2227 = arith.constant 3 : i32
      %dma_wait3A_2228 = arith.constant 0 : i32
      %dma_wait3A_2229 = arith.constant 0 : i32
      %dma_wait3A_2230 = tpu.memref_slice %arg6[%dma_wait3A_2227, %dma_wait3A_2228, %dma_wait3A_2229] : memref<8x32x128xf32, #tpu.memory_space<vmem>> -> memref<1x32x128xf32, #tpu.memory_space<vmem>>
      %dma_wait3A_2231 = tpu.memref_squeeze %dma_wait3A_2230 : memref<1x32x128xf32, #tpu.memory_space<vmem>> -> memref<32x128xf32, #tpu.memory_space<vmem>>
      %dma_wait3A_2232 = arith.constant 0 : i32
      %dma_wait3A_2233 = arith.constant 0 : i32
      %dma_wait3A_2234 = tpu.memref_slice %arg3[%dma_wait3A_2232, %dma_wait3A_2233] : memref<32x1000000xf32, #tpu.memory_space<hbm>> -> memref<32x128xf32, #tpu.memory_space<hbm>>
      %dma_wait3A_2235 = arith.constant 0 : i32
      %dma_wait3A_2236 = arith.constant 0 : i32
      %dma_wait3A_2237 = tpu.memref_slice %arg6[%dma_wait3A_2227, %dma_wait3A_2235, %dma_wait3A_2236] : memref<8x32x128xf32, #tpu.memory_space<vmem>> -> memref<1x32x128xf32, #tpu.memory_space<vmem>>
      %dma_wait3A_2238 = tpu.memref_squeeze %dma_wait3A_2237 : memref<1x32x128xf32, #tpu.memory_space<vmem>> -> memref<32x128xf32, #tpu.memory_space<vmem>>
      %dma_wait3A_2239 = arith.constant 0 : i32
      %dma_wait3A_2240 = arith.constant 0 : i32
      %dma_wait3A_2241 = tpu.memref_slice %arg3[%dma_wait3A_2239, %dma_wait3A_2240] : memref<32x1000000xf32, #tpu.memory_space<hbm>> -> memref<32x128xf32, #tpu.memory_space<hbm>>
      tpu.wait_dma2 semaphore(%arg9 : memref<!tpu.dma_semaphore, #tpu.memory_space<semaphore_mem>>) src(%dma_wait3A_2241 : memref<32x128xf32, #tpu.memory_space<hbm>>) dst(%dma_wait3A_2238 : memref<32x128xf32, #tpu.memory_space<vmem>>)
      %dma_wait3A_2242 = arith.constant 4 : i32
      %dma_wait3A_2243 = arith.constant 0 : i32
      %dma_wait3A_2244 = arith.constant 0 : i32
      %dma_wait3A_2245 = tpu.memref_slice %arg6[%dma_wait3A_2242, %dma_wait3A_2243, %dma_wait3A_2244] : memref<8x32x128xf32, #tpu.memory_space<vmem>> -> memref<1x32x128xf32, #tpu.memory_space<vmem>>
      %dma_wait3A_2246 = tpu.memref_squeeze %dma_wait3A_2245 : memref<1x32x128xf32, #tpu.memory_space<vmem>> -> memref<32x128xf32, #tpu.memory_space<vmem>>
      %dma_wait3A_2247 = arith.constant 0 : i32
      %dma_wait3A_2248 = arith.constant 0 : i32
      %dma_wait3A_2249 = tpu.memref_slice %arg3[%dma_wait3A_2247, %dma_wait3A_2248] : memref<32x1000000xf32, #tpu.memory_space<hbm>> -> memref<32x128xf32, #tpu.memory_space<hbm>>
      %dma_wait3A_2250 = arith.constant 0 : i32
      %dma_wait3A_2251 = arith.constant 0 : i32
      %dma_wait3A_2252 = tpu.memref_slice %arg6[%dma_wait3A_2242, %dma_wait3A_2250, %dma_wait3A_2251] : memref<8x32x128xf32, #tpu.memory_space<vmem>> -> memref<1x32x128xf32, #tpu.memory_space<vmem>>
      %dma_wait3A_2253 = tpu.memref_squeeze %dma_wait3A_2252 : memref<1x32x128xf32, #tpu.memory_space<vmem>> -> memref<32x128xf32, #tpu.memory_space<vmem>>
      %dma_wait3A_2254 = arith.constant 0 : i32
      %dma_wait3A_2255 = arith.constant 0 : i32
      %dma_wait3A_2256 = tpu.memref_slice %arg3[%dma_wait3A_2254, %dma_wait3A_2255] : memref<32x1000000xf32, #tpu.memory_space<hbm>> -> memref<32x128xf32, #tpu.memory_space<hbm>>
      tpu.wait_dma2 semaphore(%arg9 : memref<!tpu.dma_semaphore, #tpu.memory_space<semaphore_mem>>) src(%dma_wait3A_2256 : memref<32x128xf32, #tpu.memory_space<hbm>>) dst(%dma_wait3A_2253 : memref<32x128xf32, #tpu.memory_space<vmem>>)
      %dma_wait3A_2257 = arith.constant 5 : i32
      %dma_wait3A_2258 = arith.constant 0 : i32
      %dma_wait3A_2259 = arith.constant 0 : i32
      %dma_wait3A_2260 = tpu.memref_slice %arg6[%dma_wait3A_2257, %dma_wait3A_2258, %dma_wait3A_2259] : memref<8x32x128xf32, #tpu.memory_space<vmem>> -> memref<1x32x128xf32, #tpu.memory_space<vmem>>
      %dma_wait3A_2261 = tpu.memref_squeeze %dma_wait3A_2260 : memref<1x32x128xf32, #tpu.memory_space<vmem>> -> memref<32x128xf32, #tpu.memory_space<vmem>>
      %dma_wait3A_2262 = arith.constant 0 : i32
      %dma_wait3A_2263 = arith.constant 0 : i32
      %dma_wait3A_2264 = tpu.memref_slice %arg3[%dma_wait3A_2262, %dma_wait3A_2263] : memref<32x1000000xf32, #tpu.memory_space<hbm>> -> memref<32x128xf32, #tpu.memory_space<hbm>>
      %dma_wait3A_2265 = arith.constant 0 : i32
      %dma_wait3A_2266 = arith.constant 0 : i32
      %dma_wait3A_2267 = tpu.memref_slice %arg6[%dma_wait3A_2257, %dma_wait3A_2265, %dma_wait3A_2266] : memref<8x32x128xf32, #tpu.memory_space<vmem>> -> memref<1x32x128xf32, #tpu.memory_space<vmem>>
      %dma_wait3A_2268 = tpu.memref_squeeze %dma_wait3A_2267 : memref<1x32x128xf32, #tpu.memory_space<vmem>> -> memref<32x128xf32, #tpu.memory_space<vmem>>
      %dma_wait3A_2269 = arith.constant 0 : i32
      %dma_wait3A_2270 = arith.constant 0 : i32
      %dma_wait3A_2271 = tpu.memref_slice %arg3[%dma_wait3A_2269, %dma_wait3A_2270] : memref<32x1000000xf32, #tpu.memory_space<hbm>> -> memref<32x128xf32, #tpu.memory_space<hbm>>
      tpu.wait_dma2 semaphore(%arg9 : memref<!tpu.dma_semaphore, #tpu.memory_space<semaphore_mem>>) src(%dma_wait3A_2271 : memref<32x128xf32, #tpu.memory_space<hbm>>) dst(%dma_wait3A_2268 : memref<32x128xf32, #tpu.memory_space<vmem>>)
      %dma_wait3A_2272 = arith.constant 6 : i32
      %dma_wait3A_2273 = arith.constant 0 : i32
      %dma_wait3A_2274 = arith.constant 0 : i32
      %dma_wait3A_2275 = tpu.memref_slice %arg6[%dma_wait3A_2272, %dma_wait3A_2273, %dma_wait3A_2274] : memref<8x32x128xf32, #tpu.memory_space<vmem>> -> memref<1x32x128xf32, #tpu.memory_space<vmem>>
      %dma_wait3A_2276 = tpu.memref_squeeze %dma_wait3A_2275 : memref<1x32x128xf32, #tpu.memory_space<vmem>> -> memref<32x128xf32, #tpu.memory_space<vmem>>
      %dma_wait3A_2277 = arith.constant 0 : i32
      %dma_wait3A_2278 = arith.constant 0 : i32
      %dma_wait3A_2279 = tpu.memref_slice %arg3[%dma_wait3A_2277, %dma_wait3A_2278] : memref<32x1000000xf32, #tpu.memory_space<hbm>> -> memref<32x128xf32, #tpu.memory_space<hbm>>
      %dma_wait3A_2280 = arith.constant 0 : i32
      %dma_wait3A_2281 = arith.constant 0 : i32
      %dma_wait3A_2282 = tpu.memref_slice %arg6[%dma_wait3A_2272, %dma_wait3A_2280, %dma_wait3A_2281] : memref<8x32x128xf32, #tpu.memory_space<vmem>> -> memref<1x32x128xf32, #tpu.memory_space<vmem>>
      %dma_wait3A_2283 = tpu.memref_squeeze %dma_wait3A_2282 : memref<1x32x128xf32, #tpu.memory_space<vmem>> -> memref<32x128xf32, #tpu.memory_space<vmem>>
      %dma_wait3A_2284 = arith.constant 0 : i32
      %dma_wait3A_2285 = arith.constant 0 : i32
      %dma_wait3A_2286 = tpu.memref_slice %arg3[%dma_wait3A_2284, %dma_wait3A_2285] : memref<32x1000000xf32, #tpu.memory_space<hbm>> -> memref<32x128xf32, #tpu.memory_space<hbm>>
      tpu.wait_dma2 semaphore(%arg9 : memref<!tpu.dma_semaphore, #tpu.memory_space<semaphore_mem>>) src(%dma_wait3A_2286 : memref<32x128xf32, #tpu.memory_space<hbm>>) dst(%dma_wait3A_2283 : memref<32x128xf32, #tpu.memory_space<vmem>>)
      %dma_wait3A_2287 = arith.constant 7 : i32
      %dma_wait3A_2288 = arith.constant 0 : i32
      %dma_wait3A_2289 = arith.constant 0 : i32
      %dma_wait3A_2290 = tpu.memref_slice %arg6[%dma_wait3A_2287, %dma_wait3A_2288, %dma_wait3A_2289] : memref<8x32x128xf32, #tpu.memory_space<vmem>> -> memref<1x32x128xf32, #tpu.memory_space<vmem>>
      %dma_wait3A_2291 = tpu.memref_squeeze %dma_wait3A_2290 : memref<1x32x128xf32, #tpu.memory_space<vmem>> -> memref<32x128xf32, #tpu.memory_space<vmem>>
      %dma_wait3A_2292 = arith.constant 0 : i32
      %dma_wait3A_2293 = arith.constant 0 : i32
      %dma_wait3A_2294 = tpu.memref_slice %arg3[%dma_wait3A_2292, %dma_wait3A_2293] : memref<32x1000000xf32, #tpu.memory_space<hbm>> -> memref<32x128xf32, #tpu.memory_space<hbm>>
      %dma_wait3A_2295 = arith.constant 0 : i32
      %dma_wait3A_2296 = arith.constant 0 : i32
      %dma_wait3A_2297 = tpu.memref_slice %arg6[%dma_wait3A_2287, %dma_wait3A_2295, %dma_wait3A_2296] : memref<8x32x128xf32, #tpu.memory_space<vmem>> -> memref<1x32x128xf32, #tpu.memory_space<vmem>>
      %dma_wait3A_2298 = tpu.memref_squeeze %dma_wait3A_2297 : memref<1x32x128xf32, #tpu.memory_space<vmem>> -> memref<32x128xf32, #tpu.memory_space<vmem>>
      %dma_wait3A_2299 = arith.constant 0 : i32
      %dma_wait3A_2300 = arith.constant 0 : i32
      %dma_wait3A_2301 = tpu.memref_slice %arg3[%dma_wait3A_2299, %dma_wait3A_2300] : memref<32x1000000xf32, #tpu.memory_space<hbm>> -> memref<32x128xf32, #tpu.memory_space<hbm>>
      tpu.wait_dma2 semaphore(%arg9 : memref<!tpu.dma_semaphore, #tpu.memory_space<semaphore_mem>>) src(%dma_wait3A_2301 : memref<32x128xf32, #tpu.memory_space<hbm>>) dst(%dma_wait3A_2298 : memref<32x128xf32, #tpu.memory_space<vmem>>)
      %mul3A_2302 = arith.constant 4 : i32
      %mul3A_2303 = arith.muli %scan3A_162, %mul3A_2302 : i32
      %add3A_2304 = arith.constant 2 : i32
      %add3A_2305 = arith.addi %mul3A_2303, %add3A_2304 : i32
      %mul3A_2306 = arith.constant 16 : i32
      %mul3A_2307 = arith.muli %add3A_2305, %mul3A_2306 : i32
      %get3A_2308 = arith.index_cast %mul3A_2307 : i32 to index
      %get3A_2309 = tpu.vector_load %arg5[%get3A_2308] {strides = array<i32>} : memref<512xi32, #tpu.memory_space<vmem>>, vector<16xi32>,
      %slice3A_2310 = vector.extract_strided_slice %get3A_2309 {offsets = [0], sizes = [1], strides = [1]} : vector<16xi32> to vector<1xi32>
      %squeeze3A_2311 = vector.extract %slice3A_2310[0] : i32 from vector<1xi32>
      %and3A_2312 = arith.constant 127 : i32
      %and3A_2313 = arith.andi %squeeze3A_2311, %and3A_2312 : i32
      %broadcast_in_dim3A_2314 = vector.broadcast %and3A_2313 : i32 to vector<16xi32>
      %broadcast_in_dim3A_2315 = arith.constant 0 : i32
      %broadcast_in_dim3A_2316 = vector.broadcast %broadcast_in_dim3A_2315 : i32 to vector<16xi32>
      %gather3A_2317 = tpu.vector_load_idx %arg6[%broadcast_in_dim3A_2316, %iota3A, %broadcast_in_dim3A_2314] : memref<8x32x128xf32, #tpu.memory_space<vmem>>[vector<16xi32>, vector<16xi32>, vector<16xi32>], vector<16xf32>,
      %swap3A_2318 = arith.constant 0 : i32
      %swap3A_2319 = arith.index_cast %swap3A_2318 : i32 to index
      %swap3A_2320 = arith.constant 0 : index
      %swap3A_2321 = tpu.vector_load %arg8[%swap3A_2319, %swap3A_2320] {strides = array<i32>} : memref<8x32xf32, #tpu.memory_space<vmem>>, vector<16xf32>,
      tpu.vector_store %arg8[%swap3A_2319, %swap3A_2320], %gather3A_2317 {strides = array<i32>} : memref<8x32xf32, #tpu.memory_space<vmem>>, vector<16xf32>,
      %add3A_2322 = arith.constant 16 : i32
      %add3A_2323 = vector.broadcast %add3A_2322 : i32 to vector<16xi32>
      %add3A_2324 = arith.addi %iota3A, %add3A_2323 : vector<16xi32>
      %gather3A_2325 = tpu.vector_load_idx %arg6[%broadcast_in_dim3A_2316, %add3A_2324, %broadcast_in_dim3A_2314] : memref<8x32x128xf32, #tpu.memory_space<vmem>>[vector<16xi32>, vector<16xi32>, vector<16xi32>], vector<16xf32>,
      %swap3A_2326 = arith.constant 0 : i32
      %swap3A_2327 = arith.index_cast %swap3A_2326 : i32 to index
      %swap3A_2328 = arith.constant 16 : index
      %swap3A_2329 = tpu.vector_load %arg8[%swap3A_2327, %swap3A_2328] {strides = array<i32>} : memref<8x32xf32, #tpu.memory_space<vmem>>, vector<16xf32>,
      tpu.vector_store %arg8[%swap3A_2327, %swap3A_2328], %gather3A_2325 {strides = array<i32>} : memref<8x32xf32, #tpu.memory_space<vmem>>, vector<16xf32>,
      %slice3A_2330 = vector.extract_strided_slice %get3A_2309 {offsets = [1], sizes = [1], strides = [1]} : vector<16xi32> to vector<1xi32>
      %squeeze3A_2331 = vector.extract %slice3A_2330[0] : i32 from vector<1xi32>
      %and3A_2332 = arith.constant 127 : i32
      %and3A_2333 = arith.andi %squeeze3A_2331, %and3A_2332 : i32
      %broadcast_in_dim3A_2334 = vector.broadcast %and3A_2333 : i32 to vector<16xi32>
      %broadcast_in_dim3A_2335 = arith.constant 1 : i32
      %broadcast_in_dim3A_2336 = vector.broadcast %broadcast_in_dim3A_2335 : i32 to vector<16xi32>
      %gather3A_2337 = tpu.vector_load_idx %arg6[%broadcast_in_dim3A_2336, %iota3A, %broadcast_in_dim3A_2334] : memref<8x32x128xf32, #tpu.memory_space<vmem>>[vector<16xi32>, vector<16xi32>, vector<16xi32>], vector<16xf32>,
      %swap3A_2338 = arith.constant 1 : i32
      %swap3A_2339 = arith.index_cast %swap3A_2338 : i32 to index
      %swap3A_2340 = arith.constant 0 : index
      %swap3A_2341 = tpu.vector_load %arg8[%swap3A_2339, %swap3A_2340] {strides = array<i32>} : memref<8x32xf32, #tpu.memory_space<vmem>>, vector<16xf32>,
      tpu.vector_store %arg8[%swap3A_2339, %swap3A_2340], %gather3A_2337 {strides = array<i32>} : memref<8x32xf32, #tpu.memory_space<vmem>>, vector<16xf32>,
      %add3A_2342 = arith.constant 16 : i32
      %add3A_2343 = vector.broadcast %add3A_2342 : i32 to vector<16xi32>
      %add3A_2344 = arith.addi %iota3A, %add3A_2343 : vector<16xi32>
      %gather3A_2345 = tpu.vector_load_idx %arg6[%broadcast_in_dim3A_2336, %add3A_2344, %broadcast_in_dim3A_2334] : memref<8x32x128xf32, #tpu.memory_space<vmem>>[vector<16xi32>, vector<16xi32>, vector<16xi32>], vector<16xf32>,
      %swap3A_2346 = arith.constant 1 : i32
      %swap3A_2347 = arith.index_cast %swap3A_2346 : i32 to index
      %swap3A_2348 = arith.constant 16 : index
      %swap3A_2349 = tpu.vector_load %arg8[%swap3A_2347, %swap3A_2348] {strides = array<i32>} : memref<8x32xf32, #tpu.memory_space<vmem>>, vector<16xf32>,
      tpu.vector_store %arg8[%swap3A_2347, %swap3A_2348], %gather3A_2345 {strides = array<i32>} : memref<8x32xf32, #tpu.memory_space<vmem>>, vector<16xf32>,
      %slice3A_2350 = vector.extract_strided_slice %get3A_2309 {offsets = [2], sizes = [1], strides = [1]} : vector<16xi32> to vector<1xi32>
      %squeeze3A_2351 = vector.extract %slice3A_2350[0] : i32 from vector<1xi32>
      %and3A_2352 = arith.constant 127 : i32
      %and3A_2353 = arith.andi %squeeze3A_2351, %and3A_2352 : i32
      %broadcast_in_dim3A_2354 = vector.broadcast %and3A_2353 : i32 to vector<16xi32>
      %broadcast_in_dim3A_2355 = arith.constant 2 : i32
      %broadcast_in_dim3A_2356 = vector.broadcast %broadcast_in_dim3A_2355 : i32 to vector<16xi32>
      %gather3A_2357 = tpu.vector_load_idx %arg6[%broadcast_in_dim3A_2356, %iota3A, %broadcast_in_dim3A_2354] : memref<8x32x128xf32, #tpu.memory_space<vmem>>[vector<16xi32>, vector<16xi32>, vector<16xi32>], vector<16xf32>,
      %swap3A_2358 = arith.constant 2 : i32
      %swap3A_2359 = arith.index_cast %swap3A_2358 : i32 to index
      %swap3A_2360 = arith.constant 0 : index
      %swap3A_2361 = tpu.vector_load %arg8[%swap3A_2359, %swap3A_2360] {strides = array<i32>} : memref<8x32xf32, #tpu.memory_space<vmem>>, vector<16xf32>,
      tpu.vector_store %arg8[%swap3A_2359, %swap3A_2360], %gather3A_2357 {strides = array<i32>} : memref<8x32xf32, #tpu.memory_space<vmem>>, vector<16xf32>,
      %add3A_2362 = arith.constant 16 : i32
      %add3A_2363 = vector.broadcast %add3A_2362 : i32 to vector<16xi32>
      %add3A_2364 = arith.addi %iota3A, %add3A_2363 : vector<16xi32>
      %gather3A_2365 = tpu.vector_load_idx %arg6[%broadcast_in_dim3A_2356, %add3A_2364, %broadcast_in_dim3A_2354] : memref<8x32x128xf32, #tpu.memory_space<vmem>>[vector<16xi32>, vector<16xi32>, vector<16xi32>], vector<16xf32>,
      %swap3A_2366 = arith.constant 2 : i32
      %swap3A_2367 = arith.index_cast %swap3A_2366 : i32 to index
      %swap3A_2368 = arith.constant 16 : index
      %swap3A_2369 = tpu.vector_load %arg8[%swap3A_2367, %swap3A_2368] {strides = array<i32>} : memref<8x32xf32, #tpu.memory_space<vmem>>, vector<16xf32>,
      tpu.vector_store %arg8[%swap3A_2367, %swap3A_2368], %gather3A_2365 {strides = array<i32>} : memref<8x32xf32, #tpu.memory_space<vmem>>, vector<16xf32>,
      %slice3A_2370 = vector.extract_strided_slice %get3A_2309 {offsets = [3], sizes = [1], strides = [1]} : vector<16xi32> to vector<1xi32>
      %squeeze3A_2371 = vector.extract %slice3A_2370[0] : i32 from vector<1xi32>
      %and3A_2372 = arith.constant 127 : i32
      %and3A_2373 = arith.andi %squeeze3A_2371, %and3A_2372 : i32
      %broadcast_in_dim3A_2374 = vector.broadcast %and3A_2373 : i32 to vector<16xi32>
      %broadcast_in_dim3A_2375 = arith.constant 3 : i32
      %broadcast_in_dim3A_2376 = vector.broadcast %broadcast_in_dim3A_2375 : i32 to vector<16xi32>
      %gather3A_2377 = tpu.vector_load_idx %arg6[%broadcast_in_dim3A_2376, %iota3A, %broadcast_in_dim3A_2374] : memref<8x32x128xf32, #tpu.memory_space<vmem>>[vector<16xi32>, vector<16xi32>, vector<16xi32>], vector<16xf32>,
      %swap3A_2378 = arith.constant 3 : i32
      %swap3A_2379 = arith.index_cast %swap3A_2378 : i32 to index
      %swap3A_2380 = arith.constant 0 : index
      %swap3A_2381 = tpu.vector_load %arg8[%swap3A_2379, %swap3A_2380] {strides = array<i32>} : memref<8x32xf32, #tpu.memory_space<vmem>>, vector<16xf32>,
      tpu.vector_store %arg8[%swap3A_2379, %swap3A_2380], %gather3A_2377 {strides = array<i32>} : memref<8x32xf32, #tpu.memory_space<vmem>>, vector<16xf32>,
      %add3A_2382 = arith.constant 16 : i32
      %add3A_2383 = vector.broadcast %add3A_2382 : i32 to vector<16xi32>
      %add3A_2384 = arith.addi %iota3A, %add3A_2383 : vector<16xi32>
      %gather3A_2385 = tpu.vector_load_idx %arg6[%broadcast_in_dim3A_2376, %add3A_2384, %broadcast_in_dim3A_2374] : memref<8x32x128xf32, #tpu.memory_space<vmem>>[vector<16xi32>, vector<16xi32>, vector<16xi32>], vector<16xf32>,
      %swap3A_2386 = arith.constant 3 : i32
      %swap3A_2387 = arith.index_cast %swap3A_2386 : i32 to index
      %swap3A_2388 = arith.constant 16 : index
      %swap3A_2389 = tpu.vector_load %arg8[%swap3A_2387, %swap3A_2388] {strides = array<i32>} : memref<8x32xf32, #tpu.memory_space<vmem>>, vector<16xf32>,
      tpu.vector_store %arg8[%swap3A_2387, %swap3A_2388], %gather3A_2385 {strides = array<i32>} : memref<8x32xf32, #tpu.memory_space<vmem>>, vector<16xf32>,
      %slice3A_2390 = vector.extract_strided_slice %get3A_2309 {offsets = [4], sizes = [1], strides = [1]} : vector<16xi32> to vector<1xi32>
      %squeeze3A_2391 = vector.extract %slice3A_2390[0] : i32 from vector<1xi32>
      %and3A_2392 = arith.constant 127 : i32
      %and3A_2393 = arith.andi %squeeze3A_2391, %and3A_2392 : i32
      %broadcast_in_dim3A_2394 = vector.broadcast %and3A_2393 : i32 to vector<16xi32>
      %broadcast_in_dim3A_2395 = arith.constant 4 : i32
      %broadcast_in_dim3A_2396 = vector.broadcast %broadcast_in_dim3A_2395 : i32 to vector<16xi32>
      %gather3A_2397 = tpu.vector_load_idx %arg6[%broadcast_in_dim3A_2396, %iota3A, %broadcast_in_dim3A_2394] : memref<8x32x128xf32, #tpu.memory_space<vmem>>[vector<16xi32>, vector<16xi32>, vector<16xi32>], vector<16xf32>,
      %swap3A_2398 = arith.constant 4 : i32
      %swap3A_2399 = arith.index_cast %swap3A_2398 : i32 to index
      %swap3A_2400 = arith.constant 0 : index
      %swap3A_2401 = tpu.vector_load %arg8[%swap3A_2399, %swap3A_2400] {strides = array<i32>} : memref<8x32xf32, #tpu.memory_space<vmem>>, vector<16xf32>,
      tpu.vector_store %arg8[%swap3A_2399, %swap3A_2400], %gather3A_2397 {strides = array<i32>} : memref<8x32xf32, #tpu.memory_space<vmem>>, vector<16xf32>,
      %add3A_2402 = arith.constant 16 : i32
      %add3A_2403 = vector.broadcast %add3A_2402 : i32 to vector<16xi32>
      %add3A_2404 = arith.addi %iota3A, %add3A_2403 : vector<16xi32>
      %gather3A_2405 = tpu.vector_load_idx %arg6[%broadcast_in_dim3A_2396, %add3A_2404, %broadcast_in_dim3A_2394] : memref<8x32x128xf32, #tpu.memory_space<vmem>>[vector<16xi32>, vector<16xi32>, vector<16xi32>], vector<16xf32>,
      %swap3A_2406 = arith.constant 4 : i32
      %swap3A_2407 = arith.index_cast %swap3A_2406 : i32 to index
      %swap3A_2408 = arith.constant 16 : index
      %swap3A_2409 = tpu.vector_load %arg8[%swap3A_2407, %swap3A_2408] {strides = array<i32>} : memref<8x32xf32, #tpu.memory_space<vmem>>, vector<16xf32>,
      tpu.vector_store %arg8[%swap3A_2407, %swap3A_2408], %gather3A_2405 {strides = array<i32>} : memref<8x32xf32, #tpu.memory_space<vmem>>, vector<16xf32>,
      %slice3A_2410 = vector.extract_strided_slice %get3A_2309 {offsets = [5], sizes = [1], strides = [1]} : vector<16xi32> to vector<1xi32>
      %squeeze3A_2411 = vector.extract %slice3A_2410[0] : i32 from vector<1xi32>
      %and3A_2412 = arith.constant 127 : i32
      %and3A_2413 = arith.andi %squeeze3A_2411, %and3A_2412 : i32
      %broadcast_in_dim3A_2414 = vector.broadcast %and3A_2413 : i32 to vector<16xi32>
      %broadcast_in_dim3A_2415 = arith.constant 5 : i32
      %broadcast_in_dim3A_2416 = vector.broadcast %broadcast_in_dim3A_2415 : i32 to vector<16xi32>
      %gather3A_2417 = tpu.vector_load_idx %arg6[%broadcast_in_dim3A_2416, %iota3A, %broadcast_in_dim3A_2414] : memref<8x32x128xf32, #tpu.memory_space<vmem>>[vector<16xi32>, vector<16xi32>, vector<16xi32>], vector<16xf32>,
      %swap3A_2418 = arith.constant 5 : i32
      %swap3A_2419 = arith.index_cast %swap3A_2418 : i32 to index
      %swap3A_2420 = arith.constant 0 : index
      %swap3A_2421 = tpu.vector_load %arg8[%swap3A_2419, %swap3A_2420] {strides = array<i32>} : memref<8x32xf32, #tpu.memory_space<vmem>>, vector<16xf32>,
      tpu.vector_store %arg8[%swap3A_2419, %swap3A_2420], %gather3A_2417 {strides = array<i32>} : memref<8x32xf32, #tpu.memory_space<vmem>>, vector<16xf32>,
      %add3A_2422 = arith.constant 16 : i32
      %add3A_2423 = vector.broadcast %add3A_2422 : i32 to vector<16xi32>
      %add3A_2424 = arith.addi %iota3A, %add3A_2423 : vector<16xi32>
      %gather3A_2425 = tpu.vector_load_idx %arg6[%broadcast_in_dim3A_2416, %add3A_2424, %broadcast_in_dim3A_2414] : memref<8x32x128xf32, #tpu.memory_space<vmem>>[vector<16xi32>, vector<16xi32>, vector<16xi32>], vector<16xf32>,
      %swap3A_2426 = arith.constant 5 : i32
      %swap3A_2427 = arith.index_cast %swap3A_2426 : i32 to index
      %swap3A_2428 = arith.constant 16 : index
      %swap3A_2429 = tpu.vector_load %arg8[%swap3A_2427, %swap3A_2428] {strides = array<i32>} : memref<8x32xf32, #tpu.memory_space<vmem>>, vector<16xf32>,
      tpu.vector_store %arg8[%swap3A_2427, %swap3A_2428], %gather3A_2425 {strides = array<i32>} : memref<8x32xf32, #tpu.memory_space<vmem>>, vector<16xf32>,
      %slice3A_2430 = vector.extract_strided_slice %get3A_2309 {offsets = [6], sizes = [1], strides = [1]} : vector<16xi32> to vector<1xi32>
      %squeeze3A_2431 = vector.extract %slice3A_2430[0] : i32 from vector<1xi32>
      %and3A_2432 = arith.constant 127 : i32
      %and3A_2433 = arith.andi %squeeze3A_2431, %and3A_2432 : i32
      %broadcast_in_dim3A_2434 = vector.broadcast %and3A_2433 : i32 to vector<16xi32>
      %broadcast_in_dim3A_2435 = arith.constant 6 : i32
      %broadcast_in_dim3A_2436 = vector.broadcast %broadcast_in_dim3A_2435 : i32 to vector<16xi32>
      %gather3A_2437 = tpu.vector_load_idx %arg6[%broadcast_in_dim3A_2436, %iota3A, %broadcast_in_dim3A_2434] : memref<8x32x128xf32, #tpu.memory_space<vmem>>[vector<16xi32>, vector<16xi32>, vector<16xi32>], vector<16xf32>,
      %swap3A_2438 = arith.constant 6 : i32
      %swap3A_2439 = arith.index_cast %swap3A_2438 : i32 to index
      %swap3A_2440 = arith.constant 0 : index
      %swap3A_2441 = tpu.vector_load %arg8[%swap3A_2439, %swap3A_2440] {strides = array<i32>} : memref<8x32xf32, #tpu.memory_space<vmem>>, vector<16xf32>,
      tpu.vector_store %arg8[%swap3A_2439, %swap3A_2440], %gather3A_2437 {strides = array<i32>} : memref<8x32xf32, #tpu.memory_space<vmem>>, vector<16xf32>,
      %add3A_2442 = arith.constant 16 : i32
      %add3A_2443 = vector.broadcast %add3A_2442 : i32 to vector<16xi32>
      %add3A_2444 = arith.addi %iota3A, %add3A_2443 : vector<16xi32>
      %gather3A_2445 = tpu.vector_load_idx %arg6[%broadcast_in_dim3A_2436, %add3A_2444, %broadcast_in_dim3A_2434] : memref<8x32x128xf32, #tpu.memory_space<vmem>>[vector<16xi32>, vector<16xi32>, vector<16xi32>], vector<16xf32>,
      %swap3A_2446 = arith.constant 6 : i32
      %swap3A_2447 = arith.index_cast %swap3A_2446 : i32 to index
      %swap3A_2448 = arith.constant 16 : index
      %swap3A_2449 = tpu.vector_load %arg8[%swap3A_2447, %swap3A_2448] {strides = array<i32>} : memref<8x32xf32, #tpu.memory_space<vmem>>, vector<16xf32>,
      tpu.vector_store %arg8[%swap3A_2447, %swap3A_2448], %gather3A_2445 {strides = array<i32>} : memref<8x32xf32, #tpu.memory_space<vmem>>, vector<16xf32>,
      %slice3A_2450 = vector.extract_strided_slice %get3A_2309 {offsets = [7], sizes = [1], strides = [1]} : vector<16xi32> to vector<1xi32>
      %squeeze3A_2451 = vector.extract %slice3A_2450[0] : i32 from vector<1xi32>
      %and3A_2452 = arith.constant 127 : i32
      %and3A_2453 = arith.andi %squeeze3A_2451, %and3A_2452 : i32
      %broadcast_in_dim3A_2454 = vector.broadcast %and3A_2453 : i32 to vector<16xi32>
      %broadcast_in_dim3A_2455 = arith.constant 7 : i32
      %broadcast_in_dim3A_2456 = vector.broadcast %broadcast_in_dim3A_2455 : i32 to vector<16xi32>
      %gather3A_2457 = tpu.vector_load_idx %arg6[%broadcast_in_dim3A_2456, %iota3A, %broadcast_in_dim3A_2454] : memref<8x32x128xf32, #tpu.memory_space<vmem>>[vector<16xi32>, vector<16xi32>, vector<16xi32>], vector<16xf32>,
      %swap3A_2458 = arith.constant 7 : i32
      %swap3A_2459 = arith.index_cast %swap3A_2458 : i32 to index
      %swap3A_2460 = arith.constant 0 : index
      %swap3A_2461 = tpu.vector_load %arg8[%swap3A_2459, %swap3A_2460] {strides = array<i32>} : memref<8x32xf32, #tpu.memory_space<vmem>>, vector<16xf32>,
      tpu.vector_store %arg8[%swap3A_2459, %swap3A_2460], %gather3A_2457 {strides = array<i32>} : memref<8x32xf32, #tpu.memory_space<vmem>>, vector<16xf32>,
      %add3A_2462 = arith.constant 16 : i32
      %add3A_2463 = vector.broadcast %add3A_2462 : i32 to vector<16xi32>
      %add3A_2464 = arith.addi %iota3A, %add3A_2463 : vector<16xi32>
      %gather3A_2465 = tpu.vector_load_idx %arg6[%broadcast_in_dim3A_2456, %add3A_2464, %broadcast_in_dim3A_2454] : memref<8x32x128xf32, #tpu.memory_space<vmem>>[vector<16xi32>, vector<16xi32>, vector<16xi32>], vector<16xf32>,
      %swap3A_2466 = arith.constant 7 : i32
      %swap3A_2467 = arith.index_cast %swap3A_2466 : i32 to index
      %swap3A_2468 = arith.constant 16 : index
      %swap3A_2469 = tpu.vector_load %arg8[%swap3A_2467, %swap3A_2468] {strides = array<i32>} : memref<8x32xf32, #tpu.memory_space<vmem>>, vector<16xf32>,
      tpu.vector_store %arg8[%swap3A_2467, %swap3A_2468], %gather3A_2465 {strides = array<i32>} : memref<8x32xf32, #tpu.memory_space<vmem>>, vector<16xf32>,
      %mul3A_2470 = arith.constant 8 : i32
      %mul3A_2471 = arith.muli %scan3A_162, %mul3A_2470 : i32
      %add3A_2472 = arith.constant 4 : i32
      %add3A_2473 = arith.addi %mul3A_2471, %add3A_2472 : i32
      %mul3A_2474 = arith.constant 8 : i32
      %mul3A_2475 = arith.muli %add3A_2473, %mul3A_2474 : i32
      %add3A_2476 = arith.addi %mul3A_2, %mul3A_2475 : i32
      %multiple_of3A_2477 = tpu.assume_multiple %add3A_2476, 8 : i32
      "tpu.region"() ({
        %run_scoped3A = tpu.sem_alloc : memref<!tpu.dma_semaphore, #tpu.memory_space<semaphore_mem>>
        %dma_start3A_3704 = arith.constant 0 : i32
        %dma_start3A_3705 = tpu.memref_slice %arg4[%multiple_of3A_2477, %dma_start3A_3704] : memref<16384x32xf32, #tpu.memory_space<hbm>> -> memref<8x32xf32, #tpu.memory_space<hbm>>
        %dma_start3A_3706 = arith.constant 0 : i32
        %dma_start3A_3707 = tpu.memref_slice %arg4[%multiple_of3A_2477, %dma_start3A_3706] : memref<16384x32xf32, #tpu.memory_space<hbm>> -> memref<8x32xf32, #tpu.memory_space<hbm>>
        tpu.enqueue_dma source(%arg8 : memref<8x32xf32, #tpu.memory_space<vmem>>) target(%dma_start3A_3707 : memref<8x32xf32, #tpu.memory_space<hbm>>) target_semaphore(%run_scoped3A : memref<!tpu.dma_semaphore, #tpu.memory_space<semaphore_mem>>)
        %dma_wait3A_3708 = arith.constant 0 : i32
        %dma_wait3A_3709 = tpu.memref_slice %arg4[%multiple_of3A_2477, %dma_wait3A_3708] : memref<16384x32xf32, #tpu.memory_space<hbm>> -> memref<8x32xf32, #tpu.memory_space<hbm>>
        %dma_wait3A_3710 = arith.constant 0 : i32
        %dma_wait3A_3711 = tpu.memref_slice %arg4[%multiple_of3A_2477, %dma_wait3A_3710] : memref<16384x32xf32, #tpu.memory_space<hbm>> -> memref<8x32xf32, #tpu.memory_space<hbm>>
        tpu.wait_dma2 semaphore(%run_scoped3A : memref<!tpu.dma_semaphore, #tpu.memory_space<semaphore_mem>>) src(%arg8 : memref<8x32xf32, #tpu.memory_space<vmem>>) dst(%dma_wait3A_3711 : memref<8x32xf32, #tpu.memory_space<hbm>>)
        tpu.yield
      }) : () -> ()
      %mul3A_2478 = arith.constant 4 : i32
      %mul3A_2479 = arith.muli %scan3A_162, %mul3A_2478 : i32
      %add3A_2480 = arith.constant 3 : i32
      %add3A_2481 = arith.addi %mul3A_2479, %add3A_2480 : i32
      %mul3A_2482 = arith.constant 16 : i32
      %mul3A_2483 = arith.muli %add3A_2481, %mul3A_2482 : i32
      %get3A_2484 = arith.index_cast %mul3A_2483 : i32 to index
      %get3A_2485 = tpu.vector_load %arg5[%get3A_2484] {strides = array<i32>} : memref<512xi32, #tpu.memory_space<vmem>>, vector<16xi32>,
      %slice3A_2486 = vector.extract_strided_slice %get3A_2485 {offsets = [0], sizes = [1], strides = [1]} : vector<16xi32> to vector<1xi32>
      %squeeze3A_2487 = vector.extract %slice3A_2486[0] : i32 from vector<1xi32>
      %shift_right_arithmetic3A_2488 = arith.constant 7 : i32
      %shift_right_arithmetic3A_2489 = arith.shrsi %squeeze3A_2487, %shift_right_arithmetic3A_2488 : i32
      %shift_left3A_2490 = arith.constant 7 : i32
      %shift_left3A_2491 = arith.shli %shift_right_arithmetic3A_2489, %shift_left3A_2490 : i32
      %multiple_of3A_2492 = tpu.assume_multiple %shift_left3A_2491, 128 : i32
      %dma_start3A_2493 = arith.constant 0 : i32
      %dma_start3A_2494 = arith.constant 0 : i32
      %dma_start3A_2495 = arith.constant 0 : i32
      %dma_start3A_2496 = tpu.memref_slice %arg6[%dma_start3A_2493, %dma_start3A_2494, %dma_start3A_2495] : memref<8x32x128xf32, #tpu.memory_space<vmem>> -> memref<1x32x128xf32, #tpu.memory_space<vmem>>
      %dma_start3A_2497 = tpu.memref_squeeze %dma_start3A_2496 : memref<1x32x128xf32, #tpu.memory_space<vmem>> -> memref<32x128xf32, #tpu.memory_space<vmem>>
      %dma_start3A_2498 = arith.constant 0 : i32
      %dma_start3A_2499 = tpu.memref_slice %arg3[%dma_start3A_2498, %multiple_of3A_2492] : memref<32x1000000xf32, #tpu.memory_space<hbm>> -> memref<32x128xf32, #tpu.memory_space<hbm>>
      %dma_start3A_2500 = arith.constant 0 : i32
      %dma_start3A_2501 = arith.constant 0 : i32
      %dma_start3A_2502 = tpu.memref_slice %arg6[%dma_start3A_2493, %dma_start3A_2500, %dma_start3A_2501] : memref<8x32x128xf32, #tpu.memory_space<vmem>> -> memref<1x32x128xf32, #tpu.memory_space<vmem>>
      %dma_start3A_2503 = tpu.memref_squeeze %dma_start3A_2502 : memref<1x32x128xf32, #tpu.memory_space<vmem>> -> memref<32x128xf32, #tpu.memory_space<vmem>>
      %dma_start3A_2504 = arith.constant 0 : i32
      %dma_start3A_2505 = tpu.memref_slice %arg3[%dma_start3A_2504, %multiple_of3A_2492] : memref<32x1000000xf32, #tpu.memory_space<hbm>> -> memref<32x128xf32, #tpu.memory_space<hbm>>
      tpu.enqueue_dma source(%dma_start3A_2505 : memref<32x128xf32, #tpu.memory_space<hbm>>) target(%dma_start3A_2503 : memref<32x128xf32, #tpu.memory_space<vmem>>) target_semaphore(%arg9 : memref<!tpu.dma_semaphore, #tpu.memory_space<semaphore_mem>>)
      %slice3A_2506 = vector.extract_strided_slice %get3A_2485 {offsets = [1], sizes = [1], strides = [1]} : vector<16xi32> to vector<1xi32>
      %squeeze3A_2507 = vector.extract %slice3A_2506[0] : i32 from vector<1xi32>
      %shift_right_arithmetic3A_2508 = arith.constant 7 : i32
      %shift_right_arithmetic3A_2509 = arith.shrsi %squeeze3A_2507, %shift_right_arithmetic3A_2508 : i32
      %shift_left3A_2510 = arith.constant 7 : i32
      %shift_left3A_2511 = arith.shli %shift_right_arithmetic3A_2509, %shift_left3A_2510 : i32
      %multiple_of3A_2512 = tpu.assume_multiple %shift_left3A_2511, 128 : i32
      %dma_start3A_2513 = arith.constant 1 : i32
      %dma_start3A_2514 = arith.constant 0 : i32
      %dma_start3A_2515 = arith.constant 0 : i32
      %dma_start3A_2516 = tpu.memref_slice %arg6[%dma_start3A_2513, %dma_start3A_2514, %dma_start3A_2515] : memref<8x32x128xf32, #tpu.memory_space<vmem>> -> memref<1x32x128xf32, #tpu.memory_space<vmem>>
      %dma_start3A_2517 = tpu.memref_squeeze %dma_start3A_2516 : memref<1x32x128xf32, #tpu.memory_space<vmem>> -> memref<32x128xf32, #tpu.memory_space<vmem>>
      %dma_start3A_2518 = arith.constant 0 : i32
      %dma_start3A_2519 = tpu.memref_slice %arg3[%dma_start3A_2518, %multiple_of3A_2512] : memref<32x1000000xf32, #tpu.memory_space<hbm>> -> memref<32x128xf32, #tpu.memory_space<hbm>>
      %dma_start3A_2520 = arith.constant 0 : i32
      %dma_start3A_2521 = arith.constant 0 : i32
      %dma_start3A_2522 = tpu.memref_slice %arg6[%dma_start3A_2513, %dma_start3A_2520, %dma_start3A_2521] : memref<8x32x128xf32, #tpu.memory_space<vmem>> -> memref<1x32x128xf32, #tpu.memory_space<vmem>>
      %dma_start3A_2523 = tpu.memref_squeeze %dma_start3A_2522 : memref<1x32x128xf32, #tpu.memory_space<vmem>> -> memref<32x128xf32, #tpu.memory_space<vmem>>
      %dma_start3A_2524 = arith.constant 0 : i32
      %dma_start3A_2525 = tpu.memref_slice %arg3[%dma_start3A_2524, %multiple_of3A_2512] : memref<32x1000000xf32, #tpu.memory_space<hbm>> -> memref<32x128xf32, #tpu.memory_space<hbm>>
      tpu.enqueue_dma source(%dma_start3A_2525 : memref<32x128xf32, #tpu.memory_space<hbm>>) target(%dma_start3A_2523 : memref<32x128xf32, #tpu.memory_space<vmem>>) target_semaphore(%arg9 : memref<!tpu.dma_semaphore, #tpu.memory_space<semaphore_mem>>)
      %slice3A_2526 = vector.extract_strided_slice %get3A_2485 {offsets = [2], sizes = [1], strides = [1]} : vector<16xi32> to vector<1xi32>
      %squeeze3A_2527 = vector.extract %slice3A_2526[0] : i32 from vector<1xi32>
      %shift_right_arithmetic3A_2528 = arith.constant 7 : i32
      %shift_right_arithmetic3A_2529 = arith.shrsi %squeeze3A_2527, %shift_right_arithmetic3A_2528 : i32
      %shift_left3A_2530 = arith.constant 7 : i32
      %shift_left3A_2531 = arith.shli %shift_right_arithmetic3A_2529, %shift_left3A_2530 : i32
      %multiple_of3A_2532 = tpu.assume_multiple %shift_left3A_2531, 128 : i32
      %dma_start3A_2533 = arith.constant 2 : i32
      %dma_start3A_2534 = arith.constant 0 : i32
      %dma_start3A_2535 = arith.constant 0 : i32
      %dma_start3A_2536 = tpu.memref_slice %arg6[%dma_start3A_2533, %dma_start3A_2534, %dma_start3A_2535] : memref<8x32x128xf32, #tpu.memory_space<vmem>> -> memref<1x32x128xf32, #tpu.memory_space<vmem>>
      %dma_start3A_2537 = tpu.memref_squeeze %dma_start3A_2536 : memref<1x32x128xf32, #tpu.memory_space<vmem>> -> memref<32x128xf32, #tpu.memory_space<vmem>>
      %dma_start3A_2538 = arith.constant 0 : i32
      %dma_start3A_2539 = tpu.memref_slice %arg3[%dma_start3A_2538, %multiple_of3A_2532] : memref<32x1000000xf32, #tpu.memory_space<hbm>> -> memref<32x128xf32, #tpu.memory_space<hbm>>
      %dma_start3A_2540 = arith.constant 0 : i32
      %dma_start3A_2541 = arith.constant 0 : i32
      %dma_start3A_2542 = tpu.memref_slice %arg6[%dma_start3A_2533, %dma_start3A_2540, %dma_start3A_2541] : memref<8x32x128xf32, #tpu.memory_space<vmem>> -> memref<1x32x128xf32, #tpu.memory_space<vmem>>
      %dma_start3A_2543 = tpu.memref_squeeze %dma_start3A_2542 : memref<1x32x128xf32, #tpu.memory_space<vmem>> -> memref<32x128xf32, #tpu.memory_space<vmem>>
      %dma_start3A_2544 = arith.constant 0 : i32
      %dma_start3A_2545 = tpu.memref_slice %arg3[%dma_start3A_2544, %multiple_of3A_2532] : memref<32x1000000xf32, #tpu.memory_space<hbm>> -> memref<32x128xf32, #tpu.memory_space<hbm>>
      tpu.enqueue_dma source(%dma_start3A_2545 : memref<32x128xf32, #tpu.memory_space<hbm>>) target(%dma_start3A_2543 : memref<32x128xf32, #tpu.memory_space<vmem>>) target_semaphore(%arg9 : memref<!tpu.dma_semaphore, #tpu.memory_space<semaphore_mem>>)
      %slice3A_2546 = vector.extract_strided_slice %get3A_2485 {offsets = [3], sizes = [1], strides = [1]} : vector<16xi32> to vector<1xi32>
      %squeeze3A_2547 = vector.extract %slice3A_2546[0] : i32 from vector<1xi32>
      %shift_right_arithmetic3A_2548 = arith.constant 7 : i32
      %shift_right_arithmetic3A_2549 = arith.shrsi %squeeze3A_2547, %shift_right_arithmetic3A_2548 : i32
      %shift_left3A_2550 = arith.constant 7 : i32
      %shift_left3A_2551 = arith.shli %shift_right_arithmetic3A_2549, %shift_left3A_2550 : i32
      %multiple_of3A_2552 = tpu.assume_multiple %shift_left3A_2551, 128 : i32
      %dma_start3A_2553 = arith.constant 3 : i32
      %dma_start3A_2554 = arith.constant 0 : i32
      %dma_start3A_2555 = arith.constant 0 : i32
      %dma_start3A_2556 = tpu.memref_slice %arg6[%dma_start3A_2553, %dma_start3A_2554, %dma_start3A_2555] : memref<8x32x128xf32, #tpu.memory_space<vmem>> -> memref<1x32x128xf32, #tpu.memory_space<vmem>>
      %dma_start3A_2557 = tpu.memref_squeeze %dma_start3A_2556 : memref<1x32x128xf32, #tpu.memory_space<vmem>> -> memref<32x128xf32, #tpu.memory_space<vmem>>
      %dma_start3A_2558 = arith.constant 0 : i32
      %dma_start3A_2559 = tpu.memref_slice %arg3[%dma_start3A_2558, %multiple_of3A_2552] : memref<32x1000000xf32, #tpu.memory_space<hbm>> -> memref<32x128xf32, #tpu.memory_space<hbm>>
      %dma_start3A_2560 = arith.constant 0 : i32
      %dma_start3A_2561 = arith.constant 0 : i32
      %dma_start3A_2562 = tpu.memref_slice %arg6[%dma_start3A_2553, %dma_start3A_2560, %dma_start3A_2561] : memref<8x32x128xf32, #tpu.memory_space<vmem>> -> memref<1x32x128xf32, #tpu.memory_space<vmem>>
      %dma_start3A_2563 = tpu.memref_squeeze %dma_start3A_2562 : memref<1x32x128xf32, #tpu.memory_space<vmem>> -> memref<32x128xf32, #tpu.memory_space<vmem>>
      %dma_start3A_2564 = arith.constant 0 : i32
      %dma_start3A_2565 = tpu.memref_slice %arg3[%dma_start3A_2564, %multiple_of3A_2552] : memref<32x1000000xf32, #tpu.memory_space<hbm>> -> memref<32x128xf32, #tpu.memory_space<hbm>>
      tpu.enqueue_dma source(%dma_start3A_2565 : memref<32x128xf32, #tpu.memory_space<hbm>>) target(%dma_start3A_2563 : memref<32x128xf32, #tpu.memory_space<vmem>>) target_semaphore(%arg9 : memref<!tpu.dma_semaphore, #tpu.memory_space<semaphore_mem>>)
      %slice3A_2566 = vector.extract_strided_slice %get3A_2485 {offsets = [4], sizes = [1], strides = [1]} : vector<16xi32> to vector<1xi32>
      %squeeze3A_2567 = vector.extract %slice3A_2566[0] : i32 from vector<1xi32>
      %shift_right_arithmetic3A_2568 = arith.constant 7 : i32
      %shift_right_arithmetic3A_2569 = arith.shrsi %squeeze3A_2567, %shift_right_arithmetic3A_2568 : i32
      %shift_left3A_2570 = arith.constant 7 : i32
      %shift_left3A_2571 = arith.shli %shift_right_arithmetic3A_2569, %shift_left3A_2570 : i32
      %multiple_of3A_2572 = tpu.assume_multiple %shift_left3A_2571, 128 : i32
      %dma_start3A_2573 = arith.constant 4 : i32
      %dma_start3A_2574 = arith.constant 0 : i32
      %dma_start3A_2575 = arith.constant 0 : i32
      %dma_start3A_2576 = tpu.memref_slice %arg6[%dma_start3A_2573, %dma_start3A_2574, %dma_start3A_2575] : memref<8x32x128xf32, #tpu.memory_space<vmem>> -> memref<1x32x128xf32, #tpu.memory_space<vmem>>
      %dma_start3A_2577 = tpu.memref_squeeze %dma_start3A_2576 : memref<1x32x128xf32, #tpu.memory_space<vmem>> -> memref<32x128xf32, #tpu.memory_space<vmem>>
      %dma_start3A_2578 = arith.constant 0 : i32
      %dma_start3A_2579 = tpu.memref_slice %arg3[%dma_start3A_2578, %multiple_of3A_2572] : memref<32x1000000xf32, #tpu.memory_space<hbm>> -> memref<32x128xf32, #tpu.memory_space<hbm>>
      %dma_start3A_2580 = arith.constant 0 : i32
      %dma_start3A_2581 = arith.constant 0 : i32
      %dma_start3A_2582 = tpu.memref_slice %arg6[%dma_start3A_2573, %dma_start3A_2580, %dma_start3A_2581] : memref<8x32x128xf32, #tpu.memory_space<vmem>> -> memref<1x32x128xf32, #tpu.memory_space<vmem>>
      %dma_start3A_2583 = tpu.memref_squeeze %dma_start3A_2582 : memref<1x32x128xf32, #tpu.memory_space<vmem>> -> memref<32x128xf32, #tpu.memory_space<vmem>>
      %dma_start3A_2584 = arith.constant 0 : i32
      %dma_start3A_2585 = tpu.memref_slice %arg3[%dma_start3A_2584, %multiple_of3A_2572] : memref<32x1000000xf32, #tpu.memory_space<hbm>> -> memref<32x128xf32, #tpu.memory_space<hbm>>
      tpu.enqueue_dma source(%dma_start3A_2585 : memref<32x128xf32, #tpu.memory_space<hbm>>) target(%dma_start3A_2583 : memref<32x128xf32, #tpu.memory_space<vmem>>) target_semaphore(%arg9 : memref<!tpu.dma_semaphore, #tpu.memory_space<semaphore_mem>>)
      %slice3A_2586 = vector.extract_strided_slice %get3A_2485 {offsets = [5], sizes = [1], strides = [1]} : vector<16xi32> to vector<1xi32>
      %squeeze3A_2587 = vector.extract %slice3A_2586[0] : i32 from vector<1xi32>
      %shift_right_arithmetic3A_2588 = arith.constant 7 : i32
      %shift_right_arithmetic3A_2589 = arith.shrsi %squeeze3A_2587, %shift_right_arithmetic3A_2588 : i32
      %shift_left3A_2590 = arith.constant 7 : i32
      %shift_left3A_2591 = arith.shli %shift_right_arithmetic3A_2589, %shift_left3A_2590 : i32
      %multiple_of3A_2592 = tpu.assume_multiple %shift_left3A_2591, 128 : i32
      %dma_start3A_2593 = arith.constant 5 : i32
      %dma_start3A_2594 = arith.constant 0 : i32
      %dma_start3A_2595 = arith.constant 0 : i32
      %dma_start3A_2596 = tpu.memref_slice %arg6[%dma_start3A_2593, %dma_start3A_2594, %dma_start3A_2595] : memref<8x32x128xf32, #tpu.memory_space<vmem>> -> memref<1x32x128xf32, #tpu.memory_space<vmem>>
      %dma_start3A_2597 = tpu.memref_squeeze %dma_start3A_2596 : memref<1x32x128xf32, #tpu.memory_space<vmem>> -> memref<32x128xf32, #tpu.memory_space<vmem>>
      %dma_start3A_2598 = arith.constant 0 : i32
      %dma_start3A_2599 = tpu.memref_slice %arg3[%dma_start3A_2598, %multiple_of3A_2592] : memref<32x1000000xf32, #tpu.memory_space<hbm>> -> memref<32x128xf32, #tpu.memory_space<hbm>>
      %dma_start3A_2600 = arith.constant 0 : i32
      %dma_start3A_2601 = arith.constant 0 : i32
      %dma_start3A_2602 = tpu.memref_slice %arg6[%dma_start3A_2593, %dma_start3A_2600, %dma_start3A_2601] : memref<8x32x128xf32, #tpu.memory_space<vmem>> -> memref<1x32x128xf32, #tpu.memory_space<vmem>>
      %dma_start3A_2603 = tpu.memref_squeeze %dma_start3A_2602 : memref<1x32x128xf32, #tpu.memory_space<vmem>> -> memref<32x128xf32, #tpu.memory_space<vmem>>
      %dma_start3A_2604 = arith.constant 0 : i32
      %dma_start3A_2605 = tpu.memref_slice %arg3[%dma_start3A_2604, %multiple_of3A_2592] : memref<32x1000000xf32, #tpu.memory_space<hbm>> -> memref<32x128xf32, #tpu.memory_space<hbm>>
      tpu.enqueue_dma source(%dma_start3A_2605 : memref<32x128xf32, #tpu.memory_space<hbm>>) target(%dma_start3A_2603 : memref<32x128xf32, #tpu.memory_space<vmem>>) target_semaphore(%arg9 : memref<!tpu.dma_semaphore, #tpu.memory_space<semaphore_mem>>)
      %slice3A_2606 = vector.extract_strided_slice %get3A_2485 {offsets = [6], sizes = [1], strides = [1]} : vector<16xi32> to vector<1xi32>
      %squeeze3A_2607 = vector.extract %slice3A_2606[0] : i32 from vector<1xi32>
      %shift_right_arithmetic3A_2608 = arith.constant 7 : i32
      %shift_right_arithmetic3A_2609 = arith.shrsi %squeeze3A_2607, %shift_right_arithmetic3A_2608 : i32
      %shift_left3A_2610 = arith.constant 7 : i32
      %shift_left3A_2611 = arith.shli %shift_right_arithmetic3A_2609, %shift_left3A_2610 : i32
      %multiple_of3A_2612 = tpu.assume_multiple %shift_left3A_2611, 128 : i32
      %dma_start3A_2613 = arith.constant 6 : i32
      %dma_start3A_2614 = arith.constant 0 : i32
      %dma_start3A_2615 = arith.constant 0 : i32
      %dma_start3A_2616 = tpu.memref_slice %arg6[%dma_start3A_2613, %dma_start3A_2614, %dma_start3A_2615] : memref<8x32x128xf32, #tpu.memory_space<vmem>> -> memref<1x32x128xf32, #tpu.memory_space<vmem>>
      %dma_start3A_2617 = tpu.memref_squeeze %dma_start3A_2616 : memref<1x32x128xf32, #tpu.memory_space<vmem>> -> memref<32x128xf32, #tpu.memory_space<vmem>>
      %dma_start3A_2618 = arith.constant 0 : i32
      %dma_start3A_2619 = tpu.memref_slice %arg3[%dma_start3A_2618, %multiple_of3A_2612] : memref<32x1000000xf32, #tpu.memory_space<hbm>> -> memref<32x128xf32, #tpu.memory_space<hbm>>
      %dma_start3A_2620 = arith.constant 0 : i32
      %dma_start3A_2621 = arith.constant 0 : i32
      %dma_start3A_2622 = tpu.memref_slice %arg6[%dma_start3A_2613, %dma_start3A_2620, %dma_start3A_2621] : memref<8x32x128xf32, #tpu.memory_space<vmem>> -> memref<1x32x128xf32, #tpu.memory_space<vmem>>
      %dma_start3A_2623 = tpu.memref_squeeze %dma_start3A_2622 : memref<1x32x128xf32, #tpu.memory_space<vmem>> -> memref<32x128xf32, #tpu.memory_space<vmem>>
      %dma_start3A_2624 = arith.constant 0 : i32
      %dma_start3A_2625 = tpu.memref_slice %arg3[%dma_start3A_2624, %multiple_of3A_2612] : memref<32x1000000xf32, #tpu.memory_space<hbm>> -> memref<32x128xf32, #tpu.memory_space<hbm>>
      tpu.enqueue_dma source(%dma_start3A_2625 : memref<32x128xf32, #tpu.memory_space<hbm>>) target(%dma_start3A_2623 : memref<32x128xf32, #tpu.memory_space<vmem>>) target_semaphore(%arg9 : memref<!tpu.dma_semaphore, #tpu.memory_space<semaphore_mem>>)
      %slice3A_2626 = vector.extract_strided_slice %get3A_2485 {offsets = [7], sizes = [1], strides = [1]} : vector<16xi32> to vector<1xi32>
      %squeeze3A_2627 = vector.extract %slice3A_2626[0] : i32 from vector<1xi32>
      %shift_right_arithmetic3A_2628 = arith.constant 7 : i32
      %shift_right_arithmetic3A_2629 = arith.shrsi %squeeze3A_2627, %shift_right_arithmetic3A_2628 : i32
      %shift_left3A_2630 = arith.constant 7 : i32
      %shift_left3A_2631 = arith.shli %shift_right_arithmetic3A_2629, %shift_left3A_2630 : i32
      %multiple_of3A_2632 = tpu.assume_multiple %shift_left3A_2631, 128 : i32
      %dma_start3A_2633 = arith.constant 7 : i32
      %dma_start3A_2634 = arith.constant 0 : i32
      %dma_start3A_2635 = arith.constant 0 : i32
      %dma_start3A_2636 = tpu.memref_slice %arg6[%dma_start3A_2633, %dma_start3A_2634, %dma_start3A_2635] : memref<8x32x128xf32, #tpu.memory_space<vmem>> -> memref<1x32x128xf32, #tpu.memory_space<vmem>>
      %dma_start3A_2637 = tpu.memref_squeeze %dma_start3A_2636 : memref<1x32x128xf32, #tpu.memory_space<vmem>> -> memref<32x128xf32, #tpu.memory_space<vmem>>
      %dma_start3A_2638 = arith.constant 0 : i32
      %dma_start3A_2639 = tpu.memref_slice %arg3[%dma_start3A_2638, %multiple_of3A_2632] : memref<32x1000000xf32, #tpu.memory_space<hbm>> -> memref<32x128xf32, #tpu.memory_space<hbm>>
      %dma_start3A_2640 = arith.constant 0 : i32
      %dma_start3A_2641 = arith.constant 0 : i32
      %dma_start3A_2642 = tpu.memref_slice %arg6[%dma_start3A_2633, %dma_start3A_2640, %dma_start3A_2641] : memref<8x32x128xf32, #tpu.memory_space<vmem>> -> memref<1x32x128xf32, #tpu.memory_space<vmem>>
      %dma_start3A_2643 = tpu.memref_squeeze %dma_start3A_2642 : memref<1x32x128xf32, #tpu.memory_space<vmem>> -> memref<32x128xf32, #tpu.memory_space<vmem>>
      %dma_start3A_2644 = arith.constant 0 : i32
      %dma_start3A_2645 = tpu.memref_slice %arg3[%dma_start3A_2644, %multiple_of3A_2632] : memref<32x1000000xf32, #tpu.memory_space<hbm>> -> memref<32x128xf32, #tpu.memory_space<hbm>>
      tpu.enqueue_dma source(%dma_start3A_2645 : memref<32x128xf32, #tpu.memory_space<hbm>>) target(%dma_start3A_2643 : memref<32x128xf32, #tpu.memory_space<vmem>>) target_semaphore(%arg9 : memref<!tpu.dma_semaphore, #tpu.memory_space<semaphore_mem>>)
      %dma_wait3A_2646 = arith.constant 0 : i32
      %dma_wait3A_2647 = arith.constant 0 : i32
      %dma_wait3A_2648 = arith.constant 0 : i32
      %dma_wait3A_2649 = tpu.memref_slice %arg7[%dma_wait3A_2646, %dma_wait3A_2647, %dma_wait3A_2648] : memref<8x32x128xf32, #tpu.memory_space<vmem>> -> memref<1x32x128xf32, #tpu.memory_space<vmem>>
      %dma_wait3A_2650 = tpu.memref_squeeze %dma_wait3A_2649 : memref<1x32x128xf32, #tpu.memory_space<vmem>> -> memref<32x128xf32, #tpu.memory_space<vmem>>
      %dma_wait3A_2651 = arith.constant 0 : i32
      %dma_wait3A_2652 = arith.constant 0 : i32
      %dma_wait3A_2653 = tpu.memref_slice %arg3[%dma_wait3A_2651, %dma_wait3A_2652] : memref<32x1000000xf32, #tpu.memory_space<hbm>> -> memref<32x128xf32, #tpu.memory_space<hbm>>
      %dma_wait3A_2654 = arith.constant 0 : i32
      %dma_wait3A_2655 = arith.constant 0 : i32
      %dma_wait3A_2656 = tpu.memref_slice %arg7[%dma_wait3A_2646, %dma_wait3A_2654, %dma_wait3A_2655] : memref<8x32x128xf32, #tpu.memory_space<vmem>> -> memref<1x32x128xf32, #tpu.memory_space<vmem>>
      %dma_wait3A_2657 = tpu.memref_squeeze %dma_wait3A_2656 : memref<1x32x128xf32, #tpu.memory_space<vmem>> -> memref<32x128xf32, #tpu.memory_space<vmem>>
      %dma_wait3A_2658 = arith.constant 0 : i32
      %dma_wait3A_2659 = arith.constant 0 : i32
      %dma_wait3A_2660 = tpu.memref_slice %arg3[%dma_wait3A_2658, %dma_wait3A_2659] : memref<32x1000000xf32, #tpu.memory_space<hbm>> -> memref<32x128xf32, #tpu.memory_space<hbm>>
      tpu.wait_dma2 semaphore(%arg9 : memref<!tpu.dma_semaphore, #tpu.memory_space<semaphore_mem>>) src(%dma_wait3A_2660 : memref<32x128xf32, #tpu.memory_space<hbm>>) dst(%dma_wait3A_2657 : memref<32x128xf32, #tpu.memory_space<vmem>>)
      %dma_wait3A_2661 = arith.constant 1 : i32
      %dma_wait3A_2662 = arith.constant 0 : i32
      %dma_wait3A_2663 = arith.constant 0 : i32
      %dma_wait3A_2664 = tpu.memref_slice %arg7[%dma_wait3A_2661, %dma_wait3A_2662, %dma_wait3A_2663] : memref<8x32x128xf32, #tpu.memory_space<vmem>> -> memref<1x32x128xf32, #tpu.memory_space<vmem>>
      %dma_wait3A_2665 = tpu.memref_squeeze %dma_wait3A_2664 : memref<1x32x128xf32, #tpu.memory_space<vmem>> -> memref<32x128xf32, #tpu.memory_space<vmem>>
      %dma_wait3A_2666 = arith.constant 0 : i32
      %dma_wait3A_2667 = arith.constant 0 : i32
      %dma_wait3A_2668 = tpu.memref_slice %arg3[%dma_wait3A_2666, %dma_wait3A_2667] : memref<32x1000000xf32, #tpu.memory_space<hbm>> -> memref<32x128xf32, #tpu.memory_space<hbm>>
      %dma_wait3A_2669 = arith.constant 0 : i32
      %dma_wait3A_2670 = arith.constant 0 : i32
      %dma_wait3A_2671 = tpu.memref_slice %arg7[%dma_wait3A_2661, %dma_wait3A_2669, %dma_wait3A_2670] : memref<8x32x128xf32, #tpu.memory_space<vmem>> -> memref<1x32x128xf32, #tpu.memory_space<vmem>>
      %dma_wait3A_2672 = tpu.memref_squeeze %dma_wait3A_2671 : memref<1x32x128xf32, #tpu.memory_space<vmem>> -> memref<32x128xf32, #tpu.memory_space<vmem>>
      %dma_wait3A_2673 = arith.constant 0 : i32
      %dma_wait3A_2674 = arith.constant 0 : i32
      %dma_wait3A_2675 = tpu.memref_slice %arg3[%dma_wait3A_2673, %dma_wait3A_2674] : memref<32x1000000xf32, #tpu.memory_space<hbm>> -> memref<32x128xf32, #tpu.memory_space<hbm>>
      tpu.wait_dma2 semaphore(%arg9 : memref<!tpu.dma_semaphore, #tpu.memory_space<semaphore_mem>>) src(%dma_wait3A_2675 : memref<32x128xf32, #tpu.memory_space<hbm>>) dst(%dma_wait3A_2672 : memref<32x128xf32, #tpu.memory_space<vmem>>)
      %dma_wait3A_2676 = arith.constant 2 : i32
      %dma_wait3A_2677 = arith.constant 0 : i32
      %dma_wait3A_2678 = arith.constant 0 : i32
      %dma_wait3A_2679 = tpu.memref_slice %arg7[%dma_wait3A_2676, %dma_wait3A_2677, %dma_wait3A_2678] : memref<8x32x128xf32, #tpu.memory_space<vmem>> -> memref<1x32x128xf32, #tpu.memory_space<vmem>>
      %dma_wait3A_2680 = tpu.memref_squeeze %dma_wait3A_2679 : memref<1x32x128xf32, #tpu.memory_space<vmem>> -> memref<32x128xf32, #tpu.memory_space<vmem>>
      %dma_wait3A_2681 = arith.constant 0 : i32
      %dma_wait3A_2682 = arith.constant 0 : i32
      %dma_wait3A_2683 = tpu.memref_slice %arg3[%dma_wait3A_2681, %dma_wait3A_2682] : memref<32x1000000xf32, #tpu.memory_space<hbm>> -> memref<32x128xf32, #tpu.memory_space<hbm>>
      %dma_wait3A_2684 = arith.constant 0 : i32
      %dma_wait3A_2685 = arith.constant 0 : i32
      %dma_wait3A_2686 = tpu.memref_slice %arg7[%dma_wait3A_2676, %dma_wait3A_2684, %dma_wait3A_2685] : memref<8x32x128xf32, #tpu.memory_space<vmem>> -> memref<1x32x128xf32, #tpu.memory_space<vmem>>
      %dma_wait3A_2687 = tpu.memref_squeeze %dma_wait3A_2686 : memref<1x32x128xf32, #tpu.memory_space<vmem>> -> memref<32x128xf32, #tpu.memory_space<vmem>>
      %dma_wait3A_2688 = arith.constant 0 : i32
      %dma_wait3A_2689 = arith.constant 0 : i32
      %dma_wait3A_2690 = tpu.memref_slice %arg3[%dma_wait3A_2688, %dma_wait3A_2689] : memref<32x1000000xf32, #tpu.memory_space<hbm>> -> memref<32x128xf32, #tpu.memory_space<hbm>>
      tpu.wait_dma2 semaphore(%arg9 : memref<!tpu.dma_semaphore, #tpu.memory_space<semaphore_mem>>) src(%dma_wait3A_2690 : memref<32x128xf32, #tpu.memory_space<hbm>>) dst(%dma_wait3A_2687 : memref<32x128xf32, #tpu.memory_space<vmem>>)
      %dma_wait3A_2691 = arith.constant 3 : i32
      %dma_wait3A_2692 = arith.constant 0 : i32
      %dma_wait3A_2693 = arith.constant 0 : i32
      %dma_wait3A_2694 = tpu.memref_slice %arg7[%dma_wait3A_2691, %dma_wait3A_2692, %dma_wait3A_2693] : memref<8x32x128xf32, #tpu.memory_space<vmem>> -> memref<1x32x128xf32, #tpu.memory_space<vmem>>
      %dma_wait3A_2695 = tpu.memref_squeeze %dma_wait3A_2694 : memref<1x32x128xf32, #tpu.memory_space<vmem>> -> memref<32x128xf32, #tpu.memory_space<vmem>>
      %dma_wait3A_2696 = arith.constant 0 : i32
      %dma_wait3A_2697 = arith.constant 0 : i32
      %dma_wait3A_2698 = tpu.memref_slice %arg3[%dma_wait3A_2696, %dma_wait3A_2697] : memref<32x1000000xf32, #tpu.memory_space<hbm>> -> memref<32x128xf32, #tpu.memory_space<hbm>>
      %dma_wait3A_2699 = arith.constant 0 : i32
      %dma_wait3A_2700 = arith.constant 0 : i32
      %dma_wait3A_2701 = tpu.memref_slice %arg7[%dma_wait3A_2691, %dma_wait3A_2699, %dma_wait3A_2700] : memref<8x32x128xf32, #tpu.memory_space<vmem>> -> memref<1x32x128xf32, #tpu.memory_space<vmem>>
      %dma_wait3A_2702 = tpu.memref_squeeze %dma_wait3A_2701 : memref<1x32x128xf32, #tpu.memory_space<vmem>> -> memref<32x128xf32, #tpu.memory_space<vmem>>
      %dma_wait3A_2703 = arith.constant 0 : i32
      %dma_wait3A_2704 = arith.constant 0 : i32
      %dma_wait3A_2705 = tpu.memref_slice %arg3[%dma_wait3A_2703, %dma_wait3A_2704] : memref<32x1000000xf32, #tpu.memory_space<hbm>> -> memref<32x128xf32, #tpu.memory_space<hbm>>
      tpu.wait_dma2 semaphore(%arg9 : memref<!tpu.dma_semaphore, #tpu.memory_space<semaphore_mem>>) src(%dma_wait3A_2705 : memref<32x128xf32, #tpu.memory_space<hbm>>) dst(%dma_wait3A_2702 : memref<32x128xf32, #tpu.memory_space<vmem>>)
      %dma_wait3A_2706 = arith.constant 4 : i32
      %dma_wait3A_2707 = arith.constant 0 : i32
      %dma_wait3A_2708 = arith.constant 0 : i32
      %dma_wait3A_2709 = tpu.memref_slice %arg7[%dma_wait3A_2706, %dma_wait3A_2707, %dma_wait3A_2708] : memref<8x32x128xf32, #tpu.memory_space<vmem>> -> memref<1x32x128xf32, #tpu.memory_space<vmem>>
      %dma_wait3A_2710 = tpu.memref_squeeze %dma_wait3A_2709 : memref<1x32x128xf32, #tpu.memory_space<vmem>> -> memref<32x128xf32, #tpu.memory_space<vmem>>
      %dma_wait3A_2711 = arith.constant 0 : i32
      %dma_wait3A_2712 = arith.constant 0 : i32
      %dma_wait3A_2713 = tpu.memref_slice %arg3[%dma_wait3A_2711, %dma_wait3A_2712] : memref<32x1000000xf32, #tpu.memory_space<hbm>> -> memref<32x128xf32, #tpu.memory_space<hbm>>
      %dma_wait3A_2714 = arith.constant 0 : i32
      %dma_wait3A_2715 = arith.constant 0 : i32
      %dma_wait3A_2716 = tpu.memref_slice %arg7[%dma_wait3A_2706, %dma_wait3A_2714, %dma_wait3A_2715] : memref<8x32x128xf32, #tpu.memory_space<vmem>> -> memref<1x32x128xf32, #tpu.memory_space<vmem>>
      %dma_wait3A_2717 = tpu.memref_squeeze %dma_wait3A_2716 : memref<1x32x128xf32, #tpu.memory_space<vmem>> -> memref<32x128xf32, #tpu.memory_space<vmem>>
      %dma_wait3A_2718 = arith.constant 0 : i32
      %dma_wait3A_2719 = arith.constant 0 : i32
      %dma_wait3A_2720 = tpu.memref_slice %arg3[%dma_wait3A_2718, %dma_wait3A_2719] : memref<32x1000000xf32, #tpu.memory_space<hbm>> -> memref<32x128xf32, #tpu.memory_space<hbm>>
      tpu.wait_dma2 semaphore(%arg9 : memref<!tpu.dma_semaphore, #tpu.memory_space<semaphore_mem>>) src(%dma_wait3A_2720 : memref<32x128xf32, #tpu.memory_space<hbm>>) dst(%dma_wait3A_2717 : memref<32x128xf32, #tpu.memory_space<vmem>>)
      %dma_wait3A_2721 = arith.constant 5 : i32
      %dma_wait3A_2722 = arith.constant 0 : i32
      %dma_wait3A_2723 = arith.constant 0 : i32
      %dma_wait3A_2724 = tpu.memref_slice %arg7[%dma_wait3A_2721, %dma_wait3A_2722, %dma_wait3A_2723] : memref<8x32x128xf32, #tpu.memory_space<vmem>> -> memref<1x32x128xf32, #tpu.memory_space<vmem>>
      %dma_wait3A_2725 = tpu.memref_squeeze %dma_wait3A_2724 : memref<1x32x128xf32, #tpu.memory_space<vmem>> -> memref<32x128xf32, #tpu.memory_space<vmem>>
      %dma_wait3A_2726 = arith.constant 0 : i32
      %dma_wait3A_2727 = arith.constant 0 : i32
      %dma_wait3A_2728 = tpu.memref_slice %arg3[%dma_wait3A_2726, %dma_wait3A_2727] : memref<32x1000000xf32, #tpu.memory_space<hbm>> -> memref<32x128xf32, #tpu.memory_space<hbm>>
      %dma_wait3A_2729 = arith.constant 0 : i32
      %dma_wait3A_2730 = arith.constant 0 : i32
      %dma_wait3A_2731 = tpu.memref_slice %arg7[%dma_wait3A_2721, %dma_wait3A_2729, %dma_wait3A_2730] : memref<8x32x128xf32, #tpu.memory_space<vmem>> -> memref<1x32x128xf32, #tpu.memory_space<vmem>>
      %dma_wait3A_2732 = tpu.memref_squeeze %dma_wait3A_2731 : memref<1x32x128xf32, #tpu.memory_space<vmem>> -> memref<32x128xf32, #tpu.memory_space<vmem>>
      %dma_wait3A_2733 = arith.constant 0 : i32
      %dma_wait3A_2734 = arith.constant 0 : i32
      %dma_wait3A_2735 = tpu.memref_slice %arg3[%dma_wait3A_2733, %dma_wait3A_2734] : memref<32x1000000xf32, #tpu.memory_space<hbm>> -> memref<32x128xf32, #tpu.memory_space<hbm>>
      tpu.wait_dma2 semaphore(%arg9 : memref<!tpu.dma_semaphore, #tpu.memory_space<semaphore_mem>>) src(%dma_wait3A_2735 : memref<32x128xf32, #tpu.memory_space<hbm>>) dst(%dma_wait3A_2732 : memref<32x128xf32, #tpu.memory_space<vmem>>)
      %dma_wait3A_2736 = arith.constant 6 : i32
      %dma_wait3A_2737 = arith.constant 0 : i32
      %dma_wait3A_2738 = arith.constant 0 : i32
      %dma_wait3A_2739 = tpu.memref_slice %arg7[%dma_wait3A_2736, %dma_wait3A_2737, %dma_wait3A_2738] : memref<8x32x128xf32, #tpu.memory_space<vmem>> -> memref<1x32x128xf32, #tpu.memory_space<vmem>>
      %dma_wait3A_2740 = tpu.memref_squeeze %dma_wait3A_2739 : memref<1x32x128xf32, #tpu.memory_space<vmem>> -> memref<32x128xf32, #tpu.memory_space<vmem>>
      %dma_wait3A_2741 = arith.constant 0 : i32
      %dma_wait3A_2742 = arith.constant 0 : i32
      %dma_wait3A_2743 = tpu.memref_slice %arg3[%dma_wait3A_2741, %dma_wait3A_2742] : memref<32x1000000xf32, #tpu.memory_space<hbm>> -> memref<32x128xf32, #tpu.memory_space<hbm>>
      %dma_wait3A_2744 = arith.constant 0 : i32
      %dma_wait3A_2745 = arith.constant 0 : i32
      %dma_wait3A_2746 = tpu.memref_slice %arg7[%dma_wait3A_2736, %dma_wait3A_2744, %dma_wait3A_2745] : memref<8x32x128xf32, #tpu.memory_space<vmem>> -> memref<1x32x128xf32, #tpu.memory_space<vmem>>
      %dma_wait3A_2747 = tpu.memref_squeeze %dma_wait3A_2746 : memref<1x32x128xf32, #tpu.memory_space<vmem>> -> memref<32x128xf32, #tpu.memory_space<vmem>>
      %dma_wait3A_2748 = arith.constant 0 : i32
      %dma_wait3A_2749 = arith.constant 0 : i32
      %dma_wait3A_2750 = tpu.memref_slice %arg3[%dma_wait3A_2748, %dma_wait3A_2749] : memref<32x1000000xf32, #tpu.memory_space<hbm>> -> memref<32x128xf32, #tpu.memory_space<hbm>>
      tpu.wait_dma2 semaphore(%arg9 : memref<!tpu.dma_semaphore, #tpu.memory_space<semaphore_mem>>) src(%dma_wait3A_2750 : memref<32x128xf32, #tpu.memory_space<hbm>>) dst(%dma_wait3A_2747 : memref<32x128xf32, #tpu.memory_space<vmem>>)
      %dma_wait3A_2751 = arith.constant 7 : i32
      %dma_wait3A_2752 = arith.constant 0 : i32
      %dma_wait3A_2753 = arith.constant 0 : i32
      %dma_wait3A_2754 = tpu.memref_slice %arg7[%dma_wait3A_2751, %dma_wait3A_2752, %dma_wait3A_2753] : memref<8x32x128xf32, #tpu.memory_space<vmem>> -> memref<1x32x128xf32, #tpu.memory_space<vmem>>
      %dma_wait3A_2755 = tpu.memref_squeeze %dma_wait3A_2754 : memref<1x32x128xf32, #tpu.memory_space<vmem>> -> memref<32x128xf32, #tpu.memory_space<vmem>>
      %dma_wait3A_2756 = arith.constant 0 : i32
      %dma_wait3A_2757 = arith.constant 0 : i32
      %dma_wait3A_2758 = tpu.memref_slice %arg3[%dma_wait3A_2756, %dma_wait3A_2757] : memref<32x1000000xf32, #tpu.memory_space<hbm>> -> memref<32x128xf32, #tpu.memory_space<hbm>>
      %dma_wait3A_2759 = arith.constant 0 : i32
      %dma_wait3A_2760 = arith.constant 0 : i32
      %dma_wait3A_2761 = tpu.memref_slice %arg7[%dma_wait3A_2751, %dma_wait3A_2759, %dma_wait3A_2760] : memref<8x32x128xf32, #tpu.memory_space<vmem>> -> memref<1x32x128xf32, #tpu.memory_space<vmem>>
      %dma_wait3A_2762 = tpu.memref_squeeze %dma_wait3A_2761 : memref<1x32x128xf32, #tpu.memory_space<vmem>> -> memref<32x128xf32, #tpu.memory_space<vmem>>
      %dma_wait3A_2763 = arith.constant 0 : i32
      %dma_wait3A_2764 = arith.constant 0 : i32
      %dma_wait3A_2765 = tpu.memref_slice %arg3[%dma_wait3A_2763, %dma_wait3A_2764] : memref<32x1000000xf32, #tpu.memory_space<hbm>> -> memref<32x128xf32, #tpu.memory_space<hbm>>
      tpu.wait_dma2 semaphore(%arg9 : memref<!tpu.dma_semaphore, #tpu.memory_space<semaphore_mem>>) src(%dma_wait3A_2765 : memref<32x128xf32, #tpu.memory_space<hbm>>) dst(%dma_wait3A_2762 : memref<32x128xf32, #tpu.memory_space<vmem>>)
      %mul3A_2766 = arith.constant 4 : i32
      %mul3A_2767 = arith.muli %scan3A_162, %mul3A_2766 : i32
      %add3A_2768 = arith.constant 2 : i32
      %add3A_2769 = arith.addi %mul3A_2767, %add3A_2768 : i32
      %mul3A_2770 = arith.constant 16 : i32
      %mul3A_2771 = arith.muli %add3A_2769, %mul3A_2770 : i32
      %get3A_2772 = arith.index_cast %mul3A_2771 : i32 to index
      %get3A_2773 = tpu.vector_load %arg5[%get3A_2772] {strides = array<i32>} : memref<512xi32, #tpu.memory_space<vmem>>, vector<16xi32>,
      %slice3A_2774 = vector.extract_strided_slice %get3A_2773 {offsets = [8], sizes = [1], strides = [1]} : vector<16xi32> to vector<1xi32>
      %squeeze3A_2775 = vector.extract %slice3A_2774[0] : i32 from vector<1xi32>
      %and3A_2776 = arith.constant 127 : i32
      %and3A_2777 = arith.andi %squeeze3A_2775, %and3A_2776 : i32
      %broadcast_in_dim3A_2778 = vector.broadcast %and3A_2777 : i32 to vector<16xi32>
      %broadcast_in_dim3A_2779 = arith.constant 0 : i32
      %broadcast_in_dim3A_2780 = vector.broadcast %broadcast_in_dim3A_2779 : i32 to vector<16xi32>
      %gather3A_2781 = tpu.vector_load_idx %arg7[%broadcast_in_dim3A_2780, %iota3A, %broadcast_in_dim3A_2778] : memref<8x32x128xf32, #tpu.memory_space<vmem>>[vector<16xi32>, vector<16xi32>, vector<16xi32>], vector<16xf32>,
      %swap3A_2782 = arith.constant 0 : i32
      %swap3A_2783 = arith.index_cast %swap3A_2782 : i32 to index
      %swap3A_2784 = arith.constant 0 : index
      %swap3A_2785 = tpu.vector_load %arg8[%swap3A_2783, %swap3A_2784] {strides = array<i32>} : memref<8x32xf32, #tpu.memory_space<vmem>>, vector<16xf32>,
      tpu.vector_store %arg8[%swap3A_2783, %swap3A_2784], %gather3A_2781 {strides = array<i32>} : memref<8x32xf32, #tpu.memory_space<vmem>>, vector<16xf32>,
      %add3A_2786 = arith.constant 16 : i32
      %add3A_2787 = vector.broadcast %add3A_2786 : i32 to vector<16xi32>
      %add3A_2788 = arith.addi %iota3A, %add3A_2787 : vector<16xi32>
      %gather3A_2789 = tpu.vector_load_idx %arg7[%broadcast_in_dim3A_2780, %add3A_2788, %broadcast_in_dim3A_2778] : memref<8x32x128xf32, #tpu.memory_space<vmem>>[vector<16xi32>, vector<16xi32>, vector<16xi32>], vector<16xf32>,
      %swap3A_2790 = arith.constant 0 : i32
      %swap3A_2791 = arith.index_cast %swap3A_2790 : i32 to index
      %swap3A_2792 = arith.constant 16 : index
      %swap3A_2793 = tpu.vector_load %arg8[%swap3A_2791, %swap3A_2792] {strides = array<i32>} : memref<8x32xf32, #tpu.memory_space<vmem>>, vector<16xf32>,
      tpu.vector_store %arg8[%swap3A_2791, %swap3A_2792], %gather3A_2789 {strides = array<i32>} : memref<8x32xf32, #tpu.memory_space<vmem>>, vector<16xf32>,
      %slice3A_2794 = vector.extract_strided_slice %get3A_2773 {offsets = [9], sizes = [1], strides = [1]} : vector<16xi32> to vector<1xi32>
      %squeeze3A_2795 = vector.extract %slice3A_2794[0] : i32 from vector<1xi32>
      %and3A_2796 = arith.constant 127 : i32
      %and3A_2797 = arith.andi %squeeze3A_2795, %and3A_2796 : i32
      %broadcast_in_dim3A_2798 = vector.broadcast %and3A_2797 : i32 to vector<16xi32>
      %broadcast_in_dim3A_2799 = arith.constant 1 : i32
      %broadcast_in_dim3A_2800 = vector.broadcast %broadcast_in_dim3A_2799 : i32 to vector<16xi32>
      %gather3A_2801 = tpu.vector_load_idx %arg7[%broadcast_in_dim3A_2800, %iota3A, %broadcast_in_dim3A_2798] : memref<8x32x128xf32, #tpu.memory_space<vmem>>[vector<16xi32>, vector<16xi32>, vector<16xi32>], vector<16xf32>,
      %swap3A_2802 = arith.constant 1 : i32
      %swap3A_2803 = arith.index_cast %swap3A_2802 : i32 to index
      %swap3A_2804 = arith.constant 0 : index
      %swap3A_2805 = tpu.vector_load %arg8[%swap3A_2803, %swap3A_2804] {strides = array<i32>} : memref<8x32xf32, #tpu.memory_space<vmem>>, vector<16xf32>,
      tpu.vector_store %arg8[%swap3A_2803, %swap3A_2804], %gather3A_2801 {strides = array<i32>} : memref<8x32xf32, #tpu.memory_space<vmem>>, vector<16xf32>,
      %add3A_2806 = arith.constant 16 : i32
      %add3A_2807 = vector.broadcast %add3A_2806 : i32 to vector<16xi32>
      %add3A_2808 = arith.addi %iota3A, %add3A_2807 : vector<16xi32>
      %gather3A_2809 = tpu.vector_load_idx %arg7[%broadcast_in_dim3A_2800, %add3A_2808, %broadcast_in_dim3A_2798] : memref<8x32x128xf32, #tpu.memory_space<vmem>>[vector<16xi32>, vector<16xi32>, vector<16xi32>], vector<16xf32>,
      %swap3A_2810 = arith.constant 1 : i32
      %swap3A_2811 = arith.index_cast %swap3A_2810 : i32 to index
      %swap3A_2812 = arith.constant 16 : index
      %swap3A_2813 = tpu.vector_load %arg8[%swap3A_2811, %swap3A_2812] {strides = array<i32>} : memref<8x32xf32, #tpu.memory_space<vmem>>, vector<16xf32>,
      tpu.vector_store %arg8[%swap3A_2811, %swap3A_2812], %gather3A_2809 {strides = array<i32>} : memref<8x32xf32, #tpu.memory_space<vmem>>, vector<16xf32>,
      %slice3A_2814 = vector.extract_strided_slice %get3A_2773 {offsets = [10], sizes = [1], strides = [1]} : vector<16xi32> to vector<1xi32>
      %squeeze3A_2815 = vector.extract %slice3A_2814[0] : i32 from vector<1xi32>
      %and3A_2816 = arith.constant 127 : i32
      %and3A_2817 = arith.andi %squeeze3A_2815, %and3A_2816 : i32
      %broadcast_in_dim3A_2818 = vector.broadcast %and3A_2817 : i32 to vector<16xi32>
      %broadcast_in_dim3A_2819 = arith.constant 2 : i32
      %broadcast_in_dim3A_2820 = vector.broadcast %broadcast_in_dim3A_2819 : i32 to vector<16xi32>
      %gather3A_2821 = tpu.vector_load_idx %arg7[%broadcast_in_dim3A_2820, %iota3A, %broadcast_in_dim3A_2818] : memref<8x32x128xf32, #tpu.memory_space<vmem>>[vector<16xi32>, vector<16xi32>, vector<16xi32>], vector<16xf32>,
      %swap3A_2822 = arith.constant 2 : i32
      %swap3A_2823 = arith.index_cast %swap3A_2822 : i32 to index
      %swap3A_2824 = arith.constant 0 : index
      %swap3A_2825 = tpu.vector_load %arg8[%swap3A_2823, %swap3A_2824] {strides = array<i32>} : memref<8x32xf32, #tpu.memory_space<vmem>>, vector<16xf32>,
      tpu.vector_store %arg8[%swap3A_2823, %swap3A_2824], %gather3A_2821 {strides = array<i32>} : memref<8x32xf32, #tpu.memory_space<vmem>>, vector<16xf32>,
      %add3A_2826 = arith.constant 16 : i32
      %add3A_2827 = vector.broadcast %add3A_2826 : i32 to vector<16xi32>
      %add3A_2828 = arith.addi %iota3A, %add3A_2827 : vector<16xi32>
      %gather3A_2829 = tpu.vector_load_idx %arg7[%broadcast_in_dim3A_2820, %add3A_2828, %broadcast_in_dim3A_2818] : memref<8x32x128xf32, #tpu.memory_space<vmem>>[vector<16xi32>, vector<16xi32>, vector<16xi32>], vector<16xf32>,
      %swap3A_2830 = arith.constant 2 : i32
      %swap3A_2831 = arith.index_cast %swap3A_2830 : i32 to index
      %swap3A_2832 = arith.constant 16 : index
      %swap3A_2833 = tpu.vector_load %arg8[%swap3A_2831, %swap3A_2832] {strides = array<i32>} : memref<8x32xf32, #tpu.memory_space<vmem>>, vector<16xf32>,
      tpu.vector_store %arg8[%swap3A_2831, %swap3A_2832], %gather3A_2829 {strides = array<i32>} : memref<8x32xf32, #tpu.memory_space<vmem>>, vector<16xf32>,
      %slice3A_2834 = vector.extract_strided_slice %get3A_2773 {offsets = [11], sizes = [1], strides = [1]} : vector<16xi32> to vector<1xi32>
      %squeeze3A_2835 = vector.extract %slice3A_2834[0] : i32 from vector<1xi32>
      %and3A_2836 = arith.constant 127 : i32
      %and3A_2837 = arith.andi %squeeze3A_2835, %and3A_2836 : i32
      %broadcast_in_dim3A_2838 = vector.broadcast %and3A_2837 : i32 to vector<16xi32>
      %broadcast_in_dim3A_2839 = arith.constant 3 : i32
      %broadcast_in_dim3A_2840 = vector.broadcast %broadcast_in_dim3A_2839 : i32 to vector<16xi32>
      %gather3A_2841 = tpu.vector_load_idx %arg7[%broadcast_in_dim3A_2840, %iota3A, %broadcast_in_dim3A_2838] : memref<8x32x128xf32, #tpu.memory_space<vmem>>[vector<16xi32>, vector<16xi32>, vector<16xi32>], vector<16xf32>,
      %swap3A_2842 = arith.constant 3 : i32
      %swap3A_2843 = arith.index_cast %swap3A_2842 : i32 to index
      %swap3A_2844 = arith.constant 0 : index
      %swap3A_2845 = tpu.vector_load %arg8[%swap3A_2843, %swap3A_2844] {strides = array<i32>} : memref<8x32xf32, #tpu.memory_space<vmem>>, vector<16xf32>,
      tpu.vector_store %arg8[%swap3A_2843, %swap3A_2844], %gather3A_2841 {strides = array<i32>} : memref<8x32xf32, #tpu.memory_space<vmem>>, vector<16xf32>,
      %add3A_2846 = arith.constant 16 : i32
      %add3A_2847 = vector.broadcast %add3A_2846 : i32 to vector<16xi32>
      %add3A_2848 = arith.addi %iota3A, %add3A_2847 : vector<16xi32>
      %gather3A_2849 = tpu.vector_load_idx %arg7[%broadcast_in_dim3A_2840, %add3A_2848, %broadcast_in_dim3A_2838] : memref<8x32x128xf32, #tpu.memory_space<vmem>>[vector<16xi32>, vector<16xi32>, vector<16xi32>], vector<16xf32>,
      %swap3A_2850 = arith.constant 3 : i32
      %swap3A_2851 = arith.index_cast %swap3A_2850 : i32 to index
      %swap3A_2852 = arith.constant 16 : index
      %swap3A_2853 = tpu.vector_load %arg8[%swap3A_2851, %swap3A_2852] {strides = array<i32>} : memref<8x32xf32, #tpu.memory_space<vmem>>, vector<16xf32>,
      tpu.vector_store %arg8[%swap3A_2851, %swap3A_2852], %gather3A_2849 {strides = array<i32>} : memref<8x32xf32, #tpu.memory_space<vmem>>, vector<16xf32>,
      %slice3A_2854 = vector.extract_strided_slice %get3A_2773 {offsets = [12], sizes = [1], strides = [1]} : vector<16xi32> to vector<1xi32>
      %squeeze3A_2855 = vector.extract %slice3A_2854[0] : i32 from vector<1xi32>
      %and3A_2856 = arith.constant 127 : i32
      %and3A_2857 = arith.andi %squeeze3A_2855, %and3A_2856 : i32
      %broadcast_in_dim3A_2858 = vector.broadcast %and3A_2857 : i32 to vector<16xi32>
      %broadcast_in_dim3A_2859 = arith.constant 4 : i32
      %broadcast_in_dim3A_2860 = vector.broadcast %broadcast_in_dim3A_2859 : i32 to vector<16xi32>
      %gather3A_2861 = tpu.vector_load_idx %arg7[%broadcast_in_dim3A_2860, %iota3A, %broadcast_in_dim3A_2858] : memref<8x32x128xf32, #tpu.memory_space<vmem>>[vector<16xi32>, vector<16xi32>, vector<16xi32>], vector<16xf32>,
      %swap3A_2862 = arith.constant 4 : i32
      %swap3A_2863 = arith.index_cast %swap3A_2862 : i32 to index
      %swap3A_2864 = arith.constant 0 : index
      %swap3A_2865 = tpu.vector_load %arg8[%swap3A_2863, %swap3A_2864] {strides = array<i32>} : memref<8x32xf32, #tpu.memory_space<vmem>>, vector<16xf32>,
      tpu.vector_store %arg8[%swap3A_2863, %swap3A_2864], %gather3A_2861 {strides = array<i32>} : memref<8x32xf32, #tpu.memory_space<vmem>>, vector<16xf32>,
      %add3A_2866 = arith.constant 16 : i32
      %add3A_2867 = vector.broadcast %add3A_2866 : i32 to vector<16xi32>
      %add3A_2868 = arith.addi %iota3A, %add3A_2867 : vector<16xi32>
      %gather3A_2869 = tpu.vector_load_idx %arg7[%broadcast_in_dim3A_2860, %add3A_2868, %broadcast_in_dim3A_2858] : memref<8x32x128xf32, #tpu.memory_space<vmem>>[vector<16xi32>, vector<16xi32>, vector<16xi32>], vector<16xf32>,
      %swap3A_2870 = arith.constant 4 : i32
      %swap3A_2871 = arith.index_cast %swap3A_2870 : i32 to index
      %swap3A_2872 = arith.constant 16 : index
      %swap3A_2873 = tpu.vector_load %arg8[%swap3A_2871, %swap3A_2872] {strides = array<i32>} : memref<8x32xf32, #tpu.memory_space<vmem>>, vector<16xf32>,
      tpu.vector_store %arg8[%swap3A_2871, %swap3A_2872], %gather3A_2869 {strides = array<i32>} : memref<8x32xf32, #tpu.memory_space<vmem>>, vector<16xf32>,
      %slice3A_2874 = vector.extract_strided_slice %get3A_2773 {offsets = [13], sizes = [1], strides = [1]} : vector<16xi32> to vector<1xi32>
      %squeeze3A_2875 = vector.extract %slice3A_2874[0] : i32 from vector<1xi32>
      %and3A_2876 = arith.constant 127 : i32
      %and3A_2877 = arith.andi %squeeze3A_2875, %and3A_2876 : i32
      %broadcast_in_dim3A_2878 = vector.broadcast %and3A_2877 : i32 to vector<16xi32>
      %broadcast_in_dim3A_2879 = arith.constant 5 : i32
      %broadcast_in_dim3A_2880 = vector.broadcast %broadcast_in_dim3A_2879 : i32 to vector<16xi32>
      %gather3A_2881 = tpu.vector_load_idx %arg7[%broadcast_in_dim3A_2880, %iota3A, %broadcast_in_dim3A_2878] : memref<8x32x128xf32, #tpu.memory_space<vmem>>[vector<16xi32>, vector<16xi32>, vector<16xi32>], vector<16xf32>,
      %swap3A_2882 = arith.constant 5 : i32
      %swap3A_2883 = arith.index_cast %swap3A_2882 : i32 to index
      %swap3A_2884 = arith.constant 0 : index
      %swap3A_2885 = tpu.vector_load %arg8[%swap3A_2883, %swap3A_2884] {strides = array<i32>} : memref<8x32xf32, #tpu.memory_space<vmem>>, vector<16xf32>,
      tpu.vector_store %arg8[%swap3A_2883, %swap3A_2884], %gather3A_2881 {strides = array<i32>} : memref<8x32xf32, #tpu.memory_space<vmem>>, vector<16xf32>,
      %add3A_2886 = arith.constant 16 : i32
      %add3A_2887 = vector.broadcast %add3A_2886 : i32 to vector<16xi32>
      %add3A_2888 = arith.addi %iota3A, %add3A_2887 : vector<16xi32>
      %gather3A_2889 = tpu.vector_load_idx %arg7[%broadcast_in_dim3A_2880, %add3A_2888, %broadcast_in_dim3A_2878] : memref<8x32x128xf32, #tpu.memory_space<vmem>>[vector<16xi32>, vector<16xi32>, vector<16xi32>], vector<16xf32>,
      %swap3A_2890 = arith.constant 5 : i32
      %swap3A_2891 = arith.index_cast %swap3A_2890 : i32 to index
      %swap3A_2892 = arith.constant 16 : index
      %swap3A_2893 = tpu.vector_load %arg8[%swap3A_2891, %swap3A_2892] {strides = array<i32>} : memref<8x32xf32, #tpu.memory_space<vmem>>, vector<16xf32>,
      tpu.vector_store %arg8[%swap3A_2891, %swap3A_2892], %gather3A_2889 {strides = array<i32>} : memref<8x32xf32, #tpu.memory_space<vmem>>, vector<16xf32>,
      %slice3A_2894 = vector.extract_strided_slice %get3A_2773 {offsets = [14], sizes = [1], strides = [1]} : vector<16xi32> to vector<1xi32>
      %squeeze3A_2895 = vector.extract %slice3A_2894[0] : i32 from vector<1xi32>
      %and3A_2896 = arith.constant 127 : i32
      %and3A_2897 = arith.andi %squeeze3A_2895, %and3A_2896 : i32
      %broadcast_in_dim3A_2898 = vector.broadcast %and3A_2897 : i32 to vector<16xi32>
      %broadcast_in_dim3A_2899 = arith.constant 6 : i32
      %broadcast_in_dim3A_2900 = vector.broadcast %broadcast_in_dim3A_2899 : i32 to vector<16xi32>
      %gather3A_2901 = tpu.vector_load_idx %arg7[%broadcast_in_dim3A_2900, %iota3A, %broadcast_in_dim3A_2898] : memref<8x32x128xf32, #tpu.memory_space<vmem>>[vector<16xi32>, vector<16xi32>, vector<16xi32>], vector<16xf32>,
      %swap3A_2902 = arith.constant 6 : i32
      %swap3A_2903 = arith.index_cast %swap3A_2902 : i32 to index
      %swap3A_2904 = arith.constant 0 : index
      %swap3A_2905 = tpu.vector_load %arg8[%swap3A_2903, %swap3A_2904] {strides = array<i32>} : memref<8x32xf32, #tpu.memory_space<vmem>>, vector<16xf32>,
      tpu.vector_store %arg8[%swap3A_2903, %swap3A_2904], %gather3A_2901 {strides = array<i32>} : memref<8x32xf32, #tpu.memory_space<vmem>>, vector<16xf32>,
      %add3A_2906 = arith.constant 16 : i32
      %add3A_2907 = vector.broadcast %add3A_2906 : i32 to vector<16xi32>
      %add3A_2908 = arith.addi %iota3A, %add3A_2907 : vector<16xi32>
      %gather3A_2909 = tpu.vector_load_idx %arg7[%broadcast_in_dim3A_2900, %add3A_2908, %broadcast_in_dim3A_2898] : memref<8x32x128xf32, #tpu.memory_space<vmem>>[vector<16xi32>, vector<16xi32>, vector<16xi32>], vector<16xf32>,
      %swap3A_2910 = arith.constant 6 : i32
      %swap3A_2911 = arith.index_cast %swap3A_2910 : i32 to index
      %swap3A_2912 = arith.constant 16 : index
      %swap3A_2913 = tpu.vector_load %arg8[%swap3A_2911, %swap3A_2912] {strides = array<i32>} : memref<8x32xf32, #tpu.memory_space<vmem>>, vector<16xf32>,
      tpu.vector_store %arg8[%swap3A_2911, %swap3A_2912], %gather3A_2909 {strides = array<i32>} : memref<8x32xf32, #tpu.memory_space<vmem>>, vector<16xf32>,
      %slice3A_2914 = vector.extract_strided_slice %get3A_2773 {offsets = [15], sizes = [1], strides = [1]} : vector<16xi32> to vector<1xi32>
      %squeeze3A_2915 = vector.extract %slice3A_2914[0] : i32 from vector<1xi32>
      %and3A_2916 = arith.constant 127 : i32
      %and3A_2917 = arith.andi %squeeze3A_2915, %and3A_2916 : i32
      %broadcast_in_dim3A_2918 = vector.broadcast %and3A_2917 : i32 to vector<16xi32>
      %broadcast_in_dim3A_2919 = arith.constant 7 : i32
      %broadcast_in_dim3A_2920 = vector.broadcast %broadcast_in_dim3A_2919 : i32 to vector<16xi32>
      %gather3A_2921 = tpu.vector_load_idx %arg7[%broadcast_in_dim3A_2920, %iota3A, %broadcast_in_dim3A_2918] : memref<8x32x128xf32, #tpu.memory_space<vmem>>[vector<16xi32>, vector<16xi32>, vector<16xi32>], vector<16xf32>,
      %swap3A_2922 = arith.constant 7 : i32
      %swap3A_2923 = arith.index_cast %swap3A_2922 : i32 to index
      %swap3A_2924 = arith.constant 0 : index
      %swap3A_2925 = tpu.vector_load %arg8[%swap3A_2923, %swap3A_2924] {strides = array<i32>} : memref<8x32xf32, #tpu.memory_space<vmem>>, vector<16xf32>,
      tpu.vector_store %arg8[%swap3A_2923, %swap3A_2924], %gather3A_2921 {strides = array<i32>} : memref<8x32xf32, #tpu.memory_space<vmem>>, vector<16xf32>,
      %add3A_2926 = arith.constant 16 : i32
      %add3A_2927 = vector.broadcast %add3A_2926 : i32 to vector<16xi32>
      %add3A_2928 = arith.addi %iota3A, %add3A_2927 : vector<16xi32>
      %gather3A_2929 = tpu.vector_load_idx %arg7[%broadcast_in_dim3A_2920, %add3A_2928, %broadcast_in_dim3A_2918] : memref<8x32x128xf32, #tpu.memory_space<vmem>>[vector<16xi32>, vector<16xi32>, vector<16xi32>], vector<16xf32>,
      %swap3A_2930 = arith.constant 7 : i32
      %swap3A_2931 = arith.index_cast %swap3A_2930 : i32 to index
      %swap3A_2932 = arith.constant 16 : index
      %swap3A_2933 = tpu.vector_load %arg8[%swap3A_2931, %swap3A_2932] {strides = array<i32>} : memref<8x32xf32, #tpu.memory_space<vmem>>, vector<16xf32>,
      tpu.vector_store %arg8[%swap3A_2931, %swap3A_2932], %gather3A_2929 {strides = array<i32>} : memref<8x32xf32, #tpu.memory_space<vmem>>, vector<16xf32>,
      %mul3A_2934 = arith.constant 8 : i32
      %mul3A_2935 = arith.muli %scan3A_162, %mul3A_2934 : i32
      %add3A_2936 = arith.constant 5 : i32
      %add3A_2937 = arith.addi %mul3A_2935, %add3A_2936 : i32
      %mul3A_2938 = arith.constant 8 : i32
      %mul3A_2939 = arith.muli %add3A_2937, %mul3A_2938 : i32
      %add3A_2940 = arith.addi %mul3A_2, %mul3A_2939 : i32
      %multiple_of3A_2941 = tpu.assume_multiple %add3A_2940, 8 : i32
      "tpu.region"() ({
        %run_scoped3A = tpu.sem_alloc : memref<!tpu.dma_semaphore, #tpu.memory_space<semaphore_mem>>
        %dma_start3A_3704 = arith.constant 0 : i32
        %dma_start3A_3705 = tpu.memref_slice %arg4[%multiple_of3A_2941, %dma_start3A_3704] : memref<16384x32xf32, #tpu.memory_space<hbm>> -> memref<8x32xf32, #tpu.memory_space<hbm>>
        %dma_start3A_3706 = arith.constant 0 : i32
        %dma_start3A_3707 = tpu.memref_slice %arg4[%multiple_of3A_2941, %dma_start3A_3706] : memref<16384x32xf32, #tpu.memory_space<hbm>> -> memref<8x32xf32, #tpu.memory_space<hbm>>
        tpu.enqueue_dma source(%arg8 : memref<8x32xf32, #tpu.memory_space<vmem>>) target(%dma_start3A_3707 : memref<8x32xf32, #tpu.memory_space<hbm>>) target_semaphore(%run_scoped3A : memref<!tpu.dma_semaphore, #tpu.memory_space<semaphore_mem>>)
        %dma_wait3A_3708 = arith.constant 0 : i32
        %dma_wait3A_3709 = tpu.memref_slice %arg4[%multiple_of3A_2941, %dma_wait3A_3708] : memref<16384x32xf32, #tpu.memory_space<hbm>> -> memref<8x32xf32, #tpu.memory_space<hbm>>
        %dma_wait3A_3710 = arith.constant 0 : i32
        %dma_wait3A_3711 = tpu.memref_slice %arg4[%multiple_of3A_2941, %dma_wait3A_3710] : memref<16384x32xf32, #tpu.memory_space<hbm>> -> memref<8x32xf32, #tpu.memory_space<hbm>>
        tpu.wait_dma2 semaphore(%run_scoped3A : memref<!tpu.dma_semaphore, #tpu.memory_space<semaphore_mem>>) src(%arg8 : memref<8x32xf32, #tpu.memory_space<vmem>>) dst(%dma_wait3A_3711 : memref<8x32xf32, #tpu.memory_space<hbm>>)
        tpu.yield
      }) : () -> ()
      %mul3A_2942 = arith.constant 4 : i32
      %mul3A_2943 = arith.muli %scan3A_162, %mul3A_2942 : i32
      %add3A_2944 = arith.constant 3 : i32
      %add3A_2945 = arith.addi %mul3A_2943, %add3A_2944 : i32
      %mul3A_2946 = arith.constant 16 : i32
      %mul3A_2947 = arith.muli %add3A_2945, %mul3A_2946 : i32
      %get3A_2948 = arith.index_cast %mul3A_2947 : i32 to index
      %get3A_2949 = tpu.vector_load %arg5[%get3A_2948] {strides = array<i32>} : memref<512xi32, #tpu.memory_space<vmem>>, vector<16xi32>,
      %slice3A_2950 = vector.extract_strided_slice %get3A_2949 {offsets = [8], sizes = [1], strides = [1]} : vector<16xi32> to vector<1xi32>
      %squeeze3A_2951 = vector.extract %slice3A_2950[0] : i32 from vector<1xi32>
      %shift_right_arithmetic3A_2952 = arith.constant 7 : i32
      %shift_right_arithmetic3A_2953 = arith.shrsi %squeeze3A_2951, %shift_right_arithmetic3A_2952 : i32
      %shift_left3A_2954 = arith.constant 7 : i32
      %shift_left3A_2955 = arith.shli %shift_right_arithmetic3A_2953, %shift_left3A_2954 : i32
      %multiple_of3A_2956 = tpu.assume_multiple %shift_left3A_2955, 128 : i32
      %dma_start3A_2957 = arith.constant 0 : i32
      %dma_start3A_2958 = arith.constant 0 : i32
      %dma_start3A_2959 = arith.constant 0 : i32
      %dma_start3A_2960 = tpu.memref_slice %arg7[%dma_start3A_2957, %dma_start3A_2958, %dma_start3A_2959] : memref<8x32x128xf32, #tpu.memory_space<vmem>> -> memref<1x32x128xf32, #tpu.memory_space<vmem>>
      %dma_start3A_2961 = tpu.memref_squeeze %dma_start3A_2960 : memref<1x32x128xf32, #tpu.memory_space<vmem>> -> memref<32x128xf32, #tpu.memory_space<vmem>>
      %dma_start3A_2962 = arith.constant 0 : i32
      %dma_start3A_2963 = tpu.memref_slice %arg3[%dma_start3A_2962, %multiple_of3A_2956] : memref<32x1000000xf32, #tpu.memory_space<hbm>> -> memref<32x128xf32, #tpu.memory_space<hbm>>
      %dma_start3A_2964 = arith.constant 0 : i32
      %dma_start3A_2965 = arith.constant 0 : i32
      %dma_start3A_2966 = tpu.memref_slice %arg7[%dma_start3A_2957, %dma_start3A_2964, %dma_start3A_2965] : memref<8x32x128xf32, #tpu.memory_space<vmem>> -> memref<1x32x128xf32, #tpu.memory_space<vmem>>
      %dma_start3A_2967 = tpu.memref_squeeze %dma_start3A_2966 : memref<1x32x128xf32, #tpu.memory_space<vmem>> -> memref<32x128xf32, #tpu.memory_space<vmem>>
      %dma_start3A_2968 = arith.constant 0 : i32
      %dma_start3A_2969 = tpu.memref_slice %arg3[%dma_start3A_2968, %multiple_of3A_2956] : memref<32x1000000xf32, #tpu.memory_space<hbm>> -> memref<32x128xf32, #tpu.memory_space<hbm>>
      tpu.enqueue_dma source(%dma_start3A_2969 : memref<32x128xf32, #tpu.memory_space<hbm>>) target(%dma_start3A_2967 : memref<32x128xf32, #tpu.memory_space<vmem>>) target_semaphore(%arg9 : memref<!tpu.dma_semaphore, #tpu.memory_space<semaphore_mem>>)
      %slice3A_2970 = vector.extract_strided_slice %get3A_2949 {offsets = [9], sizes = [1], strides = [1]} : vector<16xi32> to vector<1xi32>
      %squeeze3A_2971 = vector.extract %slice3A_2970[0] : i32 from vector<1xi32>
      %shift_right_arithmetic3A_2972 = arith.constant 7 : i32
      %shift_right_arithmetic3A_2973 = arith.shrsi %squeeze3A_2971, %shift_right_arithmetic3A_2972 : i32
      %shift_left3A_2974 = arith.constant 7 : i32
      %shift_left3A_2975 = arith.shli %shift_right_arithmetic3A_2973, %shift_left3A_2974 : i32
      %multiple_of3A_2976 = tpu.assume_multiple %shift_left3A_2975, 128 : i32
      %dma_start3A_2977 = arith.constant 1 : i32
      %dma_start3A_2978 = arith.constant 0 : i32
      %dma_start3A_2979 = arith.constant 0 : i32
      %dma_start3A_2980 = tpu.memref_slice %arg7[%dma_start3A_2977, %dma_start3A_2978, %dma_start3A_2979] : memref<8x32x128xf32, #tpu.memory_space<vmem>> -> memref<1x32x128xf32, #tpu.memory_space<vmem>>
      %dma_start3A_2981 = tpu.memref_squeeze %dma_start3A_2980 : memref<1x32x128xf32, #tpu.memory_space<vmem>> -> memref<32x128xf32, #tpu.memory_space<vmem>>
      %dma_start3A_2982 = arith.constant 0 : i32
      %dma_start3A_2983 = tpu.memref_slice %arg3[%dma_start3A_2982, %multiple_of3A_2976] : memref<32x1000000xf32, #tpu.memory_space<hbm>> -> memref<32x128xf32, #tpu.memory_space<hbm>>
      %dma_start3A_2984 = arith.constant 0 : i32
      %dma_start3A_2985 = arith.constant 0 : i32
      %dma_start3A_2986 = tpu.memref_slice %arg7[%dma_start3A_2977, %dma_start3A_2984, %dma_start3A_2985] : memref<8x32x128xf32, #tpu.memory_space<vmem>> -> memref<1x32x128xf32, #tpu.memory_space<vmem>>
      %dma_start3A_2987 = tpu.memref_squeeze %dma_start3A_2986 : memref<1x32x128xf32, #tpu.memory_space<vmem>> -> memref<32x128xf32, #tpu.memory_space<vmem>>
      %dma_start3A_2988 = arith.constant 0 : i32
      %dma_start3A_2989 = tpu.memref_slice %arg3[%dma_start3A_2988, %multiple_of3A_2976] : memref<32x1000000xf32, #tpu.memory_space<hbm>> -> memref<32x128xf32, #tpu.memory_space<hbm>>
      tpu.enqueue_dma source(%dma_start3A_2989 : memref<32x128xf32, #tpu.memory_space<hbm>>) target(%dma_start3A_2987 : memref<32x128xf32, #tpu.memory_space<vmem>>) target_semaphore(%arg9 : memref<!tpu.dma_semaphore, #tpu.memory_space<semaphore_mem>>)
      %slice3A_2990 = vector.extract_strided_slice %get3A_2949 {offsets = [10], sizes = [1], strides = [1]} : vector<16xi32> to vector<1xi32>
      %squeeze3A_2991 = vector.extract %slice3A_2990[0] : i32 from vector<1xi32>
      %shift_right_arithmetic3A_2992 = arith.constant 7 : i32
      %shift_right_arithmetic3A_2993 = arith.shrsi %squeeze3A_2991, %shift_right_arithmetic3A_2992 : i32
      %shift_left3A_2994 = arith.constant 7 : i32
      %shift_left3A_2995 = arith.shli %shift_right_arithmetic3A_2993, %shift_left3A_2994 : i32
      %multiple_of3A_2996 = tpu.assume_multiple %shift_left3A_2995, 128 : i32
      %dma_start3A_2997 = arith.constant 2 : i32
      %dma_start3A_2998 = arith.constant 0 : i32
      %dma_start3A_2999 = arith.constant 0 : i32
      %dma_start3A_3000 = tpu.memref_slice %arg7[%dma_start3A_2997, %dma_start3A_2998, %dma_start3A_2999] : memref<8x32x128xf32, #tpu.memory_space<vmem>> -> memref<1x32x128xf32, #tpu.memory_space<vmem>>
      %dma_start3A_3001 = tpu.memref_squeeze %dma_start3A_3000 : memref<1x32x128xf32, #tpu.memory_space<vmem>> -> memref<32x128xf32, #tpu.memory_space<vmem>>
      %dma_start3A_3002 = arith.constant 0 : i32
      %dma_start3A_3003 = tpu.memref_slice %arg3[%dma_start3A_3002, %multiple_of3A_2996] : memref<32x1000000xf32, #tpu.memory_space<hbm>> -> memref<32x128xf32, #tpu.memory_space<hbm>>
      %dma_start3A_3004 = arith.constant 0 : i32
      %dma_start3A_3005 = arith.constant 0 : i32
      %dma_start3A_3006 = tpu.memref_slice %arg7[%dma_start3A_2997, %dma_start3A_3004, %dma_start3A_3005] : memref<8x32x128xf32, #tpu.memory_space<vmem>> -> memref<1x32x128xf32, #tpu.memory_space<vmem>>
      %dma_start3A_3007 = tpu.memref_squeeze %dma_start3A_3006 : memref<1x32x128xf32, #tpu.memory_space<vmem>> -> memref<32x128xf32, #tpu.memory_space<vmem>>
      %dma_start3A_3008 = arith.constant 0 : i32
      %dma_start3A_3009 = tpu.memref_slice %arg3[%dma_start3A_3008, %multiple_of3A_2996] : memref<32x1000000xf32, #tpu.memory_space<hbm>> -> memref<32x128xf32, #tpu.memory_space<hbm>>
      tpu.enqueue_dma source(%dma_start3A_3009 : memref<32x128xf32, #tpu.memory_space<hbm>>) target(%dma_start3A_3007 : memref<32x128xf32, #tpu.memory_space<vmem>>) target_semaphore(%arg9 : memref<!tpu.dma_semaphore, #tpu.memory_space<semaphore_mem>>)
      %slice3A_3010 = vector.extract_strided_slice %get3A_2949 {offsets = [11], sizes = [1], strides = [1]} : vector<16xi32> to vector<1xi32>
      %squeeze3A_3011 = vector.extract %slice3A_3010[0] : i32 from vector<1xi32>
      %shift_right_arithmetic3A_3012 = arith.constant 7 : i32
      %shift_right_arithmetic3A_3013 = arith.shrsi %squeeze3A_3011, %shift_right_arithmetic3A_3012 : i32
      %shift_left3A_3014 = arith.constant 7 : i32
      %shift_left3A_3015 = arith.shli %shift_right_arithmetic3A_3013, %shift_left3A_3014 : i32
      %multiple_of3A_3016 = tpu.assume_multiple %shift_left3A_3015, 128 : i32
      %dma_start3A_3017 = arith.constant 3 : i32
      %dma_start3A_3018 = arith.constant 0 : i32
      %dma_start3A_3019 = arith.constant 0 : i32
      %dma_start3A_3020 = tpu.memref_slice %arg7[%dma_start3A_3017, %dma_start3A_3018, %dma_start3A_3019] : memref<8x32x128xf32, #tpu.memory_space<vmem>> -> memref<1x32x128xf32, #tpu.memory_space<vmem>>
      %dma_start3A_3021 = tpu.memref_squeeze %dma_start3A_3020 : memref<1x32x128xf32, #tpu.memory_space<vmem>> -> memref<32x128xf32, #tpu.memory_space<vmem>>
      %dma_start3A_3022 = arith.constant 0 : i32
      %dma_start3A_3023 = tpu.memref_slice %arg3[%dma_start3A_3022, %multiple_of3A_3016] : memref<32x1000000xf32, #tpu.memory_space<hbm>> -> memref<32x128xf32, #tpu.memory_space<hbm>>
      %dma_start3A_3024 = arith.constant 0 : i32
      %dma_start3A_3025 = arith.constant 0 : i32
      %dma_start3A_3026 = tpu.memref_slice %arg7[%dma_start3A_3017, %dma_start3A_3024, %dma_start3A_3025] : memref<8x32x128xf32, #tpu.memory_space<vmem>> -> memref<1x32x128xf32, #tpu.memory_space<vmem>>
      %dma_start3A_3027 = tpu.memref_squeeze %dma_start3A_3026 : memref<1x32x128xf32, #tpu.memory_space<vmem>> -> memref<32x128xf32, #tpu.memory_space<vmem>>
      %dma_start3A_3028 = arith.constant 0 : i32
      %dma_start3A_3029 = tpu.memref_slice %arg3[%dma_start3A_3028, %multiple_of3A_3016] : memref<32x1000000xf32, #tpu.memory_space<hbm>> -> memref<32x128xf32, #tpu.memory_space<hbm>>
      tpu.enqueue_dma source(%dma_start3A_3029 : memref<32x128xf32, #tpu.memory_space<hbm>>) target(%dma_start3A_3027 : memref<32x128xf32, #tpu.memory_space<vmem>>) target_semaphore(%arg9 : memref<!tpu.dma_semaphore, #tpu.memory_space<semaphore_mem>>)
      %slice3A_3030 = vector.extract_strided_slice %get3A_2949 {offsets = [12], sizes = [1], strides = [1]} : vector<16xi32> to vector<1xi32>
      %squeeze3A_3031 = vector.extract %slice3A_3030[0] : i32 from vector<1xi32>
      %shift_right_arithmetic3A_3032 = arith.constant 7 : i32
      %shift_right_arithmetic3A_3033 = arith.shrsi %squeeze3A_3031, %shift_right_arithmetic3A_3032 : i32
      %shift_left3A_3034 = arith.constant 7 : i32
      %shift_left3A_3035 = arith.shli %shift_right_arithmetic3A_3033, %shift_left3A_3034 : i32
      %multiple_of3A_3036 = tpu.assume_multiple %shift_left3A_3035, 128 : i32
      %dma_start3A_3037 = arith.constant 4 : i32
      %dma_start3A_3038 = arith.constant 0 : i32
      %dma_start3A_3039 = arith.constant 0 : i32
      %dma_start3A_3040 = tpu.memref_slice %arg7[%dma_start3A_3037, %dma_start3A_3038, %dma_start3A_3039] : memref<8x32x128xf32, #tpu.memory_space<vmem>> -> memref<1x32x128xf32, #tpu.memory_space<vmem>>
      %dma_start3A_3041 = tpu.memref_squeeze %dma_start3A_3040 : memref<1x32x128xf32, #tpu.memory_space<vmem>> -> memref<32x128xf32, #tpu.memory_space<vmem>>
      %dma_start3A_3042 = arith.constant 0 : i32
      %dma_start3A_3043 = tpu.memref_slice %arg3[%dma_start3A_3042, %multiple_of3A_3036] : memref<32x1000000xf32, #tpu.memory_space<hbm>> -> memref<32x128xf32, #tpu.memory_space<hbm>>
      %dma_start3A_3044 = arith.constant 0 : i32
      %dma_start3A_3045 = arith.constant 0 : i32
      %dma_start3A_3046 = tpu.memref_slice %arg7[%dma_start3A_3037, %dma_start3A_3044, %dma_start3A_3045] : memref<8x32x128xf32, #tpu.memory_space<vmem>> -> memref<1x32x128xf32, #tpu.memory_space<vmem>>
      %dma_start3A_3047 = tpu.memref_squeeze %dma_start3A_3046 : memref<1x32x128xf32, #tpu.memory_space<vmem>> -> memref<32x128xf32, #tpu.memory_space<vmem>>
      %dma_start3A_3048 = arith.constant 0 : i32
      %dma_start3A_3049 = tpu.memref_slice %arg3[%dma_start3A_3048, %multiple_of3A_3036] : memref<32x1000000xf32, #tpu.memory_space<hbm>> -> memref<32x128xf32, #tpu.memory_space<hbm>>
      tpu.enqueue_dma source(%dma_start3A_3049 : memref<32x128xf32, #tpu.memory_space<hbm>>) target(%dma_start3A_3047 : memref<32x128xf32, #tpu.memory_space<vmem>>) target_semaphore(%arg9 : memref<!tpu.dma_semaphore, #tpu.memory_space<semaphore_mem>>)
      %slice3A_3050 = vector.extract_strided_slice %get3A_2949 {offsets = [13], sizes = [1], strides = [1]} : vector<16xi32> to vector<1xi32>
      %squeeze3A_3051 = vector.extract %slice3A_3050[0] : i32 from vector<1xi32>
      %shift_right_arithmetic3A_3052 = arith.constant 7 : i32
      %shift_right_arithmetic3A_3053 = arith.shrsi %squeeze3A_3051, %shift_right_arithmetic3A_3052 : i32
      %shift_left3A_3054 = arith.constant 7 : i32
      %shift_left3A_3055 = arith.shli %shift_right_arithmetic3A_3053, %shift_left3A_3054 : i32
      %multiple_of3A_3056 = tpu.assume_multiple %shift_left3A_3055, 128 : i32
      %dma_start3A_3057 = arith.constant 5 : i32
      %dma_start3A_3058 = arith.constant 0 : i32
      %dma_start3A_3059 = arith.constant 0 : i32
      %dma_start3A_3060 = tpu.memref_slice %arg7[%dma_start3A_3057, %dma_start3A_3058, %dma_start3A_3059] : memref<8x32x128xf32, #tpu.memory_space<vmem>> -> memref<1x32x128xf32, #tpu.memory_space<vmem>>
      %dma_start3A_3061 = tpu.memref_squeeze %dma_start3A_3060 : memref<1x32x128xf32, #tpu.memory_space<vmem>> -> memref<32x128xf32, #tpu.memory_space<vmem>>
      %dma_start3A_3062 = arith.constant 0 : i32
      %dma_start3A_3063 = tpu.memref_slice %arg3[%dma_start3A_3062, %multiple_of3A_3056] : memref<32x1000000xf32, #tpu.memory_space<hbm>> -> memref<32x128xf32, #tpu.memory_space<hbm>>
      %dma_start3A_3064 = arith.constant 0 : i32
      %dma_start3A_3065 = arith.constant 0 : i32
      %dma_start3A_3066 = tpu.memref_slice %arg7[%dma_start3A_3057, %dma_start3A_3064, %dma_start3A_3065] : memref<8x32x128xf32, #tpu.memory_space<vmem>> -> memref<1x32x128xf32, #tpu.memory_space<vmem>>
      %dma_start3A_3067 = tpu.memref_squeeze %dma_start3A_3066 : memref<1x32x128xf32, #tpu.memory_space<vmem>> -> memref<32x128xf32, #tpu.memory_space<vmem>>
      %dma_start3A_3068 = arith.constant 0 : i32
      %dma_start3A_3069 = tpu.memref_slice %arg3[%dma_start3A_3068, %multiple_of3A_3056] : memref<32x1000000xf32, #tpu.memory_space<hbm>> -> memref<32x128xf32, #tpu.memory_space<hbm>>
      tpu.enqueue_dma source(%dma_start3A_3069 : memref<32x128xf32, #tpu.memory_space<hbm>>) target(%dma_start3A_3067 : memref<32x128xf32, #tpu.memory_space<vmem>>) target_semaphore(%arg9 : memref<!tpu.dma_semaphore, #tpu.memory_space<semaphore_mem>>)
      %slice3A_3070 = vector.extract_strided_slice %get3A_2949 {offsets = [14], sizes = [1], strides = [1]} : vector<16xi32> to vector<1xi32>
      %squeeze3A_3071 = vector.extract %slice3A_3070[0] : i32 from vector<1xi32>
      %shift_right_arithmetic3A_3072 = arith.constant 7 : i32
      %shift_right_arithmetic3A_3073 = arith.shrsi %squeeze3A_3071, %shift_right_arithmetic3A_3072 : i32
      %shift_left3A_3074 = arith.constant 7 : i32
      %shift_left3A_3075 = arith.shli %shift_right_arithmetic3A_3073, %shift_left3A_3074 : i32
      %multiple_of3A_3076 = tpu.assume_multiple %shift_left3A_3075, 128 : i32
      %dma_start3A_3077 = arith.constant 6 : i32
      %dma_start3A_3078 = arith.constant 0 : i32
      %dma_start3A_3079 = arith.constant 0 : i32
      %dma_start3A_3080 = tpu.memref_slice %arg7[%dma_start3A_3077, %dma_start3A_3078, %dma_start3A_3079] : memref<8x32x128xf32, #tpu.memory_space<vmem>> -> memref<1x32x128xf32, #tpu.memory_space<vmem>>
      %dma_start3A_3081 = tpu.memref_squeeze %dma_start3A_3080 : memref<1x32x128xf32, #tpu.memory_space<vmem>> -> memref<32x128xf32, #tpu.memory_space<vmem>>
      %dma_start3A_3082 = arith.constant 0 : i32
      %dma_start3A_3083 = tpu.memref_slice %arg3[%dma_start3A_3082, %multiple_of3A_3076] : memref<32x1000000xf32, #tpu.memory_space<hbm>> -> memref<32x128xf32, #tpu.memory_space<hbm>>
      %dma_start3A_3084 = arith.constant 0 : i32
      %dma_start3A_3085 = arith.constant 0 : i32
      %dma_start3A_3086 = tpu.memref_slice %arg7[%dma_start3A_3077, %dma_start3A_3084, %dma_start3A_3085] : memref<8x32x128xf32, #tpu.memory_space<vmem>> -> memref<1x32x128xf32, #tpu.memory_space<vmem>>
      %dma_start3A_3087 = tpu.memref_squeeze %dma_start3A_3086 : memref<1x32x128xf32, #tpu.memory_space<vmem>> -> memref<32x128xf32, #tpu.memory_space<vmem>>
      %dma_start3A_3088 = arith.constant 0 : i32
      %dma_start3A_3089 = tpu.memref_slice %arg3[%dma_start3A_3088, %multiple_of3A_3076] : memref<32x1000000xf32, #tpu.memory_space<hbm>> -> memref<32x128xf32, #tpu.memory_space<hbm>>
      tpu.enqueue_dma source(%dma_start3A_3089 : memref<32x128xf32, #tpu.memory_space<hbm>>) target(%dma_start3A_3087 : memref<32x128xf32, #tpu.memory_space<vmem>>) target_semaphore(%arg9 : memref<!tpu.dma_semaphore, #tpu.memory_space<semaphore_mem>>)
      %slice3A_3090 = vector.extract_strided_slice %get3A_2949 {offsets = [15], sizes = [1], strides = [1]} : vector<16xi32> to vector<1xi32>
      %squeeze3A_3091 = vector.extract %slice3A_3090[0] : i32 from vector<1xi32>
      %shift_right_arithmetic3A_3092 = arith.constant 7 : i32
      %shift_right_arithmetic3A_3093 = arith.shrsi %squeeze3A_3091, %shift_right_arithmetic3A_3092 : i32
      %shift_left3A_3094 = arith.constant 7 : i32
      %shift_left3A_3095 = arith.shli %shift_right_arithmetic3A_3093, %shift_left3A_3094 : i32
      %multiple_of3A_3096 = tpu.assume_multiple %shift_left3A_3095, 128 : i32
      %dma_start3A_3097 = arith.constant 7 : i32
      %dma_start3A_3098 = arith.constant 0 : i32
      %dma_start3A_3099 = arith.constant 0 : i32
      %dma_start3A_3100 = tpu.memref_slice %arg7[%dma_start3A_3097, %dma_start3A_3098, %dma_start3A_3099] : memref<8x32x128xf32, #tpu.memory_space<vmem>> -> memref<1x32x128xf32, #tpu.memory_space<vmem>>
      %dma_start3A_3101 = tpu.memref_squeeze %dma_start3A_3100 : memref<1x32x128xf32, #tpu.memory_space<vmem>> -> memref<32x128xf32, #tpu.memory_space<vmem>>
      %dma_start3A_3102 = arith.constant 0 : i32
      %dma_start3A_3103 = tpu.memref_slice %arg3[%dma_start3A_3102, %multiple_of3A_3096] : memref<32x1000000xf32, #tpu.memory_space<hbm>> -> memref<32x128xf32, #tpu.memory_space<hbm>>
      %dma_start3A_3104 = arith.constant 0 : i32
      %dma_start3A_3105 = arith.constant 0 : i32
      %dma_start3A_3106 = tpu.memref_slice %arg7[%dma_start3A_3097, %dma_start3A_3104, %dma_start3A_3105] : memref<8x32x128xf32, #tpu.memory_space<vmem>> -> memref<1x32x128xf32, #tpu.memory_space<vmem>>
      %dma_start3A_3107 = tpu.memref_squeeze %dma_start3A_3106 : memref<1x32x128xf32, #tpu.memory_space<vmem>> -> memref<32x128xf32, #tpu.memory_space<vmem>>
      %dma_start3A_3108 = arith.constant 0 : i32
      %dma_start3A_3109 = tpu.memref_slice %arg3[%dma_start3A_3108, %multiple_of3A_3096] : memref<32x1000000xf32, #tpu.memory_space<hbm>> -> memref<32x128xf32, #tpu.memory_space<hbm>>
      tpu.enqueue_dma source(%dma_start3A_3109 : memref<32x128xf32, #tpu.memory_space<hbm>>) target(%dma_start3A_3107 : memref<32x128xf32, #tpu.memory_space<vmem>>) target_semaphore(%arg9 : memref<!tpu.dma_semaphore, #tpu.memory_space<semaphore_mem>>)
      %dma_wait3A_3110 = arith.constant 0 : i32
      %dma_wait3A_3111 = arith.constant 0 : i32
      %dma_wait3A_3112 = arith.constant 0 : i32
      %dma_wait3A_3113 = tpu.memref_slice %arg6[%dma_wait3A_3110, %dma_wait3A_3111, %dma_wait3A_3112] : memref<8x32x128xf32, #tpu.memory_space<vmem>> -> memref<1x32x128xf32, #tpu.memory_space<vmem>>
      %dma_wait3A_3114 = tpu.memref_squeeze %dma_wait3A_3113 : memref<1x32x128xf32, #tpu.memory_space<vmem>> -> memref<32x128xf32, #tpu.memory_space<vmem>>
      %dma_wait3A_3115 = arith.constant 0 : i32
      %dma_wait3A_3116 = arith.constant 0 : i32
      %dma_wait3A_3117 = tpu.memref_slice %arg3[%dma_wait3A_3115, %dma_wait3A_3116] : memref<32x1000000xf32, #tpu.memory_space<hbm>> -> memref<32x128xf32, #tpu.memory_space<hbm>>
      %dma_wait3A_3118 = arith.constant 0 : i32
      %dma_wait3A_3119 = arith.constant 0 : i32
      %dma_wait3A_3120 = tpu.memref_slice %arg6[%dma_wait3A_3110, %dma_wait3A_3118, %dma_wait3A_3119] : memref<8x32x128xf32, #tpu.memory_space<vmem>> -> memref<1x32x128xf32, #tpu.memory_space<vmem>>
      %dma_wait3A_3121 = tpu.memref_squeeze %dma_wait3A_3120 : memref<1x32x128xf32, #tpu.memory_space<vmem>> -> memref<32x128xf32, #tpu.memory_space<vmem>>
      %dma_wait3A_3122 = arith.constant 0 : i32
      %dma_wait3A_3123 = arith.constant 0 : i32
      %dma_wait3A_3124 = tpu.memref_slice %arg3[%dma_wait3A_3122, %dma_wait3A_3123] : memref<32x1000000xf32, #tpu.memory_space<hbm>> -> memref<32x128xf32, #tpu.memory_space<hbm>>
      tpu.wait_dma2 semaphore(%arg9 : memref<!tpu.dma_semaphore, #tpu.memory_space<semaphore_mem>>) src(%dma_wait3A_3124 : memref<32x128xf32, #tpu.memory_space<hbm>>) dst(%dma_wait3A_3121 : memref<32x128xf32, #tpu.memory_space<vmem>>)
      %dma_wait3A_3125 = arith.constant 1 : i32
      %dma_wait3A_3126 = arith.constant 0 : i32
      %dma_wait3A_3127 = arith.constant 0 : i32
      %dma_wait3A_3128 = tpu.memref_slice %arg6[%dma_wait3A_3125, %dma_wait3A_3126, %dma_wait3A_3127] : memref<8x32x128xf32, #tpu.memory_space<vmem>> -> memref<1x32x128xf32, #tpu.memory_space<vmem>>
      %dma_wait3A_3129 = tpu.memref_squeeze %dma_wait3A_3128 : memref<1x32x128xf32, #tpu.memory_space<vmem>> -> memref<32x128xf32, #tpu.memory_space<vmem>>
      %dma_wait3A_3130 = arith.constant 0 : i32
      %dma_wait3A_3131 = arith.constant 0 : i32
      %dma_wait3A_3132 = tpu.memref_slice %arg3[%dma_wait3A_3130, %dma_wait3A_3131] : memref<32x1000000xf32, #tpu.memory_space<hbm>> -> memref<32x128xf32, #tpu.memory_space<hbm>>
      %dma_wait3A_3133 = arith.constant 0 : i32
      %dma_wait3A_3134 = arith.constant 0 : i32
      %dma_wait3A_3135 = tpu.memref_slice %arg6[%dma_wait3A_3125, %dma_wait3A_3133, %dma_wait3A_3134] : memref<8x32x128xf32, #tpu.memory_space<vmem>> -> memref<1x32x128xf32, #tpu.memory_space<vmem>>
      %dma_wait3A_3136 = tpu.memref_squeeze %dma_wait3A_3135 : memref<1x32x128xf32, #tpu.memory_space<vmem>> -> memref<32x128xf32, #tpu.memory_space<vmem>>
      %dma_wait3A_3137 = arith.constant 0 : i32
      %dma_wait3A_3138 = arith.constant 0 : i32
      %dma_wait3A_3139 = tpu.memref_slice %arg3[%dma_wait3A_3137, %dma_wait3A_3138] : memref<32x1000000xf32, #tpu.memory_space<hbm>> -> memref<32x128xf32, #tpu.memory_space<hbm>>
      tpu.wait_dma2 semaphore(%arg9 : memref<!tpu.dma_semaphore, #tpu.memory_space<semaphore_mem>>) src(%dma_wait3A_3139 : memref<32x128xf32, #tpu.memory_space<hbm>>) dst(%dma_wait3A_3136 : memref<32x128xf32, #tpu.memory_space<vmem>>)
      %dma_wait3A_3140 = arith.constant 2 : i32
      %dma_wait3A_3141 = arith.constant 0 : i32
      %dma_wait3A_3142 = arith.constant 0 : i32
      %dma_wait3A_3143 = tpu.memref_slice %arg6[%dma_wait3A_3140, %dma_wait3A_3141, %dma_wait3A_3142] : memref<8x32x128xf32, #tpu.memory_space<vmem>> -> memref<1x32x128xf32, #tpu.memory_space<vmem>>
      %dma_wait3A_3144 = tpu.memref_squeeze %dma_wait3A_3143 : memref<1x32x128xf32, #tpu.memory_space<vmem>> -> memref<32x128xf32, #tpu.memory_space<vmem>>
      %dma_wait3A_3145 = arith.constant 0 : i32
      %dma_wait3A_3146 = arith.constant 0 : i32
      %dma_wait3A_3147 = tpu.memref_slice %arg3[%dma_wait3A_3145, %dma_wait3A_3146] : memref<32x1000000xf32, #tpu.memory_space<hbm>> -> memref<32x128xf32, #tpu.memory_space<hbm>>
      %dma_wait3A_3148 = arith.constant 0 : i32
      %dma_wait3A_3149 = arith.constant 0 : i32
      %dma_wait3A_3150 = tpu.memref_slice %arg6[%dma_wait3A_3140, %dma_wait3A_3148, %dma_wait3A_3149] : memref<8x32x128xf32, #tpu.memory_space<vmem>> -> memref<1x32x128xf32, #tpu.memory_space<vmem>>
      %dma_wait3A_3151 = tpu.memref_squeeze %dma_wait3A_3150 : memref<1x32x128xf32, #tpu.memory_space<vmem>> -> memref<32x128xf32, #tpu.memory_space<vmem>>
      %dma_wait3A_3152 = arith.constant 0 : i32
      %dma_wait3A_3153 = arith.constant 0 : i32
      %dma_wait3A_3154 = tpu.memref_slice %arg3[%dma_wait3A_3152, %dma_wait3A_3153] : memref<32x1000000xf32, #tpu.memory_space<hbm>> -> memref<32x128xf32, #tpu.memory_space<hbm>>
      tpu.wait_dma2 semaphore(%arg9 : memref<!tpu.dma_semaphore, #tpu.memory_space<semaphore_mem>>) src(%dma_wait3A_3154 : memref<32x128xf32, #tpu.memory_space<hbm>>) dst(%dma_wait3A_3151 : memref<32x128xf32, #tpu.memory_space<vmem>>)
      %dma_wait3A_3155 = arith.constant 3 : i32
      %dma_wait3A_3156 = arith.constant 0 : i32
      %dma_wait3A_3157 = arith.constant 0 : i32
      %dma_wait3A_3158 = tpu.memref_slice %arg6[%dma_wait3A_3155, %dma_wait3A_3156, %dma_wait3A_3157] : memref<8x32x128xf32, #tpu.memory_space<vmem>> -> memref<1x32x128xf32, #tpu.memory_space<vmem>>
      %dma_wait3A_3159 = tpu.memref_squeeze %dma_wait3A_3158 : memref<1x32x128xf32, #tpu.memory_space<vmem>> -> memref<32x128xf32, #tpu.memory_space<vmem>>
      %dma_wait3A_3160 = arith.constant 0 : i32
      %dma_wait3A_3161 = arith.constant 0 : i32
      %dma_wait3A_3162 = tpu.memref_slice %arg3[%dma_wait3A_3160, %dma_wait3A_3161] : memref<32x1000000xf32, #tpu.memory_space<hbm>> -> memref<32x128xf32, #tpu.memory_space<hbm>>
      %dma_wait3A_3163 = arith.constant 0 : i32
      %dma_wait3A_3164 = arith.constant 0 : i32
      %dma_wait3A_3165 = tpu.memref_slice %arg6[%dma_wait3A_3155, %dma_wait3A_3163, %dma_wait3A_3164] : memref<8x32x128xf32, #tpu.memory_space<vmem>> -> memref<1x32x128xf32, #tpu.memory_space<vmem>>
      %dma_wait3A_3166 = tpu.memref_squeeze %dma_wait3A_3165 : memref<1x32x128xf32, #tpu.memory_space<vmem>> -> memref<32x128xf32, #tpu.memory_space<vmem>>
      %dma_wait3A_3167 = arith.constant 0 : i32
      %dma_wait3A_3168 = arith.constant 0 : i32
      %dma_wait3A_3169 = tpu.memref_slice %arg3[%dma_wait3A_3167, %dma_wait3A_3168] : memref<32x1000000xf32, #tpu.memory_space<hbm>> -> memref<32x128xf32, #tpu.memory_space<hbm>>
      tpu.wait_dma2 semaphore(%arg9 : memref<!tpu.dma_semaphore, #tpu.memory_space<semaphore_mem>>) src(%dma_wait3A_3169 : memref<32x128xf32, #tpu.memory_space<hbm>>) dst(%dma_wait3A_3166 : memref<32x128xf32, #tpu.memory_space<vmem>>)
      %dma_wait3A_3170 = arith.constant 4 : i32
      %dma_wait3A_3171 = arith.constant 0 : i32
      %dma_wait3A_3172 = arith.constant 0 : i32
      %dma_wait3A_3173 = tpu.memref_slice %arg6[%dma_wait3A_3170, %dma_wait3A_3171, %dma_wait3A_3172] : memref<8x32x128xf32, #tpu.memory_space<vmem>> -> memref<1x32x128xf32, #tpu.memory_space<vmem>>
      %dma_wait3A_3174 = tpu.memref_squeeze %dma_wait3A_3173 : memref<1x32x128xf32, #tpu.memory_space<vmem>> -> memref<32x128xf32, #tpu.memory_space<vmem>>
      %dma_wait3A_3175 = arith.constant 0 : i32
      %dma_wait3A_3176 = arith.constant 0 : i32
      %dma_wait3A_3177 = tpu.memref_slice %arg3[%dma_wait3A_3175, %dma_wait3A_3176] : memref<32x1000000xf32, #tpu.memory_space<hbm>> -> memref<32x128xf32, #tpu.memory_space<hbm>>
      %dma_wait3A_3178 = arith.constant 0 : i32
      %dma_wait3A_3179 = arith.constant 0 : i32
      %dma_wait3A_3180 = tpu.memref_slice %arg6[%dma_wait3A_3170, %dma_wait3A_3178, %dma_wait3A_3179] : memref<8x32x128xf32, #tpu.memory_space<vmem>> -> memref<1x32x128xf32, #tpu.memory_space<vmem>>
      %dma_wait3A_3181 = tpu.memref_squeeze %dma_wait3A_3180 : memref<1x32x128xf32, #tpu.memory_space<vmem>> -> memref<32x128xf32, #tpu.memory_space<vmem>>
      %dma_wait3A_3182 = arith.constant 0 : i32
      %dma_wait3A_3183 = arith.constant 0 : i32
      %dma_wait3A_3184 = tpu.memref_slice %arg3[%dma_wait3A_3182, %dma_wait3A_3183] : memref<32x1000000xf32, #tpu.memory_space<hbm>> -> memref<32x128xf32, #tpu.memory_space<hbm>>
      tpu.wait_dma2 semaphore(%arg9 : memref<!tpu.dma_semaphore, #tpu.memory_space<semaphore_mem>>) src(%dma_wait3A_3184 : memref<32x128xf32, #tpu.memory_space<hbm>>) dst(%dma_wait3A_3181 : memref<32x128xf32, #tpu.memory_space<vmem>>)
      %dma_wait3A_3185 = arith.constant 5 : i32
      %dma_wait3A_3186 = arith.constant 0 : i32
      %dma_wait3A_3187 = arith.constant 0 : i32
      %dma_wait3A_3188 = tpu.memref_slice %arg6[%dma_wait3A_3185, %dma_wait3A_3186, %dma_wait3A_3187] : memref<8x32x128xf32, #tpu.memory_space<vmem>> -> memref<1x32x128xf32, #tpu.memory_space<vmem>>
      %dma_wait3A_3189 = tpu.memref_squeeze %dma_wait3A_3188 : memref<1x32x128xf32, #tpu.memory_space<vmem>> -> memref<32x128xf32, #tpu.memory_space<vmem>>
      %dma_wait3A_3190 = arith.constant 0 : i32
      %dma_wait3A_3191 = arith.constant 0 : i32
      %dma_wait3A_3192 = tpu.memref_slice %arg3[%dma_wait3A_3190, %dma_wait3A_3191] : memref<32x1000000xf32, #tpu.memory_space<hbm>> -> memref<32x128xf32, #tpu.memory_space<hbm>>
      %dma_wait3A_3193 = arith.constant 0 : i32
      %dma_wait3A_3194 = arith.constant 0 : i32
      %dma_wait3A_3195 = tpu.memref_slice %arg6[%dma_wait3A_3185, %dma_wait3A_3193, %dma_wait3A_3194] : memref<8x32x128xf32, #tpu.memory_space<vmem>> -> memref<1x32x128xf32, #tpu.memory_space<vmem>>
      %dma_wait3A_3196 = tpu.memref_squeeze %dma_wait3A_3195 : memref<1x32x128xf32, #tpu.memory_space<vmem>> -> memref<32x128xf32, #tpu.memory_space<vmem>>
      %dma_wait3A_3197 = arith.constant 0 : i32
      %dma_wait3A_3198 = arith.constant 0 : i32
      %dma_wait3A_3199 = tpu.memref_slice %arg3[%dma_wait3A_3197, %dma_wait3A_3198] : memref<32x1000000xf32, #tpu.memory_space<hbm>> -> memref<32x128xf32, #tpu.memory_space<hbm>>
      tpu.wait_dma2 semaphore(%arg9 : memref<!tpu.dma_semaphore, #tpu.memory_space<semaphore_mem>>) src(%dma_wait3A_3199 : memref<32x128xf32, #tpu.memory_space<hbm>>) dst(%dma_wait3A_3196 : memref<32x128xf32, #tpu.memory_space<vmem>>)
      %dma_wait3A_3200 = arith.constant 6 : i32
      %dma_wait3A_3201 = arith.constant 0 : i32
      %dma_wait3A_3202 = arith.constant 0 : i32
      %dma_wait3A_3203 = tpu.memref_slice %arg6[%dma_wait3A_3200, %dma_wait3A_3201, %dma_wait3A_3202] : memref<8x32x128xf32, #tpu.memory_space<vmem>> -> memref<1x32x128xf32, #tpu.memory_space<vmem>>
      %dma_wait3A_3204 = tpu.memref_squeeze %dma_wait3A_3203 : memref<1x32x128xf32, #tpu.memory_space<vmem>> -> memref<32x128xf32, #tpu.memory_space<vmem>>
      %dma_wait3A_3205 = arith.constant 0 : i32
      %dma_wait3A_3206 = arith.constant 0 : i32
      %dma_wait3A_3207 = tpu.memref_slice %arg3[%dma_wait3A_3205, %dma_wait3A_3206] : memref<32x1000000xf32, #tpu.memory_space<hbm>> -> memref<32x128xf32, #tpu.memory_space<hbm>>
      %dma_wait3A_3208 = arith.constant 0 : i32
      %dma_wait3A_3209 = arith.constant 0 : i32
      %dma_wait3A_3210 = tpu.memref_slice %arg6[%dma_wait3A_3200, %dma_wait3A_3208, %dma_wait3A_3209] : memref<8x32x128xf32, #tpu.memory_space<vmem>> -> memref<1x32x128xf32, #tpu.memory_space<vmem>>
      %dma_wait3A_3211 = tpu.memref_squeeze %dma_wait3A_3210 : memref<1x32x128xf32, #tpu.memory_space<vmem>> -> memref<32x128xf32, #tpu.memory_space<vmem>>
      %dma_wait3A_3212 = arith.constant 0 : i32
      %dma_wait3A_3213 = arith.constant 0 : i32
      %dma_wait3A_3214 = tpu.memref_slice %arg3[%dma_wait3A_3212, %dma_wait3A_3213] : memref<32x1000000xf32, #tpu.memory_space<hbm>> -> memref<32x128xf32, #tpu.memory_space<hbm>>
      tpu.wait_dma2 semaphore(%arg9 : memref<!tpu.dma_semaphore, #tpu.memory_space<semaphore_mem>>) src(%dma_wait3A_3214 : memref<32x128xf32, #tpu.memory_space<hbm>>) dst(%dma_wait3A_3211 : memref<32x128xf32, #tpu.memory_space<vmem>>)
      %dma_wait3A_3215 = arith.constant 7 : i32
      %dma_wait3A_3216 = arith.constant 0 : i32
      %dma_wait3A_3217 = arith.constant 0 : i32
      %dma_wait3A_3218 = tpu.memref_slice %arg6[%dma_wait3A_3215, %dma_wait3A_3216, %dma_wait3A_3217] : memref<8x32x128xf32, #tpu.memory_space<vmem>> -> memref<1x32x128xf32, #tpu.memory_space<vmem>>
      %dma_wait3A_3219 = tpu.memref_squeeze %dma_wait3A_3218 : memref<1x32x128xf32, #tpu.memory_space<vmem>> -> memref<32x128xf32, #tpu.memory_space<vmem>>
      %dma_wait3A_3220 = arith.constant 0 : i32
      %dma_wait3A_3221 = arith.constant 0 : i32
      %dma_wait3A_3222 = tpu.memref_slice %arg3[%dma_wait3A_3220, %dma_wait3A_3221] : memref<32x1000000xf32, #tpu.memory_space<hbm>> -> memref<32x128xf32, #tpu.memory_space<hbm>>
      %dma_wait3A_3223 = arith.constant 0 : i32
      %dma_wait3A_3224 = arith.constant 0 : i32
      %dma_wait3A_3225 = tpu.memref_slice %arg6[%dma_wait3A_3215, %dma_wait3A_3223, %dma_wait3A_3224] : memref<8x32x128xf32, #tpu.memory_space<vmem>> -> memref<1x32x128xf32, #tpu.memory_space<vmem>>
      %dma_wait3A_3226 = tpu.memref_squeeze %dma_wait3A_3225 : memref<1x32x128xf32, #tpu.memory_space<vmem>> -> memref<32x128xf32, #tpu.memory_space<vmem>>
      %dma_wait3A_3227 = arith.constant 0 : i32
      %dma_wait3A_3228 = arith.constant 0 : i32
      %dma_wait3A_3229 = tpu.memref_slice %arg3[%dma_wait3A_3227, %dma_wait3A_3228] : memref<32x1000000xf32, #tpu.memory_space<hbm>> -> memref<32x128xf32, #tpu.memory_space<hbm>>
      tpu.wait_dma2 semaphore(%arg9 : memref<!tpu.dma_semaphore, #tpu.memory_space<semaphore_mem>>) src(%dma_wait3A_3229 : memref<32x128xf32, #tpu.memory_space<hbm>>) dst(%dma_wait3A_3226 : memref<32x128xf32, #tpu.memory_space<vmem>>)
      %mul3A_3230 = arith.constant 4 : i32
      %mul3A_3231 = arith.muli %scan3A_162, %mul3A_3230 : i32
      %add3A_3232 = arith.constant 3 : i32
      %add3A_3233 = arith.addi %mul3A_3231, %add3A_3232 : i32
      %mul3A_3234 = arith.constant 16 : i32
      %mul3A_3235 = arith.muli %add3A_3233, %mul3A_3234 : i32
      %get3A_3236 = arith.index_cast %mul3A_3235 : i32 to index
      %get3A_3237 = tpu.vector_load %arg5[%get3A_3236] {strides = array<i32>} : memref<512xi32, #tpu.memory_space<vmem>>, vector<16xi32>,
      %slice3A_3238 = vector.extract_strided_slice %get3A_3237 {offsets = [0], sizes = [1], strides = [1]} : vector<16xi32> to vector<1xi32>
      %squeeze3A_3239 = vector.extract %slice3A_3238[0] : i32 from vector<1xi32>
      %and3A_3240 = arith.constant 127 : i32
      %and3A_3241 = arith.andi %squeeze3A_3239, %and3A_3240 : i32
      %broadcast_in_dim3A_3242 = vector.broadcast %and3A_3241 : i32 to vector<16xi32>
      %broadcast_in_dim3A_3243 = arith.constant 0 : i32
      %broadcast_in_dim3A_3244 = vector.broadcast %broadcast_in_dim3A_3243 : i32 to vector<16xi32>
      %gather3A_3245 = tpu.vector_load_idx %arg6[%broadcast_in_dim3A_3244, %iota3A, %broadcast_in_dim3A_3242] : memref<8x32x128xf32, #tpu.memory_space<vmem>>[vector<16xi32>, vector<16xi32>, vector<16xi32>], vector<16xf32>,
      %swap3A_3246 = arith.constant 0 : i32
      %swap3A_3247 = arith.index_cast %swap3A_3246 : i32 to index
      %swap3A_3248 = arith.constant 0 : index
      %swap3A_3249 = tpu.vector_load %arg8[%swap3A_3247, %swap3A_3248] {strides = array<i32>} : memref<8x32xf32, #tpu.memory_space<vmem>>, vector<16xf32>,
      tpu.vector_store %arg8[%swap3A_3247, %swap3A_3248], %gather3A_3245 {strides = array<i32>} : memref<8x32xf32, #tpu.memory_space<vmem>>, vector<16xf32>,
      %add3A_3250 = arith.constant 16 : i32
      %add3A_3251 = vector.broadcast %add3A_3250 : i32 to vector<16xi32>
      %add3A_3252 = arith.addi %iota3A, %add3A_3251 : vector<16xi32>
      %gather3A_3253 = tpu.vector_load_idx %arg6[%broadcast_in_dim3A_3244, %add3A_3252, %broadcast_in_dim3A_3242] : memref<8x32x128xf32, #tpu.memory_space<vmem>>[vector<16xi32>, vector<16xi32>, vector<16xi32>], vector<16xf32>,
      %swap3A_3254 = arith.constant 0 : i32
      %swap3A_3255 = arith.index_cast %swap3A_3254 : i32 to index
      %swap3A_3256 = arith.constant 16 : index
      %swap3A_3257 = tpu.vector_load %arg8[%swap3A_3255, %swap3A_3256] {strides = array<i32>} : memref<8x32xf32, #tpu.memory_space<vmem>>, vector<16xf32>,
      tpu.vector_store %arg8[%swap3A_3255, %swap3A_3256], %gather3A_3253 {strides = array<i32>} : memref<8x32xf32, #tpu.memory_space<vmem>>, vector<16xf32>,
      %slice3A_3258 = vector.extract_strided_slice %get3A_3237 {offsets = [1], sizes = [1], strides = [1]} : vector<16xi32> to vector<1xi32>
      %squeeze3A_3259 = vector.extract %slice3A_3258[0] : i32 from vector<1xi32>
      %and3A_3260 = arith.constant 127 : i32
      %and3A_3261 = arith.andi %squeeze3A_3259, %and3A_3260 : i32
      %broadcast_in_dim3A_3262 = vector.broadcast %and3A_3261 : i32 to vector<16xi32>
      %broadcast_in_dim3A_3263 = arith.constant 1 : i32
      %broadcast_in_dim3A_3264 = vector.broadcast %broadcast_in_dim3A_3263 : i32 to vector<16xi32>
      %gather3A_3265 = tpu.vector_load_idx %arg6[%broadcast_in_dim3A_3264, %iota3A, %broadcast_in_dim3A_3262] : memref<8x32x128xf32, #tpu.memory_space<vmem>>[vector<16xi32>, vector<16xi32>, vector<16xi32>], vector<16xf32>,
      %swap3A_3266 = arith.constant 1 : i32
      %swap3A_3267 = arith.index_cast %swap3A_3266 : i32 to index
      %swap3A_3268 = arith.constant 0 : index
      %swap3A_3269 = tpu.vector_load %arg8[%swap3A_3267, %swap3A_3268] {strides = array<i32>} : memref<8x32xf32, #tpu.memory_space<vmem>>, vector<16xf32>,
      tpu.vector_store %arg8[%swap3A_3267, %swap3A_3268], %gather3A_3265 {strides = array<i32>} : memref<8x32xf32, #tpu.memory_space<vmem>>, vector<16xf32>,
      %add3A_3270 = arith.constant 16 : i32
      %add3A_3271 = vector.broadcast %add3A_3270 : i32 to vector<16xi32>
      %add3A_3272 = arith.addi %iota3A, %add3A_3271 : vector<16xi32>
      %gather3A_3273 = tpu.vector_load_idx %arg6[%broadcast_in_dim3A_3264, %add3A_3272, %broadcast_in_dim3A_3262] : memref<8x32x128xf32, #tpu.memory_space<vmem>>[vector<16xi32>, vector<16xi32>, vector<16xi32>], vector<16xf32>,
      %swap3A_3274 = arith.constant 1 : i32
      %swap3A_3275 = arith.index_cast %swap3A_3274 : i32 to index
      %swap3A_3276 = arith.constant 16 : index
      %swap3A_3277 = tpu.vector_load %arg8[%swap3A_3275, %swap3A_3276] {strides = array<i32>} : memref<8x32xf32, #tpu.memory_space<vmem>>, vector<16xf32>,
      tpu.vector_store %arg8[%swap3A_3275, %swap3A_3276], %gather3A_3273 {strides = array<i32>} : memref<8x32xf32, #tpu.memory_space<vmem>>, vector<16xf32>,
      %slice3A_3278 = vector.extract_strided_slice %get3A_3237 {offsets = [2], sizes = [1], strides = [1]} : vector<16xi32> to vector<1xi32>
      %squeeze3A_3279 = vector.extract %slice3A_3278[0] : i32 from vector<1xi32>
      %and3A_3280 = arith.constant 127 : i32
      %and3A_3281 = arith.andi %squeeze3A_3279, %and3A_3280 : i32
      %broadcast_in_dim3A_3282 = vector.broadcast %and3A_3281 : i32 to vector<16xi32>
      %broadcast_in_dim3A_3283 = arith.constant 2 : i32
      %broadcast_in_dim3A_3284 = vector.broadcast %broadcast_in_dim3A_3283 : i32 to vector<16xi32>
      %gather3A_3285 = tpu.vector_load_idx %arg6[%broadcast_in_dim3A_3284, %iota3A, %broadcast_in_dim3A_3282] : memref<8x32x128xf32, #tpu.memory_space<vmem>>[vector<16xi32>, vector<16xi32>, vector<16xi32>], vector<16xf32>,
      %swap3A_3286 = arith.constant 2 : i32
      %swap3A_3287 = arith.index_cast %swap3A_3286 : i32 to index
      %swap3A_3288 = arith.constant 0 : index
      %swap3A_3289 = tpu.vector_load %arg8[%swap3A_3287, %swap3A_3288] {strides = array<i32>} : memref<8x32xf32, #tpu.memory_space<vmem>>, vector<16xf32>,
      tpu.vector_store %arg8[%swap3A_3287, %swap3A_3288], %gather3A_3285 {strides = array<i32>} : memref<8x32xf32, #tpu.memory_space<vmem>>, vector<16xf32>,
      %add3A_3290 = arith.constant 16 : i32
      %add3A_3291 = vector.broadcast %add3A_3290 : i32 to vector<16xi32>
      %add3A_3292 = arith.addi %iota3A, %add3A_3291 : vector<16xi32>
      %gather3A_3293 = tpu.vector_load_idx %arg6[%broadcast_in_dim3A_3284, %add3A_3292, %broadcast_in_dim3A_3282] : memref<8x32x128xf32, #tpu.memory_space<vmem>>[vector<16xi32>, vector<16xi32>, vector<16xi32>], vector<16xf32>,
      %swap3A_3294 = arith.constant 2 : i32
      %swap3A_3295 = arith.index_cast %swap3A_3294 : i32 to index
      %swap3A_3296 = arith.constant 16 : index
      %swap3A_3297 = tpu.vector_load %arg8[%swap3A_3295, %swap3A_3296] {strides = array<i32>} : memref<8x32xf32, #tpu.memory_space<vmem>>, vector<16xf32>,
      tpu.vector_store %arg8[%swap3A_3295, %swap3A_3296], %gather3A_3293 {strides = array<i32>} : memref<8x32xf32, #tpu.memory_space<vmem>>, vector<16xf32>,
      %slice3A_3298 = vector.extract_strided_slice %get3A_3237 {offsets = [3], sizes = [1], strides = [1]} : vector<16xi32> to vector<1xi32>
      %squeeze3A_3299 = vector.extract %slice3A_3298[0] : i32 from vector<1xi32>
      %and3A_3300 = arith.constant 127 : i32
      %and3A_3301 = arith.andi %squeeze3A_3299, %and3A_3300 : i32
      %broadcast_in_dim3A_3302 = vector.broadcast %and3A_3301 : i32 to vector<16xi32>
      %broadcast_in_dim3A_3303 = arith.constant 3 : i32
      %broadcast_in_dim3A_3304 = vector.broadcast %broadcast_in_dim3A_3303 : i32 to vector<16xi32>
      %gather3A_3305 = tpu.vector_load_idx %arg6[%broadcast_in_dim3A_3304, %iota3A, %broadcast_in_dim3A_3302] : memref<8x32x128xf32, #tpu.memory_space<vmem>>[vector<16xi32>, vector<16xi32>, vector<16xi32>], vector<16xf32>,
      %swap3A_3306 = arith.constant 3 : i32
      %swap3A_3307 = arith.index_cast %swap3A_3306 : i32 to index
      %swap3A_3308 = arith.constant 0 : index
      %swap3A_3309 = tpu.vector_load %arg8[%swap3A_3307, %swap3A_3308] {strides = array<i32>} : memref<8x32xf32, #tpu.memory_space<vmem>>, vector<16xf32>,
      tpu.vector_store %arg8[%swap3A_3307, %swap3A_3308], %gather3A_3305 {strides = array<i32>} : memref<8x32xf32, #tpu.memory_space<vmem>>, vector<16xf32>,
      %add3A_3310 = arith.constant 16 : i32
      %add3A_3311 = vector.broadcast %add3A_3310 : i32 to vector<16xi32>
      %add3A_3312 = arith.addi %iota3A, %add3A_3311 : vector<16xi32>
      %gather3A_3313 = tpu.vector_load_idx %arg6[%broadcast_in_dim3A_3304, %add3A_3312, %broadcast_in_dim3A_3302] : memref<8x32x128xf32, #tpu.memory_space<vmem>>[vector<16xi32>, vector<16xi32>, vector<16xi32>], vector<16xf32>,
      %swap3A_3314 = arith.constant 3 : i32
      %swap3A_3315 = arith.index_cast %swap3A_3314 : i32 to index
      %swap3A_3316 = arith.constant 16 : index
      %swap3A_3317 = tpu.vector_load %arg8[%swap3A_3315, %swap3A_3316] {strides = array<i32>} : memref<8x32xf32, #tpu.memory_space<vmem>>, vector<16xf32>,
      tpu.vector_store %arg8[%swap3A_3315, %swap3A_3316], %gather3A_3313 {strides = array<i32>} : memref<8x32xf32, #tpu.memory_space<vmem>>, vector<16xf32>,
      %slice3A_3318 = vector.extract_strided_slice %get3A_3237 {offsets = [4], sizes = [1], strides = [1]} : vector<16xi32> to vector<1xi32>
      %squeeze3A_3319 = vector.extract %slice3A_3318[0] : i32 from vector<1xi32>
      %and3A_3320 = arith.constant 127 : i32
      %and3A_3321 = arith.andi %squeeze3A_3319, %and3A_3320 : i32
      %broadcast_in_dim3A_3322 = vector.broadcast %and3A_3321 : i32 to vector<16xi32>
      %broadcast_in_dim3A_3323 = arith.constant 4 : i32
      %broadcast_in_dim3A_3324 = vector.broadcast %broadcast_in_dim3A_3323 : i32 to vector<16xi32>
      %gather3A_3325 = tpu.vector_load_idx %arg6[%broadcast_in_dim3A_3324, %iota3A, %broadcast_in_dim3A_3322] : memref<8x32x128xf32, #tpu.memory_space<vmem>>[vector<16xi32>, vector<16xi32>, vector<16xi32>], vector<16xf32>,
      %swap3A_3326 = arith.constant 4 : i32
      %swap3A_3327 = arith.index_cast %swap3A_3326 : i32 to index
      %swap3A_3328 = arith.constant 0 : index
      %swap3A_3329 = tpu.vector_load %arg8[%swap3A_3327, %swap3A_3328] {strides = array<i32>} : memref<8x32xf32, #tpu.memory_space<vmem>>, vector<16xf32>,
      tpu.vector_store %arg8[%swap3A_3327, %swap3A_3328], %gather3A_3325 {strides = array<i32>} : memref<8x32xf32, #tpu.memory_space<vmem>>, vector<16xf32>,
      %add3A_3330 = arith.constant 16 : i32
      %add3A_3331 = vector.broadcast %add3A_3330 : i32 to vector<16xi32>
      %add3A_3332 = arith.addi %iota3A, %add3A_3331 : vector<16xi32>
      %gather3A_3333 = tpu.vector_load_idx %arg6[%broadcast_in_dim3A_3324, %add3A_3332, %broadcast_in_dim3A_3322] : memref<8x32x128xf32, #tpu.memory_space<vmem>>[vector<16xi32>, vector<16xi32>, vector<16xi32>], vector<16xf32>,
      %swap3A_3334 = arith.constant 4 : i32
      %swap3A_3335 = arith.index_cast %swap3A_3334 : i32 to index
      %swap3A_3336 = arith.constant 16 : index
      %swap3A_3337 = tpu.vector_load %arg8[%swap3A_3335, %swap3A_3336] {strides = array<i32>} : memref<8x32xf32, #tpu.memory_space<vmem>>, vector<16xf32>,
      tpu.vector_store %arg8[%swap3A_3335, %swap3A_3336], %gather3A_3333 {strides = array<i32>} : memref<8x32xf32, #tpu.memory_space<vmem>>, vector<16xf32>,
      %slice3A_3338 = vector.extract_strided_slice %get3A_3237 {offsets = [5], sizes = [1], strides = [1]} : vector<16xi32> to vector<1xi32>
      %squeeze3A_3339 = vector.extract %slice3A_3338[0] : i32 from vector<1xi32>
      %and3A_3340 = arith.constant 127 : i32
      %and3A_3341 = arith.andi %squeeze3A_3339, %and3A_3340 : i32
      %broadcast_in_dim3A_3342 = vector.broadcast %and3A_3341 : i32 to vector<16xi32>
      %broadcast_in_dim3A_3343 = arith.constant 5 : i32
      %broadcast_in_dim3A_3344 = vector.broadcast %broadcast_in_dim3A_3343 : i32 to vector<16xi32>
      %gather3A_3345 = tpu.vector_load_idx %arg6[%broadcast_in_dim3A_3344, %iota3A, %broadcast_in_dim3A_3342] : memref<8x32x128xf32, #tpu.memory_space<vmem>>[vector<16xi32>, vector<16xi32>, vector<16xi32>], vector<16xf32>,
      %swap3A_3346 = arith.constant 5 : i32
      %swap3A_3347 = arith.index_cast %swap3A_3346 : i32 to index
      %swap3A_3348 = arith.constant 0 : index
      %swap3A_3349 = tpu.vector_load %arg8[%swap3A_3347, %swap3A_3348] {strides = array<i32>} : memref<8x32xf32, #tpu.memory_space<vmem>>, vector<16xf32>,
      tpu.vector_store %arg8[%swap3A_3347, %swap3A_3348], %gather3A_3345 {strides = array<i32>} : memref<8x32xf32, #tpu.memory_space<vmem>>, vector<16xf32>,
      %add3A_3350 = arith.constant 16 : i32
      %add3A_3351 = vector.broadcast %add3A_3350 : i32 to vector<16xi32>
      %add3A_3352 = arith.addi %iota3A, %add3A_3351 : vector<16xi32>
      %gather3A_3353 = tpu.vector_load_idx %arg6[%broadcast_in_dim3A_3344, %add3A_3352, %broadcast_in_dim3A_3342] : memref<8x32x128xf32, #tpu.memory_space<vmem>>[vector<16xi32>, vector<16xi32>, vector<16xi32>], vector<16xf32>,
      %swap3A_3354 = arith.constant 5 : i32
      %swap3A_3355 = arith.index_cast %swap3A_3354 : i32 to index
      %swap3A_3356 = arith.constant 16 : index
      %swap3A_3357 = tpu.vector_load %arg8[%swap3A_3355, %swap3A_3356] {strides = array<i32>} : memref<8x32xf32, #tpu.memory_space<vmem>>, vector<16xf32>,
      tpu.vector_store %arg8[%swap3A_3355, %swap3A_3356], %gather3A_3353 {strides = array<i32>} : memref<8x32xf32, #tpu.memory_space<vmem>>, vector<16xf32>,
      %slice3A_3358 = vector.extract_strided_slice %get3A_3237 {offsets = [6], sizes = [1], strides = [1]} : vector<16xi32> to vector<1xi32>
      %squeeze3A_3359 = vector.extract %slice3A_3358[0] : i32 from vector<1xi32>
      %and3A_3360 = arith.constant 127 : i32
      %and3A_3361 = arith.andi %squeeze3A_3359, %and3A_3360 : i32
      %broadcast_in_dim3A_3362 = vector.broadcast %and3A_3361 : i32 to vector<16xi32>
      %broadcast_in_dim3A_3363 = arith.constant 6 : i32
      %broadcast_in_dim3A_3364 = vector.broadcast %broadcast_in_dim3A_3363 : i32 to vector<16xi32>
      %gather3A_3365 = tpu.vector_load_idx %arg6[%broadcast_in_dim3A_3364, %iota3A, %broadcast_in_dim3A_3362] : memref<8x32x128xf32, #tpu.memory_space<vmem>>[vector<16xi32>, vector<16xi32>, vector<16xi32>], vector<16xf32>,
      %swap3A_3366 = arith.constant 6 : i32
      %swap3A_3367 = arith.index_cast %swap3A_3366 : i32 to index
      %swap3A_3368 = arith.constant 0 : index
      %swap3A_3369 = tpu.vector_load %arg8[%swap3A_3367, %swap3A_3368] {strides = array<i32>} : memref<8x32xf32, #tpu.memory_space<vmem>>, vector<16xf32>,
      tpu.vector_store %arg8[%swap3A_3367, %swap3A_3368], %gather3A_3365 {strides = array<i32>} : memref<8x32xf32, #tpu.memory_space<vmem>>, vector<16xf32>,
      %add3A_3370 = arith.constant 16 : i32
      %add3A_3371 = vector.broadcast %add3A_3370 : i32 to vector<16xi32>
      %add3A_3372 = arith.addi %iota3A, %add3A_3371 : vector<16xi32>
      %gather3A_3373 = tpu.vector_load_idx %arg6[%broadcast_in_dim3A_3364, %add3A_3372, %broadcast_in_dim3A_3362] : memref<8x32x128xf32, #tpu.memory_space<vmem>>[vector<16xi32>, vector<16xi32>, vector<16xi32>], vector<16xf32>,
      %swap3A_3374 = arith.constant 6 : i32
      %swap3A_3375 = arith.index_cast %swap3A_3374 : i32 to index
      %swap3A_3376 = arith.constant 16 : index
      %swap3A_3377 = tpu.vector_load %arg8[%swap3A_3375, %swap3A_3376] {strides = array<i32>} : memref<8x32xf32, #tpu.memory_space<vmem>>, vector<16xf32>,
      tpu.vector_store %arg8[%swap3A_3375, %swap3A_3376], %gather3A_3373 {strides = array<i32>} : memref<8x32xf32, #tpu.memory_space<vmem>>, vector<16xf32>,
      %slice3A_3378 = vector.extract_strided_slice %get3A_3237 {offsets = [7], sizes = [1], strides = [1]} : vector<16xi32> to vector<1xi32>
      %squeeze3A_3379 = vector.extract %slice3A_3378[0] : i32 from vector<1xi32>
      %and3A_3380 = arith.constant 127 : i32
      %and3A_3381 = arith.andi %squeeze3A_3379, %and3A_3380 : i32
      %broadcast_in_dim3A_3382 = vector.broadcast %and3A_3381 : i32 to vector<16xi32>
      %broadcast_in_dim3A_3383 = arith.constant 7 : i32
      %broadcast_in_dim3A_3384 = vector.broadcast %broadcast_in_dim3A_3383 : i32 to vector<16xi32>
      %gather3A_3385 = tpu.vector_load_idx %arg6[%broadcast_in_dim3A_3384, %iota3A, %broadcast_in_dim3A_3382] : memref<8x32x128xf32, #tpu.memory_space<vmem>>[vector<16xi32>, vector<16xi32>, vector<16xi32>], vector<16xf32>,
      %swap3A_3386 = arith.constant 7 : i32
      %swap3A_3387 = arith.index_cast %swap3A_3386 : i32 to index
      %swap3A_3388 = arith.constant 0 : index
      %swap3A_3389 = tpu.vector_load %arg8[%swap3A_3387, %swap3A_3388] {strides = array<i32>} : memref<8x32xf32, #tpu.memory_space<vmem>>, vector<16xf32>,
      tpu.vector_store %arg8[%swap3A_3387, %swap3A_3388], %gather3A_3385 {strides = array<i32>} : memref<8x32xf32, #tpu.memory_space<vmem>>, vector<16xf32>,
      %add3A_3390 = arith.constant 16 : i32
      %add3A_3391 = vector.broadcast %add3A_3390 : i32 to vector<16xi32>
      %add3A_3392 = arith.addi %iota3A, %add3A_3391 : vector<16xi32>
      %gather3A_3393 = tpu.vector_load_idx %arg6[%broadcast_in_dim3A_3384, %add3A_3392, %broadcast_in_dim3A_3382] : memref<8x32x128xf32, #tpu.memory_space<vmem>>[vector<16xi32>, vector<16xi32>, vector<16xi32>], vector<16xf32>,
      %swap3A_3394 = arith.constant 7 : i32
      %swap3A_3395 = arith.index_cast %swap3A_3394 : i32 to index
      %swap3A_3396 = arith.constant 16 : index
      %swap3A_3397 = tpu.vector_load %arg8[%swap3A_3395, %swap3A_3396] {strides = array<i32>} : memref<8x32xf32, #tpu.memory_space<vmem>>, vector<16xf32>,
      tpu.vector_store %arg8[%swap3A_3395, %swap3A_3396], %gather3A_3393 {strides = array<i32>} : memref<8x32xf32, #tpu.memory_space<vmem>>, vector<16xf32>,
      %mul3A_3398 = arith.constant 8 : i32
      %mul3A_3399 = arith.muli %scan3A_162, %mul3A_3398 : i32
      %add3A_3400 = arith.constant 6 : i32
      %add3A_3401 = arith.addi %mul3A_3399, %add3A_3400 : i32
      %mul3A_3402 = arith.constant 8 : i32
      %mul3A_3403 = arith.muli %add3A_3401, %mul3A_3402 : i32
      %add3A_3404 = arith.addi %mul3A_2, %mul3A_3403 : i32
      %multiple_of3A_3405 = tpu.assume_multiple %add3A_3404, 8 : i32
      "tpu.region"() ({
        %run_scoped3A = tpu.sem_alloc : memref<!tpu.dma_semaphore, #tpu.memory_space<semaphore_mem>>
        %dma_start3A_3704 = arith.constant 0 : i32
        %dma_start3A_3705 = tpu.memref_slice %arg4[%multiple_of3A_3405, %dma_start3A_3704] : memref<16384x32xf32, #tpu.memory_space<hbm>> -> memref<8x32xf32, #tpu.memory_space<hbm>>
        %dma_start3A_3706 = arith.constant 0 : i32
        %dma_start3A_3707 = tpu.memref_slice %arg4[%multiple_of3A_3405, %dma_start3A_3706] : memref<16384x32xf32, #tpu.memory_space<hbm>> -> memref<8x32xf32, #tpu.memory_space<hbm>>
        tpu.enqueue_dma source(%arg8 : memref<8x32xf32, #tpu.memory_space<vmem>>) target(%dma_start3A_3707 : memref<8x32xf32, #tpu.memory_space<hbm>>) target_semaphore(%run_scoped3A : memref<!tpu.dma_semaphore, #tpu.memory_space<semaphore_mem>>)
        %dma_wait3A_3708 = arith.constant 0 : i32
        %dma_wait3A_3709 = tpu.memref_slice %arg4[%multiple_of3A_3405, %dma_wait3A_3708] : memref<16384x32xf32, #tpu.memory_space<hbm>> -> memref<8x32xf32, #tpu.memory_space<hbm>>
        %dma_wait3A_3710 = arith.constant 0 : i32
        %dma_wait3A_3711 = tpu.memref_slice %arg4[%multiple_of3A_3405, %dma_wait3A_3710] : memref<16384x32xf32, #tpu.memory_space<hbm>> -> memref<8x32xf32, #tpu.memory_space<hbm>>
        tpu.wait_dma2 semaphore(%run_scoped3A : memref<!tpu.dma_semaphore, #tpu.memory_space<semaphore_mem>>) src(%arg8 : memref<8x32xf32, #tpu.memory_space<vmem>>) dst(%dma_wait3A_3711 : memref<8x32xf32, #tpu.memory_space<hbm>>)
        tpu.yield
      }) : () -> ()
      %lt3A = arith.constant 7 : i32
      %lt3A_3406 = arith.cmpi slt, %scan3A_162, %lt3A : i32
      %convert_element_type3A = arith.extui %lt3A_3406 : i1 to i32
      %cond3A = arith.constant 0 : i32
      %cond3A_3407 = arith.cmpi ne, %convert_element_type3A, %cond3A : i32
      scf.if %cond3A_3407 {
        %add3A_3704 = arith.constant 1 : i32
        %add3A_3705 = arith.addi %scan3A_162, %add3A_3704 : i32
        %mul3A_3706 = arith.constant 4 : i32
        %mul3A_3707 = arith.muli %add3A_3705, %mul3A_3706 : i32
        %add3A_3708 = arith.constant 0 : i32
        %add3A_3709 = arith.addi %mul3A_3707, %add3A_3708 : i32
        %mul3A_3710 = arith.constant 16 : i32
        %mul3A_3711 = arith.muli %add3A_3709, %mul3A_3710 : i32
        %get3A_3712 = arith.index_cast %mul3A_3711 : i32 to index
        %get3A_3713 = tpu.vector_load %arg5[%get3A_3712] {strides = array<i32>} : memref<512xi32, #tpu.memory_space<vmem>>, vector<16xi32>,
        %slice3A_3714 = vector.extract_strided_slice %get3A_3713 {offsets = [0], sizes = [1], strides = [1]} : vector<16xi32> to vector<1xi32>
        %squeeze3A_3715 = vector.extract %slice3A_3714[0] : i32 from vector<1xi32>
        %shift_right_arithmetic3A_3716 = arith.constant 7 : i32
        %shift_right_arithmetic3A_3717 = arith.shrsi %squeeze3A_3715, %shift_right_arithmetic3A_3716 : i32
        %shift_left3A_3718 = arith.constant 7 : i32
        %shift_left3A_3719 = arith.shli %shift_right_arithmetic3A_3717, %shift_left3A_3718 : i32
        %multiple_of3A_3720 = tpu.assume_multiple %shift_left3A_3719, 128 : i32
        %dma_start3A_3721 = arith.constant 0 : i32
        %dma_start3A_3722 = arith.constant 0 : i32
        %dma_start3A_3723 = arith.constant 0 : i32
        %dma_start3A_3724 = tpu.memref_slice %arg6[%dma_start3A_3721, %dma_start3A_3722, %dma_start3A_3723] : memref<8x32x128xf32, #tpu.memory_space<vmem>> -> memref<1x32x128xf32, #tpu.memory_space<vmem>>
        %dma_start3A_3725 = tpu.memref_squeeze %dma_start3A_3724 : memref<1x32x128xf32, #tpu.memory_space<vmem>> -> memref<32x128xf32, #tpu.memory_space<vmem>>
        %dma_start3A_3726 = arith.constant 0 : i32
        %dma_start3A_3727 = tpu.memref_slice %arg3[%dma_start3A_3726, %multiple_of3A_3720] : memref<32x1000000xf32, #tpu.memory_space<hbm>> -> memref<32x128xf32, #tpu.memory_space<hbm>>
        %dma_start3A_3728 = arith.constant 0 : i32
        %dma_start3A_3729 = arith.constant 0 : i32
        %dma_start3A_3730 = tpu.memref_slice %arg6[%dma_start3A_3721, %dma_start3A_3728, %dma_start3A_3729] : memref<8x32x128xf32, #tpu.memory_space<vmem>> -> memref<1x32x128xf32, #tpu.memory_space<vmem>>
        %dma_start3A_3731 = tpu.memref_squeeze %dma_start3A_3730 : memref<1x32x128xf32, #tpu.memory_space<vmem>> -> memref<32x128xf32, #tpu.memory_space<vmem>>
        %dma_start3A_3732 = arith.constant 0 : i32
        %dma_start3A_3733 = tpu.memref_slice %arg3[%dma_start3A_3732, %multiple_of3A_3720] : memref<32x1000000xf32, #tpu.memory_space<hbm>> -> memref<32x128xf32, #tpu.memory_space<hbm>>
        tpu.enqueue_dma source(%dma_start3A_3733 : memref<32x128xf32, #tpu.memory_space<hbm>>) target(%dma_start3A_3731 : memref<32x128xf32, #tpu.memory_space<vmem>>) target_semaphore(%arg9 : memref<!tpu.dma_semaphore, #tpu.memory_space<semaphore_mem>>)
        %slice3A_3734 = vector.extract_strided_slice %get3A_3713 {offsets = [1], sizes = [1], strides = [1]} : vector<16xi32> to vector<1xi32>
        %squeeze3A_3735 = vector.extract %slice3A_3734[0] : i32 from vector<1xi32>
        %shift_right_arithmetic3A_3736 = arith.constant 7 : i32
        %shift_right_arithmetic3A_3737 = arith.shrsi %squeeze3A_3735, %shift_right_arithmetic3A_3736 : i32
        %shift_left3A_3738 = arith.constant 7 : i32
        %shift_left3A_3739 = arith.shli %shift_right_arithmetic3A_3737, %shift_left3A_3738 : i32
        %multiple_of3A_3740 = tpu.assume_multiple %shift_left3A_3739, 128 : i32
        %dma_start3A_3741 = arith.constant 1 : i32
        %dma_start3A_3742 = arith.constant 0 : i32
        %dma_start3A_3743 = arith.constant 0 : i32
        %dma_start3A_3744 = tpu.memref_slice %arg6[%dma_start3A_3741, %dma_start3A_3742, %dma_start3A_3743] : memref<8x32x128xf32, #tpu.memory_space<vmem>> -> memref<1x32x128xf32, #tpu.memory_space<vmem>>
        %dma_start3A_3745 = tpu.memref_squeeze %dma_start3A_3744 : memref<1x32x128xf32, #tpu.memory_space<vmem>> -> memref<32x128xf32, #tpu.memory_space<vmem>>
        %dma_start3A_3746 = arith.constant 0 : i32
        %dma_start3A_3747 = tpu.memref_slice %arg3[%dma_start3A_3746, %multiple_of3A_3740] : memref<32x1000000xf32, #tpu.memory_space<hbm>> -> memref<32x128xf32, #tpu.memory_space<hbm>>
        %dma_start3A_3748 = arith.constant 0 : i32
        %dma_start3A_3749 = arith.constant 0 : i32
        %dma_start3A_3750 = tpu.memref_slice %arg6[%dma_start3A_3741, %dma_start3A_3748, %dma_start3A_3749] : memref<8x32x128xf32, #tpu.memory_space<vmem>> -> memref<1x32x128xf32, #tpu.memory_space<vmem>>
        %dma_start3A_3751 = tpu.memref_squeeze %dma_start3A_3750 : memref<1x32x128xf32, #tpu.memory_space<vmem>> -> memref<32x128xf32, #tpu.memory_space<vmem>>
        %dma_start3A_3752 = arith.constant 0 : i32
        %dma_start3A_3753 = tpu.memref_slice %arg3[%dma_start3A_3752, %multiple_of3A_3740] : memref<32x1000000xf32, #tpu.memory_space<hbm>> -> memref<32x128xf32, #tpu.memory_space<hbm>>
        tpu.enqueue_dma source(%dma_start3A_3753 : memref<32x128xf32, #tpu.memory_space<hbm>>) target(%dma_start3A_3751 : memref<32x128xf32, #tpu.memory_space<vmem>>) target_semaphore(%arg9 : memref<!tpu.dma_semaphore, #tpu.memory_space<semaphore_mem>>)
        %slice3A_3754 = vector.extract_strided_slice %get3A_3713 {offsets = [2], sizes = [1], strides = [1]} : vector<16xi32> to vector<1xi32>
        %squeeze3A_3755 = vector.extract %slice3A_3754[0] : i32 from vector<1xi32>
        %shift_right_arithmetic3A_3756 = arith.constant 7 : i32
        %shift_right_arithmetic3A_3757 = arith.shrsi %squeeze3A_3755, %shift_right_arithmetic3A_3756 : i32
        %shift_left3A_3758 = arith.constant 7 : i32
        %shift_left3A_3759 = arith.shli %shift_right_arithmetic3A_3757, %shift_left3A_3758 : i32
        %multiple_of3A_3760 = tpu.assume_multiple %shift_left3A_3759, 128 : i32
        %dma_start3A_3761 = arith.constant 2 : i32
        %dma_start3A_3762 = arith.constant 0 : i32
        %dma_start3A_3763 = arith.constant 0 : i32
        %dma_start3A_3764 = tpu.memref_slice %arg6[%dma_start3A_3761, %dma_start3A_3762, %dma_start3A_3763] : memref<8x32x128xf32, #tpu.memory_space<vmem>> -> memref<1x32x128xf32, #tpu.memory_space<vmem>>
        %dma_start3A_3765 = tpu.memref_squeeze %dma_start3A_3764 : memref<1x32x128xf32, #tpu.memory_space<vmem>> -> memref<32x128xf32, #tpu.memory_space<vmem>>
        %dma_start3A_3766 = arith.constant 0 : i32
        %dma_start3A_3767 = tpu.memref_slice %arg3[%dma_start3A_3766, %multiple_of3A_3760] : memref<32x1000000xf32, #tpu.memory_space<hbm>> -> memref<32x128xf32, #tpu.memory_space<hbm>>
        %dma_start3A_3768 = arith.constant 0 : i32
        %dma_start3A_3769 = arith.constant 0 : i32
        %dma_start3A_3770 = tpu.memref_slice %arg6[%dma_start3A_3761, %dma_start3A_3768, %dma_start3A_3769] : memref<8x32x128xf32, #tpu.memory_space<vmem>> -> memref<1x32x128xf32, #tpu.memory_space<vmem>>
        %dma_start3A_3771 = tpu.memref_squeeze %dma_start3A_3770 : memref<1x32x128xf32, #tpu.memory_space<vmem>> -> memref<32x128xf32, #tpu.memory_space<vmem>>
        %dma_start3A_3772 = arith.constant 0 : i32
        %dma_start3A_3773 = tpu.memref_slice %arg3[%dma_start3A_3772, %multiple_of3A_3760] : memref<32x1000000xf32, #tpu.memory_space<hbm>> -> memref<32x128xf32, #tpu.memory_space<hbm>>
        tpu.enqueue_dma source(%dma_start3A_3773 : memref<32x128xf32, #tpu.memory_space<hbm>>) target(%dma_start3A_3771 : memref<32x128xf32, #tpu.memory_space<vmem>>) target_semaphore(%arg9 : memref<!tpu.dma_semaphore, #tpu.memory_space<semaphore_mem>>)
        %slice3A_3774 = vector.extract_strided_slice %get3A_3713 {offsets = [3], sizes = [1], strides = [1]} : vector<16xi32> to vector<1xi32>
        %squeeze3A_3775 = vector.extract %slice3A_3774[0] : i32 from vector<1xi32>
        %shift_right_arithmetic3A_3776 = arith.constant 7 : i32
        %shift_right_arithmetic3A_3777 = arith.shrsi %squeeze3A_3775, %shift_right_arithmetic3A_3776 : i32
        %shift_left3A_3778 = arith.constant 7 : i32
        %shift_left3A_3779 = arith.shli %shift_right_arithmetic3A_3777, %shift_left3A_3778 : i32
        %multiple_of3A_3780 = tpu.assume_multiple %shift_left3A_3779, 128 : i32
        %dma_start3A_3781 = arith.constant 3 : i32
        %dma_start3A_3782 = arith.constant 0 : i32
        %dma_start3A_3783 = arith.constant 0 : i32
        %dma_start3A_3784 = tpu.memref_slice %arg6[%dma_start3A_3781, %dma_start3A_3782, %dma_start3A_3783] : memref<8x32x128xf32, #tpu.memory_space<vmem>> -> memref<1x32x128xf32, #tpu.memory_space<vmem>>
        %dma_start3A_3785 = tpu.memref_squeeze %dma_start3A_3784 : memref<1x32x128xf32, #tpu.memory_space<vmem>> -> memref<32x128xf32, #tpu.memory_space<vmem>>
        %dma_start3A_3786 = arith.constant 0 : i32
        %dma_start3A_3787 = tpu.memref_slice %arg3[%dma_start3A_3786, %multiple_of3A_3780] : memref<32x1000000xf32, #tpu.memory_space<hbm>> -> memref<32x128xf32, #tpu.memory_space<hbm>>
        %dma_start3A_3788 = arith.constant 0 : i32
        %dma_start3A_3789 = arith.constant 0 : i32
        %dma_start3A_3790 = tpu.memref_slice %arg6[%dma_start3A_3781, %dma_start3A_3788, %dma_start3A_3789] : memref<8x32x128xf32, #tpu.memory_space<vmem>> -> memref<1x32x128xf32, #tpu.memory_space<vmem>>
        %dma_start3A_3791 = tpu.memref_squeeze %dma_start3A_3790 : memref<1x32x128xf32, #tpu.memory_space<vmem>> -> memref<32x128xf32, #tpu.memory_space<vmem>>
        %dma_start3A_3792 = arith.constant 0 : i32
        %dma_start3A_3793 = tpu.memref_slice %arg3[%dma_start3A_3792, %multiple_of3A_3780] : memref<32x1000000xf32, #tpu.memory_space<hbm>> -> memref<32x128xf32, #tpu.memory_space<hbm>>
        tpu.enqueue_dma source(%dma_start3A_3793 : memref<32x128xf32, #tpu.memory_space<hbm>>) target(%dma_start3A_3791 : memref<32x128xf32, #tpu.memory_space<vmem>>) target_semaphore(%arg9 : memref<!tpu.dma_semaphore, #tpu.memory_space<semaphore_mem>>)
        %slice3A_3794 = vector.extract_strided_slice %get3A_3713 {offsets = [4], sizes = [1], strides = [1]} : vector<16xi32> to vector<1xi32>
        %squeeze3A_3795 = vector.extract %slice3A_3794[0] : i32 from vector<1xi32>
        %shift_right_arithmetic3A_3796 = arith.constant 7 : i32
        %shift_right_arithmetic3A_3797 = arith.shrsi %squeeze3A_3795, %shift_right_arithmetic3A_3796 : i32
        %shift_left3A_3798 = arith.constant 7 : i32
        %shift_left3A_3799 = arith.shli %shift_right_arithmetic3A_3797, %shift_left3A_3798 : i32
        %multiple_of3A_3800 = tpu.assume_multiple %shift_left3A_3799, 128 : i32
        %dma_start3A_3801 = arith.constant 4 : i32
        %dma_start3A_3802 = arith.constant 0 : i32
        %dma_start3A_3803 = arith.constant 0 : i32
        %dma_start3A_3804 = tpu.memref_slice %arg6[%dma_start3A_3801, %dma_start3A_3802, %dma_start3A_3803] : memref<8x32x128xf32, #tpu.memory_space<vmem>> -> memref<1x32x128xf32, #tpu.memory_space<vmem>>
        %dma_start3A_3805 = tpu.memref_squeeze %dma_start3A_3804 : memref<1x32x128xf32, #tpu.memory_space<vmem>> -> memref<32x128xf32, #tpu.memory_space<vmem>>
        %dma_start3A_3806 = arith.constant 0 : i32
        %dma_start3A_3807 = tpu.memref_slice %arg3[%dma_start3A_3806, %multiple_of3A_3800] : memref<32x1000000xf32, #tpu.memory_space<hbm>> -> memref<32x128xf32, #tpu.memory_space<hbm>>
        %dma_start3A_3808 = arith.constant 0 : i32
        %dma_start3A_3809 = arith.constant 0 : i32
        %dma_start3A_3810 = tpu.memref_slice %arg6[%dma_start3A_3801, %dma_start3A_3808, %dma_start3A_3809] : memref<8x32x128xf32, #tpu.memory_space<vmem>> -> memref<1x32x128xf32, #tpu.memory_space<vmem>>
        %dma_start3A_3811 = tpu.memref_squeeze %dma_start3A_3810 : memref<1x32x128xf32, #tpu.memory_space<vmem>> -> memref<32x128xf32, #tpu.memory_space<vmem>>
        %dma_start3A_3812 = arith.constant 0 : i32
        %dma_start3A_3813 = tpu.memref_slice %arg3[%dma_start3A_3812, %multiple_of3A_3800] : memref<32x1000000xf32, #tpu.memory_space<hbm>> -> memref<32x128xf32, #tpu.memory_space<hbm>>
        tpu.enqueue_dma source(%dma_start3A_3813 : memref<32x128xf32, #tpu.memory_space<hbm>>) target(%dma_start3A_3811 : memref<32x128xf32, #tpu.memory_space<vmem>>) target_semaphore(%arg9 : memref<!tpu.dma_semaphore, #tpu.memory_space<semaphore_mem>>)
        %slice3A_3814 = vector.extract_strided_slice %get3A_3713 {offsets = [5], sizes = [1], strides = [1]} : vector<16xi32> to vector<1xi32>
        %squeeze3A_3815 = vector.extract %slice3A_3814[0] : i32 from vector<1xi32>
        %shift_right_arithmetic3A_3816 = arith.constant 7 : i32
        %shift_right_arithmetic3A_3817 = arith.shrsi %squeeze3A_3815, %shift_right_arithmetic3A_3816 : i32
        %shift_left3A_3818 = arith.constant 7 : i32
        %shift_left3A_3819 = arith.shli %shift_right_arithmetic3A_3817, %shift_left3A_3818 : i32
        %multiple_of3A_3820 = tpu.assume_multiple %shift_left3A_3819, 128 : i32
        %dma_start3A_3821 = arith.constant 5 : i32
        %dma_start3A_3822 = arith.constant 0 : i32
        %dma_start3A_3823 = arith.constant 0 : i32
        %dma_start3A_3824 = tpu.memref_slice %arg6[%dma_start3A_3821, %dma_start3A_3822, %dma_start3A_3823] : memref<8x32x128xf32, #tpu.memory_space<vmem>> -> memref<1x32x128xf32, #tpu.memory_space<vmem>>
        %dma_start3A_3825 = tpu.memref_squeeze %dma_start3A_3824 : memref<1x32x128xf32, #tpu.memory_space<vmem>> -> memref<32x128xf32, #tpu.memory_space<vmem>>
        %dma_start3A_3826 = arith.constant 0 : i32
        %dma_start3A_3827 = tpu.memref_slice %arg3[%dma_start3A_3826, %multiple_of3A_3820] : memref<32x1000000xf32, #tpu.memory_space<hbm>> -> memref<32x128xf32, #tpu.memory_space<hbm>>
        %dma_start3A_3828 = arith.constant 0 : i32
        %dma_start3A_3829 = arith.constant 0 : i32
        %dma_start3A_3830 = tpu.memref_slice %arg6[%dma_start3A_3821, %dma_start3A_3828, %dma_start3A_3829] : memref<8x32x128xf32, #tpu.memory_space<vmem>> -> memref<1x32x128xf32, #tpu.memory_space<vmem>>
        %dma_start3A_3831 = tpu.memref_squeeze %dma_start3A_3830 : memref<1x32x128xf32, #tpu.memory_space<vmem>> -> memref<32x128xf32, #tpu.memory_space<vmem>>
        %dma_start3A_3832 = arith.constant 0 : i32
        %dma_start3A_3833 = tpu.memref_slice %arg3[%dma_start3A_3832, %multiple_of3A_3820] : memref<32x1000000xf32, #tpu.memory_space<hbm>> -> memref<32x128xf32, #tpu.memory_space<hbm>>
        tpu.enqueue_dma source(%dma_start3A_3833 : memref<32x128xf32, #tpu.memory_space<hbm>>) target(%dma_start3A_3831 : memref<32x128xf32, #tpu.memory_space<vmem>>) target_semaphore(%arg9 : memref<!tpu.dma_semaphore, #tpu.memory_space<semaphore_mem>>)
        %slice3A_3834 = vector.extract_strided_slice %get3A_3713 {offsets = [6], sizes = [1], strides = [1]} : vector<16xi32> to vector<1xi32>
        %squeeze3A_3835 = vector.extract %slice3A_3834[0] : i32 from vector<1xi32>
        %shift_right_arithmetic3A_3836 = arith.constant 7 : i32
        %shift_right_arithmetic3A_3837 = arith.shrsi %squeeze3A_3835, %shift_right_arithmetic3A_3836 : i32
        %shift_left3A_3838 = arith.constant 7 : i32
        %shift_left3A_3839 = arith.shli %shift_right_arithmetic3A_3837, %shift_left3A_3838 : i32
        %multiple_of3A_3840 = tpu.assume_multiple %shift_left3A_3839, 128 : i32
        %dma_start3A_3841 = arith.constant 6 : i32
        %dma_start3A_3842 = arith.constant 0 : i32
        %dma_start3A_3843 = arith.constant 0 : i32
        %dma_start3A_3844 = tpu.memref_slice %arg6[%dma_start3A_3841, %dma_start3A_3842, %dma_start3A_3843] : memref<8x32x128xf32, #tpu.memory_space<vmem>> -> memref<1x32x128xf32, #tpu.memory_space<vmem>>
        %dma_start3A_3845 = tpu.memref_squeeze %dma_start3A_3844 : memref<1x32x128xf32, #tpu.memory_space<vmem>> -> memref<32x128xf32, #tpu.memory_space<vmem>>
        %dma_start3A_3846 = arith.constant 0 : i32
        %dma_start3A_3847 = tpu.memref_slice %arg3[%dma_start3A_3846, %multiple_of3A_3840] : memref<32x1000000xf32, #tpu.memory_space<hbm>> -> memref<32x128xf32, #tpu.memory_space<hbm>>
        %dma_start3A_3848 = arith.constant 0 : i32
        %dma_start3A_3849 = arith.constant 0 : i32
        %dma_start3A_3850 = tpu.memref_slice %arg6[%dma_start3A_3841, %dma_start3A_3848, %dma_start3A_3849] : memref<8x32x128xf32, #tpu.memory_space<vmem>> -> memref<1x32x128xf32, #tpu.memory_space<vmem>>
        %dma_start3A_3851 = tpu.memref_squeeze %dma_start3A_3850 : memref<1x32x128xf32, #tpu.memory_space<vmem>> -> memref<32x128xf32, #tpu.memory_space<vmem>>
        %dma_start3A_3852 = arith.constant 0 : i32
        %dma_start3A_3853 = tpu.memref_slice %arg3[%dma_start3A_3852, %multiple_of3A_3840] : memref<32x1000000xf32, #tpu.memory_space<hbm>> -> memref<32x128xf32, #tpu.memory_space<hbm>>
        tpu.enqueue_dma source(%dma_start3A_3853 : memref<32x128xf32, #tpu.memory_space<hbm>>) target(%dma_start3A_3851 : memref<32x128xf32, #tpu.memory_space<vmem>>) target_semaphore(%arg9 : memref<!tpu.dma_semaphore, #tpu.memory_space<semaphore_mem>>)
        %slice3A_3854 = vector.extract_strided_slice %get3A_3713 {offsets = [7], sizes = [1], strides = [1]} : vector<16xi32> to vector<1xi32>
        %squeeze3A_3855 = vector.extract %slice3A_3854[0] : i32 from vector<1xi32>
        %shift_right_arithmetic3A_3856 = arith.constant 7 : i32
        %shift_right_arithmetic3A_3857 = arith.shrsi %squeeze3A_3855, %shift_right_arithmetic3A_3856 : i32
        %shift_left3A_3858 = arith.constant 7 : i32
        %shift_left3A_3859 = arith.shli %shift_right_arithmetic3A_3857, %shift_left3A_3858 : i32
        %multiple_of3A_3860 = tpu.assume_multiple %shift_left3A_3859, 128 : i32
        %dma_start3A_3861 = arith.constant 7 : i32
        %dma_start3A_3862 = arith.constant 0 : i32
        %dma_start3A_3863 = arith.constant 0 : i32
        %dma_start3A_3864 = tpu.memref_slice %arg6[%dma_start3A_3861, %dma_start3A_3862, %dma_start3A_3863] : memref<8x32x128xf32, #tpu.memory_space<vmem>> -> memref<1x32x128xf32, #tpu.memory_space<vmem>>
        %dma_start3A_3865 = tpu.memref_squeeze %dma_start3A_3864 : memref<1x32x128xf32, #tpu.memory_space<vmem>> -> memref<32x128xf32, #tpu.memory_space<vmem>>
        %dma_start3A_3866 = arith.constant 0 : i32
        %dma_start3A_3867 = tpu.memref_slice %arg3[%dma_start3A_3866, %multiple_of3A_3860] : memref<32x1000000xf32, #tpu.memory_space<hbm>> -> memref<32x128xf32, #tpu.memory_space<hbm>>
        %dma_start3A_3868 = arith.constant 0 : i32
        %dma_start3A_3869 = arith.constant 0 : i32
        %dma_start3A_3870 = tpu.memref_slice %arg6[%dma_start3A_3861, %dma_start3A_3868, %dma_start3A_3869] : memref<8x32x128xf32, #tpu.memory_space<vmem>> -> memref<1x32x128xf32, #tpu.memory_space<vmem>>
        %dma_start3A_3871 = tpu.memref_squeeze %dma_start3A_3870 : memref<1x32x128xf32, #tpu.memory_space<vmem>> -> memref<32x128xf32, #tpu.memory_space<vmem>>
        %dma_start3A_3872 = arith.constant 0 : i32
        %dma_start3A_3873 = tpu.memref_slice %arg3[%dma_start3A_3872, %multiple_of3A_3860] : memref<32x1000000xf32, #tpu.memory_space<hbm>> -> memref<32x128xf32, #tpu.memory_space<hbm>>
        tpu.enqueue_dma source(%dma_start3A_3873 : memref<32x128xf32, #tpu.memory_space<hbm>>) target(%dma_start3A_3871 : memref<32x128xf32, #tpu.memory_space<vmem>>) target_semaphore(%arg9 : memref<!tpu.dma_semaphore, #tpu.memory_space<semaphore_mem>>)
      } else {
      }
      %dma_wait3A_3408 = arith.constant 0 : i32
      %dma_wait3A_3409 = arith.constant 0 : i32
      %dma_wait3A_3410 = arith.constant 0 : i32
      %dma_wait3A_3411 = tpu.memref_slice %arg7[%dma_wait3A_3408, %dma_wait3A_3409, %dma_wait3A_3410] : memref<8x32x128xf32, #tpu.memory_space<vmem>> -> memref<1x32x128xf32, #tpu.memory_space<vmem>>
      %dma_wait3A_3412 = tpu.memref_squeeze %dma_wait3A_3411 : memref<1x32x128xf32, #tpu.memory_space<vmem>> -> memref<32x128xf32, #tpu.memory_space<vmem>>
      %dma_wait3A_3413 = arith.constant 0 : i32
      %dma_wait3A_3414 = arith.constant 0 : i32
      %dma_wait3A_3415 = tpu.memref_slice %arg3[%dma_wait3A_3413, %dma_wait3A_3414] : memref<32x1000000xf32, #tpu.memory_space<hbm>> -> memref<32x128xf32, #tpu.memory_space<hbm>>
      %dma_wait3A_3416 = arith.constant 0 : i32
      %dma_wait3A_3417 = arith.constant 0 : i32
      %dma_wait3A_3418 = tpu.memref_slice %arg7[%dma_wait3A_3408, %dma_wait3A_3416, %dma_wait3A_3417] : memref<8x32x128xf32, #tpu.memory_space<vmem>> -> memref<1x32x128xf32, #tpu.memory_space<vmem>>
      %dma_wait3A_3419 = tpu.memref_squeeze %dma_wait3A_3418 : memref<1x32x128xf32, #tpu.memory_space<vmem>> -> memref<32x128xf32, #tpu.memory_space<vmem>>
      %dma_wait3A_3420 = arith.constant 0 : i32
      %dma_wait3A_3421 = arith.constant 0 : i32
      %dma_wait3A_3422 = tpu.memref_slice %arg3[%dma_wait3A_3420, %dma_wait3A_3421] : memref<32x1000000xf32, #tpu.memory_space<hbm>> -> memref<32x128xf32, #tpu.memory_space<hbm>>
      tpu.wait_dma2 semaphore(%arg9 : memref<!tpu.dma_semaphore, #tpu.memory_space<semaphore_mem>>) src(%dma_wait3A_3422 : memref<32x128xf32, #tpu.memory_space<hbm>>) dst(%dma_wait3A_3419 : memref<32x128xf32, #tpu.memory_space<vmem>>)
      %dma_wait3A_3423 = arith.constant 1 : i32
      %dma_wait3A_3424 = arith.constant 0 : i32
      %dma_wait3A_3425 = arith.constant 0 : i32
      %dma_wait3A_3426 = tpu.memref_slice %arg7[%dma_wait3A_3423, %dma_wait3A_3424, %dma_wait3A_3425] : memref<8x32x128xf32, #tpu.memory_space<vmem>> -> memref<1x32x128xf32, #tpu.memory_space<vmem>>
      %dma_wait3A_3427 = tpu.memref_squeeze %dma_wait3A_3426 : memref<1x32x128xf32, #tpu.memory_space<vmem>> -> memref<32x128xf32, #tpu.memory_space<vmem>>
      %dma_wait3A_3428 = arith.constant 0 : i32
      %dma_wait3A_3429 = arith.constant 0 : i32
      %dma_wait3A_3430 = tpu.memref_slice %arg3[%dma_wait3A_3428, %dma_wait3A_3429] : memref<32x1000000xf32, #tpu.memory_space<hbm>> -> memref<32x128xf32, #tpu.memory_space<hbm>>
      %dma_wait3A_3431 = arith.constant 0 : i32
      %dma_wait3A_3432 = arith.constant 0 : i32
      %dma_wait3A_3433 = tpu.memref_slice %arg7[%dma_wait3A_3423, %dma_wait3A_3431, %dma_wait3A_3432] : memref<8x32x128xf32, #tpu.memory_space<vmem>> -> memref<1x32x128xf32, #tpu.memory_space<vmem>>
      %dma_wait3A_3434 = tpu.memref_squeeze %dma_wait3A_3433 : memref<1x32x128xf32, #tpu.memory_space<vmem>> -> memref<32x128xf32, #tpu.memory_space<vmem>>
      %dma_wait3A_3435 = arith.constant 0 : i32
      %dma_wait3A_3436 = arith.constant 0 : i32
      %dma_wait3A_3437 = tpu.memref_slice %arg3[%dma_wait3A_3435, %dma_wait3A_3436] : memref<32x1000000xf32, #tpu.memory_space<hbm>> -> memref<32x128xf32, #tpu.memory_space<hbm>>
      tpu.wait_dma2 semaphore(%arg9 : memref<!tpu.dma_semaphore, #tpu.memory_space<semaphore_mem>>) src(%dma_wait3A_3437 : memref<32x128xf32, #tpu.memory_space<hbm>>) dst(%dma_wait3A_3434 : memref<32x128xf32, #tpu.memory_space<vmem>>)
      %dma_wait3A_3438 = arith.constant 2 : i32
      %dma_wait3A_3439 = arith.constant 0 : i32
      %dma_wait3A_3440 = arith.constant 0 : i32
      %dma_wait3A_3441 = tpu.memref_slice %arg7[%dma_wait3A_3438, %dma_wait3A_3439, %dma_wait3A_3440] : memref<8x32x128xf32, #tpu.memory_space<vmem>> -> memref<1x32x128xf32, #tpu.memory_space<vmem>>
      %dma_wait3A_3442 = tpu.memref_squeeze %dma_wait3A_3441 : memref<1x32x128xf32, #tpu.memory_space<vmem>> -> memref<32x128xf32, #tpu.memory_space<vmem>>
      %dma_wait3A_3443 = arith.constant 0 : i32
      %dma_wait3A_3444 = arith.constant 0 : i32
      %dma_wait3A_3445 = tpu.memref_slice %arg3[%dma_wait3A_3443, %dma_wait3A_3444] : memref<32x1000000xf32, #tpu.memory_space<hbm>> -> memref<32x128xf32, #tpu.memory_space<hbm>>
      %dma_wait3A_3446 = arith.constant 0 : i32
      %dma_wait3A_3447 = arith.constant 0 : i32
      %dma_wait3A_3448 = tpu.memref_slice %arg7[%dma_wait3A_3438, %dma_wait3A_3446, %dma_wait3A_3447] : memref<8x32x128xf32, #tpu.memory_space<vmem>> -> memref<1x32x128xf32, #tpu.memory_space<vmem>>
      %dma_wait3A_3449 = tpu.memref_squeeze %dma_wait3A_3448 : memref<1x32x128xf32, #tpu.memory_space<vmem>> -> memref<32x128xf32, #tpu.memory_space<vmem>>
      %dma_wait3A_3450 = arith.constant 0 : i32
      %dma_wait3A_3451 = arith.constant 0 : i32
      %dma_wait3A_3452 = tpu.memref_slice %arg3[%dma_wait3A_3450, %dma_wait3A_3451] : memref<32x1000000xf32, #tpu.memory_space<hbm>> -> memref<32x128xf32, #tpu.memory_space<hbm>>
      tpu.wait_dma2 semaphore(%arg9 : memref<!tpu.dma_semaphore, #tpu.memory_space<semaphore_mem>>) src(%dma_wait3A_3452 : memref<32x128xf32, #tpu.memory_space<hbm>>) dst(%dma_wait3A_3449 : memref<32x128xf32, #tpu.memory_space<vmem>>)
      %dma_wait3A_3453 = arith.constant 3 : i32
      %dma_wait3A_3454 = arith.constant 0 : i32
      %dma_wait3A_3455 = arith.constant 0 : i32
      %dma_wait3A_3456 = tpu.memref_slice %arg7[%dma_wait3A_3453, %dma_wait3A_3454, %dma_wait3A_3455] : memref<8x32x128xf32, #tpu.memory_space<vmem>> -> memref<1x32x128xf32, #tpu.memory_space<vmem>>
      %dma_wait3A_3457 = tpu.memref_squeeze %dma_wait3A_3456 : memref<1x32x128xf32, #tpu.memory_space<vmem>> -> memref<32x128xf32, #tpu.memory_space<vmem>>
      %dma_wait3A_3458 = arith.constant 0 : i32
      %dma_wait3A_3459 = arith.constant 0 : i32
      %dma_wait3A_3460 = tpu.memref_slice %arg3[%dma_wait3A_3458, %dma_wait3A_3459] : memref<32x1000000xf32, #tpu.memory_space<hbm>> -> memref<32x128xf32, #tpu.memory_space<hbm>>
      %dma_wait3A_3461 = arith.constant 0 : i32
      %dma_wait3A_3462 = arith.constant 0 : i32
      %dma_wait3A_3463 = tpu.memref_slice %arg7[%dma_wait3A_3453, %dma_wait3A_3461, %dma_wait3A_3462] : memref<8x32x128xf32, #tpu.memory_space<vmem>> -> memref<1x32x128xf32, #tpu.memory_space<vmem>>
      %dma_wait3A_3464 = tpu.memref_squeeze %dma_wait3A_3463 : memref<1x32x128xf32, #tpu.memory_space<vmem>> -> memref<32x128xf32, #tpu.memory_space<vmem>>
      %dma_wait3A_3465 = arith.constant 0 : i32
      %dma_wait3A_3466 = arith.constant 0 : i32
      %dma_wait3A_3467 = tpu.memref_slice %arg3[%dma_wait3A_3465, %dma_wait3A_3466] : memref<32x1000000xf32, #tpu.memory_space<hbm>> -> memref<32x128xf32, #tpu.memory_space<hbm>>
      tpu.wait_dma2 semaphore(%arg9 : memref<!tpu.dma_semaphore, #tpu.memory_space<semaphore_mem>>) src(%dma_wait3A_3467 : memref<32x128xf32, #tpu.memory_space<hbm>>) dst(%dma_wait3A_3464 : memref<32x128xf32, #tpu.memory_space<vmem>>)
      %dma_wait3A_3468 = arith.constant 4 : i32
      %dma_wait3A_3469 = arith.constant 0 : i32
      %dma_wait3A_3470 = arith.constant 0 : i32
      %dma_wait3A_3471 = tpu.memref_slice %arg7[%dma_wait3A_3468, %dma_wait3A_3469, %dma_wait3A_3470] : memref<8x32x128xf32, #tpu.memory_space<vmem>> -> memref<1x32x128xf32, #tpu.memory_space<vmem>>
      %dma_wait3A_3472 = tpu.memref_squeeze %dma_wait3A_3471 : memref<1x32x128xf32, #tpu.memory_space<vmem>> -> memref<32x128xf32, #tpu.memory_space<vmem>>
      %dma_wait3A_3473 = arith.constant 0 : i32
      %dma_wait3A_3474 = arith.constant 0 : i32
      %dma_wait3A_3475 = tpu.memref_slice %arg3[%dma_wait3A_3473, %dma_wait3A_3474] : memref<32x1000000xf32, #tpu.memory_space<hbm>> -> memref<32x128xf32, #tpu.memory_space<hbm>>
      %dma_wait3A_3476 = arith.constant 0 : i32
      %dma_wait3A_3477 = arith.constant 0 : i32
      %dma_wait3A_3478 = tpu.memref_slice %arg7[%dma_wait3A_3468, %dma_wait3A_3476, %dma_wait3A_3477] : memref<8x32x128xf32, #tpu.memory_space<vmem>> -> memref<1x32x128xf32, #tpu.memory_space<vmem>>
      %dma_wait3A_3479 = tpu.memref_squeeze %dma_wait3A_3478 : memref<1x32x128xf32, #tpu.memory_space<vmem>> -> memref<32x128xf32, #tpu.memory_space<vmem>>
      %dma_wait3A_3480 = arith.constant 0 : i32
      %dma_wait3A_3481 = arith.constant 0 : i32
      %dma_wait3A_3482 = tpu.memref_slice %arg3[%dma_wait3A_3480, %dma_wait3A_3481] : memref<32x1000000xf32, #tpu.memory_space<hbm>> -> memref<32x128xf32, #tpu.memory_space<hbm>>
      tpu.wait_dma2 semaphore(%arg9 : memref<!tpu.dma_semaphore, #tpu.memory_space<semaphore_mem>>) src(%dma_wait3A_3482 : memref<32x128xf32, #tpu.memory_space<hbm>>) dst(%dma_wait3A_3479 : memref<32x128xf32, #tpu.memory_space<vmem>>)
      %dma_wait3A_3483 = arith.constant 5 : i32
      %dma_wait3A_3484 = arith.constant 0 : i32
      %dma_wait3A_3485 = arith.constant 0 : i32
      %dma_wait3A_3486 = tpu.memref_slice %arg7[%dma_wait3A_3483, %dma_wait3A_3484, %dma_wait3A_3485] : memref<8x32x128xf32, #tpu.memory_space<vmem>> -> memref<1x32x128xf32, #tpu.memory_space<vmem>>
      %dma_wait3A_3487 = tpu.memref_squeeze %dma_wait3A_3486 : memref<1x32x128xf32, #tpu.memory_space<vmem>> -> memref<32x128xf32, #tpu.memory_space<vmem>>
      %dma_wait3A_3488 = arith.constant 0 : i32
      %dma_wait3A_3489 = arith.constant 0 : i32
      %dma_wait3A_3490 = tpu.memref_slice %arg3[%dma_wait3A_3488, %dma_wait3A_3489] : memref<32x1000000xf32, #tpu.memory_space<hbm>> -> memref<32x128xf32, #tpu.memory_space<hbm>>
      %dma_wait3A_3491 = arith.constant 0 : i32
      %dma_wait3A_3492 = arith.constant 0 : i32
      %dma_wait3A_3493 = tpu.memref_slice %arg7[%dma_wait3A_3483, %dma_wait3A_3491, %dma_wait3A_3492] : memref<8x32x128xf32, #tpu.memory_space<vmem>> -> memref<1x32x128xf32, #tpu.memory_space<vmem>>
      %dma_wait3A_3494 = tpu.memref_squeeze %dma_wait3A_3493 : memref<1x32x128xf32, #tpu.memory_space<vmem>> -> memref<32x128xf32, #tpu.memory_space<vmem>>
      %dma_wait3A_3495 = arith.constant 0 : i32
      %dma_wait3A_3496 = arith.constant 0 : i32
      %dma_wait3A_3497 = tpu.memref_slice %arg3[%dma_wait3A_3495, %dma_wait3A_3496] : memref<32x1000000xf32, #tpu.memory_space<hbm>> -> memref<32x128xf32, #tpu.memory_space<hbm>>
      tpu.wait_dma2 semaphore(%arg9 : memref<!tpu.dma_semaphore, #tpu.memory_space<semaphore_mem>>) src(%dma_wait3A_3497 : memref<32x128xf32, #tpu.memory_space<hbm>>) dst(%dma_wait3A_3494 : memref<32x128xf32, #tpu.memory_space<vmem>>)
      %dma_wait3A_3498 = arith.constant 6 : i32
      %dma_wait3A_3499 = arith.constant 0 : i32
      %dma_wait3A_3500 = arith.constant 0 : i32
      %dma_wait3A_3501 = tpu.memref_slice %arg7[%dma_wait3A_3498, %dma_wait3A_3499, %dma_wait3A_3500] : memref<8x32x128xf32, #tpu.memory_space<vmem>> -> memref<1x32x128xf32, #tpu.memory_space<vmem>>
      %dma_wait3A_3502 = tpu.memref_squeeze %dma_wait3A_3501 : memref<1x32x128xf32, #tpu.memory_space<vmem>> -> memref<32x128xf32, #tpu.memory_space<vmem>>
      %dma_wait3A_3503 = arith.constant 0 : i32
      %dma_wait3A_3504 = arith.constant 0 : i32
      %dma_wait3A_3505 = tpu.memref_slice %arg3[%dma_wait3A_3503, %dma_wait3A_3504] : memref<32x1000000xf32, #tpu.memory_space<hbm>> -> memref<32x128xf32, #tpu.memory_space<hbm>>
      %dma_wait3A_3506 = arith.constant 0 : i32
      %dma_wait3A_3507 = arith.constant 0 : i32
      %dma_wait3A_3508 = tpu.memref_slice %arg7[%dma_wait3A_3498, %dma_wait3A_3506, %dma_wait3A_3507] : memref<8x32x128xf32, #tpu.memory_space<vmem>> -> memref<1x32x128xf32, #tpu.memory_space<vmem>>
      %dma_wait3A_3509 = tpu.memref_squeeze %dma_wait3A_3508 : memref<1x32x128xf32, #tpu.memory_space<vmem>> -> memref<32x128xf32, #tpu.memory_space<vmem>>
      %dma_wait3A_3510 = arith.constant 0 : i32
      %dma_wait3A_3511 = arith.constant 0 : i32
      %dma_wait3A_3512 = tpu.memref_slice %arg3[%dma_wait3A_3510, %dma_wait3A_3511] : memref<32x1000000xf32, #tpu.memory_space<hbm>> -> memref<32x128xf32, #tpu.memory_space<hbm>>
      tpu.wait_dma2 semaphore(%arg9 : memref<!tpu.dma_semaphore, #tpu.memory_space<semaphore_mem>>) src(%dma_wait3A_3512 : memref<32x128xf32, #tpu.memory_space<hbm>>) dst(%dma_wait3A_3509 : memref<32x128xf32, #tpu.memory_space<vmem>>)
      %dma_wait3A_3513 = arith.constant 7 : i32
      %dma_wait3A_3514 = arith.constant 0 : i32
      %dma_wait3A_3515 = arith.constant 0 : i32
      %dma_wait3A_3516 = tpu.memref_slice %arg7[%dma_wait3A_3513, %dma_wait3A_3514, %dma_wait3A_3515] : memref<8x32x128xf32, #tpu.memory_space<vmem>> -> memref<1x32x128xf32, #tpu.memory_space<vmem>>
      %dma_wait3A_3517 = tpu.memref_squeeze %dma_wait3A_3516 : memref<1x32x128xf32, #tpu.memory_space<vmem>> -> memref<32x128xf32, #tpu.memory_space<vmem>>
      %dma_wait3A_3518 = arith.constant 0 : i32
      %dma_wait3A_3519 = arith.constant 0 : i32
      %dma_wait3A_3520 = tpu.memref_slice %arg3[%dma_wait3A_3518, %dma_wait3A_3519] : memref<32x1000000xf32, #tpu.memory_space<hbm>> -> memref<32x128xf32, #tpu.memory_space<hbm>>
      %dma_wait3A_3521 = arith.constant 0 : i32
      %dma_wait3A_3522 = arith.constant 0 : i32
      %dma_wait3A_3523 = tpu.memref_slice %arg7[%dma_wait3A_3513, %dma_wait3A_3521, %dma_wait3A_3522] : memref<8x32x128xf32, #tpu.memory_space<vmem>> -> memref<1x32x128xf32, #tpu.memory_space<vmem>>
      %dma_wait3A_3524 = tpu.memref_squeeze %dma_wait3A_3523 : memref<1x32x128xf32, #tpu.memory_space<vmem>> -> memref<32x128xf32, #tpu.memory_space<vmem>>
      %dma_wait3A_3525 = arith.constant 0 : i32
      %dma_wait3A_3526 = arith.constant 0 : i32
      %dma_wait3A_3527 = tpu.memref_slice %arg3[%dma_wait3A_3525, %dma_wait3A_3526] : memref<32x1000000xf32, #tpu.memory_space<hbm>> -> memref<32x128xf32, #tpu.memory_space<hbm>>
      tpu.wait_dma2 semaphore(%arg9 : memref<!tpu.dma_semaphore, #tpu.memory_space<semaphore_mem>>) src(%dma_wait3A_3527 : memref<32x128xf32, #tpu.memory_space<hbm>>) dst(%dma_wait3A_3524 : memref<32x128xf32, #tpu.memory_space<vmem>>)
      %mul3A_3528 = arith.constant 4 : i32
      %mul3A_3529 = arith.muli %scan3A_162, %mul3A_3528 : i32
      %add3A_3530 = arith.constant 3 : i32
      %add3A_3531 = arith.addi %mul3A_3529, %add3A_3530 : i32
      %mul3A_3532 = arith.constant 16 : i32
      %mul3A_3533 = arith.muli %add3A_3531, %mul3A_3532 : i32
      %get3A_3534 = arith.index_cast %mul3A_3533 : i32 to index
      %get3A_3535 = tpu.vector_load %arg5[%get3A_3534] {strides = array<i32>} : memref<512xi32, #tpu.memory_space<vmem>>, vector<16xi32>,
      %slice3A_3536 = vector.extract_strided_slice %get3A_3535 {offsets = [8], sizes = [1], strides = [1]} : vector<16xi32> to vector<1xi32>
      %squeeze3A_3537 = vector.extract %slice3A_3536[0] : i32 from vector<1xi32>
      %and3A_3538 = arith.constant 127 : i32
      %and3A_3539 = arith.andi %squeeze3A_3537, %and3A_3538 : i32
      %broadcast_in_dim3A_3540 = vector.broadcast %and3A_3539 : i32 to vector<16xi32>
      %broadcast_in_dim3A_3541 = arith.constant 0 : i32
      %broadcast_in_dim3A_3542 = vector.broadcast %broadcast_in_dim3A_3541 : i32 to vector<16xi32>
      %gather3A_3543 = tpu.vector_load_idx %arg7[%broadcast_in_dim3A_3542, %iota3A, %broadcast_in_dim3A_3540] : memref<8x32x128xf32, #tpu.memory_space<vmem>>[vector<16xi32>, vector<16xi32>, vector<16xi32>], vector<16xf32>,
      %swap3A_3544 = arith.constant 0 : i32
      %swap3A_3545 = arith.index_cast %swap3A_3544 : i32 to index
      %swap3A_3546 = arith.constant 0 : index
      %swap3A_3547 = tpu.vector_load %arg8[%swap3A_3545, %swap3A_3546] {strides = array<i32>} : memref<8x32xf32, #tpu.memory_space<vmem>>, vector<16xf32>,
      tpu.vector_store %arg8[%swap3A_3545, %swap3A_3546], %gather3A_3543 {strides = array<i32>} : memref<8x32xf32, #tpu.memory_space<vmem>>, vector<16xf32>,
      %add3A_3548 = arith.constant 16 : i32
      %add3A_3549 = vector.broadcast %add3A_3548 : i32 to vector<16xi32>
      %add3A_3550 = arith.addi %iota3A, %add3A_3549 : vector<16xi32>
      %gather3A_3551 = tpu.vector_load_idx %arg7[%broadcast_in_dim3A_3542, %add3A_3550, %broadcast_in_dim3A_3540] : memref<8x32x128xf32, #tpu.memory_space<vmem>>[vector<16xi32>, vector<16xi32>, vector<16xi32>], vector<16xf32>,
      %swap3A_3552 = arith.constant 0 : i32
      %swap3A_3553 = arith.index_cast %swap3A_3552 : i32 to index
      %swap3A_3554 = arith.constant 16 : index
      %swap3A_3555 = tpu.vector_load %arg8[%swap3A_3553, %swap3A_3554] {strides = array<i32>} : memref<8x32xf32, #tpu.memory_space<vmem>>, vector<16xf32>,
      tpu.vector_store %arg8[%swap3A_3553, %swap3A_3554], %gather3A_3551 {strides = array<i32>} : memref<8x32xf32, #tpu.memory_space<vmem>>, vector<16xf32>,
      %slice3A_3556 = vector.extract_strided_slice %get3A_3535 {offsets = [9], sizes = [1], strides = [1]} : vector<16xi32> to vector<1xi32>
      %squeeze3A_3557 = vector.extract %slice3A_3556[0] : i32 from vector<1xi32>
      %and3A_3558 = arith.constant 127 : i32
      %and3A_3559 = arith.andi %squeeze3A_3557, %and3A_3558 : i32
      %broadcast_in_dim3A_3560 = vector.broadcast %and3A_3559 : i32 to vector<16xi32>
      %broadcast_in_dim3A_3561 = arith.constant 1 : i32
      %broadcast_in_dim3A_3562 = vector.broadcast %broadcast_in_dim3A_3561 : i32 to vector<16xi32>
      %gather3A_3563 = tpu.vector_load_idx %arg7[%broadcast_in_dim3A_3562, %iota3A, %broadcast_in_dim3A_3560] : memref<8x32x128xf32, #tpu.memory_space<vmem>>[vector<16xi32>, vector<16xi32>, vector<16xi32>], vector<16xf32>,
      %swap3A_3564 = arith.constant 1 : i32
      %swap3A_3565 = arith.index_cast %swap3A_3564 : i32 to index
      %swap3A_3566 = arith.constant 0 : index
      %swap3A_3567 = tpu.vector_load %arg8[%swap3A_3565, %swap3A_3566] {strides = array<i32>} : memref<8x32xf32, #tpu.memory_space<vmem>>, vector<16xf32>,
      tpu.vector_store %arg8[%swap3A_3565, %swap3A_3566], %gather3A_3563 {strides = array<i32>} : memref<8x32xf32, #tpu.memory_space<vmem>>, vector<16xf32>,
      %add3A_3568 = arith.constant 16 : i32
      %add3A_3569 = vector.broadcast %add3A_3568 : i32 to vector<16xi32>
      %add3A_3570 = arith.addi %iota3A, %add3A_3569 : vector<16xi32>
      %gather3A_3571 = tpu.vector_load_idx %arg7[%broadcast_in_dim3A_3562, %add3A_3570, %broadcast_in_dim3A_3560] : memref<8x32x128xf32, #tpu.memory_space<vmem>>[vector<16xi32>, vector<16xi32>, vector<16xi32>], vector<16xf32>,
      %swap3A_3572 = arith.constant 1 : i32
      %swap3A_3573 = arith.index_cast %swap3A_3572 : i32 to index
      %swap3A_3574 = arith.constant 16 : index
      %swap3A_3575 = tpu.vector_load %arg8[%swap3A_3573, %swap3A_3574] {strides = array<i32>} : memref<8x32xf32, #tpu.memory_space<vmem>>, vector<16xf32>,
      tpu.vector_store %arg8[%swap3A_3573, %swap3A_3574], %gather3A_3571 {strides = array<i32>} : memref<8x32xf32, #tpu.memory_space<vmem>>, vector<16xf32>,
      %slice3A_3576 = vector.extract_strided_slice %get3A_3535 {offsets = [10], sizes = [1], strides = [1]} : vector<16xi32> to vector<1xi32>
      %squeeze3A_3577 = vector.extract %slice3A_3576[0] : i32 from vector<1xi32>
      %and3A_3578 = arith.constant 127 : i32
      %and3A_3579 = arith.andi %squeeze3A_3577, %and3A_3578 : i32
      %broadcast_in_dim3A_3580 = vector.broadcast %and3A_3579 : i32 to vector<16xi32>
      %broadcast_in_dim3A_3581 = arith.constant 2 : i32
      %broadcast_in_dim3A_3582 = vector.broadcast %broadcast_in_dim3A_3581 : i32 to vector<16xi32>
      %gather3A_3583 = tpu.vector_load_idx %arg7[%broadcast_in_dim3A_3582, %iota3A, %broadcast_in_dim3A_3580] : memref<8x32x128xf32, #tpu.memory_space<vmem>>[vector<16xi32>, vector<16xi32>, vector<16xi32>], vector<16xf32>,
      %swap3A_3584 = arith.constant 2 : i32
      %swap3A_3585 = arith.index_cast %swap3A_3584 : i32 to index
      %swap3A_3586 = arith.constant 0 : index
      %swap3A_3587 = tpu.vector_load %arg8[%swap3A_3585, %swap3A_3586] {strides = array<i32>} : memref<8x32xf32, #tpu.memory_space<vmem>>, vector<16xf32>,
      tpu.vector_store %arg8[%swap3A_3585, %swap3A_3586], %gather3A_3583 {strides = array<i32>} : memref<8x32xf32, #tpu.memory_space<vmem>>, vector<16xf32>,
      %add3A_3588 = arith.constant 16 : i32
      %add3A_3589 = vector.broadcast %add3A_3588 : i32 to vector<16xi32>
      %add3A_3590 = arith.addi %iota3A, %add3A_3589 : vector<16xi32>
      %gather3A_3591 = tpu.vector_load_idx %arg7[%broadcast_in_dim3A_3582, %add3A_3590, %broadcast_in_dim3A_3580] : memref<8x32x128xf32, #tpu.memory_space<vmem>>[vector<16xi32>, vector<16xi32>, vector<16xi32>], vector<16xf32>,
      %swap3A_3592 = arith.constant 2 : i32
      %swap3A_3593 = arith.index_cast %swap3A_3592 : i32 to index
      %swap3A_3594 = arith.constant 16 : index
      %swap3A_3595 = tpu.vector_load %arg8[%swap3A_3593, %swap3A_3594] {strides = array<i32>} : memref<8x32xf32, #tpu.memory_space<vmem>>, vector<16xf32>,
      tpu.vector_store %arg8[%swap3A_3593, %swap3A_3594], %gather3A_3591 {strides = array<i32>} : memref<8x32xf32, #tpu.memory_space<vmem>>, vector<16xf32>,
      %slice3A_3596 = vector.extract_strided_slice %get3A_3535 {offsets = [11], sizes = [1], strides = [1]} : vector<16xi32> to vector<1xi32>
      %squeeze3A_3597 = vector.extract %slice3A_3596[0] : i32 from vector<1xi32>
      %and3A_3598 = arith.constant 127 : i32
      %and3A_3599 = arith.andi %squeeze3A_3597, %and3A_3598 : i32
      %broadcast_in_dim3A_3600 = vector.broadcast %and3A_3599 : i32 to vector<16xi32>
      %broadcast_in_dim3A_3601 = arith.constant 3 : i32
      %broadcast_in_dim3A_3602 = vector.broadcast %broadcast_in_dim3A_3601 : i32 to vector<16xi32>
      %gather3A_3603 = tpu.vector_load_idx %arg7[%broadcast_in_dim3A_3602, %iota3A, %broadcast_in_dim3A_3600] : memref<8x32x128xf32, #tpu.memory_space<vmem>>[vector<16xi32>, vector<16xi32>, vector<16xi32>], vector<16xf32>,
      %swap3A_3604 = arith.constant 3 : i32
      %swap3A_3605 = arith.index_cast %swap3A_3604 : i32 to index
      %swap3A_3606 = arith.constant 0 : index
      %swap3A_3607 = tpu.vector_load %arg8[%swap3A_3605, %swap3A_3606] {strides = array<i32>} : memref<8x32xf32, #tpu.memory_space<vmem>>, vector<16xf32>,
      tpu.vector_store %arg8[%swap3A_3605, %swap3A_3606], %gather3A_3603 {strides = array<i32>} : memref<8x32xf32, #tpu.memory_space<vmem>>, vector<16xf32>,
      %add3A_3608 = arith.constant 16 : i32
      %add3A_3609 = vector.broadcast %add3A_3608 : i32 to vector<16xi32>
      %add3A_3610 = arith.addi %iota3A, %add3A_3609 : vector<16xi32>
      %gather3A_3611 = tpu.vector_load_idx %arg7[%broadcast_in_dim3A_3602, %add3A_3610, %broadcast_in_dim3A_3600] : memref<8x32x128xf32, #tpu.memory_space<vmem>>[vector<16xi32>, vector<16xi32>, vector<16xi32>], vector<16xf32>,
      %swap3A_3612 = arith.constant 3 : i32
      %swap3A_3613 = arith.index_cast %swap3A_3612 : i32 to index
      %swap3A_3614 = arith.constant 16 : index
      %swap3A_3615 = tpu.vector_load %arg8[%swap3A_3613, %swap3A_3614] {strides = array<i32>} : memref<8x32xf32, #tpu.memory_space<vmem>>, vector<16xf32>,
      tpu.vector_store %arg8[%swap3A_3613, %swap3A_3614], %gather3A_3611 {strides = array<i32>} : memref<8x32xf32, #tpu.memory_space<vmem>>, vector<16xf32>,
      %slice3A_3616 = vector.extract_strided_slice %get3A_3535 {offsets = [12], sizes = [1], strides = [1]} : vector<16xi32> to vector<1xi32>
      %squeeze3A_3617 = vector.extract %slice3A_3616[0] : i32 from vector<1xi32>
      %and3A_3618 = arith.constant 127 : i32
      %and3A_3619 = arith.andi %squeeze3A_3617, %and3A_3618 : i32
      %broadcast_in_dim3A_3620 = vector.broadcast %and3A_3619 : i32 to vector<16xi32>
      %broadcast_in_dim3A_3621 = arith.constant 4 : i32
      %broadcast_in_dim3A_3622 = vector.broadcast %broadcast_in_dim3A_3621 : i32 to vector<16xi32>
      %gather3A_3623 = tpu.vector_load_idx %arg7[%broadcast_in_dim3A_3622, %iota3A, %broadcast_in_dim3A_3620] : memref<8x32x128xf32, #tpu.memory_space<vmem>>[vector<16xi32>, vector<16xi32>, vector<16xi32>], vector<16xf32>,
      %swap3A_3624 = arith.constant 4 : i32
      %swap3A_3625 = arith.index_cast %swap3A_3624 : i32 to index
      %swap3A_3626 = arith.constant 0 : index
      %swap3A_3627 = tpu.vector_load %arg8[%swap3A_3625, %swap3A_3626] {strides = array<i32>} : memref<8x32xf32, #tpu.memory_space<vmem>>, vector<16xf32>,
      tpu.vector_store %arg8[%swap3A_3625, %swap3A_3626], %gather3A_3623 {strides = array<i32>} : memref<8x32xf32, #tpu.memory_space<vmem>>, vector<16xf32>,
      %add3A_3628 = arith.constant 16 : i32
      %add3A_3629 = vector.broadcast %add3A_3628 : i32 to vector<16xi32>
      %add3A_3630 = arith.addi %iota3A, %add3A_3629 : vector<16xi32>
      %gather3A_3631 = tpu.vector_load_idx %arg7[%broadcast_in_dim3A_3622, %add3A_3630, %broadcast_in_dim3A_3620] : memref<8x32x128xf32, #tpu.memory_space<vmem>>[vector<16xi32>, vector<16xi32>, vector<16xi32>], vector<16xf32>,
      %swap3A_3632 = arith.constant 4 : i32
      %swap3A_3633 = arith.index_cast %swap3A_3632 : i32 to index
      %swap3A_3634 = arith.constant 16 : index
      %swap3A_3635 = tpu.vector_load %arg8[%swap3A_3633, %swap3A_3634] {strides = array<i32>} : memref<8x32xf32, #tpu.memory_space<vmem>>, vector<16xf32>,
      tpu.vector_store %arg8[%swap3A_3633, %swap3A_3634], %gather3A_3631 {strides = array<i32>} : memref<8x32xf32, #tpu.memory_space<vmem>>, vector<16xf32>,
      %slice3A_3636 = vector.extract_strided_slice %get3A_3535 {offsets = [13], sizes = [1], strides = [1]} : vector<16xi32> to vector<1xi32>
      %squeeze3A_3637 = vector.extract %slice3A_3636[0] : i32 from vector<1xi32>
      %and3A_3638 = arith.constant 127 : i32
      %and3A_3639 = arith.andi %squeeze3A_3637, %and3A_3638 : i32
      %broadcast_in_dim3A_3640 = vector.broadcast %and3A_3639 : i32 to vector<16xi32>
      %broadcast_in_dim3A_3641 = arith.constant 5 : i32
      %broadcast_in_dim3A_3642 = vector.broadcast %broadcast_in_dim3A_3641 : i32 to vector<16xi32>
      %gather3A_3643 = tpu.vector_load_idx %arg7[%broadcast_in_dim3A_3642, %iota3A, %broadcast_in_dim3A_3640] : memref<8x32x128xf32, #tpu.memory_space<vmem>>[vector<16xi32>, vector<16xi32>, vector<16xi32>], vector<16xf32>,
      %swap3A_3644 = arith.constant 5 : i32
      %swap3A_3645 = arith.index_cast %swap3A_3644 : i32 to index
      %swap3A_3646 = arith.constant 0 : index
      %swap3A_3647 = tpu.vector_load %arg8[%swap3A_3645, %swap3A_3646] {strides = array<i32>} : memref<8x32xf32, #tpu.memory_space<vmem>>, vector<16xf32>,
      tpu.vector_store %arg8[%swap3A_3645, %swap3A_3646], %gather3A_3643 {strides = array<i32>} : memref<8x32xf32, #tpu.memory_space<vmem>>, vector<16xf32>,
      %add3A_3648 = arith.constant 16 : i32
      %add3A_3649 = vector.broadcast %add3A_3648 : i32 to vector<16xi32>
      %add3A_3650 = arith.addi %iota3A, %add3A_3649 : vector<16xi32>
      %gather3A_3651 = tpu.vector_load_idx %arg7[%broadcast_in_dim3A_3642, %add3A_3650, %broadcast_in_dim3A_3640] : memref<8x32x128xf32, #tpu.memory_space<vmem>>[vector<16xi32>, vector<16xi32>, vector<16xi32>], vector<16xf32>,
      %swap3A_3652 = arith.constant 5 : i32
      %swap3A_3653 = arith.index_cast %swap3A_3652 : i32 to index
      %swap3A_3654 = arith.constant 16 : index
      %swap3A_3655 = tpu.vector_load %arg8[%swap3A_3653, %swap3A_3654] {strides = array<i32>} : memref<8x32xf32, #tpu.memory_space<vmem>>, vector<16xf32>,
      tpu.vector_store %arg8[%swap3A_3653, %swap3A_3654], %gather3A_3651 {strides = array<i32>} : memref<8x32xf32, #tpu.memory_space<vmem>>, vector<16xf32>,
      %slice3A_3656 = vector.extract_strided_slice %get3A_3535 {offsets = [14], sizes = [1], strides = [1]} : vector<16xi32> to vector<1xi32>
      %squeeze3A_3657 = vector.extract %slice3A_3656[0] : i32 from vector<1xi32>
      %and3A_3658 = arith.constant 127 : i32
      %and3A_3659 = arith.andi %squeeze3A_3657, %and3A_3658 : i32
      %broadcast_in_dim3A_3660 = vector.broadcast %and3A_3659 : i32 to vector<16xi32>
      %broadcast_in_dim3A_3661 = arith.constant 6 : i32
      %broadcast_in_dim3A_3662 = vector.broadcast %broadcast_in_dim3A_3661 : i32 to vector<16xi32>
      %gather3A_3663 = tpu.vector_load_idx %arg7[%broadcast_in_dim3A_3662, %iota3A, %broadcast_in_dim3A_3660] : memref<8x32x128xf32, #tpu.memory_space<vmem>>[vector<16xi32>, vector<16xi32>, vector<16xi32>], vector<16xf32>,
      %swap3A_3664 = arith.constant 6 : i32
      %swap3A_3665 = arith.index_cast %swap3A_3664 : i32 to index
      %swap3A_3666 = arith.constant 0 : index
      %swap3A_3667 = tpu.vector_load %arg8[%swap3A_3665, %swap3A_3666] {strides = array<i32>} : memref<8x32xf32, #tpu.memory_space<vmem>>, vector<16xf32>,
      tpu.vector_store %arg8[%swap3A_3665, %swap3A_3666], %gather3A_3663 {strides = array<i32>} : memref<8x32xf32, #tpu.memory_space<vmem>>, vector<16xf32>,
      %add3A_3668 = arith.constant 16 : i32
      %add3A_3669 = vector.broadcast %add3A_3668 : i32 to vector<16xi32>
      %add3A_3670 = arith.addi %iota3A, %add3A_3669 : vector<16xi32>
      %gather3A_3671 = tpu.vector_load_idx %arg7[%broadcast_in_dim3A_3662, %add3A_3670, %broadcast_in_dim3A_3660] : memref<8x32x128xf32, #tpu.memory_space<vmem>>[vector<16xi32>, vector<16xi32>, vector<16xi32>], vector<16xf32>,
      %swap3A_3672 = arith.constant 6 : i32
      %swap3A_3673 = arith.index_cast %swap3A_3672 : i32 to index
      %swap3A_3674 = arith.constant 16 : index
      %swap3A_3675 = tpu.vector_load %arg8[%swap3A_3673, %swap3A_3674] {strides = array<i32>} : memref<8x32xf32, #tpu.memory_space<vmem>>, vector<16xf32>,
      tpu.vector_store %arg8[%swap3A_3673, %swap3A_3674], %gather3A_3671 {strides = array<i32>} : memref<8x32xf32, #tpu.memory_space<vmem>>, vector<16xf32>,
      %slice3A_3676 = vector.extract_strided_slice %get3A_3535 {offsets = [15], sizes = [1], strides = [1]} : vector<16xi32> to vector<1xi32>
      %squeeze3A_3677 = vector.extract %slice3A_3676[0] : i32 from vector<1xi32>
      %and3A_3678 = arith.constant 127 : i32
      %and3A_3679 = arith.andi %squeeze3A_3677, %and3A_3678 : i32
      %broadcast_in_dim3A_3680 = vector.broadcast %and3A_3679 : i32 to vector<16xi32>
      %broadcast_in_dim3A_3681 = arith.constant 7 : i32
      %broadcast_in_dim3A_3682 = vector.broadcast %broadcast_in_dim3A_3681 : i32 to vector<16xi32>
      %gather3A_3683 = tpu.vector_load_idx %arg7[%broadcast_in_dim3A_3682, %iota3A, %broadcast_in_dim3A_3680] : memref<8x32x128xf32, #tpu.memory_space<vmem>>[vector<16xi32>, vector<16xi32>, vector<16xi32>], vector<16xf32>,
      %swap3A_3684 = arith.constant 7 : i32
      %swap3A_3685 = arith.index_cast %swap3A_3684 : i32 to index
      %swap3A_3686 = arith.constant 0 : index
      %swap3A_3687 = tpu.vector_load %arg8[%swap3A_3685, %swap3A_3686] {strides = array<i32>} : memref<8x32xf32, #tpu.memory_space<vmem>>, vector<16xf32>,
      tpu.vector_store %arg8[%swap3A_3685, %swap3A_3686], %gather3A_3683 {strides = array<i32>} : memref<8x32xf32, #tpu.memory_space<vmem>>, vector<16xf32>,
      %add3A_3688 = arith.constant 16 : i32
      %add3A_3689 = vector.broadcast %add3A_3688 : i32 to vector<16xi32>
      %add3A_3690 = arith.addi %iota3A, %add3A_3689 : vector<16xi32>
      %gather3A_3691 = tpu.vector_load_idx %arg7[%broadcast_in_dim3A_3682, %add3A_3690, %broadcast_in_dim3A_3680] : memref<8x32x128xf32, #tpu.memory_space<vmem>>[vector<16xi32>, vector<16xi32>, vector<16xi32>], vector<16xf32>,
      %swap3A_3692 = arith.constant 7 : i32
      %swap3A_3693 = arith.index_cast %swap3A_3692 : i32 to index
      %swap3A_3694 = arith.constant 16 : index
      %swap3A_3695 = tpu.vector_load %arg8[%swap3A_3693, %swap3A_3694] {strides = array<i32>} : memref<8x32xf32, #tpu.memory_space<vmem>>, vector<16xf32>,
      tpu.vector_store %arg8[%swap3A_3693, %swap3A_3694], %gather3A_3691 {strides = array<i32>} : memref<8x32xf32, #tpu.memory_space<vmem>>, vector<16xf32>,
      %mul3A_3696 = arith.constant 8 : i32
      %mul3A_3697 = arith.muli %scan3A_162, %mul3A_3696 : i32
      %add3A_3698 = arith.constant 7 : i32
      %add3A_3699 = arith.addi %mul3A_3697, %add3A_3698 : i32
      %mul3A_3700 = arith.constant 8 : i32
      %mul3A_3701 = arith.muli %add3A_3699, %mul3A_3700 : i32
      %add3A_3702 = arith.addi %mul3A_2, %mul3A_3701 : i32
      %multiple_of3A_3703 = tpu.assume_multiple %add3A_3702, 8 : i32
      "tpu.region"() ({
        %run_scoped3A = tpu.sem_alloc : memref<!tpu.dma_semaphore, #tpu.memory_space<semaphore_mem>>
        %dma_start3A_3704 = arith.constant 0 : i32
        %dma_start3A_3705 = tpu.memref_slice %arg4[%multiple_of3A_3703, %dma_start3A_3704] : memref<16384x32xf32, #tpu.memory_space<hbm>> -> memref<8x32xf32, #tpu.memory_space<hbm>>
        %dma_start3A_3706 = arith.constant 0 : i32
        %dma_start3A_3707 = tpu.memref_slice %arg4[%multiple_of3A_3703, %dma_start3A_3706] : memref<16384x32xf32, #tpu.memory_space<hbm>> -> memref<8x32xf32, #tpu.memory_space<hbm>>
        tpu.enqueue_dma source(%arg8 : memref<8x32xf32, #tpu.memory_space<vmem>>) target(%dma_start3A_3707 : memref<8x32xf32, #tpu.memory_space<hbm>>) target_semaphore(%run_scoped3A : memref<!tpu.dma_semaphore, #tpu.memory_space<semaphore_mem>>)
        %dma_wait3A_3708 = arith.constant 0 : i32
        %dma_wait3A_3709 = tpu.memref_slice %arg4[%multiple_of3A_3703, %dma_wait3A_3708] : memref<16384x32xf32, #tpu.memory_space<hbm>> -> memref<8x32xf32, #tpu.memory_space<hbm>>
        %dma_wait3A_3710 = arith.constant 0 : i32
        %dma_wait3A_3711 = tpu.memref_slice %arg4[%multiple_of3A_3703, %dma_wait3A_3710] : memref<16384x32xf32, #tpu.memory_space<hbm>> -> memref<8x32xf32, #tpu.memory_space<hbm>>
        tpu.wait_dma2 semaphore(%run_scoped3A : memref<!tpu.dma_semaphore, #tpu.memory_space<semaphore_mem>>) src(%arg8 : memref<8x32xf32, #tpu.memory_space<vmem>>) dst(%dma_wait3A_3711 : memref<8x32xf32, #tpu.memory_space<hbm>>)
        tpu.yield
      }) : () -> ()
    }
    %scan3A_161 = arith.constant 8 : i32
    return
  }
}

</mosaic_0001>

<sc_bundles>
// kernel: kernel.3.cloned.1.call-start
scs
__scs_entry_jumppad:
0x0: {  	(pc) =	sbr.rel $0x88, $3  }
0x1: {  	(tag) =	ssettag $0x0;
	lr =	simm.s32 $0x1  }
0x2: {  	[smem:$0x3F9F] =	sst lr;
	_ =	strace $0xD0000000  }
0x3: {  	_ = 	snop  }
0x4: {  	_ = 	snop  }
0x5: {  	_ = 	snop  }
0x6: {  	_ = 	snop  }
0x7: {  	_ = 	snop  }
__scs_overlays_trampoline_lowered:
0x8: {  	[smem:$0x3FAE] =	sst s0  }
0x9: {  	[smem:$0x3FAF] =	sst s1  }
0xa: {  	[smem:$0x3FB0] =	sst s2  }
0xb: {  	[smem:$0x3FB1] =	sst s3  }
0xc: {  	[smem:$0x3FB2] =	sst s4  }
0xd: {  	[smem:$0x3FB3] =	sst s5  }
0xe: {  	[smem:$0x3FB4] =	sst s6  }
0xf: {  	[smem:$0x3FB5] =	sst s7  }
0x10: {  	[smem:$0x3FB6] =	sst s8  }
0x11: {  	[smem:$0x3FB7] =	sst s9;
	s0 =	simm.s32 @!p0 $0x0  }
0x12: {  	s1 =	sld [smem:$0x3F9D];
	s0 =	simm.s32 @p0 $0x1  }
0x13: {  	[smem:$0x3FB8] =	sst s0;
	s0 =	simm.s32 @!p1 $0x0  }
0x14: {  	s2 =	sld [smem:$0x3F9C];
	s0 =	simm.s32 @p1 $0x1  }
0x15: {  	[smem:$0x3FB9] =	sst s0;
	s0 =	simm.s32 @!p2 $0x0  }
0x16: {  	s3 =	sld [smem:$0x3FDB];
	s0 =	simm.s32 @p2 $0x1  }
0x17: {  	s4 =	simm.s32 $0x1BF5;
	[smem:$0x3FBB] =	sst s0  }
0x18: {  	s0 =	sld [smem:$0x3F9E];
	_ =	swait.ge [sflag:s4], $0x0  }
0x19: {  	s7 =	sld [smem:$0x3F9F]  }
0x1a: {  	s8 =	sadd.s32 $0xFFFFE003, lr  }
0x1b: {  	s9 =	sadd.s32 $0xFFFFFEF7, lr;
	s5 =	simm.s32 $0xFFFFFFFF;
	p2 =	slt.u32 s8, $0xFFFFF086  }
0x1c: {  	p1 =	slt.u32 s9, $0xF7A;
	s5 =	simm.s32 @!p2 $0x0  }
0x1d: {  	s5 =	simm.s32 @p1 $0x1;
	p0 =	seq.s32 s7, s2  }
0x1e: {  	s7 =	smul.u32 @!p0 $0xF7A, s2;
	p2 =	seq.s32 @!p0 s5, $0x0  }
0x1f: {  	s9 =	smul.u32 $0xF7A, s1;
	s8 =	simm.s32 @!p0 $0x1BF5;
	p2 =	por !p2, p0  }
0x20: {  	[sflag:s8] =	ssyncset.s32 @!p0 $0xFFFFF086;
	s6 =	sadd.s32 @!p0 s3, s7;
	s7 =	simm.s32 @!p0 $0x108  }
0x21: {  	s3 =	sadd.s32 s3, s9;
	s6 =	sadd.s32 @!p0 $0x88, s6;
	s7 =	simm.s32 @p2 $0x1082  }
0x22: {  	[simem:s7], [sflag:s8] =	dma.local @!p0 [hbm:s6], $0xF7A  }
0x23: {  	s9 =	sor.u32 $0xD0000000, s2;
	s6 =	simm.s32 $0x108;
	_ =	swait.ge @!p0 [sflag:s8], $0x0  }
0x24: {  	s3 =	sadd.s32 $0x88, s3;
	s6 =	simm.s32 @!p1 $0x1082;
	[sflag:s4] =	ssyncset.s32 $0xFFFFF086  }
0x25: {  	[simem:s6], [sflag:s4] =	dma.local [hbm:s3], $0xF7A  }
0x26: {  	[smem:$0x3F9F] =	sst s1;
	(tag) =	ssettag s2;
	_ =	strace s9  }
0x27: {  	s1 =	sld [smem:$0x3FAF]  }
0x28: {  	s2 =	sld [smem:$0x3FB0]  }
0x29: {  	s4 =	sld [smem:$0x3FB2]  }
0x2a: {  	p0 =	seq.s32 s5, $0x0;
	s5 =	sld [smem:$0x3FB3]  }
0x2b: {  	s6 =	sld [smem:$0x3FB4]  }
0x2c: {  	s7 =	sld [smem:$0x3FB5]  }
0x2d: {  	s3 =	simm.s32 $0x108;
	s8 =	sld [smem:$0x3FB6]  }
0x2e: {  	s3 =	simm.s32 @!p0 $0x1082;
	s9 =	sld [smem:$0x3FB7]  }
0x2f: {  	lr =	sadd.s32 s0, s3;
	s0 =	sld [smem:$0x3FAE]  }
0x30: {  	s3 =	sld [smem:$0x3FB1]  }
0x31: {  	[smem:$0x3FBA] =	sst s10  }
0x32: {  	s10 =	sld [smem:$0x3FB8];
	_ =	sdelay $0x3  }
0x33: {  	p0 =	seq.s32 s10, $0x1;
	s10 =	sld [smem:$0x3FBA];
	_ =	sdelay $0x3  }
0x34: {  	[smem:$0x3FBA] =	sst s10  }
0x35: {  	s10 =	sld [smem:$0x3FB9];
	_ =	sdelay $0x3  }
0x36: {  	p1 =	seq.s32 s10, $0x1;
	s10 =	sld [smem:$0x3FBA];
	_ =	sdelay $0x3  }
0x37: {  	[smem:$0x3FBA] =	sst s10  }
0x38: {  	s10 =	sld [smem:$0x3FBB]  }
0x39: {  	_ = 	snop;
	(pc) =	sbr.ind lr, $3  }
0x3a: {  	_ = 	snop  }
0x3b: {  	_ = 	snop  }
0x3c: {  	p2 =	seq.s32 s10, $0x1;
	s10 =	sld [smem:$0x3FBA]  }
0x3d: {  	_ =	shalt  }
0x3e: {  	_ =	shalt  }
0x3f: {  	_ =	shalt  }
0x40: {  	_ =	shalt  }
0x41: {  	_ =	shalt  }
0x42: {  	_ =	shalt  }
0x43: {  	_ =	shalt  }
0x44: {  	_ =	shalt  }
0x45: {  	_ =	shalt  }
0x46: {  	_ =	shalt  }
0x47: {  	_ =	shalt  }
0x48: {  	_ =	shalt  }
0x49: {  	_ =	shalt  }
0x4a: {  	_ =	shalt  }
0x4b: {  	_ =	shalt  }
0x4c: {  	_ =	shalt  }
0x4d: {  	_ =	shalt  }
0x4e: {  	_ =	shalt  }
0x4f: {  	_ =	shalt  }
0x50: {  	_ =	shalt  }
0x51: {  	_ =	shalt  }
0x52: {  	_ =	shalt  }
0x53: {  	_ =	shalt  }
0x54: {  	_ =	shalt  }
0x55: {  	_ =	shalt  }
0x56: {  	_ =	shalt  }
0x57: {  	_ =	shalt  }
0x58: {  	_ =	shalt  }
0x59: {  	_ =	shalt  }
0x5a: {  	_ =	shalt  }
0x5b: {  	_ =	shalt  }
0x5c: {  	_ =	shalt  }
0x5d: {  	_ =	shalt  }
0x5e: {  	_ =	shalt  }
0x5f: {  	_ =	shalt  }
0x60: {  	_ =	shalt  }
0x61: {  	_ =	shalt  }
0x62: {  	_ =	shalt  }
0x63: {  	_ =	shalt  }
0x64: {  	_ =	shalt  }
0x65: {  	_ =	shalt  }
0x66: {  	_ =	shalt  }
0x67: {  	_ =	shalt  }
0x68: {  	_ =	shalt  }
0x69: {  	_ =	shalt  }
0x6a: {  	_ =	shalt  }
0x6b: {  	_ =	shalt  }
0x6c: {  	_ =	shalt  }
0x6d: {  	_ =	shalt  }
0x6e: {  	_ =	shalt  }
0x6f: {  	_ =	shalt  }
0x70: {  	_ =	shalt  }
0x71: {  	_ =	shalt  }
0x72: {  	_ =	shalt  }
0x73: {  	_ =	shalt  }
0x74: {  	_ =	shalt  }
0x75: {  	_ =	shalt  }
0x76: {  	_ =	shalt  }
0x77: {  	_ =	shalt  }
0x78: {  	_ =	shalt  }
0x79: {  	_ =	shalt  }
0x7a: {  	_ =	shalt  }
0x7b: {  	_ =	shalt  }
0x7c: {  	_ =	shalt  }
0x7d: {  	_ =	shalt  }
0x7e: {  	_ =	shalt  }
0x7f: {  	_ =	shalt  }
0x80: {  	_ =	shalt  }
0x81: {  	_ =	shalt  }
0x82: {  	_ =	shalt  }
0x83: {  	_ =	shalt  }
0x84: {  	_ =	shalt  }
0x85: {  	_ =	shalt  }
0x86: {  	_ =	shalt  }
0x87: {  	_ =	shalt  }
.Lfunc_end0:
.L_simem_size_0:
called_computation_lowered:
.L_overlay_start_0:
0x88: {  	s2 =	sld [smem:$0x3FD9]  }
0x89: {  	s3 =	sld [smem:$0x3FFE];
	_ =	sdelay $0x1  }
0x8a: {  	s1 =	srdreg.scid  }
0x8b: {  	s0 =	sand.u32 $0x1, s1  }
0x8c: {  	s17 =	sshll.u32 s0, $0xA;
	s2 =	sadd.s32 s3, s2  }
0x8d: {  	s2 =	sadd.s32 s2, s17  }
0x8e: {  	[smem:$0x3FC6] =	sst s2  }
0x8f: {  	_ = 	snop  }
0x90: {  	s2 =	sld [smem:$0x3FC9]  }
0x91: {  	s18 =	sld [smem:$0x3FC8];
	(tm) =	ssettm $0x1  }
0x92: {  	s4 =	sld [smem:$0x3FFB];
	_ =	sdelay $0x3  }
0x93: {  	_ =	strace s4  }
0x94: {  	s4 =	sld [smem:$0x3FFC];
	_ =	sdelay $0x3  }
0x95: {  	_ =	strace s4  }
0x96: {  	s4 =	sld [smem:$0x3FFD];
	_ =	sdelay $0x3  }
0x97: {  	_ =	strace s4  }
0x98: {  	_ =	strace $0x8FFFFFFF  }
0x99: {  	s19 =	sld [smem:$0x3FDB];
	_ =	sdelay $0x1  }
0x9a: {  	s5 =	simm.s32 $_scs_section_size  }
0x9b: {  	s6 =	simm.s32 $_size__tile_overlayer_lowered;
	s7 =	simm.s32 $_tile_overlayer_lowered  }
0x9c: {  	s22 =	simm.s32 $0x1BFF;
	s21 =	sshll.u32 s7, $0x1;
	s4 =	sadd.s32 s5, s19  }
0x9d: {  	s8 =	simm.s32 $0x0;
	s20 =	sshll.u32 s6, $0x1;
	s6 =	sadd.s32 s21, s4  }
0x9e: {  	[timem:s8], [sflag:s22] =	dma.local [hbm:s6], s20  }
0x9f: {  	_ =	swait.ge [sflag:s22], s20  }
0xa0: {  	s5 =	ssub.s32 $0x0, s20;
	[sflag:s22] =	ssyncset.done $0x0  }
0xa1: {  	[sflag:s22] =	ssyncadd.s32 s5;
	_ =	sdelay $0x1  }
0xa2: {  	s23 =	simm.s32 $0x1B8B  }
0xa3: {  	_ =	swait.ge [sflag:s23], $0x1  }
0xa4: {  	[sflag:s23] =	ssyncset.done $0x0  }
0xa5: {  	s25 =	simm.s32 $0x1B8E;
	s24 =	sld [smem:$0x3FFE];
	[sflag:s23] =	ssyncadd.s32 $0xFFFFFFFF  }
0xa6: {  	s26 =	simm.s32 $execute0_lowered;
	[smem:$0x3FD2] =	sst s25  }
0xa7: {  	s6 =	sshll.u32 s26, $0x1;
	_ =	strace $0x80000046;
	[dreg:$0x1] =	wrdreg $0xFFFFFFFF  }
0xa8: {  	s28 =	simm.s32 $_size_execute0_lowered;
	s4 =	sadd.s32 s4, s6;
	[dreg:$0x0] =	wrdreg $0x0  }
0xa9: {  	s6 =	sshll.u32 s28, $0x1;
	[dreg:$0x2] =	wrdreg s4  }
0xaa: {  	[dreg:$0x3] =	wrdreg s6  }
0xab: {  	[dreg:$0x4] =	wrdreg $0xC0  }
0xac: {  	_ =	task [dreg:s8], $0x5FFFF  }
0xad: {  	[dreg:$0x1] =	wrdreg $0xFFFFFFFF  }
0xae: {  	[dreg:$0x0] =	wrdreg $0x60  }
0xaf: {  	[dreg:$0x2] =	wrdreg s2  }
0xb0: {  	[dreg:$0x3] =	wrdreg s18  }
0xb1: {  	[dreg:$0x4] =	wrdreg s24  }
0xb2: {  	[dreg:$0x5] =	wrdreg $0x9  }
0xb3: {  	_ =	task.clear_ibuf [dreg:s8], $0x6FFFF;
	_ =	strace $0x90000046  }
0xb4: {  	s29 =	simm.s32 $0x9;
	_ =	strace $0x80000048  }
0xb5: {  	_ =	swait.ge [sflag:s29], $0x1  }
0xb6: {  	[sflag:s29] =	ssyncadd.s32 $0xFFFFFFFF  }
0xb7: {  	_ =	strace $0x90000048  }
0xb8: {  	_ =	sfence  }
0xb9: {  	s30 =	sld [smem:$0x0];
	_ =	sdelay $0x2  }
0xba: {  	s31 =	sshll.u32 s1, $0xD;
	s1 =	sshrl.u32 s1, $0x2  }
0xbb: {  	s3 =	sand.u32 $0x4000, s31;
	s1 =	sadd.s32 s1, s30  }
0xbc: {  	s0 =	sor.u32 s3, s0;
	s1 =	sshll.u32 s1, $0x11  }
0xbd: {  	s0 =	sor.u32 s1, s0  }
0xbe: {  	s0 =	sadd.s32 $0x8F2B, s0  }
0xbf: {  	[sflag:s0] =	ssyncadd.remote.s32 $0x1  }
0xc0: {  	_ =	sfence.sel $0xFFFF  }
0xc1: {  	[dreg:$0x0] =	wrdreg $0xFFFFFFFF;
	(pc) =	sbr.abs _section_cstart, $3  }
0xc2: {  	[dreg:$0x1] =	wrdreg $0xFFFFFFFF  }
0xc3: {  	_ =	task.clear_ibuf [dreg:s8], $0x2FFFF;
	_ =	strace $0x9FFFFFFF  }
0xc4: {  	(tm) =	ssettm $0x7FFFFFFF  }
0xc5: {  	_ =	shalt  }
tec
execute0_lowered:
.L_overlay_start_1:
0x0: {  	(tag) =	ssettag $0x1  }
0x1: {  	s4 =	rddreg [dreg:$0x0]  }
0x2: {  	s1 =	rddreg [dreg:$0x1]  }
0x3: {  	s5 =	rddreg [dreg:$0x2]  }
0x4: {  	s3 =	simm.s32 $0x0;
	s0 =	stileid.u32;
	s6 =	srdreg.scid  }
0x5: {  	s10 =	simm.s32 $0x1200;
	s11 =	simm.s32 $0x2200;
	s12 =	simm.s32 $0x3200  }
0x6: {  	s13 =	simm.s32 $0x4200;
	s14 =	simm.s32 $0x5200;
	s15 =	simm.s32 $0x6200  }
0x7: {  	s16 =	simm.s32 $0x7200;
	s17 =	simm.s32 $0x8200;
	s18 =	simm.s32 $0x9200  }
0x8: {  	s19 =	simm.s32 $0xA200;
	s20 =	simm.s32 $0xB200;
	s21 =	simm.s32 $0xC200  }
0x9: {  	s22 =	simm.s32 $0xD200;
	s23 =	simm.s32 $0xE200;
	s28 =	simm.s32 $0x0  }
0xa: {  	[smem:$0x7FF] =	sst s3;
	s7 =	sshll.u32 s0, $0xE;
	s6 =	sand.u32 $0x1, s6  }
0xb: {  	v0 =	vlaneseq.u32;
	s24 =	sshll.u32 s0, $0xA;
	_ =	strace $0x80000047;
	s5 =	sadd.s32 s7, s5  }
0xc: {  	v0 =	vmul.u32 $0x80, v0;
	s8 =	sshll.u32 s6, $0x9;
	s9 =	ssub.s32 $0x2, s6;
	s6 =	sshll.u32 s6, $0xD  }
0xd: {  	s7 =	sor.u32 s8, s24;
	s25 =	sshrl.u32 s9, $0x1;
	s5 =	sadd.s32 s6, s5  }
0xe: {  	s6 =	simm.s32 $0x2;
	s8 =	simm.s32 $0x7A1400;
	v1 =	vor.u32 $0x800, v0;
	v2 =	vor.u32 $0x1000, v0;
	v3 =	vor.u32 $0x1800, v0;
	s24 =	simm.s32 $0xF200  }
0xf: {  	v4 =	vor.u32 $0x2000, v0;
	v5 =	vor.u32 $0x2800, v0;
	v6 =	vor.u32 $0x3000, v0;
	s7 =	sshrl.u32 s7, $0x3;
	s26 =	ssub.s32 s9, s25;
	s30 =	sadd.s32 $0x400, s5  }
0x10: {  	v7 =	vor.u32 $0x3800, v0;
	v8 =	vor.u32 $0x4000, v0;
	v9 =	vor.u32 $0x4800, v0;
	s9 =	simm.s32 $0x200;
	s29 =	sadd.s32 s4, s7;
	[dreg:$0x4] =	wrdreg s30  }
0x11: {  	v10 =	vor.u32 $0x5000, v0;
	v11 =	vor.u32 $0x5800, v0;
	v12 =	vor.u32 $0x6000, v0;
	s25 =	simm.s32 $0x1;
	s31 =	smax.u32 s26, $0x1;
	[dreg:$0x5] =	wrdreg s29  }
0x12: {  	v13 =	vor.u32 $0x6800, v0;
	v14 =	vor.u32 $0x7000, v0;
	v15 =	vor.u32 $0x7800, v0;
	s7 =	simm.s32 $0x400;
	s26 =	simm.s32 $0x10200;
	[dreg:$0x6] =	wrdreg s31  }
.LBB2_1:
0x13: {  	s0 =	rddreg [dreg:$0x5]  }
0x14: {  	[tilespmem:s3], [sflag:$0x2] =	stream.linear.gather [hbm4b:s0+s3], $0x200, $0x38;
	[tilespmem:$0x10600] =	vst v63  }
0x15: {  	_ =	swait.ge [sflag:s6], $0x200  }
0x16: {  	[sflag:s6] =	ssyncset.done $0x0  }
0x17: {  	[sflag:s6] =	ssyncadd.s32 $0xFFFFFE00  }
0x18: {  	v16 =	vld [tilespmem:$0x0];
	_ =	sdelay $0x4  }
0x19: {  	(v2sf) =	vpush v16, $0x0;
	_ =	sdelay $0x3  }
0x1a: {  	(v2sf) =	vpush v16, $0x1;
	_ =	sdelay $0x3  }
0x1b: {  	(v2sf) =	vpush v16, $0x2;
	_ =	sdelay $0x1  }
0x1c: {  	(v2sf) =	vpush v16, $0x3;
	_ =	sdelay $0x2  }
0x1d: {  	(v2sf) =	vpush v16, $0x4;
	_ =	sdelay $0x1  }
0x1e: {  	s29 =	spop (v2sf)  }
0x1f: {  	s29 =	sand.u32 $0xFFFFF80, s29  }
0x20: {  	s29 =	sadd.s32 s1, s29  }
0x21: {  	(v2sf) =	vpush v16, $0x5;
	[tilespmem:s9], [sflag:$0x1] =	stream.strided.gather [hbm4b:s29+s7], $0x1000, s8, s7, $0x38;
	[tilespmem:$0x10600] =	vst v63  }
0x22: {  	s29 =	spop (v2sf)  }
0x23: {  	(v2sf) =	vpush v16, $0x6;
	s29 =	sand.u32 $0xFFFFF80, s29  }
0x24: {  	s29 =	sadd.s32 s1, s29  }
0x25: {  	[tilespmem:s10], [sflag:$0x1] =	stream.strided.gather [hbm4b:s29+s7], $0x1000, s8, s7, $0x38;
	[tilespmem:$0x10600] =	vst v63  }
0x26: {  	s29 =	spop (v2sf)  }
0x27: {  	s29 =	sand.u32 $0xFFFFF80, s29  }
0x28: {  	(v2sf) =	vpush v16, $0x7;
	s30 =	spop (v2sf);
	s29 =	sadd.s32 s1, s29  }
0x29: {  	[tilespmem:s11], [sflag:$0x1] =	stream.strided.gather [hbm4b:s29+s7], $0x1000, s8, s7, $0x38;
	[tilespmem:$0x10600] =	vst v63  }
0x2a: {  	s29 =	sand.u32 $0xFFFFF80, s30  }
0x2b: {  	s30 =	spop (v2sf);
	s29 =	sadd.s32 s1, s29  }
0x2c: {  	[tilespmem:s12], [sflag:$0x1] =	stream.strided.gather [hbm4b:s29+s7], $0x1000, s8, s7, $0x38;
	[tilespmem:$0x10600] =	vst v63  }
0x2d: {  	s29 =	sand.u32 $0xFFFFF80, s30  }
0x2e: {  	s29 =	sadd.s32 s1, s29  }
0x2f: {  	[tilespmem:s13], [sflag:$0x1] =	stream.strided.gather [hbm4b:s29+s7], $0x1000, s8, s7, $0x38;
	[tilespmem:$0x10600] =	vst v63  }
0x30: {  	s30 =	spop (v2sf)  }
0x31: {  	s29 =	sand.u32 $0xFFFFF80, s30  }
0x32: {  	s29 =	sadd.s32 s1, s29;
	s30 =	spop (v2sf)  }
0x33: {  	[tilespmem:s14], [sflag:$0x1] =	stream.strided.gather [hbm4b:s29+s7], $0x1000, s8, s7, $0x38;
	[tilespmem:$0x10600] =	vst v63  }
0x34: {  	s29 =	sand.u32 $0xFFFFF80, s30  }
0x35: {  	s29 =	sadd.s32 s1, s29  }
0x36: {  	[tilespmem:s15], [sflag:$0x1] =	stream.strided.gather [hbm4b:s29+s7], $0x1000, s8, s7, $0x38;
	[tilespmem:$0x10600] =	vst v63  }
0x37: {  	s29 =	spop (v2sf)  }
0x38: {  	s29 =	sand.u32 $0xFFFFF80, s29  }
0x39: {  	s29 =	sadd.s32 s1, s29  }
0x3a: {  	[tilespmem:s16], [sflag:$0x1] =	stream.strided.gather [hbm4b:s29+s7], $0x1000, s8, s7, $0x38;
	[tilespmem:$0x10600] =	vst v63  }
0x3b: {  	s30 =	simm.s32 $0x0;
	s29 =	simm.s32 $0x20  }
.LBB2_2:
0x3c: {  	v16 =	vld [tilespmem:s29+$0xFFFFFFE0];
	_ =	sdelay $0x4  }
0x3d: {  	(v2sf) =	vpush v16, $0x8;
	_ =	sdelay $0x1  }
0x3e: {  	(v2sf) =	vpush v16, $0x9;
	_ =	sdelay $0x1  }
0x3f: {  	(v2sf) =	vpush v16, $0xA;
	_ =	sdelay $0x2  }
0x40: {  	(v2sf) =	vpush v16, $0xB;
	_ =	sdelay $0x7  }
0x41: {  	s31 =	spop (v2sf);
	(v2sf) =	vpush v16, $0xC;
	_ =	sdelay $0x1  }
0x42: {  	s5 =	spop (v2sf);
	(v2sf) =	vpush v16, $0xD  }
0x43: {  	s31 =	sand.u32 $0xFFFFF80, s31  }
0x44: {  	s31 =	sadd.s32 s1, s31;
	s0 =	spop (v2sf)  }
0x45: {  	(v2sf) =	vpush v16, $0xE;
	[tilespmem:s17], [sflag:$0x1] =	stream.strided.gather [hbm4b:s31+s7], $0x1000, s8, s7, $0x38;
	[tilespmem:$0x10600] =	vst v63  }
0x46: {  	s31 =	sand.u32 $0xFFFFF80, s5  }
0x47: {  	s2 =	spop (v2sf);
	s31 =	sadd.s32 s1, s31  }
0x48: {  	(v2sf) =	vpush v16, $0xF;
	[tilespmem:s18], [sflag:$0x1] =	stream.strided.gather [hbm4b:s31+s7], $0x1000, s8, s7, $0x38;
	[tilespmem:$0x10600] =	vst v63  }
0x49: {  	s31 =	sand.u32 $0xFFFFF80, s0  }
0x4a: {  	s31 =	sadd.s32 s1, s31  }
0x4b: {  	[tilespmem:s19], [sflag:$0x1] =	stream.strided.gather [hbm4b:s31+s7], $0x1000, s8, s7, $0x38;
	[tilespmem:$0x10600] =	vst v63  }
0x4c: {  	s31 =	sand.u32 $0xFFFFF80, s2  }
0x4d: {  	s31 =	sadd.s32 s1, s31  }
0x4e: {  	[tilespmem:s20], [sflag:$0x1] =	stream.strided.gather [hbm4b:s31+s7], $0x1000, s8, s7, $0x38;
	[tilespmem:$0x10600] =	vst v63  }
0x4f: {  	s4 =	spop (v2sf)  }
0x50: {  	s31 =	sand.u32 $0xFFFFF80, s4  }
0x51: {  	s5 =	spop (v2sf);
	s31 =	sadd.s32 s1, s31  }
0x52: {  	[tilespmem:s21], [sflag:$0x1] =	stream.strided.gather [hbm4b:s31+s7], $0x1000, s8, s7, $0x38;
	[tilespmem:$0x10600] =	vst v63  }
0x53: {  	s31 =	sand.u32 $0xFFFFF80, s5  }
0x54: {  	s0 =	spop (v2sf);
	s31 =	sadd.s32 s1, s31  }
0x55: {  	[tilespmem:s22], [sflag:$0x1] =	stream.strided.gather [hbm4b:s31+s7], $0x1000, s8, s7, $0x38;
	[tilespmem:$0x10600] =	vst v63  }
0x56: {  	s31 =	sand.u32 $0xFFFFF80, s0  }
0x57: {  	s2 =	spop (v2sf);
	s31 =	sadd.s32 s1, s31  }
0x58: {  	[tilespmem:s23], [sflag:$0x1] =	stream.strided.gather [hbm4b:s31+s7], $0x1000, s8, s7, $0x38;
	[tilespmem:$0x10600] =	vst v63  }
0x59: {  	s31 =	sand.u32 $0xFFFFF80, s2  }
0x5a: {  	s31 =	sadd.s32 s1, s31  }
0x5b: {  	[tilespmem:s24], [sflag:$0x1] =	stream.strided.gather [hbm4b:s31+s7], $0x1000, s8, s7, $0x38;
	[tilespmem:$0x10600] =	vst v63  }
0x5c: {  	_ =	swait.ge [sflag:s25], $0x1000  }
0x5d: {  	[sflag:s25] =	ssyncset.done $0x0  }
0x5e: {  	[sflag:s25] =	ssyncadd.s32 $0xFFFFF000  }
0x5f: {  	_ =	swait.ge [sflag:s25], $0x1000  }
0x60: {  	[sflag:s25] =	ssyncset.done $0x0  }
0x61: {  	[sflag:s25] =	ssyncadd.s32 $0xFFFFF000  }
0x62: {  	_ =	swait.ge [sflag:s25], $0x1000  }
0x63: {  	[sflag:s25] =	ssyncset.done $0x0  }
0x64: {  	[sflag:s25] =	ssyncadd.s32 $0xFFFFF000  }
0x65: {  	_ =	swait.ge [sflag:s25], $0x1000  }
0x66: {  	[sflag:s25] =	ssyncset.done $0x0  }
0x67: {  	[sflag:s25] =	ssyncadd.s32 $0xFFFFF000  }
0x68: {  	_ =	swait.ge [sflag:s25], $0x1000  }
0x69: {  	[sflag:s25] =	ssyncset.done $0x0  }
0x6a: {  	[sflag:s25] =	ssyncadd.s32 $0xFFFFF000  }
0x6b: {  	_ =	swait.ge [sflag:s25], $0x1000  }
0x6c: {  	[sflag:s25] =	ssyncset.done $0x0  }
0x6d: {  	[sflag:s25] =	ssyncadd.s32 $0xFFFFF000  }
0x6e: {  	_ =	swait.ge [sflag:s25], $0x1000  }
0x6f: {  	[sflag:s25] =	ssyncset.done $0x0  }
0x70: {  	[sflag:s25] =	ssyncadd.s32 $0xFFFFF000  }
0x71: {  	_ =	swait.ge [sflag:s25], $0x1000  }
0x72: {  	[sflag:s25] =	ssyncset.done $0x0  }
0x73: {  	[sflag:s25] =	ssyncadd.s32 $0xFFFFF000  }
0x74: {  	v16 =	vld [tilespmem:s29+$0xFFFFFFE0];
	_ =	sdelay $0x4  }
0x75: {  	(v2sf) =	vpush v16, $0x0;
	_ =	sdelay $0xb  }
0x76: {  	(v2sf) =	vpush v16, $0x1;
	_ =	sdelay $0x2  }
0x77: {  	s4 =	spop (v2sf)  }
0x78: {  	s31 =	sand.u32 $0x7F, s4  }
0x79: {  	v17 =	vor.u32 s31, v0;
	_ =	sdelay $0x4  }
0x7a: {  	v17 =	vld.idx.msk [tilespmem:v17+s9+$0x0], $0xffff  }
0x7b: {  	v18 =	vor.u32 s31, v1  }
0x7c: {  	(v2sf) =	vpush v16, $0x2;
	_ =	sdelay $0x2  }
0x7d: {  	s5 =	spop (v2sf);
	[tilespmem:$0x10200] =	vst v17  }
0x7e: {  	s31 =	sand.u32 $0x7F, s5;
	v17 =	vld.idx.msk [tilespmem:v18+s9+$0x0], $0xffff  }
0x7f: {  	v63 =	vor.u32 s31, v2;
	_ =	sdelay $0x3  }
0x80: {  	[tilespmem:$0x10210] =	vst v17  }
0x81: {  	v17 =	vld.idx.msk [tilespmem:v63+s9+$0x0], $0xffff  }
0x82: {  	v21 =	vor.u32 s31, v3  }
0x83: {  	(v2sf) =	vpush v16, $0x3;
	_ =	sdelay $0x2  }
0x84: {  	s0 =	spop (v2sf);
	[tilespmem:$0x10280] =	vst v17  }
0x85: {  	s31 =	sand.u32 $0x7F, s0;
	v17 =	vld.idx.msk [tilespmem:v21+s9+$0x0], $0xffff  }
0x86: {  	v22 =	vor.u32 s31, v4;
	_ =	sdelay $0x3  }
0x87: {  	[tilespmem:$0x10290] =	vst v17  }
0x88: {  	v17 =	vld.idx.msk [tilespmem:v22+s9+$0x0], $0xffff  }
0x89: {  	v23 =	vor.u32 s31, v5  }
0x8a: {  	(v2sf) =	vpush v16, $0x4;
	_ =	sdelay $0x2  }
0x8b: {  	s2 =	spop (v2sf);
	[tilespmem:$0x10300] =	vst v17  }
0x8c: {  	s31 =	sand.u32 $0x7F, s2;
	v17 =	vld.idx.msk [tilespmem:v23+s9+$0x0], $0xffff  }
0x8d: {  	v24 =	vor.u32 s31, v6;
	_ =	sdelay $0x3  }
0x8e: {  	[tilespmem:$0x10310] =	vst v17  }
0x8f: {  	v17 =	vld.idx.msk [tilespmem:v24+s9+$0x0], $0xffff  }
0x90: {  	v25 =	vor.u32 s31, v7  }
0x91: {  	(v2sf) =	vpush v16, $0x5;
	_ =	sdelay $0x2  }
0x92: {  	s4 =	spop (v2sf);
	[tilespmem:$0x10380] =	vst v17  }
0x93: {  	s31 =	sand.u32 $0x7F, s4;
	v17 =	vld.idx.msk [tilespmem:v25+s9+$0x0], $0xffff  }
0x94: {  	v26 =	vor.u32 s31, v8;
	_ =	sdelay $0x3  }
0x95: {  	[tilespmem:$0x10390] =	vst v17  }
0x96: {  	v17 =	vld.idx.msk [tilespmem:v26+s9+$0x0], $0xffff  }
0x97: {  	v27 =	vor.u32 s31, v9  }
0x98: {  	(v2sf) =	vpush v16, $0x6;
	_ =	sdelay $0x2  }
0x99: {  	s5 =	spop (v2sf);
	[tilespmem:$0x10400] =	vst v17  }
0x9a: {  	s31 =	sand.u32 $0x7F, s5;
	v17 =	vld.idx.msk [tilespmem:v27+s9+$0x0], $0xffff  }
0x9b: {  	v28 =	vor.u32 s31, v10;
	_ =	sdelay $0x3  }
0x9c: {  	[tilespmem:$0x10410] =	vst v17  }
0x9d: {  	v17 =	vld.idx.msk [tilespmem:v28+s9+$0x0], $0xffff  }
0x9e: {  	v29 =	vor.u32 s31, v11  }
0x9f: {  	(v2sf) =	vpush v16, $0x7;
	_ =	sdelay $0x2  }
0xa0: {  	s0 =	spop (v2sf);
	[tilespmem:$0x10480] =	vst v17  }
0xa1: {  	s31 =	sand.u32 $0x7F, s0;
	v16 =	vld.idx.msk [tilespmem:v29+s9+$0x0], $0xffff  }
0xa2: {  	v17 =	vor.u32 s31, v12;
	_ =	sdelay $0x3  }
0xa3: {  	[tilespmem:$0x10490] =	vst v16  }
0xa4: {  	v16 =	vld.idx.msk [tilespmem:v17+s9+$0x0], $0xffff  }
0xa5: {  	v17 =	vor.u32 s31, v13;
	_ =	sdelay $0x3  }
0xa6: {  	s2 =	spop (v2sf);
	[tilespmem:$0x10500] =	vst v16  }
0xa7: {  	s31 =	sand.u32 $0x7F, s2;
	v16 =	vld.idx.msk [tilespmem:v17+s9+$0x0], $0xffff  }
0xa8: {  	v17 =	vor.u32 s31, v14;
	_ =	sdelay $0x3  }
0xa9: {  	[tilespmem:$0x10510] =	vst v16  }
0xaa: {  	v16 =	vld.idx.msk [tilespmem:v17+s9+$0x0], $0xffff  }
0xab: {  	v17 =	vor.u32 s31, v15;
	_ =	sdelay $0x3  }
0xac: {  	[tilespmem:$0x10580] =	vst v16  }
0xad: {  	v16 =	vld.idx.msk [tilespmem:v17+s9+$0x0], $0xffff;
	_ =	sdelay $0x3  }
0xae: {  	s4 =	rddreg [dreg:$0x4]  }
0xaf: {  	s31 =	sadd.s32 s30, s4;
	[tilespmem:$0x10590] =	vst v16  }
0xb0: {  	[hbm4b:s31+s3] =	stream.linear.scatter [tilespmem:s26], [sflag:$0x2], $0x400, $0x38;
	[tilespmem:$0x10600] =	vst v63  }
0xb1: {  	_ =	swait.ge [sflag:s6], $0x400  }
0xb2: {  	[sflag:s6] =	ssyncset.done $0x0  }
0xb3: {  	[sflag:s6] =	ssyncadd.s32 $0xFFFFFC00  }
0xb4: {  	v16 =	vld [tilespmem:s29+$0xFFFFFFF0];
	_ =	sdelay $0x4  }
0xb5: {  	(v2sf) =	vpush v16, $0x0;
	_ =	sdelay $0x1  }
0xb6: {  	(v2sf) =	vpush v16, $0x1;
	_ =	sdelay $0x1  }
0xb7: {  	(v2sf) =	vpush v16, $0x2;
	_ =	sdelay $0x2  }
0xb8: {  	(v2sf) =	vpush v16, $0x3;
	_ =	sdelay $0x7  }
0xb9: {  	s0 =	spop (v2sf);
	(v2sf) =	vpush v16, $0x4;
	_ =	sdelay $0x1  }
0xba: {  	s5 =	spop (v2sf);
	(v2sf) =	vpush v16, $0x5  }
0xbb: {  	s0 =	sand.u32 $0xFFFFF80, s0  }
0xbc: {  	s0 =	sadd.s32 s1, s0;
	s2 =	spop (v2sf)  }
0xbd: {  	(v2sf) =	vpush v16, $0x6;
	[tilespmem:s9], [sflag:$0x1] =	stream.strided.gather [hbm4b:s0+s7], $0x1000, s8, s7, $0x38;
	[tilespmem:$0x10600] =	vst v63  }
0xbe: {  	s0 =	sand.u32 $0xFFFFF80, s5  }
0xbf: {  	s4 =	spop (v2sf);
	s0 =	sadd.s32 s1, s0  }
0xc0: {  	(v2sf) =	vpush v16, $0x7;
	[tilespmem:s10], [sflag:$0x1] =	stream.strided.gather [hbm4b:s0+s7], $0x1000, s8, s7, $0x38;
	[tilespmem:$0x10600] =	vst v63  }
0xc1: {  	s0 =	sand.u32 $0xFFFFF80, s2  }
0xc2: {  	s0 =	sadd.s32 s1, s0  }
0xc3: {  	[tilespmem:s11], [sflag:$0x1] =	stream.strided.gather [hbm4b:s0+s7], $0x1000, s8, s7, $0x38;
	[tilespmem:$0x10600] =	vst v63  }
0xc4: {  	s0 =	sand.u32 $0xFFFFF80, s4  }
0xc5: {  	s0 =	sadd.s32 s1, s0  }
0xc6: {  	[tilespmem:s12], [sflag:$0x1] =	stream.strided.gather [hbm4b:s0+s7], $0x1000, s8, s7, $0x38;
	[tilespmem:$0x10600] =	vst v63  }
0xc7: {  	s5 =	spop (v2sf)  }
0xc8: {  	s0 =	sand.u32 $0xFFFFF80, s5  }
0xc9: {  	s2 =	spop (v2sf);
	s0 =	sadd.s32 s1, s0  }
0xca: {  	[tilespmem:s13], [sflag:$0x1] =	stream.strided.gather [hbm4b:s0+s7], $0x1000, s8, s7, $0x38;
	[tilespmem:$0x10600] =	vst v63  }
0xcb: {  	s0 =	sand.u32 $0xFFFFF80, s2  }
0xcc: {  	s4 =	spop (v2sf);
	s0 =	sadd.s32 s1, s0  }
0xcd: {  	[tilespmem:s14], [sflag:$0x1] =	stream.strided.gather [hbm4b:s0+s7], $0x1000, s8, s7, $0x38;
	[tilespmem:$0x10600] =	vst v63  }
0xce: {  	s0 =	sand.u32 $0xFFFFF80, s4  }
0xcf: {  	s5 =	spop (v2sf);
	s0 =	sadd.s32 s1, s0  }
0xd0: {  	[tilespmem:s15], [sflag:$0x1] =	stream.strided.gather [hbm4b:s0+s7], $0x1000, s8, s7, $0x38;
	[tilespmem:$0x10600] =	vst v63  }
0xd1: {  	s0 =	sand.u32 $0xFFFFF80, s5  }
0xd2: {  	s0 =	sadd.s32 s1, s0  }
0xd3: {  	[tilespmem:s16], [sflag:$0x1] =	stream.strided.gather [hbm4b:s0+s7], $0x1000, s8, s7, $0x38;
	[tilespmem:$0x10600] =	vst v63  }
0xd4: {  	_ =	swait.ge [sflag:s25], $0x1000  }
0xd5: {  	[sflag:s25] =	ssyncset.done $0x0  }
0xd6: {  	[sflag:s25] =	ssyncadd.s32 $0xFFFFF000  }
0xd7: {  	_ =	swait.ge [sflag:s25], $0x1000  }
0xd8: {  	[sflag:s25] =	ssyncset.done $0x0  }
0xd9: {  	[sflag:s25] =	ssyncadd.s32 $0xFFFFF000  }
0xda: {  	_ =	swait.ge [sflag:s25], $0x1000  }
0xdb: {  	[sflag:s25] =	ssyncset.done $0x0  }
0xdc: {  	[sflag:s25] =	ssyncadd.s32 $0xFFFFF000  }
0xdd: {  	_ =	swait.ge [sflag:s25], $0x1000  }
0xde: {  	[sflag:s25] =	ssyncset.done $0x0  }
0xdf: {  	[sflag:s25] =	ssyncadd.s32 $0xFFFFF000  }
0xe0: {  	_ =	swait.ge [sflag:s25], $0x1000  }
0xe1: {  	[sflag:s25] =	ssyncset.done $0x0  }
0xe2: {  	[sflag:s25] =	ssyncadd.s32 $0xFFFFF000  }
0xe3: {  	_ =	swait.ge [sflag:s25], $0x1000  }
0xe4: {  	[sflag:s25] =	ssyncset.done $0x0  }
0xe5: {  	[sflag:s25] =	ssyncadd.s32 $0xFFFFF000  }
0xe6: {  	_ =	swait.ge [sflag:s25], $0x1000  }
0xe7: {  	[sflag:s25] =	ssyncset.done $0x0  }
0xe8: {  	[sflag:s25] =	ssyncadd.s32 $0xFFFFF000  }
0xe9: {  	_ =	swait.ge [sflag:s25], $0x1000  }
0xea: {  	[sflag:s25] =	ssyncset.done $0x0  }
0xeb: {  	[sflag:s25] =	ssyncadd.s32 $0xFFFFF000  }
0xec: {  	v16 =	vld [tilespmem:s29+$0xFFFFFFE0];
	_ =	sdelay $0x4  }
0xed: {  	(v2sf) =	vpush v16, $0x8;
	_ =	sdelay $0xb  }
0xee: {  	(v2sf) =	vpush v16, $0x9;
	_ =	sdelay $0x2  }
0xef: {  	s2 =	spop (v2sf)  }
0xf0: {  	s0 =	sand.u32 $0x7F, s2  }
0xf1: {  	v17 =	vor.u32 s0, v0;
	_ =	sdelay $0x4  }
0xf2: {  	v17 =	vld.idx.msk [tilespmem:v17+s17+$0x0], $0xffff  }
0xf3: {  	v30 =	vor.u32 s0, v1  }
0xf4: {  	(v2sf) =	vpush v16, $0xA;
	_ =	sdelay $0x2  }
0xf5: {  	s4 =	spop (v2sf);
	[tilespmem:$0x10200] =	vst v17  }
0xf6: {  	s0 =	sand.u32 $0x7F, s4;
	v17 =	vld.idx.msk [tilespmem:v30+s17+$0x0], $0xffff  }
0xf7: {  	v31 =	vor.u32 s0, v2;
	_ =	sdelay $0x3  }
0xf8: {  	[tilespmem:$0x10210] =	vst v17  }
0xf9: {  	v17 =	vld.idx.msk [tilespmem:v31+s17+$0x0], $0xffff  }
0xfa: {  	v32 =	vor.u32 s0, v3  }
0xfb: {  	(v2sf) =	vpush v16, $0xB;
	_ =	sdelay $0x2  }
0xfc: {  	s5 =	spop (v2sf);
	[tilespmem:$0x10280] =	vst v17  }
0xfd: {  	s0 =	sand.u32 $0x7F, s5;
	v17 =	vld.idx.msk [tilespmem:v32+s17+$0x0], $0xffff  }
0xfe: {  	v33 =	vor.u32 s0, v4;
	_ =	sdelay $0x3  }
0xff: {  	[tilespmem:$0x10290] =	vst v17  }
0x100: {  	v17 =	vld.idx.msk [tilespmem:v33+s17+$0x0], $0xffff  }
0x101: {  	v34 =	vor.u32 s0, v5  }
0x102: {  	(v2sf) =	vpush v16, $0xC;
	_ =	sdelay $0x2  }
0x103: {  	s2 =	spop (v2sf);
	[tilespmem:$0x10300] =	vst v17  }
0x104: {  	s0 =	sand.u32 $0x7F, s2;
	v17 =	vld.idx.msk [tilespmem:v34+s17+$0x0], $0xffff  }
0x105: {  	v35 =	vor.u32 s0, v6;
	_ =	sdelay $0x3  }
0x106: {  	[tilespmem:$0x10310] =	vst v17  }
0x107: {  	v17 =	vld.idx.msk [tilespmem:v35+s17+$0x0], $0xffff  }
0x108: {  	v36 =	vor.u32 s0, v7  }
0x109: {  	(v2sf) =	vpush v16, $0xD;
	_ =	sdelay $0x2  }
0x10a: {  	s4 =	spop (v2sf);
	[tilespmem:$0x10380] =	vst v17  }
0x10b: {  	s0 =	sand.u32 $0x7F, s4;
	v17 =	vld.idx.msk [tilespmem:v36+s17+$0x0], $0xffff  }
0x10c: {  	v37 =	vor.u32 s0, v8;
	_ =	sdelay $0x3  }
0x10d: {  	[tilespmem:$0x10390] =	vst v17  }
0x10e: {  	v17 =	vld.idx.msk [tilespmem:v37+s17+$0x0], $0xffff  }
0x10f: {  	v38 =	vor.u32 s0, v9  }
0x110: {  	(v2sf) =	vpush v16, $0xE;
	_ =	sdelay $0x2  }
0x111: {  	s5 =	spop (v2sf);
	[tilespmem:$0x10400] =	vst v17  }
0x112: {  	s0 =	sand.u32 $0x7F, s5;
	v17 =	vld.idx.msk [tilespmem:v38+s17+$0x0], $0xffff  }
0x113: {  	v39 =	vor.u32 s0, v10;
	_ =	sdelay $0x3  }
0x114: {  	[tilespmem:$0x10410] =	vst v17  }
0x115: {  	v17 =	vld.idx.msk [tilespmem:v39+s17+$0x0], $0xffff  }
0x116: {  	v40 =	vor.u32 s0, v11  }
0x117: {  	(v2sf) =	vpush v16, $0xF;
	_ =	sdelay $0x2  }
0x118: {  	s2 =	spop (v2sf);
	[tilespmem:$0x10480] =	vst v17  }
0x119: {  	s0 =	sand.u32 $0x7F, s2;
	v16 =	vld.idx.msk [tilespmem:v40+s17+$0x0], $0xffff  }
0x11a: {  	v17 =	vor.u32 s0, v12;
	_ =	sdelay $0x3  }
0x11b: {  	[tilespmem:$0x10490] =	vst v16  }
0x11c: {  	v16 =	vld.idx.msk [tilespmem:v17+s17+$0x0], $0xffff  }
0x11d: {  	v17 =	vor.u32 s0, v13;
	_ =	sdelay $0x3  }
0x11e: {  	s4 =	spop (v2sf);
	[tilespmem:$0x10500] =	vst v16  }
0x11f: {  	s0 =	sand.u32 $0x7F, s4;
	v16 =	vld.idx.msk [tilespmem:v17+s17+$0x0], $0xffff  }
0x120: {  	v17 =	vor.u32 s0, v14;
	_ =	sdelay $0x3  }
0x121: {  	[tilespmem:$0x10510] =	vst v16  }
0x122: {  	v16 =	vld.idx.msk [tilespmem:v17+s17+$0x0], $0xffff  }
0x123: {  	v17 =	vor.u32 s0, v15;
	_ =	sdelay $0x3  }
0x124: {  	[tilespmem:$0x10580] =	vst v16  }
0x125: {  	v16 =	vld.idx.msk [tilespmem:v17+s17+$0x0], $0xffff;
	_ =	sdelay $0x4  }
0x126: {  	s5 =	sadd.s32 $0x80, s31;
	[tilespmem:$0x10590] =	vst v16  }
0x127: {  	[hbm4b:s5+s3] =	stream.linear.scatter [tilespmem:s26], [sflag:$0x2], $0x400, $0x38;
	[tilespmem:$0x10600] =	vst v63  }
0x128: {  	_ =	swait.ge [sflag:s6], $0x400  }
0x129: {  	[sflag:s6] =	ssyncset.done $0x0  }
0x12a: {  	[sflag:s6] =	ssyncadd.s32 $0xFFFFFC00  }
0x12b: {  	v16 =	vld [tilespmem:s29+$0xFFFFFFF0];
	_ =	sdelay $0x4  }
0x12c: {  	(v2sf) =	vpush v16, $0x8;
	_ =	sdelay $0x1  }
0x12d: {  	(v2sf) =	vpush v16, $0x9;
	_ =	sdelay $0x1  }
0x12e: {  	(v2sf) =	vpush v16, $0xA;
	_ =	sdelay $0x2  }
0x12f: {  	(v2sf) =	vpush v16, $0xB;
	_ =	sdelay $0x7  }
0x130: {  	s2 =	spop (v2sf);
	(v2sf) =	vpush v16, $0xC;
	_ =	sdelay $0x1  }
0x131: {  	s4 =	spop (v2sf);
	(v2sf) =	vpush v16, $0xD  }
0x132: {  	s0 =	sand.u32 $0xFFFFF80, s2  }
0x133: {  	s0 =	sadd.s32 s1, s0;
	s5 =	spop (v2sf)  }
0x134: {  	(v2sf) =	vpush v16, $0xE;
	[tilespmem:s17], [sflag:$0x1] =	stream.strided.gather [hbm4b:s0+s7], $0x1000, s8, s7, $0x38;
	[tilespmem:$0x10600] =	vst v63  }
0x135: {  	s0 =	sand.u32 $0xFFFFF80, s4  }
0x136: {  	s2 =	spop (v2sf);
	s0 =	sadd.s32 s1, s0  }
0x137: {  	(v2sf) =	vpush v16, $0xF;
	[tilespmem:s18], [sflag:$0x1] =	stream.strided.gather [hbm4b:s0+s7], $0x1000, s8, s7, $0x38;
	[tilespmem:$0x10600] =	vst v63  }
0x138: {  	s0 =	sand.u32 $0xFFFFF80, s5  }
0x139: {  	s0 =	sadd.s32 s1, s0  }
0x13a: {  	[tilespmem:s19], [sflag:$0x1] =	stream.strided.gather [hbm4b:s0+s7], $0x1000, s8, s7, $0x38;
	[tilespmem:$0x10600] =	vst v63  }
0x13b: {  	s0 =	sand.u32 $0xFFFFF80, s2  }
0x13c: {  	s0 =	sadd.s32 s1, s0  }
0x13d: {  	[tilespmem:s20], [sflag:$0x1] =	stream.strided.gather [hbm4b:s0+s7], $0x1000, s8, s7, $0x38;
	[tilespmem:$0x10600] =	vst v63  }
0x13e: {  	s4 =	spop (v2sf)  }
0x13f: {  	s0 =	sand.u32 $0xFFFFF80, s4  }
0x140: {  	s5 =	spop (v2sf);
	s0 =	sadd.s32 s1, s0  }
0x141: {  	[tilespmem:s21], [sflag:$0x1] =	stream.strided.gather [hbm4b:s0+s7], $0x1000, s8, s7, $0x38;
	[tilespmem:$0x10600] =	vst v63  }
0x142: {  	s0 =	sand.u32 $0xFFFFF80, s5  }
0x143: {  	s2 =	spop (v2sf);
	s0 =	sadd.s32 s1, s0  }
0x144: {  	[tilespmem:s22], [sflag:$0x1] =	stream.strided.gather [hbm4b:s0+s7], $0x1000, s8, s7, $0x38;
	[tilespmem:$0x10600] =	vst v63  }
0x145: {  	s0 =	sand.u32 $0xFFFFF80, s2  }
0x146: {  	s4 =	spop (v2sf);
	s0 =	sadd.s32 s1, s0  }
0x147: {  	[tilespmem:s23], [sflag:$0x1] =	stream.strided.gather [hbm4b:s0+s7], $0x1000, s8, s7, $0x38;
	[tilespmem:$0x10600] =	vst v63  }
0x148: {  	s0 =	sand.u32 $0xFFFFF80, s4  }
0x149: {  	s0 =	sadd.s32 s1, s0  }
0x14a: {  	[tilespmem:s24], [sflag:$0x1] =	stream.strided.gather [hbm4b:s0+s7], $0x1000, s8, s7, $0x38;
	[tilespmem:$0x10600] =	vst v63  }
0x14b: {  	_ =	swait.ge [sflag:s25], $0x1000  }
0x14c: {  	[sflag:s25] =	ssyncset.done $0x0  }
0x14d: {  	[sflag:s25] =	ssyncadd.s32 $0xFFFFF000  }
0x14e: {  	_ =	swait.ge [sflag:s25], $0x1000  }
0x14f: {  	[sflag:s25] =	ssyncset.done $0x0  }
0x150: {  	[sflag:s25] =	ssyncadd.s32 $0xFFFFF000  }
0x151: {  	_ =	swait.ge [sflag:s25], $0x1000  }
0x152: {  	[sflag:s25] =	ssyncset.done $0x0  }
0x153: {  	[sflag:s25] =	ssyncadd.s32 $0xFFFFF000  }
0x154: {  	_ =	swait.ge [sflag:s25], $0x1000  }
0x155: {  	[sflag:s25] =	ssyncset.done $0x0  }
0x156: {  	[sflag:s25] =	ssyncadd.s32 $0xFFFFF000  }
0x157: {  	_ =	swait.ge [sflag:s25], $0x1000  }
0x158: {  	[sflag:s25] =	ssyncset.done $0x0  }
0x159: {  	[sflag:s25] =	ssyncadd.s32 $0xFFFFF000  }
0x15a: {  	_ =	swait.ge [sflag:s25], $0x1000  }
0x15b: {  	[sflag:s25] =	ssyncset.done $0x0  }
0x15c: {  	[sflag:s25] =	ssyncadd.s32 $0xFFFFF000  }
0x15d: {  	_ =	swait.ge [sflag:s25], $0x1000  }
0x15e: {  	[sflag:s25] =	ssyncset.done $0x0  }
0x15f: {  	[sflag:s25] =	ssyncadd.s32 $0xFFFFF000  }
0x160: {  	_ =	swait.ge [sflag:s25], $0x1000  }
0x161: {  	[sflag:s25] =	ssyncset.done $0x0  }
0x162: {  	[sflag:s25] =	ssyncadd.s32 $0xFFFFF000  }
0x163: {  	v16 =	vld [tilespmem:s29+$0xFFFFFFF0];
	_ =	sdelay $0x4  }
0x164: {  	(v2sf) =	vpush v16, $0x0;
	_ =	sdelay $0xb  }
0x165: {  	(v2sf) =	vpush v16, $0x1;
	_ =	sdelay $0x2  }
0x166: {  	s5 =	spop (v2sf)  }
0x167: {  	s0 =	sand.u32 $0x7F, s5  }
0x168: {  	v17 =	vor.u32 s0, v0;
	_ =	sdelay $0x4  }
0x169: {  	v17 =	vld.idx.msk [tilespmem:v17+s9+$0x0], $0xffff  }
0x16a: {  	v41 =	vor.u32 s0, v1  }
0x16b: {  	(v2sf) =	vpush v16, $0x2;
	_ =	sdelay $0x2  }
0x16c: {  	s2 =	spop (v2sf);
	[tilespmem:$0x10200] =	vst v17  }
0x16d: {  	s0 =	sand.u32 $0x7F, s2;
	v17 =	vld.idx.msk [tilespmem:v41+s9+$0x0], $0xffff  }
0x16e: {  	v42 =	vor.u32 s0, v2;
	_ =	sdelay $0x3  }
0x16f: {  	[tilespmem:$0x10210] =	vst v17  }
0x170: {  	v17 =	vld.idx.msk [tilespmem:v42+s9+$0x0], $0xffff  }
0x171: {  	v43 =	vor.u32 s0, v3;
	_ =	sdelay $0x3  }
0x172: {  	s4 =	spop (v2sf);
	[tilespmem:$0x10280] =	vst v17  }
0x173: {  	s0 =	sand.u32 $0x7F, s4;
	v17 =	vld.idx.msk [tilespmem:v43+s9+$0x0], $0xffff  }
0x174: {  	v44 =	vor.u32 s0, v4;
	_ =	sdelay $0x3  }
0x175: {  	[tilespmem:$0x10290] =	vst v17  }
0x176: {  	v17 =	vld.idx.msk [tilespmem:v44+s9+$0x0], $0xffff  }
0x177: {  	v45 =	vor.u32 s0, v5;
	_ =	sdelay $0x3  }
0x178: {  	[tilespmem:$0x10300] =	vst v17  }
0x179: {  	v17 =	vld.idx.msk [tilespmem:v45+s9+$0x0], $0xffff;
	(v2sf) =	vpush v16, $0x3;
	_ =	sdelay $0xb  }
0x17a: {  	(v2sf) =	vpush v16, $0x4;
	_ =	sdelay $0x2  }
0x17b: {  	s5 =	spop (v2sf)  }
0x17c: {  	s0 =	sand.u32 $0x7F, s5  }
0x17d: {  	v46 =	vor.u32 s0, v6;
	_ =	sdelay $0x3  }
0x17e: {  	[tilespmem:$0x10310] =	vst v17  }
0x17f: {  	v17 =	vld.idx.msk [tilespmem:v46+s9+$0x0], $0xffff  }
0x180: {  	v47 =	vor.u32 s0, v7  }
0x181: {  	(v2sf) =	vpush v16, $0x5;
	_ =	sdelay $0x2  }
0x182: {  	s2 =	spop (v2sf);
	[tilespmem:$0x10380] =	vst v17  }
0x183: {  	s0 =	sand.u32 $0x7F, s2;
	v17 =	vld.idx.msk [tilespmem:v47+s9+$0x0], $0xffff  }
0x184: {  	v48 =	vor.u32 s0, v8;
	_ =	sdelay $0x3  }
0x185: {  	[tilespmem:$0x10390] =	vst v17  }
0x186: {  	v17 =	vld.idx.msk [tilespmem:v48+s9+$0x0], $0xffff  }
0x187: {  	v49 =	vor.u32 s0, v9  }
0x188: {  	(v2sf) =	vpush v16, $0x6;
	_ =	sdelay $0x2  }
0x189: {  	s4 =	spop (v2sf);
	[tilespmem:$0x10400] =	vst v17  }
0x18a: {  	s0 =	sand.u32 $0x7F, s4;
	v17 =	vld.idx.msk [tilespmem:v49+s9+$0x0], $0xffff  }
0x18b: {  	v50 =	vor.u32 s0, v10;
	_ =	sdelay $0x3  }
0x18c: {  	[tilespmem:$0x10410] =	vst v17  }
0x18d: {  	v17 =	vld.idx.msk [tilespmem:v50+s9+$0x0], $0xffff  }
0x18e: {  	v51 =	vor.u32 s0, v11  }
0x18f: {  	(v2sf) =	vpush v16, $0x7;
	_ =	sdelay $0x2  }
0x190: {  	s5 =	spop (v2sf);
	[tilespmem:$0x10480] =	vst v17  }
0x191: {  	s0 =	sand.u32 $0x7F, s5;
	v16 =	vld.idx.msk [tilespmem:v51+s9+$0x0], $0xffff  }
0x192: {  	v17 =	vor.u32 s0, v12;
	_ =	sdelay $0x3  }
0x193: {  	[tilespmem:$0x10490] =	vst v16  }
0x194: {  	v16 =	vld.idx.msk [tilespmem:v17+s9+$0x0], $0xffff  }
0x195: {  	v17 =	vor.u32 s0, v13;
	_ =	sdelay $0x3  }
0x196: {  	s2 =	spop (v2sf);
	[tilespmem:$0x10500] =	vst v16  }
0x197: {  	s0 =	sand.u32 $0x7F, s2;
	v16 =	vld.idx.msk [tilespmem:v17+s9+$0x0], $0xffff  }
0x198: {  	v17 =	vor.u32 s0, v14;
	_ =	sdelay $0x3  }
0x199: {  	[tilespmem:$0x10510] =	vst v16  }
0x19a: {  	v16 =	vld.idx.msk [tilespmem:v17+s9+$0x0], $0xffff  }
0x19b: {  	v17 =	vor.u32 s0, v15;
	_ =	sdelay $0x3  }
0x19c: {  	[tilespmem:$0x10580] =	vst v16  }
0x19d: {  	v16 =	vld.idx.msk [tilespmem:v17+s9+$0x0], $0xffff;
	_ =	sdelay $0x4  }
0x19e: {  	s4 =	sadd.s32 $0x100, s31;
	[tilespmem:$0x10590] =	vst v16  }
0x19f: {  	[hbm4b:s4+s3] =	stream.linear.scatter [tilespmem:s26], [sflag:$0x2], $0x400, $0x38;
	[tilespmem:$0x10600] =	vst v63  }
0x1a0: {  	_ =	swait.ge [sflag:s6], $0x400  }
0x1a1: {  	[sflag:s6] =	ssyncset.done $0x0  }
0x1a2: {  	[sflag:s6] =	ssyncadd.s32 $0xFFFFFC00  }
0x1a3: {  	v16 =	vld [tilespmem:s29+$0x0];
	_ =	sdelay $0x4  }
0x1a4: {  	(v2sf) =	vpush v16, $0x0;
	_ =	sdelay $0x1  }
0x1a5: {  	(v2sf) =	vpush v16, $0x1;
	_ =	sdelay $0x1  }
0x1a6: {  	(v2sf) =	vpush v16, $0x2;
	_ =	sdelay $0x2  }
0x1a7: {  	(v2sf) =	vpush v16, $0x3;
	_ =	sdelay $0x7  }
0x1a8: {  	s5 =	spop (v2sf);
	(v2sf) =	vpush v16, $0x4;
	_ =	sdelay $0x1  }
0x1a9: {  	s2 =	spop (v2sf);
	(v2sf) =	vpush v16, $0x5  }
0x1aa: {  	s0 =	sand.u32 $0xFFFFF80, s5  }
0x1ab: {  	s0 =	sadd.s32 s1, s0;
	s4 =	spop (v2sf)  }
0x1ac: {  	(v2sf) =	vpush v16, $0x6;
	[tilespmem:s9], [sflag:$0x1] =	stream.strided.gather [hbm4b:s0+s7], $0x1000, s8, s7, $0x38;
	[tilespmem:$0x10600] =	vst v63  }
0x1ad: {  	s0 =	sand.u32 $0xFFFFF80, s2  }
0x1ae: {  	s5 =	spop (v2sf);
	s0 =	sadd.s32 s1, s0  }
0x1af: {  	(v2sf) =	vpush v16, $0x7;
	[tilespmem:s10], [sflag:$0x1] =	stream.strided.gather [hbm4b:s0+s7], $0x1000, s8, s7, $0x38;
	[tilespmem:$0x10600] =	vst v63  }
0x1b0: {  	s0 =	sand.u32 $0xFFFFF80, s4  }
0x1b1: {  	s0 =	sadd.s32 s1, s0  }
0x1b2: {  	[tilespmem:s11], [sflag:$0x1] =	stream.strided.gather [hbm4b:s0+s7], $0x1000, s8, s7, $0x38;
	[tilespmem:$0x10600] =	vst v63  }
0x1b3: {  	s0 =	sand.u32 $0xFFFFF80, s5  }
0x1b4: {  	s0 =	sadd.s32 s1, s0  }
0x1b5: {  	[tilespmem:s12], [sflag:$0x1] =	stream.strided.gather [hbm4b:s0+s7], $0x1000, s8, s7, $0x38;
	[tilespmem:$0x10600] =	vst v63  }
0x1b6: {  	s2 =	spop (v2sf)  }
0x1b7: {  	s0 =	sand.u32 $0xFFFFF80, s2  }
0x1b8: {  	s4 =	spop (v2sf);
	s0 =	sadd.s32 s1, s0  }
0x1b9: {  	[tilespmem:s13], [sflag:$0x1] =	stream.strided.gather [hbm4b:s0+s7], $0x1000, s8, s7, $0x38;
	[tilespmem:$0x10600] =	vst v63  }
0x1ba: {  	s0 =	sand.u32 $0xFFFFF80, s4  }
0x1bb: {  	s5 =	spop (v2sf);
	s0 =	sadd.s32 s1, s0  }
0x1bc: {  	[tilespmem:s14], [sflag:$0x1] =	stream.strided.gather [hbm4b:s0+s7], $0x1000, s8, s7, $0x38;
	[tilespmem:$0x10600] =	vst v63  }
0x1bd: {  	s0 =	sand.u32 $0xFFFFF80, s5  }
0x1be: {  	s2 =	spop (v2sf);
	s0 =	sadd.s32 s1, s0  }
0x1bf: {  	[tilespmem:s15], [sflag:$0x1] =	stream.strided.gather [hbm4b:s0+s7], $0x1000, s8, s7, $0x38;
	[tilespmem:$0x10600] =	vst v63  }
0x1c0: {  	s0 =	sand.u32 $0xFFFFF80, s2  }
0x1c1: {  	s0 =	sadd.s32 s1, s0  }
0x1c2: {  	[tilespmem:s16], [sflag:$0x1] =	stream.strided.gather [hbm4b:s0+s7], $0x1000, s8, s7, $0x38;
	[tilespmem:$0x10600] =	vst v63  }
0x1c3: {  	_ =	swait.ge [sflag:s25], $0x1000  }
0x1c4: {  	[sflag:s25] =	ssyncset.done $0x0  }
0x1c5: {  	[sflag:s25] =	ssyncadd.s32 $0xFFFFF000  }
0x1c6: {  	_ =	swait.ge [sflag:s25], $0x1000  }
0x1c7: {  	[sflag:s25] =	ssyncset.done $0x0  }
0x1c8: {  	[sflag:s25] =	ssyncadd.s32 $0xFFFFF000  }
0x1c9: {  	_ =	swait.ge [sflag:s25], $0x1000  }
0x1ca: {  	[sflag:s25] =	ssyncset.done $0x0  }
0x1cb: {  	[sflag:s25] =	ssyncadd.s32 $0xFFFFF000  }
0x1cc: {  	_ =	swait.ge [sflag:s25], $0x1000  }
0x1cd: {  	[sflag:s25] =	ssyncset.done $0x0  }
0x1ce: {  	[sflag:s25] =	ssyncadd.s32 $0xFFFFF000  }
0x1cf: {  	_ =	swait.ge [sflag:s25], $0x1000  }
0x1d0: {  	[sflag:s25] =	ssyncset.done $0x0  }
0x1d1: {  	[sflag:s25] =	ssyncadd.s32 $0xFFFFF000  }
0x1d2: {  	_ =	swait.ge [sflag:s25], $0x1000  }
0x1d3: {  	[sflag:s25] =	ssyncset.done $0x0  }
0x1d4: {  	[sflag:s25] =	ssyncadd.s32 $0xFFFFF000  }
0x1d5: {  	_ =	swait.ge [sflag:s25], $0x1000  }
0x1d6: {  	[sflag:s25] =	ssyncset.done $0x0  }
0x1d7: {  	[sflag:s25] =	ssyncadd.s32 $0xFFFFF000  }
0x1d8: {  	_ =	swait.ge [sflag:s25], $0x1000  }
0x1d9: {  	[sflag:s25] =	ssyncset.done $0x0  }
0x1da: {  	[sflag:s25] =	ssyncadd.s32 $0xFFFFF000  }
0x1db: {  	v16 =	vld [tilespmem:s29+$0xFFFFFFF0];
	_ =	sdelay $0x4  }
0x1dc: {  	(v2sf) =	vpush v16, $0x8;
	_ =	sdelay $0xb  }
0x1dd: {  	(v2sf) =	vpush v16, $0x9;
	_ =	sdelay $0x2  }
0x1de: {  	s4 =	spop (v2sf)  }
0x1df: {  	s0 =	sand.u32 $0x7F, s4  }
0x1e0: {  	v17 =	vor.u32 s0, v0;
	_ =	sdelay $0x4  }
0x1e1: {  	v17 =	vld.idx.msk [tilespmem:v17+s17+$0x0], $0xffff  }
0x1e2: {  	v52 =	vor.u32 s0, v1  }
0x1e3: {  	(v2sf) =	vpush v16, $0xA;
	_ =	sdelay $0x2  }
0x1e4: {  	s5 =	spop (v2sf);
	[tilespmem:$0x10200] =	vst v17  }
0x1e5: {  	s0 =	sand.u32 $0x7F, s5;
	v17 =	vld.idx.msk [tilespmem:v52+s17+$0x0], $0xffff  }
0x1e6: {  	v53 =	vor.u32 s0, v2;
	_ =	sdelay $0x3  }
0x1e7: {  	[tilespmem:$0x10210] =	vst v17  }
0x1e8: {  	v17 =	vld.idx.msk [tilespmem:v53+s17+$0x0], $0xffff  }
0x1e9: {  	v54 =	vor.u32 s0, v3  }
0x1ea: {  	(v2sf) =	vpush v16, $0xB;
	_ =	sdelay $0x2  }
0x1eb: {  	s2 =	spop (v2sf);
	[tilespmem:$0x10280] =	vst v17  }
0x1ec: {  	s0 =	sand.u32 $0x7F, s2;
	v17 =	vld.idx.msk [tilespmem:v54+s17+$0x0], $0xffff  }
0x1ed: {  	v55 =	vor.u32 s0, v4;
	_ =	sdelay $0x3  }
0x1ee: {  	[tilespmem:$0x10290] =	vst v17  }
0x1ef: {  	v17 =	vld.idx.msk [tilespmem:v55+s17+$0x0], $0xffff  }
0x1f0: {  	v56 =	vor.u32 s0, v5  }
0x1f1: {  	(v2sf) =	vpush v16, $0xC;
	_ =	sdelay $0x2  }
0x1f2: {  	s4 =	spop (v2sf);
	[tilespmem:$0x10300] =	vst v17  }
0x1f3: {  	s0 =	sand.u32 $0x7F, s4;
	v17 =	vld.idx.msk [tilespmem:v56+s17+$0x0], $0xffff  }
0x1f4: {  	v57 =	vor.u32 s0, v6;
	_ =	sdelay $0x3  }
0x1f5: {  	[tilespmem:$0x10310] =	vst v17  }
0x1f6: {  	v17 =	vld.idx.msk [tilespmem:v57+s17+$0x0], $0xffff  }
0x1f7: {  	v58 =	vor.u32 s0, v7  }
0x1f8: {  	(v2sf) =	vpush v16, $0xD;
	_ =	sdelay $0x2  }
0x1f9: {  	s5 =	spop (v2sf);
	[tilespmem:$0x10380] =	vst v17  }
0x1fa: {  	s0 =	sand.u32 $0x7F, s5;
	v17 =	vld.idx.msk [tilespmem:v58+s17+$0x0], $0xffff  }
0x1fb: {  	v59 =	vor.u32 s0, v8;
	_ =	sdelay $0x3  }
0x1fc: {  	[tilespmem:$0x10390] =	vst v17  }
0x1fd: {  	v17 =	vld.idx.msk [tilespmem:v59+s17+$0x0], $0xffff  }
0x1fe: {  	v60 =	vor.u32 s0, v9  }
0x1ff: {  	(v2sf) =	vpush v16, $0xE;
	_ =	sdelay $0x2  }
0x200: {  	s2 =	spop (v2sf);
	[tilespmem:$0x10400] =	vst v17  }
0x201: {  	s0 =	sand.u32 $0x7F, s2;
	v17 =	vld.idx.msk [tilespmem:v60+s17+$0x0], $0xffff  }
0x202: {  	v61 =	vor.u32 s0, v10;
	_ =	sdelay $0x3  }
0x203: {  	[tilespmem:$0x10410] =	vst v17  }
0x204: {  	v17 =	vld.idx.msk [tilespmem:v61+s17+$0x0], $0xffff  }
0x205: {  	v62 =	vor.u32 s0, v11  }
0x206: {  	(v2sf) =	vpush v16, $0xF;
	_ =	sdelay $0x2  }
0x207: {  	s4 =	spop (v2sf);
	[tilespmem:$0x10480] =	vst v17  }
0x208: {  	s0 =	sand.u32 $0x7F, s4;
	v16 =	vld.idx.msk [tilespmem:v62+s17+$0x0], $0xffff  }
0x209: {  	v17 =	vor.u32 s0, v12;
	_ =	sdelay $0x3  }
0x20a: {  	[tilespmem:$0x10490] =	vst v16  }
0x20b: {  	v16 =	vld.idx.msk [tilespmem:v17+s17+$0x0], $0xffff  }
0x20c: {  	v17 =	vor.u32 s0, v13;
	_ =	sdelay $0x3  }
0x20d: {  	s5 =	spop (v2sf);
	[tilespmem:$0x10500] =	vst v16  }
0x20e: {  	s0 =	sand.u32 $0x7F, s5;
	v16 =	vld.idx.msk [tilespmem:v17+s17+$0x0], $0xffff  }
0x20f: {  	v17 =	vor.u32 s0, v14;
	_ =	sdelay $0x3  }
0x210: {  	[tilespmem:$0x10510] =	vst v16  }
0x211: {  	v16 =	vld.idx.msk [tilespmem:v17+s17+$0x0], $0xffff  }
0x212: {  	v17 =	vor.u32 s0, v15;
	_ =	sdelay $0x3  }
0x213: {  	[tilespmem:$0x10580] =	vst v16  }
0x214: {  	v16 =	vld.idx.msk [tilespmem:v17+s17+$0x0], $0xffff;
	_ =	sdelay $0x4  }
0x215: {  	s2 =	sadd.s32 $0x180, s31;
	[tilespmem:$0x10590] =	vst v16  }
0x216: {  	[hbm4b:s2+s3] =	stream.linear.scatter [tilespmem:s26], [sflag:$0x2], $0x400, $0x38;
	[tilespmem:$0x10600] =	vst v63  }
0x217: {  	_ =	swait.ge [sflag:s6], $0x400  }
0x218: {  	[sflag:s6] =	ssyncset.done $0x0  }
0x219: {  	[sflag:s6] =	ssyncadd.s32 $0xFFFFFC00  }
0x21a: {  	v16 =	vld [tilespmem:s29+$0x0];
	_ =	sdelay $0x4  }
0x21b: {  	(v2sf) =	vpush v16, $0x8;
	_ =	sdelay $0x1  }
0x21c: {  	(v2sf) =	vpush v16, $0x9;
	_ =	sdelay $0x1  }
0x21d: {  	(v2sf) =	vpush v16, $0xA;
	_ =	sdelay $0x2  }
0x21e: {  	(v2sf) =	vpush v16, $0xB;
	_ =	sdelay $0x7  }
0x21f: {  	s4 =	spop (v2sf);
	(v2sf) =	vpush v16, $0xC;
	_ =	sdelay $0x1  }
0x220: {  	s5 =	spop (v2sf);
	(v2sf) =	vpush v16, $0xD  }
0x221: {  	s0 =	sand.u32 $0xFFFFF80, s4  }
0x222: {  	s0 =	sadd.s32 s1, s0;
	s2 =	spop (v2sf)  }
0x223: {  	(v2sf) =	vpush v16, $0xE;
	[tilespmem:s17], [sflag:$0x1] =	stream.strided.gather [hbm4b:s0+s7], $0x1000, s8, s7, $0x38;
	[tilespmem:$0x10600] =	vst v63  }
0x224: {  	s0 =	sand.u32 $0xFFFFF80, s5  }
0x225: {  	s4 =	spop (v2sf);
	s0 =	sadd.s32 s1, s0  }
0x226: {  	(v2sf) =	vpush v16, $0xF;
	[tilespmem:s18], [sflag:$0x1] =	stream.strided.gather [hbm4b:s0+s7], $0x1000, s8, s7, $0x38;
	[tilespmem:$0x10600] =	vst v63  }
0x227: {  	s0 =	sand.u32 $0xFFFFF80, s2  }
0x228: {  	s0 =	sadd.s32 s1, s0  }
0x229: {  	[tilespmem:s19], [sflag:$0x1] =	stream.strided.gather [hbm4b:s0+s7], $0x1000, s8, s7, $0x38;
	[tilespmem:$0x10600] =	vst v63  }
0x22a: {  	s0 =	sand.u32 $0xFFFFF80, s4  }
0x22b: {  	s0 =	sadd.s32 s1, s0  }
0x22c: {  	[tilespmem:s20], [sflag:$0x1] =	stream.strided.gather [hbm4b:s0+s7], $0x1000, s8, s7, $0x38;
	[tilespmem:$0x10600] =	vst v63  }
0x22d: {  	s5 =	spop (v2sf)  }
0x22e: {  	s0 =	sand.u32 $0xFFFFF80, s5  }
0x22f: {  	s2 =	spop (v2sf);
	s0 =	sadd.s32 s1, s0  }
0x230: {  	[tilespmem:s21], [sflag:$0x1] =	stream.strided.gather [hbm4b:s0+s7], $0x1000, s8, s7, $0x38;
	[tilespmem:$0x10600] =	vst v63  }
0x231: {  	s0 =	sand.u32 $0xFFFFF80, s2  }
0x232: {  	s4 =	spop (v2sf);
	s0 =	sadd.s32 s1, s0  }
0x233: {  	[tilespmem:s22], [sflag:$0x1] =	stream.strided.gather [hbm4b:s0+s7], $0x1000, s8, s7, $0x38;
	[tilespmem:$0x10600] =	vst v63  }
0x234: {  	s0 =	sand.u32 $0xFFFFF80, s4  }
0x235: {  	s5 =	spop (v2sf);
	s0 =	sadd.s32 s1, s0  }
0x236: {  	[tilespmem:s23], [sflag:$0x1] =	stream.strided.gather [hbm4b:s0+s7], $0x1000, s8, s7, $0x38;
	[tilespmem:$0x10600] =	vst v63  }
0x237: {  	s0 =	sand.u32 $0xFFFFF80, s5  }
0x238: {  	s0 =	sadd.s32 s1, s0  }
0x239: {  	[tilespmem:s24], [sflag:$0x1] =	stream.strided.gather [hbm4b:s0+s7], $0x1000, s8, s7, $0x38;
	[tilespmem:$0x10600] =	vst v63  }
0x23a: {  	_ =	swait.ge [sflag:s25], $0x1000  }
0x23b: {  	[sflag:s25] =	ssyncset.done $0x0  }
0x23c: {  	[sflag:s25] =	ssyncadd.s32 $0xFFFFF000  }
0x23d: {  	_ =	swait.ge [sflag:s25], $0x1000  }
0x23e: {  	[sflag:s25] =	ssyncset.done $0x0  }
0x23f: {  	[sflag:s25] =	ssyncadd.s32 $0xFFFFF000  }
0x240: {  	_ =	swait.ge [sflag:s25], $0x1000  }
0x241: {  	[sflag:s25] =	ssyncset.done $0x0  }
0x242: {  	[sflag:s25] =	ssyncadd.s32 $0xFFFFF000  }
0x243: {  	_ =	swait.ge [sflag:s25], $0x1000  }
0x244: {  	[sflag:s25] =	ssyncset.done $0x0  }
0x245: {  	[sflag:s25] =	ssyncadd.s32 $0xFFFFF000  }
0x246: {  	_ =	swait.ge [sflag:s25], $0x1000  }
0x247: {  	[sflag:s25] =	ssyncset.done $0x0  }
0x248: {  	[sflag:s25] =	ssyncadd.s32 $0xFFFFF000  }
0x249: {  	_ =	swait.ge [sflag:s25], $0x1000  }
0x24a: {  	[sflag:s25] =	ssyncset.done $0x0  }
0x24b: {  	[sflag:s25] =	ssyncadd.s32 $0xFFFFF000  }
0x24c: {  	_ =	swait.ge [sflag:s25], $0x1000  }
0x24d: {  	[sflag:s25] =	ssyncset.done $0x0  }
0x24e: {  	[sflag:s25] =	ssyncadd.s32 $0xFFFFF000  }
0x24f: {  	_ =	swait.ge [sflag:s25], $0x1000  }
0x250: {  	[sflag:s25] =	ssyncset.done $0x0  }
0x251: {  	[sflag:s25] =	ssyncadd.s32 $0xFFFFF000  }
0x252: {  	v16 =	vld [tilespmem:s29+$0x0];
	_ =	sdelay $0x4  }
0x253: {  	(v2sf) =	vpush v16, $0x0;
	_ =	sdelay $0xb  }
0x254: {  	(v2sf) =	vpush v16, $0x1;
	_ =	sdelay $0x2  }
0x255: {  	s2 =	spop (v2sf)  }
0x256: {  	s0 =	sand.u32 $0x7F, s2  }
0x257: {  	v17 =	vor.u32 s0, v0;
	_ =	sdelay $0x4  }
0x258: {  	v17 =	vld.idx.msk [tilespmem:v17+s9+$0x0], $0xffff  }
0x259: {  	v63 =	vor.u32 s0, v1  }
0x25a: {  	(v2sf) =	vpush v16, $0x2;
	_ =	sdelay $0x2  }
0x25b: {  	s4 =	spop (v2sf);
	[tilespmem:$0x10200] =	vst v17  }
0x25c: {  	s0 =	sand.u32 $0x7F, s4;
	v17 =	vld.idx.msk [tilespmem:v63+s9+$0x0], $0xffff  }
0x25d: {  	v21 =	vor.u32 s0, v2;
	_ =	sdelay $0x3  }
0x25e: {  	[tilespmem:$0x10210] =	vst v17  }
0x25f: {  	v17 =	vld.idx.msk [tilespmem:v21+s9+$0x0], $0xffff  }
0x260: {  	v22 =	vor.u32 s0, v3  }
0x261: {  	(v2sf) =	vpush v16, $0x3;
	_ =	sdelay $0x2  }
0x262: {  	s5 =	spop (v2sf);
	[tilespmem:$0x10280] =	vst v17  }
0x263: {  	s0 =	sand.u32 $0x7F, s5;
	v17 =	vld.idx.msk [tilespmem:v22+s9+$0x0], $0xffff  }
0x264: {  	v23 =	vor.u32 s0, v4;
	_ =	sdelay $0x3  }
0x265: {  	[tilespmem:$0x10290] =	vst v17  }
0x266: {  	v17 =	vld.idx.msk [tilespmem:v23+s9+$0x0], $0xffff  }
0x267: {  	v24 =	vor.u32 s0, v5  }
0x268: {  	(v2sf) =	vpush v16, $0x4;
	_ =	sdelay $0x2  }
0x269: {  	s2 =	spop (v2sf);
	[tilespmem:$0x10300] =	vst v17  }
0x26a: {  	s0 =	sand.u32 $0x7F, s2;
	v17 =	vld.idx.msk [tilespmem:v24+s9+$0x0], $0xffff  }
0x26b: {  	v25 =	vor.u32 s0, v6;
	_ =	sdelay $0x3  }
0x26c: {  	[tilespmem:$0x10310] =	vst v17  }
0x26d: {  	v17 =	vld.idx.msk [tilespmem:v25+s9+$0x0], $0xffff  }
0x26e: {  	v26 =	vor.u32 s0, v7  }
0x26f: {  	(v2sf) =	vpush v16, $0x5;
	_ =	sdelay $0x2  }
0x270: {  	s4 =	spop (v2sf);
	[tilespmem:$0x10380] =	vst v17  }
0x271: {  	s0 =	sand.u32 $0x7F, s4;
	v17 =	vld.idx.msk [tilespmem:v26+s9+$0x0], $0xffff  }
0x272: {  	v27 =	vor.u32 s0, v8;
	_ =	sdelay $0x3  }
0x273: {  	[tilespmem:$0x10390] =	vst v17  }
0x274: {  	v17 =	vld.idx.msk [tilespmem:v27+s9+$0x0], $0xffff  }
0x275: {  	v28 =	vor.u32 s0, v9  }
0x276: {  	(v2sf) =	vpush v16, $0x6;
	_ =	sdelay $0x2  }
0x277: {  	s5 =	spop (v2sf);
	[tilespmem:$0x10400] =	vst v17  }
0x278: {  	s0 =	sand.u32 $0x7F, s5;
	v17 =	vld.idx.msk [tilespmem:v28+s9+$0x0], $0xffff  }
0x279: {  	v29 =	vor.u32 s0, v10;
	_ =	sdelay $0x3  }
0x27a: {  	[tilespmem:$0x10410] =	vst v17  }
0x27b: {  	v17 =	vld.idx.msk [tilespmem:v29+s9+$0x0], $0xffff  }
0x27c: {  	v30 =	vor.u32 s0, v11  }
0x27d: {  	(v2sf) =	vpush v16, $0x7;
	_ =	sdelay $0x2  }
0x27e: {  	s2 =	spop (v2sf);
	[tilespmem:$0x10480] =	vst v17  }
0x27f: {  	s0 =	sand.u32 $0x7F, s2;
	v16 =	vld.idx.msk [tilespmem:v30+s9+$0x0], $0xffff  }
0x280: {  	v17 =	vor.u32 s0, v12;
	_ =	sdelay $0x3  }
0x281: {  	[tilespmem:$0x10490] =	vst v16  }
0x282: {  	v16 =	vld.idx.msk [tilespmem:v17+s9+$0x0], $0xffff  }
0x283: {  	v17 =	vor.u32 s0, v13;
	_ =	sdelay $0x3  }
0x284: {  	s4 =	spop (v2sf);
	[tilespmem:$0x10500] =	vst v16  }
0x285: {  	s0 =	sand.u32 $0x7F, s4;
	v16 =	vld.idx.msk [tilespmem:v17+s9+$0x0], $0xffff  }
0x286: {  	v17 =	vor.u32 s0, v14;
	_ =	sdelay $0x3  }
0x287: {  	[tilespmem:$0x10510] =	vst v16  }
0x288: {  	v16 =	vld.idx.msk [tilespmem:v17+s9+$0x0], $0xffff  }
0x289: {  	v17 =	vor.u32 s0, v15;
	_ =	sdelay $0x3  }
0x28a: {  	[tilespmem:$0x10580] =	vst v16  }
0x28b: {  	v16 =	vld.idx.msk [tilespmem:v17+s9+$0x0], $0xffff;
	_ =	sdelay $0x4  }
0x28c: {  	s5 =	sadd.s32 $0x200, s31;
	[tilespmem:$0x10590] =	vst v16  }
0x28d: {  	[hbm4b:s5+s3] =	stream.linear.scatter [tilespmem:s26], [sflag:$0x2], $0x400, $0x38;
	[tilespmem:$0x10600] =	vst v63  }
0x28e: {  	_ =	swait.ge [sflag:s6], $0x400  }
0x28f: {  	[sflag:s6] =	ssyncset.done $0x0  }
0x290: {  	[sflag:s6] =	ssyncadd.s32 $0xFFFFFC00  }
0x291: {  	v16 =	vld [tilespmem:s29+$0x10];
	_ =	sdelay $0x4  }
0x292: {  	(v2sf) =	vpush v16, $0x0;
	_ =	sdelay $0x1  }
0x293: {  	(v2sf) =	vpush v16, $0x1;
	_ =	sdelay $0x1  }
0x294: {  	(v2sf) =	vpush v16, $0x2;
	_ =	sdelay $0x2  }
0x295: {  	(v2sf) =	vpush v16, $0x3;
	_ =	sdelay $0x7  }
0x296: {  	s2 =	spop (v2sf);
	(v2sf) =	vpush v16, $0x4;
	_ =	sdelay $0x1  }
0x297: {  	s4 =	spop (v2sf);
	(v2sf) =	vpush v16, $0x5  }
0x298: {  	s0 =	sand.u32 $0xFFFFF80, s2  }
0x299: {  	s0 =	sadd.s32 s1, s0;
	s5 =	spop (v2sf)  }
0x29a: {  	(v2sf) =	vpush v16, $0x6;
	[tilespmem:s9], [sflag:$0x1] =	stream.strided.gather [hbm4b:s0+s7], $0x1000, s8, s7, $0x38;
	[tilespmem:$0x10600] =	vst v63  }
0x29b: {  	s0 =	sand.u32 $0xFFFFF80, s4  }
0x29c: {  	s2 =	spop (v2sf);
	s0 =	sadd.s32 s1, s0  }
0x29d: {  	(v2sf) =	vpush v16, $0x7;
	[tilespmem:s10], [sflag:$0x1] =	stream.strided.gather [hbm4b:s0+s7], $0x1000, s8, s7, $0x38;
	[tilespmem:$0x10600] =	vst v63  }
0x29e: {  	s0 =	sand.u32 $0xFFFFF80, s5  }
0x29f: {  	s0 =	sadd.s32 s1, s0  }
0x2a0: {  	[tilespmem:s11], [sflag:$0x1] =	stream.strided.gather [hbm4b:s0+s7], $0x1000, s8, s7, $0x38;
	[tilespmem:$0x10600] =	vst v63  }
0x2a1: {  	s0 =	sand.u32 $0xFFFFF80, s2  }
0x2a2: {  	s0 =	sadd.s32 s1, s0  }
0x2a3: {  	[tilespmem:s12], [sflag:$0x1] =	stream.strided.gather [hbm4b:s0+s7], $0x1000, s8, s7, $0x38;
	[tilespmem:$0x10600] =	vst v63  }
0x2a4: {  	s4 =	spop (v2sf)  }
0x2a5: {  	s0 =	sand.u32 $0xFFFFF80, s4  }
0x2a6: {  	s5 =	spop (v2sf);
	s0 =	sadd.s32 s1, s0  }
0x2a7: {  	[tilespmem:s13], [sflag:$0x1] =	stream.strided.gather [hbm4b:s0+s7], $0x1000, s8, s7, $0x38;
	[tilespmem:$0x10600] =	vst v63  }
0x2a8: {  	s0 =	sand.u32 $0xFFFFF80, s5  }
0x2a9: {  	s2 =	spop (v2sf);
	s0 =	sadd.s32 s1, s0  }
0x2aa: {  	[tilespmem:s14], [sflag:$0x1] =	stream.strided.gather [hbm4b:s0+s7], $0x1000, s8, s7, $0x38;
	[tilespmem:$0x10600] =	vst v63  }
0x2ab: {  	s0 =	sand.u32 $0xFFFFF80, s2  }
0x2ac: {  	s4 =	spop (v2sf);
	s0 =	sadd.s32 s1, s0  }
0x2ad: {  	[tilespmem:s15], [sflag:$0x1] =	stream.strided.gather [hbm4b:s0+s7], $0x1000, s8, s7, $0x38;
	[tilespmem:$0x10600] =	vst v63  }
0x2ae: {  	s0 =	sand.u32 $0xFFFFF80, s4  }
0x2af: {  	s0 =	sadd.s32 s1, s0  }
0x2b0: {  	[tilespmem:s16], [sflag:$0x1] =	stream.strided.gather [hbm4b:s0+s7], $0x1000, s8, s7, $0x38;
	[tilespmem:$0x10600] =	vst v63  }
0x2b1: {  	_ =	swait.ge [sflag:s25], $0x1000  }
0x2b2: {  	[sflag:s25] =	ssyncset.done $0x0  }
0x2b3: {  	[sflag:s25] =	ssyncadd.s32 $0xFFFFF000  }
0x2b4: {  	_ =	swait.ge [sflag:s25], $0x1000  }
0x2b5: {  	[sflag:s25] =	ssyncset.done $0x0  }
0x2b6: {  	[sflag:s25] =	ssyncadd.s32 $0xFFFFF000  }
0x2b7: {  	_ =	swait.ge [sflag:s25], $0x1000  }
0x2b8: {  	[sflag:s25] =	ssyncset.done $0x0  }
0x2b9: {  	[sflag:s25] =	ssyncadd.s32 $0xFFFFF000  }
0x2ba: {  	_ =	swait.ge [sflag:s25], $0x1000  }
0x2bb: {  	[sflag:s25] =	ssyncset.done $0x0  }
0x2bc: {  	[sflag:s25] =	ssyncadd.s32 $0xFFFFF000  }
0x2bd: {  	_ =	swait.ge [sflag:s25], $0x1000  }
0x2be: {  	[sflag:s25] =	ssyncset.done $0x0  }
0x2bf: {  	[sflag:s25] =	ssyncadd.s32 $0xFFFFF000  }
0x2c0: {  	_ =	swait.ge [sflag:s25], $0x1000  }
0x2c1: {  	[sflag:s25] =	ssyncset.done $0x0  }
0x2c2: {  	[sflag:s25] =	ssyncadd.s32 $0xFFFFF000  }
0x2c3: {  	_ =	swait.ge [sflag:s25], $0x1000  }
0x2c4: {  	[sflag:s25] =	ssyncset.done $0x0  }
0x2c5: {  	[sflag:s25] =	ssyncadd.s32 $0xFFFFF000  }
0x2c6: {  	_ =	swait.ge [sflag:s25], $0x1000  }
0x2c7: {  	[sflag:s25] =	ssyncset.done $0x0  }
0x2c8: {  	[sflag:s25] =	ssyncadd.s32 $0xFFFFF000  }
0x2c9: {  	v16 =	vld [tilespmem:s29+$0x0];
	_ =	sdelay $0x4  }
0x2ca: {  	(v2sf) =	vpush v16, $0x8;
	_ =	sdelay $0xb  }
0x2cb: {  	(v2sf) =	vpush v16, $0x9;
	_ =	sdelay $0x2  }
0x2cc: {  	s5 =	spop (v2sf)  }
0x2cd: {  	s0 =	sand.u32 $0x7F, s5  }
0x2ce: {  	v17 =	vor.u32 s0, v0;
	_ =	sdelay $0x4  }
0x2cf: {  	v17 =	vld.idx.msk [tilespmem:v17+s17+$0x0], $0xffff  }
0x2d0: {  	v31 =	vor.u32 s0, v1  }
0x2d1: {  	(v2sf) =	vpush v16, $0xA;
	_ =	sdelay $0x2  }
0x2d2: {  	s2 =	spop (v2sf);
	[tilespmem:$0x10200] =	vst v17  }
0x2d3: {  	s0 =	sand.u32 $0x7F, s2;
	v17 =	vld.idx.msk [tilespmem:v31+s17+$0x0], $0xffff  }
0x2d4: {  	v32 =	vor.u32 s0, v2;
	_ =	sdelay $0x3  }
0x2d5: {  	[tilespmem:$0x10210] =	vst v17  }
0x2d6: {  	v17 =	vld.idx.msk [tilespmem:v32+s17+$0x0], $0xffff  }
0x2d7: {  	v33 =	vor.u32 s0, v3  }
0x2d8: {  	(v2sf) =	vpush v16, $0xB;
	_ =	sdelay $0x2  }
0x2d9: {  	s4 =	spop (v2sf);
	[tilespmem:$0x10280] =	vst v17  }
0x2da: {  	s0 =	sand.u32 $0x7F, s4;
	v17 =	vld.idx.msk [tilespmem:v33+s17+$0x0], $0xffff  }
0x2db: {  	v34 =	vor.u32 s0, v4;
	_ =	sdelay $0x3  }
0x2dc: {  	[tilespmem:$0x10290] =	vst v17  }
0x2dd: {  	v17 =	vld.idx.msk [tilespmem:v34+s17+$0x0], $0xffff  }
0x2de: {  	v35 =	vor.u32 s0, v5  }
0x2df: {  	(v2sf) =	vpush v16, $0xC;
	_ =	sdelay $0x2  }
0x2e0: {  	s5 =	spop (v2sf);
	[tilespmem:$0x10300] =	vst v17  }
0x2e1: {  	s0 =	sand.u32 $0x7F, s5;
	v17 =	vld.idx.msk [tilespmem:v35+s17+$0x0], $0xffff  }
0x2e2: {  	v36 =	vor.u32 s0, v6;
	_ =	sdelay $0x3  }
0x2e3: {  	[tilespmem:$0x10310] =	vst v17  }
0x2e4: {  	v17 =	vld.idx.msk [tilespmem:v36+s17+$0x0], $0xffff  }
0x2e5: {  	v37 =	vor.u32 s0, v7  }
0x2e6: {  	(v2sf) =	vpush v16, $0xD;
	_ =	sdelay $0x2  }
0x2e7: {  	s2 =	spop (v2sf);
	[tilespmem:$0x10380] =	vst v17  }
0x2e8: {  	s0 =	sand.u32 $0x7F, s2;
	v17 =	vld.idx.msk [tilespmem:v37+s17+$0x0], $0xffff  }
0x2e9: {  	v38 =	vor.u32 s0, v8;
	_ =	sdelay $0x3  }
0x2ea: {  	[tilespmem:$0x10390] =	vst v17  }
0x2eb: {  	v17 =	vld.idx.msk [tilespmem:v38+s17+$0x0], $0xffff  }
0x2ec: {  	v39 =	vor.u32 s0, v9  }
0x2ed: {  	(v2sf) =	vpush v16, $0xE;
	_ =	sdelay $0x2  }
0x2ee: {  	s4 =	spop (v2sf);
	[tilespmem:$0x10400] =	vst v17  }
0x2ef: {  	s0 =	sand.u32 $0x7F, s4;
	v17 =	vld.idx.msk [tilespmem:v39+s17+$0x0], $0xffff  }
0x2f0: {  	v40 =	vor.u32 s0, v10;
	_ =	sdelay $0x3  }
0x2f1: {  	[tilespmem:$0x10410] =	vst v17  }
0x2f2: {  	v17 =	vld.idx.msk [tilespmem:v40+s17+$0x0], $0xffff  }
0x2f3: {  	v41 =	vor.u32 s0, v11  }
0x2f4: {  	(v2sf) =	vpush v16, $0xF;
	_ =	sdelay $0x2  }
0x2f5: {  	s5 =	spop (v2sf);
	[tilespmem:$0x10480] =	vst v17  }
0x2f6: {  	s0 =	sand.u32 $0x7F, s5;
	v16 =	vld.idx.msk [tilespmem:v41+s17+$0x0], $0xffff  }
0x2f7: {  	v17 =	vor.u32 s0, v12;
	_ =	sdelay $0x3  }
0x2f8: {  	[tilespmem:$0x10490] =	vst v16  }
0x2f9: {  	v16 =	vld.idx.msk [tilespmem:v17+s17+$0x0], $0xffff  }
0x2fa: {  	v17 =	vor.u32 s0, v13;
	_ =	sdelay $0x3  }
0x2fb: {  	s2 =	spop (v2sf);
	[tilespmem:$0x10500] =	vst v16  }
0x2fc: {  	s0 =	sand.u32 $0x7F, s2;
	v16 =	vld.idx.msk [tilespmem:v17+s17+$0x0], $0xffff  }
0x2fd: {  	v17 =	vor.u32 s0, v14;
	_ =	sdelay $0x3  }
0x2fe: {  	[tilespmem:$0x10510] =	vst v16  }
0x2ff: {  	v16 =	vld.idx.msk [tilespmem:v17+s17+$0x0], $0xffff  }
0x300: {  	v17 =	vor.u32 s0, v15;
	_ =	sdelay $0x3  }
0x301: {  	[tilespmem:$0x10580] =	vst v16  }
0x302: {  	v16 =	vld.idx.msk [tilespmem:v17+s17+$0x0], $0xffff;
	_ =	sdelay $0x4  }
0x303: {  	s4 =	sadd.s32 $0x280, s31;
	[tilespmem:$0x10590] =	vst v16  }
0x304: {  	[hbm4b:s4+s3] =	stream.linear.scatter [tilespmem:s26], [sflag:$0x2], $0x400, $0x38;
	[tilespmem:$0x10600] =	vst v63  }
0x305: {  	_ =	swait.ge [sflag:s6], $0x400  }
0x306: {  	[sflag:s6] =	ssyncset.done $0x0  }
0x307: {  	[sflag:s6] =	ssyncadd.s32 $0xFFFFFC00  }
0x308: {  	v16 =	vld [tilespmem:s29+$0x10];
	_ =	sdelay $0x4  }
0x309: {  	(v2sf) =	vpush v16, $0x8;
	_ =	sdelay $0x1  }
0x30a: {  	(v2sf) =	vpush v16, $0x9;
	_ =	sdelay $0x1  }
0x30b: {  	(v2sf) =	vpush v16, $0xA;
	_ =	sdelay $0x2  }
0x30c: {  	(v2sf) =	vpush v16, $0xB;
	_ =	sdelay $0x7  }
0x30d: {  	s5 =	spop (v2sf);
	(v2sf) =	vpush v16, $0xC;
	_ =	sdelay $0x1  }
0x30e: {  	s2 =	spop (v2sf);
	(v2sf) =	vpush v16, $0xD  }
0x30f: {  	s0 =	sand.u32 $0xFFFFF80, s5  }
0x310: {  	s0 =	sadd.s32 s1, s0;
	s4 =	spop (v2sf)  }
0x311: {  	(v2sf) =	vpush v16, $0xE;
	[tilespmem:s17], [sflag:$0x1] =	stream.strided.gather [hbm4b:s0+s7], $0x1000, s8, s7, $0x38;
	[tilespmem:$0x10600] =	vst v63  }
0x312: {  	s0 =	sand.u32 $0xFFFFF80, s2  }
0x313: {  	s5 =	spop (v2sf);
	s0 =	sadd.s32 s1, s0  }
0x314: {  	(v2sf) =	vpush v16, $0xF;
	[tilespmem:s18], [sflag:$0x1] =	stream.strided.gather [hbm4b:s0+s7], $0x1000, s8, s7, $0x38;
	[tilespmem:$0x10600] =	vst v63  }
0x315: {  	s0 =	sand.u32 $0xFFFFF80, s4  }
0x316: {  	s0 =	sadd.s32 s1, s0  }
0x317: {  	[tilespmem:s19], [sflag:$0x1] =	stream.strided.gather [hbm4b:s0+s7], $0x1000, s8, s7, $0x38;
	[tilespmem:$0x10600] =	vst v63  }
0x318: {  	s0 =	sand.u32 $0xFFFFF80, s5  }
0x319: {  	s0 =	sadd.s32 s1, s0  }
0x31a: {  	[tilespmem:s20], [sflag:$0x1] =	stream.strided.gather [hbm4b:s0+s7], $0x1000, s8, s7, $0x38;
	[tilespmem:$0x10600] =	vst v63  }
0x31b: {  	s2 =	spop (v2sf)  }
0x31c: {  	s0 =	sand.u32 $0xFFFFF80, s2  }
0x31d: {  	s4 =	spop (v2sf);
	s0 =	sadd.s32 s1, s0  }
0x31e: {  	[tilespmem:s21], [sflag:$0x1] =	stream.strided.gather [hbm4b:s0+s7], $0x1000, s8, s7, $0x38;
	[tilespmem:$0x10600] =	vst v63  }
0x31f: {  	s0 =	sand.u32 $0xFFFFF80, s4  }
0x320: {  	s5 =	spop (v2sf);
	s0 =	sadd.s32 s1, s0  }
0x321: {  	[tilespmem:s22], [sflag:$0x1] =	stream.strided.gather [hbm4b:s0+s7], $0x1000, s8, s7, $0x38;
	[tilespmem:$0x10600] =	vst v63  }
0x322: {  	s0 =	sand.u32 $0xFFFFF80, s5  }
0x323: {  	s2 =	spop (v2sf);
	s0 =	sadd.s32 s1, s0  }
0x324: {  	[tilespmem:s23], [sflag:$0x1] =	stream.strided.gather [hbm4b:s0+s7], $0x1000, s8, s7, $0x38;
	[tilespmem:$0x10600] =	vst v63  }
0x325: {  	s0 =	sand.u32 $0xFFFFF80, s2  }
0x326: {  	s0 =	sadd.s32 s1, s0  }
0x327: {  	[tilespmem:s24], [sflag:$0x1] =	stream.strided.gather [hbm4b:s0+s7], $0x1000, s8, s7, $0x38;
	[tilespmem:$0x10600] =	vst v63  }
0x328: {  	_ =	swait.ge [sflag:s25], $0x1000  }
0x329: {  	[sflag:s25] =	ssyncset.done $0x0  }
0x32a: {  	[sflag:s25] =	ssyncadd.s32 $0xFFFFF000  }
0x32b: {  	_ =	swait.ge [sflag:s25], $0x1000  }
0x32c: {  	[sflag:s25] =	ssyncset.done $0x0  }
0x32d: {  	[sflag:s25] =	ssyncadd.s32 $0xFFFFF000  }
0x32e: {  	_ =	swait.ge [sflag:s25], $0x1000  }
0x32f: {  	[sflag:s25] =	ssyncset.done $0x0  }
0x330: {  	[sflag:s25] =	ssyncadd.s32 $0xFFFFF000  }
0x331: {  	_ =	swait.ge [sflag:s25], $0x1000  }
0x332: {  	[sflag:s25] =	ssyncset.done $0x0  }
0x333: {  	[sflag:s25] =	ssyncadd.s32 $0xFFFFF000  }
0x334: {  	_ =	swait.ge [sflag:s25], $0x1000  }
0x335: {  	[sflag:s25] =	ssyncset.done $0x0  }
0x336: {  	[sflag:s25] =	ssyncadd.s32 $0xFFFFF000  }
0x337: {  	_ =	swait.ge [sflag:s25], $0x1000  }
0x338: {  	[sflag:s25] =	ssyncset.done $0x0  }
0x339: {  	[sflag:s25] =	ssyncadd.s32 $0xFFFFF000  }
0x33a: {  	_ =	swait.ge [sflag:s25], $0x1000  }
0x33b: {  	[sflag:s25] =	ssyncset.done $0x0  }
0x33c: {  	[sflag:s25] =	ssyncadd.s32 $0xFFFFF000  }
0x33d: {  	_ =	swait.ge [sflag:s25], $0x1000  }
0x33e: {  	[sflag:s25] =	ssyncset.done $0x0  }
0x33f: {  	[sflag:s25] =	ssyncadd.s32 $0xFFFFF000  }
0x340: {  	v16 =	vld [tilespmem:s29+$0x10];
	_ =	sdelay $0x4  }
0x341: {  	(v2sf) =	vpush v16, $0x0;
	_ =	sdelay $0xb  }
0x342: {  	(v2sf) =	vpush v16, $0x1;
	_ =	sdelay $0x2  }
0x343: {  	s4 =	spop (v2sf)  }
0x344: {  	s0 =	sand.u32 $0x7F, s4  }
0x345: {  	v17 =	vor.u32 s0, v0;
	_ =	sdelay $0x4  }
0x346: {  	v17 =	vld.idx.msk [tilespmem:v17+s9+$0x0], $0xffff  }
0x347: {  	v42 =	vor.u32 s0, v1  }
0x348: {  	(v2sf) =	vpush v16, $0x2;
	_ =	sdelay $0x2  }
0x349: {  	s5 =	spop (v2sf);
	[tilespmem:$0x10200] =	vst v17  }
0x34a: {  	s0 =	sand.u32 $0x7F, s5;
	v17 =	vld.idx.msk [tilespmem:v42+s9+$0x0], $0xffff  }
0x34b: {  	v43 =	vor.u32 s0, v2;
	_ =	sdelay $0x3  }
0x34c: {  	[tilespmem:$0x10210] =	vst v17  }
0x34d: {  	v17 =	vld.idx.msk [tilespmem:v43+s9+$0x0], $0xffff  }
0x34e: {  	v44 =	vor.u32 s0, v3  }
0x34f: {  	(v2sf) =	vpush v16, $0x3;
	_ =	sdelay $0x2  }
0x350: {  	s2 =	spop (v2sf);
	[tilespmem:$0x10280] =	vst v17  }
0x351: {  	s0 =	sand.u32 $0x7F, s2;
	v17 =	vld.idx.msk [tilespmem:v44+s9+$0x0], $0xffff  }
0x352: {  	v45 =	vor.u32 s0, v4;
	_ =	sdelay $0x3  }
0x353: {  	[tilespmem:$0x10290] =	vst v17  }
0x354: {  	v17 =	vld.idx.msk [tilespmem:v45+s9+$0x0], $0xffff  }
0x355: {  	v46 =	vor.u32 s0, v5  }
0x356: {  	(v2sf) =	vpush v16, $0x4;
	_ =	sdelay $0x2  }
0x357: {  	s4 =	spop (v2sf);
	[tilespmem:$0x10300] =	vst v17  }
0x358: {  	s0 =	sand.u32 $0x7F, s4;
	v17 =	vld.idx.msk [tilespmem:v46+s9+$0x0], $0xffff  }
0x359: {  	v47 =	vor.u32 s0, v6;
	_ =	sdelay $0x3  }
0x35a: {  	[tilespmem:$0x10310] =	vst v17  }
0x35b: {  	v17 =	vld.idx.msk [tilespmem:v47+s9+$0x0], $0xffff  }
0x35c: {  	v48 =	vor.u32 s0, v7  }
0x35d: {  	(v2sf) =	vpush v16, $0x5;
	_ =	sdelay $0x2  }
0x35e: {  	s5 =	spop (v2sf);
	[tilespmem:$0x10380] =	vst v17  }
0x35f: {  	s0 =	sand.u32 $0x7F, s5;
	v17 =	vld.idx.msk [tilespmem:v48+s9+$0x0], $0xffff  }
0x360: {  	v49 =	vor.u32 s0, v8;
	_ =	sdelay $0x3  }
0x361: {  	[tilespmem:$0x10390] =	vst v17  }
0x362: {  	v17 =	vld.idx.msk [tilespmem:v49+s9+$0x0], $0xffff  }
0x363: {  	v50 =	vor.u32 s0, v9  }
0x364: {  	(v2sf) =	vpush v16, $0x6;
	_ =	sdelay $0x2  }
0x365: {  	s2 =	spop (v2sf);
	[tilespmem:$0x10400] =	vst v17  }
0x366: {  	s0 =	sand.u32 $0x7F, s2;
	v17 =	vld.idx.msk [tilespmem:v50+s9+$0x0], $0xffff  }
0x367: {  	v51 =	vor.u32 s0, v10;
	_ =	sdelay $0x3  }
0x368: {  	[tilespmem:$0x10410] =	vst v17  }
0x369: {  	v17 =	vld.idx.msk [tilespmem:v51+s9+$0x0], $0xffff  }
0x36a: {  	v52 =	vor.u32 s0, v11  }
0x36b: {  	(v2sf) =	vpush v16, $0x7;
	_ =	sdelay $0x2  }
0x36c: {  	s4 =	spop (v2sf);
	[tilespmem:$0x10480] =	vst v17  }
0x36d: {  	s0 =	sand.u32 $0x7F, s4;
	v16 =	vld.idx.msk [tilespmem:v52+s9+$0x0], $0xffff  }
0x36e: {  	v17 =	vor.u32 s0, v12;
	_ =	sdelay $0x3  }
0x36f: {  	[tilespmem:$0x10490] =	vst v16  }
0x370: {  	v16 =	vld.idx.msk [tilespmem:v17+s9+$0x0], $0xffff  }
0x371: {  	v17 =	vor.u32 s0, v13;
	_ =	sdelay $0x3  }
0x372: {  	s5 =	spop (v2sf);
	[tilespmem:$0x10500] =	vst v16  }
0x373: {  	s0 =	sand.u32 $0x7F, s5;
	v16 =	vld.idx.msk [tilespmem:v17+s9+$0x0], $0xffff  }
0x374: {  	v17 =	vor.u32 s0, v14;
	_ =	sdelay $0x3  }
0x375: {  	[tilespmem:$0x10510] =	vst v16  }
0x376: {  	v16 =	vld.idx.msk [tilespmem:v17+s9+$0x0], $0xffff  }
0x377: {  	v17 =	vor.u32 s0, v15;
	_ =	sdelay $0x3  }
0x378: {  	[tilespmem:$0x10580] =	vst v16  }
0x379: {  	v16 =	vld.idx.msk [tilespmem:v17+s9+$0x0], $0xffff;
	_ =	sdelay $0x4  }
0x37a: {  	s2 =	sadd.s32 $0x300, s31;
	[tilespmem:$0x10590] =	vst v16  }
0x37b: {  	[hbm4b:s2+s3] =	stream.linear.scatter [tilespmem:s26], [sflag:$0x2], $0x400, $0x38;
	[tilespmem:$0x10600] =	vst v63  }
0x37c: {  	_ =	swait.ge [sflag:s6], $0x400  }
0x37d: {  	[sflag:s6] =	ssyncset.done $0x0  }
0x37e: {  	p0 =	seq.s32 s30, $0x1C00;
	[sflag:s6] =	ssyncadd.s32 $0xFFFFFC00  }
0x37f: {  	v16 =	vld @!p0 [tilespmem:s29+$0x20];
	_ =	sdelay $0x4  }
0x380: {  	(v2sf) =	vpush @!p0 v16, $0x0;
	_ =	sdelay $0x3  }
0x381: {  	(v2sf) =	vpush @!p0 v16, $0x1;
	_ =	sdelay $0x3  }
0x382: {  	(v2sf) =	vpush @!p0 v16, $0x2;
	_ =	sdelay $0x3  }
0x383: {  	(v2sf) =	vpush @!p0 v16, $0x3;
	_ =	sdelay $0x2  }
0x384: {  	s0 =	spop @!p0 (v2sf)  }
0x385: {  	s4 =	simm.s32 @!p0 $0x7A1400;
	(v2sf) =	vpush @!p0 v16, $0x4;
	s0 =	sand.u32 @!p0 $0xFFFFF80, s0  }
0x386: {  	s5 =	simm.s32 @!p0 $0x200;
	s2 =	simm.s32 @!p0 $0x400;
	s0 =	sadd.s32 @!p0 s1, s0  }
0x387: {  	[tilespmem:s5], [sflag:$0x1] =	stream.strided.gather @!p0 [hbm4b:s0+s2], $0x1000, s4, s2, $0x38;
	[tilespmem:$0x10600] =	vst v63  }
0x388: {  	s0 =	spop @!p0 (v2sf)  }
0x389: {  	(v2sf) =	vpush @!p0 v16, $0x5;
	s0 =	sand.u32 @!p0 $0xFFFFF80, s0  }
0x38a: {  	s5 =	simm.s32 @!p0 $0x1200;
	s0 =	sadd.s32 @!p0 s1, s0  }
0x38b: {  	[tilespmem:s5], [sflag:$0x1] =	stream.strided.gather @!p0 [hbm4b:s0+s2], $0x1000, s4, s2, $0x38;
	[tilespmem:$0x10600] =	vst v63  }
0x38c: {  	s0 =	spop @!p0 (v2sf)  }
0x38d: {  	(v2sf) =	vpush @!p0 v16, $0x6;
	s0 =	sand.u32 @!p0 $0xFFFFF80, s0  }
0x38e: {  	s5 =	simm.s32 @!p0 $0x2200;
	s0 =	sadd.s32 @!p0 s1, s0  }
0x38f: {  	[tilespmem:s5], [sflag:$0x1] =	stream.strided.gather @!p0 [hbm4b:s0+s2], $0x1000, s4, s2, $0x38;
	[tilespmem:$0x10600] =	vst v63  }
0x390: {  	s0 =	spop @!p0 (v2sf)  }
0x391: {  	(v2sf) =	vpush @!p0 v16, $0x7;
	s0 =	sand.u32 @!p0 $0xFFFFF80, s0  }
0x392: {  	s5 =	simm.s32 @!p0 $0x3200;
	s0 =	sadd.s32 @!p0 s1, s0  }
0x393: {  	[tilespmem:s5], [sflag:$0x1] =	stream.strided.gather @!p0 [hbm4b:s0+s2], $0x1000, s4, s2, $0x38;
	[tilespmem:$0x10600] =	vst v63  }
0x394: {  	s0 =	spop @!p0 (v2sf)  }
0x395: {  	s0 =	sand.u32 @!p0 $0xFFFFF80, s0  }
0x396: {  	s5 =	simm.s32 @!p0 $0x4200;
	s0 =	sadd.s32 @!p0 s1, s0  }
0x397: {  	[tilespmem:s5], [sflag:$0x1] =	stream.strided.gather @!p0 [hbm4b:s0+s2], $0x1000, s4, s2, $0x38;
	[tilespmem:$0x10600] =	vst v63  }
0x398: {  	s0 =	spop @!p0 (v2sf)  }
0x399: {  	s0 =	sand.u32 @!p0 $0xFFFFF80, s0  }
0x39a: {  	s5 =	simm.s32 @!p0 $0x5200;
	s0 =	sadd.s32 @!p0 s1, s0  }
0x39b: {  	[tilespmem:s5], [sflag:$0x1] =	stream.strided.gather @!p0 [hbm4b:s0+s2], $0x1000, s4, s2, $0x38;
	[tilespmem:$0x10600] =	vst v63  }
0x39c: {  	s0 =	spop @!p0 (v2sf)  }
0x39d: {  	s0 =	sand.u32 @!p0 $0xFFFFF80, s0  }
0x39e: {  	s5 =	simm.s32 @!p0 $0x6200;
	s0 =	sadd.s32 @!p0 s1, s0  }
0x39f: {  	[tilespmem:s5], [sflag:$0x1] =	stream.strided.gather @!p0 [hbm4b:s0+s2], $0x1000, s4, s2, $0x38;
	[tilespmem:$0x10600] =	vst v63  }
0x3a0: {  	s0 =	spop @!p0 (v2sf)  }
0x3a1: {  	s0 =	sand.u32 @!p0 $0xFFFFF80, s0  }
0x3a2: {  	s5 =	simm.s32 @!p0 $0x7200;
	s0 =	sadd.s32 @!p0 s1, s0  }
0x3a3: {  	[tilespmem:s5], [sflag:$0x1] =	stream.strided.gather @!p0 [hbm4b:s0+s2], $0x1000, s4, s2, $0x38;
	[tilespmem:$0x10600] =	vst v63  }
0x3a4: {  	_ =	swait.ge [sflag:s25], $0x1000  }
0x3a5: {  	[sflag:s25] =	ssyncset.done $0x0  }
0x3a6: {  	[sflag:s25] =	ssyncadd.s32 $0xFFFFF000  }
0x3a7: {  	_ =	swait.ge [sflag:s25], $0x1000  }
0x3a8: {  	[sflag:s25] =	ssyncset.done $0x0  }
0x3a9: {  	[sflag:s25] =	ssyncadd.s32 $0xFFFFF000  }
0x3aa: {  	_ =	swait.ge [sflag:s25], $0x1000  }
0x3ab: {  	[sflag:s25] =	ssyncset.done $0x0  }
0x3ac: {  	[sflag:s25] =	ssyncadd.s32 $0xFFFFF000  }
0x3ad: {  	_ =	swait.ge [sflag:s25], $0x1000  }
0x3ae: {  	[sflag:s25] =	ssyncset.done $0x0  }
0x3af: {  	[sflag:s25] =	ssyncadd.s32 $0xFFFFF000  }
0x3b0: {  	_ =	swait.ge [sflag:s25], $0x1000  }
0x3b1: {  	[sflag:s25] =	ssyncset.done $0x0  }
0x3b2: {  	[sflag:s25] =	ssyncadd.s32 $0xFFFFF000  }
0x3b3: {  	_ =	swait.ge [sflag:s25], $0x1000  }
0x3b4: {  	[sflag:s25] =	ssyncset.done $0x0  }
0x3b5: {  	[sflag:s25] =	ssyncadd.s32 $0xFFFFF000  }
0x3b6: {  	_ =	swait.ge [sflag:s25], $0x1000  }
0x3b7: {  	[sflag:s25] =	ssyncset.done $0x0  }
0x3b8: {  	[sflag:s25] =	ssyncadd.s32 $0xFFFFF000  }
0x3b9: {  	_ =	swait.ge [sflag:s25], $0x1000  }
0x3ba: {  	[sflag:s25] =	ssyncset.done $0x0  }
0x3bb: {  	[sflag:s25] =	ssyncadd.s32 $0xFFFFF000  }
0x3bc: {  	v16 =	vld [tilespmem:s29+$0x10];
	_ =	sdelay $0x4  }
0x3bd: {  	(v2sf) =	vpush v16, $0x8;
	_ =	sdelay $0xb  }
0x3be: {  	(v2sf) =	vpush v16, $0x9;
	_ =	sdelay $0x2  }
0x3bf: {  	s4 =	spop (v2sf)  }
0x3c0: {  	s0 =	sand.u32 $0x7F, s4  }
0x3c1: {  	v17 =	vor.u32 s0, v0;
	_ =	sdelay $0x4  }
0x3c2: {  	v17 =	vld.idx.msk [tilespmem:v17+s17+$0x0], $0xffff  }
0x3c3: {  	v53 =	vor.u32 s0, v1  }
0x3c4: {  	(v2sf) =	vpush v16, $0xA;
	_ =	sdelay $0x2  }
0x3c5: {  	s5 =	spop (v2sf);
	[tilespmem:$0x10200] =	vst v17  }
0x3c6: {  	s0 =	sand.u32 $0x7F, s5;
	v17 =	vld.idx.msk [tilespmem:v53+s17+$0x0], $0xffff  }
0x3c7: {  	v54 =	vor.u32 s0, v2;
	_ =	sdelay $0x3  }
0x3c8: {  	[tilespmem:$0x10210] =	vst v17  }
0x3c9: {  	v17 =	vld.idx.msk [tilespmem:v54+s17+$0x0], $0xffff  }
0x3ca: {  	v55 =	vor.u32 s0, v3  }
0x3cb: {  	(v2sf) =	vpush v16, $0xB;
	_ =	sdelay $0x2  }
0x3cc: {  	s2 =	spop (v2sf);
	[tilespmem:$0x10280] =	vst v17  }
0x3cd: {  	s0 =	sand.u32 $0x7F, s2;
	v17 =	vld.idx.msk [tilespmem:v55+s17+$0x0], $0xffff  }
0x3ce: {  	v56 =	vor.u32 s0, v4;
	_ =	sdelay $0x3  }
0x3cf: {  	[tilespmem:$0x10290] =	vst v17  }
0x3d0: {  	v17 =	vld.idx.msk [tilespmem:v56+s17+$0x0], $0xffff  }
0x3d1: {  	v57 =	vor.u32 s0, v5  }
0x3d2: {  	(v2sf) =	vpush v16, $0xC;
	_ =	sdelay $0x2  }
0x3d3: {  	s4 =	spop (v2sf);
	[tilespmem:$0x10300] =	vst v17  }
0x3d4: {  	s0 =	sand.u32 $0x7F, s4;
	v17 =	vld.idx.msk [tilespmem:v57+s17+$0x0], $0xffff  }
0x3d5: {  	v58 =	vor.u32 s0, v6;
	_ =	sdelay $0x3  }
0x3d6: {  	[tilespmem:$0x10310] =	vst v17  }
0x3d7: {  	v17 =	vld.idx.msk [tilespmem:v58+s17+$0x0], $0xffff  }
0x3d8: {  	v59 =	vor.u32 s0, v7  }
0x3d9: {  	(v2sf) =	vpush v16, $0xD;
	_ =	sdelay $0x2  }
0x3da: {  	s5 =	spop (v2sf);
	[tilespmem:$0x10380] =	vst v17  }
0x3db: {  	s0 =	sand.u32 $0x7F, s5;
	v17 =	vld.idx.msk [tilespmem:v59+s17+$0x0], $0xffff  }
0x3dc: {  	v60 =	vor.u32 s0, v8;
	_ =	sdelay $0x3  }
0x3dd: {  	[tilespmem:$0x10390] =	vst v17  }
0x3de: {  	v17 =	vld.idx.msk [tilespmem:v60+s17+$0x0], $0xffff  }
0x3df: {  	v61 =	vor.u32 s0, v9  }
0x3e0: {  	(v2sf) =	vpush v16, $0xE;
	_ =	sdelay $0x2  }
0x3e1: {  	s2 =	spop (v2sf);
	[tilespmem:$0x10400] =	vst v17  }
0x3e2: {  	s0 =	sand.u32 $0x7F, s2;
	v17 =	vld.idx.msk [tilespmem:v61+s17+$0x0], $0xffff  }
0x3e3: {  	v62 =	vor.u32 s0, v10;
	_ =	sdelay $0x3  }
0x3e4: {  	[tilespmem:$0x10410] =	vst v17  }
0x3e5: {  	v17 =	vld.idx.msk [tilespmem:v62+s17+$0x0], $0xffff  }
0x3e6: {  	v63 =	vor.u32 s0, v11  }
0x3e7: {  	(v2sf) =	vpush v16, $0xF;
	_ =	sdelay $0x2  }
0x3e8: {  	s4 =	spop (v2sf);
	[tilespmem:$0x10480] =	vst v17  }
0x3e9: {  	s0 =	sand.u32 $0x7F, s4;
	v16 =	vld.idx.msk [tilespmem:v63+s17+$0x0], $0xffff  }
0x3ea: {  	v17 =	vor.u32 s0, v12;
	_ =	sdelay $0x3  }
0x3eb: {  	[tilespmem:$0x10490] =	vst v16  }
0x3ec: {  	v16 =	vld.idx.msk [tilespmem:v17+s17+$0x0], $0xffff  }
0x3ed: {  	v17 =	vor.u32 s0, v13;
	_ =	sdelay $0x3  }
0x3ee: {  	s5 =	spop (v2sf);
	[tilespmem:$0x10500] =	vst v16  }
0x3ef: {  	s0 =	sand.u32 $0x7F, s5;
	v16 =	vld.idx.msk [tilespmem:v17+s17+$0x0], $0xffff  }
0x3f0: {  	v17 =	vor.u32 s0, v14;
	_ =	sdelay $0x3  }
0x3f1: {  	[tilespmem:$0x10510] =	vst v16  }
0x3f2: {  	v16 =	vld.idx.msk [tilespmem:v17+s17+$0x0], $0xffff  }
0x3f3: {  	v17 =	vor.u32 s0, v15;
	_ =	sdelay $0x3  }
0x3f4: {  	[tilespmem:$0x10580] =	vst v16  }
0x3f5: {  	v16 =	vld.idx.msk [tilespmem:v17+s17+$0x0], $0xffff;
	_ =	sdelay $0x2  }
0x3f6: {  	s30 =	sadd.s32 $0x400, s30  }
0x3f7: {  	p0 =	sne.s32 s30, $0x2000  }
.Ltmp0:
0x3f8: {  	s31 =	sadd.s32 $0x380, s31;
	[tilespmem:$0x10590] =	vst v16;
	(pc) =	sbr.rel @p0 .LBB2_2-.Ltmp0, $4  }
0x3f9: {  	[hbm4b:s31+s3] =	stream.linear.scatter [tilespmem:s26], [sflag:$0x2], $0x400, $0x38;
	[tilespmem:$0x10600] =	vst v63  }
0x3fa: {  	_ =	swait.ge [sflag:s6], $0x400  }
0x3fb: {  	[sflag:s6] =	ssyncset.done $0x0  }
0x3fc: {  	s29 =	sadd.s32 $0x40, s29;
	[sflag:s6] =	ssyncadd.s32 $0xFFFFFC00  }
0x3fd: {  	s28 =	sadd.s32 $0x1, s28;
	s0 =	rddreg [dreg:$0x6]  }
0x3fe: {  	p0 =	sne.s32 s28, s0  }
.Ltmp1:
0x3ff: {  	_ = 	snop;
	(pc) =	sbr.rel @p0 .LBB2_1-.Ltmp1, $1  }
0x400: {  	_ =	sdelay $0x3  }
0x401: {  	_ =	sfence.sel $0x180000  }
0x402: {  	[bflag:$0x0] =	sbarrier.arrive $0xFFFF  }
0x403: {  	_ =	strace $0x90000047  }
0x404: {  	s0 =	stileid.u32;
	[bflag:$0x2] =	sbarrier.arrive $0xFFFF  }
0x405: {  	p0 =	sne.s32 s0, $0x0;
	s0 =	rddreg [dreg:$0x3]  }
0x406: {  	s0 =	sadd.s32 @!p0 $0x100000, s0  }
0x407: {  	[sflag:s0] =	ssyncadd.tile.s32 @!p0 $0x1;
	_ =	shalt  }
.Lfunc_end2:
_tile_overlayer_lowered:
.L_overlay_start_2:
0x408: {  	(tag) =	ssettag $0x2  }
0x409: {  	s0 =	rddreg [dreg:$0x0];
	s2 =	stileid.u32  }
0x40a: {  	s1 =	rddreg [dreg:$0x1];
	p0 =	sne.s32 s2, $0x0  }
0x40b: {  	s3 =	rddreg [dreg:$0x2];
	[bflag:$0x3] =	sbarrier.arrive $0xFFFF;
	s2 =	simm.s32 @!p0 $0x1C02  }
0x40c: {  	[timem:s3], [sflag:s2] =	dma.local @!p0 [hbm:s0], s1  }
0x40d: {  	s0 =	simm.s32 @!p0 $0x2  }
0x40e: {  	_ =	swait.ge @!p0 [sflag:s0], s1  }
0x40f: {  	s1 =	ssub.s32 @!p0 $0x0, s1;
	[sflag:s0] =	ssyncset.done @!p0 $0x0  }
0x410: {  	[sflag:s0] =	ssyncadd.s32 @!p0 s1  }
0x411: {  	[bflag:$0x3] =	sbarrier.arrive $0xFFFF  }
0x412: {  	_ =	shalt  }

</sc_bundles>
